<compile_context>
chip_gen: v7x
topology: tpu7x:2x2x1
jax: 0.10.2.dev20260603
libtpu: 0.0.44.dev20260713+nightly
codegen_flags: <defaults>
</compile_context>

<pallas_src>
import functools

import jax
import jax.numpy as jnp
from jax import lax
from jax.experimental import pallas as pl
from jax.experimental.pallas import tpu as pltpu
from jax.experimental.pallas import tpu_sc as plsc

N = 10000
E = 5000
NNZ = 160000
IN = 256
HID = 512
OUT = 256

NP_ = 10240
EP_ = 5120
NSUB = 16
NCORE = 2

f32 = jnp.float32
i32 = jnp.int32

NNZP = 163840
CK = 128
CIT = (NNZP // 32) // CK
CK2 = 80
CIT2 = (NNZP // 32) // CK2


def _mesh():
    return plsc.VectorSubcoreMesh(core_axis_name="c", subcore_axis_name="s")



def _count_edges(inc_edge, ones_rows, zeros128):

    @functools.partial(
        pl.kernel,
        out_type=jax.ShapeDtypeStruct((NCORE, EP_, 128), f32),
        mesh=_mesh(),
        scratch_types=[
            pltpu.VMEM((NNZP // 32,), i32),
            pltpu.VMEM((CK,), i32),
            pltpu.VMEM((CK,), i32),
            pltpu.VMEM((CK, 128), f32),
            pltpu.VMEM_SHARED((EP_, 128), f32),
            pltpu.SemaphoreType.DMA,
            pltpu.SemaphoreType.DMA,
        ],
    )
    def k(ie_h, ones_h, z_h, out_h, iall, idx_a, idx_b, ones_v, acc_sh,
          sem_a, sem_b):
        c = lax.axis_index("c")
        s = lax.axis_index("s")
        rows = EP_ // NSUB
        pltpu.sync_copy(z_h.at[pl.ds(0, rows)], acc_sh.at[pl.ds(s * rows, rows)])
        pltpu.sync_copy(ones_h, ones_v)
        base = (c * NSUB + s) * (NNZP // 32)
        pltpu.sync_copy(ie_h.at[pl.ds(base, NNZP // 32)], iall)
        plsc.subcore_barrier()

        def prep(i, idx_v):
            @pl.loop(0, CK // 16)
            def _(q):
                idx_v[pl.ds(q * 16, 16)] = iall[pl.ds(i * CK + q * 16, 16)]

        def sstart(idx_v, sem):
            pltpu.async_copy(ones_v, acc_sh.at[idx_v], sem, add=True)

        def swait(idx_v, sem):
            pltpu.make_async_copy(ones_v, acc_sh.at[idx_v], sem).wait()

        prep(0, idx_a)
        sstart(idx_a, sem_a)
        prep(1, idx_b)
        sstart(idx_b, sem_b)

        @pl.loop(0, (CIT - 2) // 2)
        def _(p):
            i = 2 * p
            swait(idx_a, sem_a)
            prep(i + 2, idx_a)
            sstart(idx_a, sem_a)
            swait(idx_b, sem_b)
            prep(i + 3, idx_b)
            sstart(idx_b, sem_b)

        swait(idx_a, sem_a)
        swait(idx_b, sem_b)
        plsc.subcore_barrier()
        pltpu.sync_copy(acc_sh.at[pl.ds(s * rows, rows)],
                        out_h.at[c, pl.ds(s * rows, rows)])

    return k(inc_edge, ones_rows, zeros128)


def _count_nodes(etab, inc_node, inc_edge, zeros128):

    @functools.partial(
        pl.kernel,
        out_type=jax.ShapeDtypeStruct((NCORE, NP_, 128), f32),
        mesh=_mesh(),
        scratch_types=[
            pltpu.VMEM((NNZP // 32,), i32),
            pltpu.VMEM((NNZP // 32,), i32),
            pltpu.VMEM((CK2,), i32),
            pltpu.VMEM((CK2,), i32),
            pltpu.VMEM((CK2,), i32),
            pltpu.VMEM((CK2,), i32),
            pltpu.VMEM((CK2, 128), f32),
            pltpu.VMEM((CK2, 128), f32),
            pltpu.VMEM_SHARED((NP_, 128), f32),
            pltpu.SemaphoreType.DMA,
            pltpu.SemaphoreType.DMA,
            pltpu.SemaphoreType.DMA,
            pltpu.SemaphoreType.DMA,
        ],
    )
    def k(etab_h, in_h, ie_h, z_h, out_h, eall, nall,
          eidx_a, nidx_a, eidx_b, nidx_b, rows_a, rows_b, acc_sh,
          gsem_a, ssem_a, gsem_b, ssem_b):
        c = lax.axis_index("c")
        s = lax.axis_index("s")
        rows = NP_ // NSUB
        pltpu.sync_copy(z_h.at[pl.ds(0, rows)], acc_sh.at[pl.ds(s * rows, rows)])
        base = (c * NSUB + s) * (NNZP // 32)
        pltpu.sync_copy(ie_h.at[pl.ds(base, NNZP // 32)], eall)
        pltpu.sync_copy(in_h.at[pl.ds(base, NNZP // 32)], nall)
        plsc.subcore_barrier()

        slot_a = (eidx_a, nidx_a, rows_a, gsem_a, ssem_a)
        slot_b = (eidx_b, nidx_b, rows_b, gsem_b, ssem_b)

        def prep_g(i, sl):
            eidx, nidx, rows_v, gsem, _ = sl

            @pl.loop(0, CK2 // 16)
            def _(q):
                eidx[pl.ds(q * 16, 16)] = eall[pl.ds(i * CK2 + q * 16, 16)]
                nidx[pl.ds(q * 16, 16)] = nall[pl.ds(i * CK2 + q * 16, 16)]

            pltpu.async_copy(etab_h.at[eidx], rows_v, gsem)

        def fin(sl):
            eidx, nidx, rows_v, gsem, ssem = sl
            pltpu.make_async_copy(etab_h.at[eidx], rows_v, gsem).wait()
            pltpu.async_copy(rows_v, acc_sh.at[nidx], ssem, add=True)
            pltpu.make_async_copy(rows_v, acc_sh.at[nidx], ssem).wait()

        prep_g(0, slot_a)
        prep_g(1, slot_b)

        @pl.loop(0, (CIT2 - 2) // 2)
        def _(p):
            i = 2 * p
            fin(slot_a)
            prep_g(i + 2, slot_a)
            fin(slot_b)
            prep_g(i + 3, slot_b)

        fin(slot_a)
        fin(slot_b)
        plsc.subcore_barrier()
        pltpu.sync_copy(acc_sh.at[pl.ds(s * rows, rows)],
                        out_h.at[c, pl.ds(s * rows, rows)])

    return k(etab, inc_node, inc_edge, zeros128)


def _make_stage(csrc, ssrc, sdst):
    rows_sub = sdst // NSUB
    nj = csrc // NCORE
    fk = 128 if sdst == EP_ else 80
    fit = (NNZP // NSUB) // fk
    nslot = 3 if sdst == EP_ else 2

    slot_scratch = []
    for _ in range(nslot):
        slot_scratch += [pltpu.VMEM((fk,), i32), pltpu.VMEM((fk,), i32),
                         pltpu.VMEM((fk, 128), f32),
                         pltpu.SemaphoreType.DMA, pltpu.SemaphoreType.DMA]

    @functools.partial(
        pl.kernel,
        out_type=jax.ShapeDtypeStruct((csrc, sdst, 128), f32),
        mesh=_mesh(),
        scratch_types=[
            pltpu.VMEM((NNZP // NSUB,), i32),
            pltpu.VMEM((NNZP // NSUB,), i32),
        ] + slot_scratch + [
            pltpu.VMEM_SHARED((sdst, 128), f32),
        ],
    )
    def k(src_h, gidx_h, sidx_h, z_h, out_h, gall, sall, *refs):
        slots = [tuple(refs[5 * t:5 * t + 5]) for t in range(nslot)]
        acc_sh = refs[5 * nslot]
        c = lax.axis_index("c")
        s = lax.axis_index("s")
        base = s * (NNZP // NSUB)
        pltpu.sync_copy(gidx_h.at[pl.ds(base, NNZP // NSUB)], gall)
        pltpu.sync_copy(sidx_h.at[pl.ds(base, NNZP // NSUB)], sall)

        for j in range(nj):
            chunk = c + NCORE * j
            off = chunk * ssrc
            pltpu.sync_copy(z_h.at[pl.ds(0, rows_sub)],
                            acc_sh.at[pl.ds(s * rows_sub, rows_sub)])
            plsc.subcore_barrier()

            def prep_g(i, sl, off=off):
                gidx, sidx, rows_v, gsem, _ = sl

                @pl.loop(0, fk // 16)
                def _(q):
                    gidx[pl.ds(q * 16, 16)] = (
                        gall[pl.ds(i * fk + q * 16, 16)] + off)
                    sidx[pl.ds(q * 16, 16)] = sall[pl.ds(i * fk + q * 16, 16)]

                pltpu.async_copy(src_h.at[gidx], rows_v, gsem)

            def fin(sl):
                gidx, sidx, rows_v, gsem, ssem = sl
                pltpu.make_async_copy(src_h.at[gidx], rows_v, gsem).wait()
                pltpu.async_copy(rows_v, acc_sh.at[sidx], ssem, add=True)
                pltpu.make_async_copy(rows_v, acc_sh.at[sidx], ssem).wait()

            prep_g(0, slots[0])
            prep_g(1, slots[1])

            if nslot == 2:
                @pl.loop(0, (fit - 2) // 2)
                def _(p):
                    i = 2 * p
                    fin(slots[0])
                    prep_g(i + 2, slots[0])
                    fin(slots[1])
                    prep_g(i + 3, slots[1])
            else:
                @pl.loop(0, (fit - 2) // 3)
                def _(p):
                    i = 3 * p
                    fin(slots[0])
                    prep_g(i + 2, slots[2])
                    fin(slots[1])
                    prep_g(i + 3, slots[0])
                    fin(slots[2])
                    prep_g(i + 4, slots[1])

            fin(slots[0])
            fin(slots[1])
            plsc.subcore_barrier()
            pltpu.sync_copy(acc_sh.at[pl.ds(s * rows_sub, rows_sub)],
                            out_h.at[chunk, pl.ds(s * rows_sub, rows_sub)])

    return k


_stage_e2 = _make_stage(2, NP_, EP_)
_stage_n2 = _make_stage(2, EP_, NP_)
_stage_e4 = _make_stage(4, NP_, EP_)
_stage_n4 = _make_stage(4, EP_, NP_)



def _edge_tables(ecnt):

    def body(cnt_ref, etab_ref, escale_ref):
        cnt = cnt_ref[0] + cnt_ref[1]
        esize = jnp.maximum(cnt[:, 0:1], 1.0)
        lane = lax.broadcasted_iota(i32, (EP_, 128), 1)
        etab_ref[...] = jnp.where(lane == 0, esize,
                                  jnp.where(lane == 1, 1.0, 0.0))
        escale_ref[...] = jnp.broadcast_to(1.0 / esize, (EP_, 16))

    return pl.pallas_call(
        body,
        out_shape=[jax.ShapeDtypeStruct((EP_, 128), f32),
                   jax.ShapeDtypeStruct((EP_, 16), f32)],
    )(ecnt)


def _node_scale(nacc):
    def body(a_ref, out_ref):
        p = a_ref[0, :, 0:16] + a_ref[1, :, 0:16]
        nnb = jnp.maximum(p[:, 0:1], 1.0)
        deg = jnp.maximum(p[:, 1:2], 1.0)
        out_ref[...] = jnp.broadcast_to(1.0 / (deg * nnb), (NP_, 16))

    return pl.pallas_call(
        body, out_shape=jax.ShapeDtypeStruct((NP_, 16), f32))(nacc)


def _edge_norm(eacc, escale, csrc):
    def body(a_ref, s_ref, o_ref):
        o_ref[...] = a_ref[...] * s_ref[:, 0:1]

    return pl.pallas_call(
        body,
        grid=(csrc,),
        in_specs=[pl.BlockSpec((EP_, 128), lambda c: (c, 0)),
                  pl.BlockSpec((EP_, 16), lambda c: (0, 0))],
        out_specs=pl.BlockSpec((EP_, 128), lambda c: (c, 0)),
        out_shape=jax.ShapeDtypeStruct((csrc * EP_, 128), f32),
    )(eacc.reshape(csrc * EP_, 128), escale)


def _mm_top(xch, w, csrc, h):
    BN, BH = 512, 256
    tn, th = NP_ // BN, h // BH

    def body(x_ref, w_ref, o_ref, acc):
        kc = pl.program_id(2)

        @pl.when(kc == 0)
        def _():
            acc[...] = jnp.zeros_like(acc)

        acc[...] += jnp.dot(x_ref[...].astype(jnp.bfloat16),
                            w_ref[...].astype(jnp.bfloat16),
                            preferred_element_type=f32)

        @pl.when(kc == csrc - 1)
        def _():
            o_ref[...] = acc[...]

    return pl.pallas_call(
        body,
        grid=(tn, th, csrc),
        in_specs=[pl.BlockSpec((BN, 128), lambda i, j, k: (k * tn + i, 0)),
                  pl.BlockSpec((128, BH), lambda i, j, k: (k, j))],
        out_specs=pl.BlockSpec((BN, BH), lambda i, j, k: (i, j)),
        out_shape=jax.ShapeDtypeStruct((NP_, h), f32),
        scratch_shapes=[pltpu.VMEM((BN, BH), f32)],
        compiler_params=pltpu.CompilerParams(
            dimension_semantics=("parallel", "parallel", "arbitrary")),
    )(xch, w)


def _mm_bot(htop, nacc, nscale, w, csrc, h, chunk_out):
    BN, BH = 1024, 128 if chunk_out else 256
    tn, th = NP_ // BN, h // BH

    def body(t_ref, a_ref, sc_ref, w_ref, o_ref, acc):
        kc = pl.program_id(2)

        @pl.when(kc == 0)
        def _():
            acc[...] = t_ref[...]

        agg = a_ref[...] * sc_ref[:, 0:1]
        acc[...] += jnp.dot(agg.astype(jnp.bfloat16),
                            w_ref[...].astype(jnp.bfloat16),
                            preferred_element_type=f32)

        @pl.when(kc == csrc - 1)
        def _():
            v = acc[...]
            o_ref[...] = jnp.where(v >= 0, v, f32(0.01) * v)

    if chunk_out:
        out_shape = jax.ShapeDtypeStruct((th * NP_, 128), f32)
        out_spec = pl.BlockSpec((BN, 128), lambda i, j, k: (j * tn + i, 0))
    else:
        out_shape = jax.ShapeDtypeStruct((NP_, h), f32)
        out_spec = pl.BlockSpec((BN, BH), lambda i, j, k: (i, j))

    return pl.pallas_call(
        body,
        grid=(tn, th, csrc),
        in_specs=[pl.BlockSpec((BN, BH), lambda i, j, k: (i, j)),
                  pl.BlockSpec((BN, 128), lambda i, j, k: (k * tn + i, 0)),
                  pl.BlockSpec((BN, 16), lambda i, j, k: (i, 0)),
                  pl.BlockSpec((128, BH), lambda i, j, k: (k, j))],
        out_specs=out_spec,
        out_shape=out_shape,
        scratch_shapes=[pltpu.VMEM((BN, BH), f32)],
        compiler_params=pltpu.CompilerParams(
            dimension_semantics=("parallel", "parallel", "arbitrary")),
    )(htop, nacc, nscale, w)



def kernel(node_feat, inc_node, inc_edge, W1, W2):
    inc_node = inc_node.astype(i32)
    inc_edge = inc_edge.astype(i32)

    x_p = jnp.pad(node_feat, ((0, NP_ - N), (0, 0)))
    xch = x_p.reshape(NP_, 2, 128).transpose(1, 0, 2).reshape(2 * NP_, 128)

    zeros128 = jnp.zeros((NP_, 128), f32)
    ones_rows = jnp.zeros((CK, 128), f32).at[:, 0].set(1.0)

    pad = NNZP - NNZ
    ie_cnt = jnp.concatenate(
        [inc_edge, E + (jnp.arange(pad, dtype=i32) % (EP_ - E))])
    in_cnt = jnp.concatenate(
        [inc_node, N + (jnp.arange(pad, dtype=i32) % (NP_ - N))])

    ecnt = _count_edges(ie_cnt, ones_rows, zeros128)
    etab, escale = _edge_tables(ecnt)
    ncnt = _count_nodes(etab, in_cnt, ie_cnt, zeros128)
    nscale = _node_scale(ncnt)

    eacc1 = _stage_e2(xch, in_cnt, ie_cnt, zeros128)
    eemb1 = _edge_norm(eacc1, escale, 2)
    nacc1 = _stage_n2(eemb1, ie_cnt, in_cnt, zeros128)
    htop1 = _mm_top(xch, W1[:IN], 2, HID)
    x2ch = _mm_bot(htop1, nacc1.reshape(2 * NP_, 128), nscale,
                   W1[IN:], 2, HID, chunk_out=True)

    eacc2 = _stage_e4(x2ch, in_cnt, ie_cnt, zeros128)
    eemb2 = _edge_norm(eacc2, escale, 4)
    nacc2 = _stage_n4(eemb2, ie_cnt, in_cnt, zeros128)
    htop2 = _mm_top(x2ch, W2[:HID], 4, OUT)
    out = _mm_bot(htop2, nacc2.reshape(4 * NP_, 128), nscale,
                  W2[HID:], 4, OUT, chunk_out=False)

    return out[:N]

# --- scband reference (transcript-rebuilt; emitter-appended) ---
"""Pipeline reference for scband-model-big-79250736546085 (READ-ONLY COPY).

The authoritative reference and input builder live on the scoring server;
editing this copy changes nothing except your own understanding.
"""

import jax, jax.numpy as jnp
import numpy as np

N = 10000   # num nodes
E = 5000    # num hyperedges
NNZ = 160000  # incidence nnz
IN = 256
HID = 512
OUT = 256

def setup_inputs(seed: int = 0) -> dict:
    key = jax.random.key(seed)
    k1, k2, k3, k4, k5 = jax.random.split(key, 5)
    node_feat = jax.random.normal(k1, (N, IN), dtype=jnp.float32)
    inc_node = jax.random.randint(k2, (NNZ,), 0, N)
    inc_edge = jax.random.randint(k3, (NNZ,), 0, E)
    # Xavier-uniform weights matching nn.init.xavier_uniform_
    lim1 = float(np.sqrt(6.0 / (2 * IN + HID)))
    W1 = jax.random.uniform(k4, (2 * IN, HID), minval=-lim1, maxval=lim1, dtype=jnp.float32)
    lim2 = float(np.sqrt(6.0 / (2 * HID + OUT)))
    W2 = jax.random.uniform(k5, (2 * HID, OUT), minval=-lim2, maxval=lim2, dtype=jnp.float32)
    return {"node_feat": node_feat, "inc_node": inc_node, "inc_edge": inc_edge, "W1": W1, "W2": W2}

def _aggregate_neighbors(x, inc_node, inc_edge):
    # Hypergraph attrs (precomputed in the torch module's initialize()):
    edge_size = jnp.maximum(jnp.bincount(inc_edge, length=E), 1).astype(jnp.float32)   # num_nodes per hyperedge
    node_deg = jnp.maximum(jnp.bincount(inc_node, length=N), 1).astype(jnp.float32)    # num_edges per node
    num_neighbors = jnp.maximum(jax.ops.segment_sum(edge_size[inc_node * 0 + inc_edge].astype(jnp.float32)[jnp.arange(NNZ)], inc_node, num_segments=N), 1.0)
    # Step 1: project source features to hyperedges, normalized by edge size
    edge_emb = jax.ops.segment_sum(x[inc_node], inc_edge, num_segments=E) / edge_size[:, None]
    # Step 2: project hyperedge features back to nodes, normalize by #edges and #neighbors of each target node
    node_agg = jax.ops.segment_sum(edge_emb[inc_edge], inc_node, num_segments=N)
    node_agg = node_agg / (node_deg * num_neighbors)[:, None]
    return node_agg

def reference(node_feat, inc_node, inc_edge, W1, W2):
    x = node_feat
    for W in (W1, W2):
        agg = _aggregate_neighbors(x, inc_node, inc_edge)
        feat_input = jnp.concatenate([x, agg], axis=1)  # torch.hstack([x[tgt], agg]) with identity tgt map
        # dropout p=0.0 -> identity at all times
        x = jax.nn.leaky_relu(feat_input @ W, negative_slope=0.01)
    return x

if __name__ == "__main__":
    import jax
    _d = setup_inputs()
    print(jax.jit(kernel)(*tuple(_d.values())))

</pallas_src>

<mosaic_0001>
#map = affine_map<(d0, d1) -> (0, 0)>
#map1 = affine_map<(d0, d1) -> (0)>
#map2 = affine_map<(d0, d1) -> (0, 0, 0)>
module attributes {stable_mosaic.version = 14 : i64} {
  func.func @k(%arg0: i32, %arg1: i32, %arg2: memref<20480x128xf32, #tpu.memory_space<hbm>>, %arg3: memref<163840xi32, #tpu.memory_space<hbm>>, %arg4: memref<163840xi32, #tpu.memory_space<hbm>>, %arg5: memref<10240x128xf32, #tpu.memory_space<hbm>>, %arg6: memref<2x5120x128xf32, #tpu.memory_space<hbm>>, %arg7: memref<10240xi32, #tpu.memory_space<vmem>>, %arg8: memref<10240xi32, #tpu.memory_space<vmem>>, %arg9: memref<128xi32, #tpu.memory_space<vmem>>, %arg10: memref<128xi32, #tpu.memory_space<vmem>>, %arg11: memref<128x128xf32, #tpu.memory_space<vmem>>, %arg12: memref<!tpu.dma_semaphore, #tpu.memory_space<semaphore_mem>>, %arg13: memref<!tpu.dma_semaphore, #tpu.memory_space<semaphore_mem>>, %arg14: memref<128xi32, #tpu.memory_space<vmem>>, %arg15: memref<128xi32, #tpu.memory_space<vmem>>, %arg16: memref<128x128xf32, #tpu.memory_space<vmem>>, %arg17: memref<!tpu.dma_semaphore, #tpu.memory_space<semaphore_mem>>, %arg18: memref<!tpu.dma_semaphore, #tpu.memory_space<semaphore_mem>>, %arg19: memref<128xi32, #tpu.memory_space<vmem>>, %arg20: memref<128xi32, #tpu.memory_space<vmem>>, %arg21: memref<128x128xf32, #tpu.memory_space<vmem>>, %arg22: memref<!tpu.dma_semaphore, #tpu.memory_space<semaphore_mem>>, %arg23: memref<!tpu.dma_semaphore, #tpu.memory_space<semaphore_mem>>, %arg24: memref<5120x128xf32, #tpu.memory_space<vmem_shared>>) attributes {dimension_semantics = [#tpu.dimension_semantics<core_parallel>, #tpu.dimension_semantics<subcore_parallel>], iteration_bounds = array<i64: 2, 16>, scalar_prefetch = 0 : i64, scratch_operands = 18 : i64, tpu.core_type = #tpu.core_type<sc_vector_subcore>, window_params = [{transform_indices = #map}, {transform_indices = #map1}, {transform_indices = #map1}, {transform_indices = #map}, {transform_indices = #map2}]} {
    %mul3A = arith.constant 10240 : i32
    %mul3A_0 = arith.muli %arg1, %mul3A : i32
    "tpu.region"() ({
      %run_scoped3A = tpu.sem_alloc : memref<!tpu.dma_semaphore, #tpu.memory_space<semaphore_mem>>
      %dma_start3A_47 = tpu.memref_slice %arg3[%mul3A_0] : memref<163840xi32, #tpu.memory_space<hbm>> -> memref<10240xi32, #tpu.memory_space<hbm>>
      %dma_start3A_48 = tpu.memref_slice %arg3[%mul3A_0] : memref<163840xi32, #tpu.memory_space<hbm>> -> memref<10240xi32, #tpu.memory_space<hbm>>
      tpu.enqueue_dma source(%dma_start3A_48 : memref<10240xi32, #tpu.memory_space<hbm>>) target(%arg7 : memref<10240xi32, #tpu.memory_space<vmem>>) target_semaphore(%run_scoped3A : memref<!tpu.dma_semaphore, #tpu.memory_space<semaphore_mem>>)
      %dma_wait3A_49 = tpu.memref_slice %arg3[%mul3A_0] : memref<163840xi32, #tpu.memory_space<hbm>> -> memref<10240xi32, #tpu.memory_space<hbm>>
      %dma_wait3A_50 = tpu.memref_slice %arg3[%mul3A_0] : memref<163840xi32, #tpu.memory_space<hbm>> -> memref<10240xi32, #tpu.memory_space<hbm>>
      tpu.wait_dma2 semaphore(%run_scoped3A : memref<!tpu.dma_semaphore, #tpu.memory_space<semaphore_mem>>) src(%dma_wait3A_50 : memref<10240xi32, #tpu.memory_space<hbm>>) dst(%arg7 : memref<10240xi32, #tpu.memory_space<vmem>>)
      tpu.yield
    }) : () -> ()
    "tpu.region"() ({
      %run_scoped3A = tpu.sem_alloc : memref<!tpu.dma_semaphore, #tpu.memory_space<semaphore_mem>>
      %dma_start3A_47 = tpu.memref_slice %arg4[%mul3A_0] : memref<163840xi32, #tpu.memory_space<hbm>> -> memref<10240xi32, #tpu.memory_space<hbm>>
      %dma_start3A_48 = tpu.memref_slice %arg4[%mul3A_0] : memref<163840xi32, #tpu.memory_space<hbm>> -> memref<10240xi32, #tpu.memory_space<hbm>>
      tpu.enqueue_dma source(%dma_start3A_48 : memref<10240xi32, #tpu.memory_space<hbm>>) target(%arg8 : memref<10240xi32, #tpu.memory_space<vmem>>) target_semaphore(%run_scoped3A : memref<!tpu.dma_semaphore, #tpu.memory_space<semaphore_mem>>)
      %dma_wait3A_49 = tpu.memref_slice %arg4[%mul3A_0] : memref<163840xi32, #tpu.memory_space<hbm>> -> memref<10240xi32, #tpu.memory_space<hbm>>
      %dma_wait3A_50 = tpu.memref_slice %arg4[%mul3A_0] : memref<163840xi32, #tpu.memory_space<hbm>> -> memref<10240xi32, #tpu.memory_space<hbm>>
      tpu.wait_dma2 semaphore(%run_scoped3A : memref<!tpu.dma_semaphore, #tpu.memory_space<semaphore_mem>>) src(%dma_wait3A_50 : memref<10240xi32, #tpu.memory_space<hbm>>) dst(%arg8 : memref<10240xi32, #tpu.memory_space<vmem>>)
      tpu.yield
    }) : () -> ()
    %add3A = arith.constant 0 : i32
    %add3A_1 = arith.addi %arg0, %add3A : i32
    %mul3A_2 = arith.constant 10240 : i32
    %mul3A_3 = arith.muli %add3A_1, %mul3A_2 : i32
    %mul3A_4 = arith.constant 320 : i32
    %mul3A_5 = arith.muli %arg1, %mul3A_4 : i32
    "tpu.region"() ({
      %run_scoped3A = tpu.sem_alloc : memref<!tpu.dma_semaphore, #tpu.memory_space<semaphore_mem>>
      %dma_start3A_47 = arith.constant 0 : i32
      %dma_start3A_48 = tpu.memref_slice %arg24[%mul3A_5, %dma_start3A_47] : memref<5120x128xf32, #tpu.memory_space<vmem_shared>> -> memref<320x128xf32, #tpu.memory_space<vmem_shared>>
      %dma_start3A_49 = arith.constant 0 : i32
      %dma_start3A_50 = arith.constant 0 : i32
      %dma_start3A_51 = tpu.memref_slice %arg5[%dma_start3A_49, %dma_start3A_50] : memref<10240x128xf32, #tpu.memory_space<hbm>> -> memref<320x128xf32, #tpu.memory_space<hbm>>
      tpu.enqueue_dma source(%dma_start3A_51 : memref<320x128xf32, #tpu.memory_space<hbm>>) target(%dma_start3A_48 : memref<320x128xf32, #tpu.memory_space<vmem_shared>>) target_semaphore(%run_scoped3A : memref<!tpu.dma_semaphore, #tpu.memory_space<semaphore_mem>>)
      %dma_wait3A_52 = arith.constant 0 : i32
      %dma_wait3A_53 = tpu.memref_slice %arg24[%mul3A_5, %dma_wait3A_52] : memref<5120x128xf32, #tpu.memory_space<vmem_shared>> -> memref<320x128xf32, #tpu.memory_space<vmem_shared>>
      %dma_wait3A_54 = arith.constant 0 : i32
      %dma_wait3A_55 = arith.constant 0 : i32
      %dma_wait3A_56 = tpu.memref_slice %arg5[%dma_wait3A_54, %dma_wait3A_55] : memref<10240x128xf32, #tpu.memory_space<hbm>> -> memref<320x128xf32, #tpu.memory_space<hbm>>
      tpu.wait_dma2 semaphore(%run_scoped3A : memref<!tpu.dma_semaphore, #tpu.memory_space<semaphore_mem>>) src(%dma_wait3A_56 : memref<320x128xf32, #tpu.memory_space<hbm>>) dst(%dma_wait3A_53 : memref<320x128xf32, #tpu.memory_space<vmem_shared>>)
      tpu.yield
    }) : () -> ()
    %barrier3A = arith.constant 0 : index
    tpu.barrier barrier_id(%barrier3A)
    %scan3A = arith.constant 0 : i32
    %scan3A_6 = arith.constant 8 : i32
    %scan3A_7 = arith.addi %scan3A, %scan3A_6 : i32
    %scan3A_8 = arith.constant 1 : i32
    scf.for %scan3A_47 = %scan3A to %scan3A_7 step %scan3A_8  : i32 {
      %mul3A_48 = arith.constant 1 : i32
      %mul3A_49 = arith.muli %scan3A_47, %mul3A_48 : i32
      %add3A_50 = arith.constant 0 : i32
      %add3A_51 = arith.addi %add3A_50, %mul3A_49 : i32
      %mul3A_52 = arith.constant 16 : i32
      %mul3A_53 = arith.muli %add3A_51, %mul3A_52 : i32
      %add3A_54 = arith.constant 0 : i32
      %add3A_55 = arith.addi %add3A_54, %mul3A_53 : i32
      %get3A = arith.index_cast %add3A_55 : i32 to index
      %get3A_56 = tpu.vector_load %arg7[%get3A] {strides = array<i32>} : memref<10240xi32, #tpu.memory_space<vmem>>, vector<16xi32>,
      %get3A_57 = vector.shape_cast %get3A_56 : vector<16xi32> to vector<16xi32>
      %add3A_58 = vector.broadcast %mul3A_3 : i32 to vector<16xi32>
      %add3A_59 = arith.addi %get3A_57, %add3A_58 : vector<16xi32>
      %mul3A_60 = arith.constant 16 : i32
      %mul3A_61 = arith.muli %add3A_51, %mul3A_60 : i32
      %swap3A = arith.index_cast %mul3A_61 : i32 to index
      %swap3A_62 = tpu.vector_load %arg9[%swap3A] {strides = array<i32>} : memref<128xi32, #tpu.memory_space<vmem>>, vector<16xi32>,
      %swap3A_63 = vector.shape_cast %swap3A_62 : vector<16xi32> to vector<16xi32>
      %swap3A_64 = vector.shape_cast %add3A_59 : vector<16xi32> to vector<16xi32>
      tpu.vector_store %arg9[%swap3A], %swap3A_64 {strides = array<i32>} : memref<128xi32, #tpu.memory_space<vmem>>, vector<16xi32>,
      %mul3A_65 = arith.constant 16 : i32
      %mul3A_66 = arith.muli %add3A_51, %mul3A_65 : i32
      %add3A_67 = arith.constant 0 : i32
      %add3A_68 = arith.addi %add3A_67, %mul3A_66 : i32
      %get3A_69 = arith.index_cast %add3A_68 : i32 to index
      %get3A_70 = tpu.vector_load %arg8[%get3A_69] {strides = array<i32>} : memref<10240xi32, #tpu.memory_space<vmem>>, vector<16xi32>,
      %get3A_71 = vector.shape_cast %get3A_70 : vector<16xi32> to vector<16xi32>
      %mul3A_72 = arith.constant 16 : i32
      %mul3A_73 = arith.muli %add3A_51, %mul3A_72 : i32
      %swap3A_74 = arith.index_cast %mul3A_73 : i32 to index
      %swap3A_75 = tpu.vector_load %arg10[%swap3A_74] {strides = array<i32>} : memref<128xi32, #tpu.memory_space<vmem>>, vector<16xi32>,
      %swap3A_76 = vector.shape_cast %swap3A_75 : vector<16xi32> to vector<16xi32>
      %swap3A_77 = vector.shape_cast %get3A_71 : vector<16xi32> to vector<16xi32>
      tpu.vector_store %arg10[%swap3A_74], %swap3A_77 {strides = array<i32>} : memref<128xi32, #tpu.memory_space<vmem>>, vector<16xi32>,
    }
    %scan3A_9 = arith.constant 8 : i32
    %dma_start3A = arith.constant 0 : i32
    %dma_start3A_10 = arith.constant 0 : i32
    %dma_start3A_11 = tpu.memref_slice %arg2[%dma_start3A, %dma_start3A_10] : memref<20480x128xf32, #tpu.memory_space<hbm>> -> memref<20480x128xf32, #tpu.memory_space<hbm>>
    tpu.enqueue_indirect_dma source(%dma_start3A_11 : memref<20480x128xf32, #tpu.memory_space<hbm>>) target(%arg11 : memref<128x128xf32, #tpu.memory_space<vmem>>) offsets(%arg9 : memref<128xi32, #tpu.memory_space<vmem>>) semaphore(%arg12 : memref<!tpu.dma_semaphore, #tpu.memory_space<semaphore_mem>>)
    %scan3A_12 = arith.constant 0 : i32
    %scan3A_13 = arith.constant 8 : i32
    %scan3A_14 = arith.addi %scan3A_12, %scan3A_13 : i32
    %scan3A_15 = arith.constant 1 : i32
    scf.for %scan3A_47 = %scan3A_12 to %scan3A_14 step %scan3A_15  : i32 {
      %mul3A_48 = arith.constant 1 : i32
      %mul3A_49 = arith.muli %scan3A_47, %mul3A_48 : i32
      %add3A_50 = arith.constant 0 : i32
      %add3A_51 = arith.addi %add3A_50, %mul3A_49 : i32
      %mul3A_52 = arith.constant 16 : i32
      %mul3A_53 = arith.muli %add3A_51, %mul3A_52 : i32
      %add3A_54 = arith.constant 128 : i32
      %add3A_55 = arith.addi %add3A_54, %mul3A_53 : i32
      %get3A = arith.index_cast %add3A_55 : i32 to index
      %get3A_56 = tpu.vector_load %arg7[%get3A] {strides = array<i32>} : memref<10240xi32, #tpu.memory_space<vmem>>, vector<16xi32>,
      %get3A_57 = vector.shape_cast %get3A_56 : vector<16xi32> to vector<16xi32>
      %add3A_58 = vector.broadcast %mul3A_3 : i32 to vector<16xi32>
      %add3A_59 = arith.addi %get3A_57, %add3A_58 : vector<16xi32>
      %mul3A_60 = arith.constant 16 : i32
      %mul3A_61 = arith.muli %add3A_51, %mul3A_60 : i32
      %swap3A = arith.index_cast %mul3A_61 : i32 to index
      %swap3A_62 = tpu.vector_load %arg14[%swap3A] {strides = array<i32>} : memref<128xi32, #tpu.memory_space<vmem>>, vector<16xi32>,
      %swap3A_63 = vector.shape_cast %swap3A_62 : vector<16xi32> to vector<16xi32>
      %swap3A_64 = vector.shape_cast %add3A_59 : vector<16xi32> to vector<16xi32>
      tpu.vector_store %arg14[%swap3A], %swap3A_64 {strides = array<i32>} : memref<128xi32, #tpu.memory_space<vmem>>, vector<16xi32>,
      %mul3A_65 = arith.constant 16 : i32
      %mul3A_66 = arith.muli %add3A_51, %mul3A_65 : i32
      %add3A_67 = arith.constant 128 : i32
      %add3A_68 = arith.addi %add3A_67, %mul3A_66 : i32
      %get3A_69 = arith.index_cast %add3A_68 : i32 to index
      %get3A_70 = tpu.vector_load %arg8[%get3A_69] {strides = array<i32>} : memref<10240xi32, #tpu.memory_space<vmem>>, vector<16xi32>,
      %get3A_71 = vector.shape_cast %get3A_70 : vector<16xi32> to vector<16xi32>
      %mul3A_72 = arith.constant 16 : i32
      %mul3A_73 = arith.muli %add3A_51, %mul3A_72 : i32
      %swap3A_74 = arith.index_cast %mul3A_73 : i32 to index
      %swap3A_75 = tpu.vector_load %arg15[%swap3A_74] {strides = array<i32>} : memref<128xi32, #tpu.memory_space<vmem>>, vector<16xi32>,
      %swap3A_76 = vector.shape_cast %swap3A_75 : vector<16xi32> to vector<16xi32>
      %swap3A_77 = vector.shape_cast %get3A_71 : vector<16xi32> to vector<16xi32>
      tpu.vector_store %arg15[%swap3A_74], %swap3A_77 {strides = array<i32>} : memref<128xi32, #tpu.memory_space<vmem>>, vector<16xi32>,
    }
    %scan3A_16 = arith.constant 8 : i32
    %dma_start3A_17 = arith.constant 0 : i32
    %dma_start3A_18 = arith.constant 0 : i32
    %dma_start3A_19 = tpu.memref_slice %arg2[%dma_start3A_17, %dma_start3A_18] : memref<20480x128xf32, #tpu.memory_space<hbm>> -> memref<20480x128xf32, #tpu.memory_space<hbm>>
    tpu.enqueue_indirect_dma source(%dma_start3A_19 : memref<20480x128xf32, #tpu.memory_space<hbm>>) target(%arg16 : memref<128x128xf32, #tpu.memory_space<vmem>>) offsets(%arg14 : memref<128xi32, #tpu.memory_space<vmem>>) semaphore(%arg17 : memref<!tpu.dma_semaphore, #tpu.memory_space<semaphore_mem>>)
    %scan3A_20 = arith.constant 0 : i32
    %scan3A_21 = arith.constant 26 : i32
    %scan3A_22 = arith.addi %scan3A_20, %scan3A_21 : i32
    %scan3A_23 = arith.constant 1 : i32
    scf.for %scan3A_47 = %scan3A_20 to %scan3A_22 step %scan3A_23  : i32 {
      %mul3A_48 = arith.constant 1 : i32
      %mul3A_49 = arith.muli %scan3A_47, %mul3A_48 : i32
      %add3A_50 = arith.constant 0 : i32
      %add3A_51 = arith.addi %add3A_50, %mul3A_49 : i32
      %mul3A_52 = arith.constant 3 : i32
      %mul3A_53 = arith.muli %mul3A_52, %add3A_51 : i32
      %dma_wait3A_54 = arith.constant 0 : i32
      %dma_wait3A_55 = arith.constant 0 : i32
      %dma_wait3A_56 = tpu.memref_slice %arg2[%dma_wait3A_54, %dma_wait3A_55] : memref<20480x128xf32, #tpu.memory_space<hbm>> -> memref<20480x128xf32, #tpu.memory_space<hbm>>
      tpu.wait_indirect_dma semaphore(%arg12 : memref<!tpu.dma_semaphore, #tpu.memory_space<semaphore_mem>>) src(%dma_wait3A_56 : memref<20480x128xf32, #tpu.memory_space<hbm>>) dst(%arg11 : memref<128x128xf32, #tpu.memory_space<vmem>>)
      %dma_start3A_57 = arith.constant 0 : i32
      %dma_start3A_58 = arith.constant 0 : i32
      %dma_start3A_59 = tpu.memref_slice %arg24[%dma_start3A_57, %dma_start3A_58] : memref<5120x128xf32, #tpu.memory_space<vmem_shared>> -> memref<5120x128xf32, #tpu.memory_space<vmem_shared>>
      tpu.enqueue_indirect_dma source(%arg11 : memref<128x128xf32, #tpu.memory_space<vmem>>) target(%dma_start3A_59 : memref<5120x128xf32, #tpu.memory_space<vmem_shared>>) offsets(%arg10 : memref<128xi32, #tpu.memory_space<vmem>>) semaphore(%arg13 : memref<!tpu.dma_semaphore, #tpu.memory_space<semaphore_mem>>) {add = true}
      %dma_wait3A_60 = arith.constant 0 : i32
      %dma_wait3A_61 = arith.constant 0 : i32
      %dma_wait3A_62 = tpu.memref_slice %arg24[%dma_wait3A_60, %dma_wait3A_61] : memref<5120x128xf32, #tpu.memory_space<vmem_shared>> -> memref<5120x128xf32, #tpu.memory_space<vmem_shared>>
      tpu.wait_indirect_dma semaphore(%arg13 : memref<!tpu.dma_semaphore, #tpu.memory_space<semaphore_mem>>) src(%arg11 : memref<128x128xf32, #tpu.memory_space<vmem>>) dst(%dma_wait3A_62 : memref<5120x128xf32, #tpu.memory_space<vmem_shared>>)
      %add3A_63 = arith.constant 2 : i32
      %add3A_64 = arith.addi %mul3A_53, %add3A_63 : i32
      %scan3A_65 = arith.constant 0 : i32
      %scan3A_66 = arith.constant 8 : i32
      %scan3A_67 = arith.addi %scan3A_65, %scan3A_66 : i32
      %scan3A_68 = arith.constant 1 : i32
      scf.for %scan3A_111 = %scan3A_65 to %scan3A_67 step %scan3A_68  : i32 {
        %mul3A_112 = arith.constant 1 : i32
        %mul3A_113 = arith.muli %scan3A_111, %mul3A_112 : i32
        %add3A_114 = arith.constant 0 : i32
        %add3A_115 = arith.addi %add3A_114, %mul3A_113 : i32
        %mul3A_116 = arith.constant 128 : i32
        %mul3A_117 = arith.muli %add3A_64, %mul3A_116 : i32
        %mul3A_118 = arith.constant 16 : i32
        %mul3A_119 = arith.muli %add3A_115, %mul3A_118 : i32
        %add3A_120 = arith.addi %mul3A_117, %mul3A_119 : i32
        %get3A = arith.index_cast %add3A_120 : i32 to index
        %get3A_121 = tpu.vector_load %arg7[%get3A] {strides = array<i32>} : memref<10240xi32, #tpu.memory_space<vmem>>, vector<16xi32>,
        %get3A_122 = vector.shape_cast %get3A_121 : vector<16xi32> to vector<16xi32>
        %add3A_123 = vector.broadcast %mul3A_3 : i32 to vector<16xi32>
        %add3A_124 = arith.addi %get3A_122, %add3A_123 : vector<16xi32>
        %mul3A_125 = arith.constant 16 : i32
        %mul3A_126 = arith.muli %add3A_115, %mul3A_125 : i32
        %swap3A = arith.index_cast %mul3A_126 : i32 to index
        %swap3A_127 = tpu.vector_load %arg19[%swap3A] {strides = array<i32>} : memref<128xi32, #tpu.memory_space<vmem>>, vector<16xi32>,
        %swap3A_128 = vector.shape_cast %swap3A_127 : vector<16xi32> to vector<16xi32>
        %swap3A_129 = vector.shape_cast %add3A_124 : vector<16xi32> to vector<16xi32>
        tpu.vector_store %arg19[%swap3A], %swap3A_129 {strides = array<i32>} : memref<128xi32, #tpu.memory_space<vmem>>, vector<16xi32>,
        %mul3A_130 = arith.constant 128 : i32
        %mul3A_131 = arith.muli %add3A_64, %mul3A_130 : i32
        %mul3A_132 = arith.constant 16 : i32
        %mul3A_133 = arith.muli %add3A_115, %mul3A_132 : i32
        %add3A_134 = arith.addi %mul3A_131, %mul3A_133 : i32
        %get3A_135 = arith.index_cast %add3A_134 : i32 to index
        %get3A_136 = tpu.vector_load %arg8[%get3A_135] {strides = array<i32>} : memref<10240xi32, #tpu.memory_space<vmem>>, vector<16xi32>,
        %get3A_137 = vector.shape_cast %get3A_136 : vector<16xi32> to vector<16xi32>
        %mul3A_138 = arith.constant 16 : i32
        %mul3A_139 = arith.muli %add3A_115, %mul3A_138 : i32
        %swap3A_140 = arith.index_cast %mul3A_139 : i32 to index
        %swap3A_141 = tpu.vector_load %arg20[%swap3A_140] {strides = array<i32>} : memref<128xi32, #tpu.memory_space<vmem>>, vector<16xi32>,
        %swap3A_142 = vector.shape_cast %swap3A_141 : vector<16xi32> to vector<16xi32>
        %swap3A_143 = vector.shape_cast %get3A_137 : vector<16xi32> to vector<16xi32>
        tpu.vector_store %arg20[%swap3A_140], %swap3A_143 {strides = array<i32>} : memref<128xi32, #tpu.memory_space<vmem>>, vector<16xi32>,
      }
      %scan3A_69 = arith.constant 8 : i32
      %dma_start3A_70 = arith.constant 0 : i32
      %dma_start3A_71 = arith.constant 0 : i32
      %dma_start3A_72 = tpu.memref_slice %arg2[%dma_start3A_70, %dma_start3A_71] : memref<20480x128xf32, #tpu.memory_space<hbm>> -> memref<20480x128xf32, #tpu.memory_space<hbm>>
      tpu.enqueue_indirect_dma source(%dma_start3A_72 : memref<20480x128xf32, #tpu.memory_space<hbm>>) target(%arg21 : memref<128x128xf32, #tpu.memory_space<vmem>>) offsets(%arg19 : memref<128xi32, #tpu.memory_space<vmem>>) semaphore(%arg22 : memref<!tpu.dma_semaphore, #tpu.memory_space<semaphore_mem>>)
      %dma_wait3A_73 = arith.constant 0 : i32
      %dma_wait3A_74 = arith.constant 0 : i32
      %dma_wait3A_75 = tpu.memref_slice %arg2[%dma_wait3A_73, %dma_wait3A_74] : memref<20480x128xf32, #tpu.memory_space<hbm>> -> memref<20480x128xf32, #tpu.memory_space<hbm>>
      tpu.wait_indirect_dma semaphore(%arg17 : memref<!tpu.dma_semaphore, #tpu.memory_space<semaphore_mem>>) src(%dma_wait3A_75 : memref<20480x128xf32, #tpu.memory_space<hbm>>) dst(%arg16 : memref<128x128xf32, #tpu.memory_space<vmem>>)
      %dma_start3A_76 = arith.constant 0 : i32
      %dma_start3A_77 = arith.constant 0 : i32
      %dma_start3A_78 = tpu.memref_slice %arg24[%dma_start3A_76, %dma_start3A_77] : memref<5120x128xf32, #tpu.memory_space<vmem_shared>> -> memref<5120x128xf32, #tpu.memory_space<vmem_shared>>
      tpu.enqueue_indirect_dma source(%arg16 : memref<128x128xf32, #tpu.memory_space<vmem>>) target(%dma_start3A_78 : memref<5120x128xf32, #tpu.memory_space<vmem_shared>>) offsets(%arg15 : memref<128xi32, #tpu.memory_space<vmem>>) semaphore(%arg18 : memref<!tpu.dma_semaphore, #tpu.memory_space<semaphore_mem>>) {add = true}
      %dma_wait3A_79 = arith.constant 0 : i32
      %dma_wait3A_80 = arith.constant 0 : i32
      %dma_wait3A_81 = tpu.memref_slice %arg24[%dma_wait3A_79, %dma_wait3A_80] : memref<5120x128xf32, #tpu.memory_space<vmem_shared>> -> memref<5120x128xf32, #tpu.memory_space<vmem_shared>>
      tpu.wait_indirect_dma semaphore(%arg18 : memref<!tpu.dma_semaphore, #tpu.memory_space<semaphore_mem>>) src(%arg16 : memref<128x128xf32, #tpu.memory_space<vmem>>) dst(%dma_wait3A_81 : memref<5120x128xf32, #tpu.memory_space<vmem_shared>>)
      %add3A_82 = arith.constant 3 : i32
      %add3A_83 = arith.addi %mul3A_53, %add3A_82 : i32
      %scan3A_84 = arith.constant 0 : i32
      %scan3A_85 = arith.constant 8 : i32
      %scan3A_86 = arith.addi %scan3A_84, %scan3A_85 : i32
      %scan3A_87 = arith.constant 1 : i32
      scf.for %scan3A_111 = %scan3A_84 to %scan3A_86 step %scan3A_87  : i32 {
        %mul3A_112 = arith.constant 1 : i32
        %mul3A_113 = arith.muli %scan3A_111, %mul3A_112 : i32
        %add3A_114 = arith.constant 0 : i32
        %add3A_115 = arith.addi %add3A_114, %mul3A_113 : i32
        %mul3A_116 = arith.constant 128 : i32
        %mul3A_117 = arith.muli %add3A_83, %mul3A_116 : i32
        %mul3A_118 = arith.constant 16 : i32
        %mul3A_119 = arith.muli %add3A_115, %mul3A_118 : i32
        %add3A_120 = arith.addi %mul3A_117, %mul3A_119 : i32
        %get3A = arith.index_cast %add3A_120 : i32 to index
        %get3A_121 = tpu.vector_load %arg7[%get3A] {strides = array<i32>} : memref<10240xi32, #tpu.memory_space<vmem>>, vector<16xi32>,
        %get3A_122 = vector.shape_cast %get3A_121 : vector<16xi32> to vector<16xi32>
        %add3A_123 = vector.broadcast %mul3A_3 : i32 to vector<16xi32>
        %add3A_124 = arith.addi %get3A_122, %add3A_123 : vector<16xi32>
        %mul3A_125 = arith.constant 16 : i32
        %mul3A_126 = arith.muli %add3A_115, %mul3A_125 : i32
        %swap3A = arith.index_cast %mul3A_126 : i32 to index
        %swap3A_127 = tpu.vector_load %arg9[%swap3A] {strides = array<i32>} : memref<128xi32, #tpu.memory_space<vmem>>, vector<16xi32>,
        %swap3A_128 = vector.shape_cast %swap3A_127 : vector<16xi32> to vector<16xi32>
        %swap3A_129 = vector.shape_cast %add3A_124 : vector<16xi32> to vector<16xi32>
        tpu.vector_store %arg9[%swap3A], %swap3A_129 {strides = array<i32>} : memref<128xi32, #tpu.memory_space<vmem>>, vector<16xi32>,
        %mul3A_130 = arith.constant 128 : i32
        %mul3A_131 = arith.muli %add3A_83, %mul3A_130 : i32
        %mul3A_132 = arith.constant 16 : i32
        %mul3A_133 = arith.muli %add3A_115, %mul3A_132 : i32
        %add3A_134 = arith.addi %mul3A_131, %mul3A_133 : i32
        %get3A_135 = arith.index_cast %add3A_134 : i32 to index
        %get3A_136 = tpu.vector_load %arg8[%get3A_135] {strides = array<i32>} : memref<10240xi32, #tpu.memory_space<vmem>>, vector<16xi32>,
        %get3A_137 = vector.shape_cast %get3A_136 : vector<16xi32> to vector<16xi32>
        %mul3A_138 = arith.constant 16 : i32
        %mul3A_139 = arith.muli %add3A_115, %mul3A_138 : i32
        %swap3A_140 = arith.index_cast %mul3A_139 : i32 to index
        %swap3A_141 = tpu.vector_load %arg10[%swap3A_140] {strides = array<i32>} : memref<128xi32, #tpu.memory_space<vmem>>, vector<16xi32>,
        %swap3A_142 = vector.shape_cast %swap3A_141 : vector<16xi32> to vector<16xi32>
        %swap3A_143 = vector.shape_cast %get3A_137 : vector<16xi32> to vector<16xi32>
        tpu.vector_store %arg10[%swap3A_140], %swap3A_143 {strides = array<i32>} : memref<128xi32, #tpu.memory_space<vmem>>, vector<16xi32>,
      }
      %scan3A_88 = arith.constant 8 : i32
      %dma_start3A_89 = arith.constant 0 : i32
      %dma_start3A_90 = arith.constant 0 : i32
      %dma_start3A_91 = tpu.memref_slice %arg2[%dma_start3A_89, %dma_start3A_90] : memref<20480x128xf32, #tpu.memory_space<hbm>> -> memref<20480x128xf32, #tpu.memory_space<hbm>>
      tpu.enqueue_indirect_dma source(%dma_start3A_91 : memref<20480x128xf32, #tpu.memory_space<hbm>>) target(%arg11 : memref<128x128xf32, #tpu.memory_space<vmem>>) offsets(%arg9 : memref<128xi32, #tpu.memory_space<vmem>>) semaphore(%arg12 : memref<!tpu.dma_semaphore, #tpu.memory_space<semaphore_mem>>)
      %dma_wait3A_92 = arith.constant 0 : i32
      %dma_wait3A_93 = arith.constant 0 : i32
      %dma_wait3A_94 = tpu.memref_slice %arg2[%dma_wait3A_92, %dma_wait3A_93] : memref<20480x128xf32, #tpu.memory_space<hbm>> -> memref<20480x128xf32, #tpu.memory_space<hbm>>
      tpu.wait_indirect_dma semaphore(%arg22 : memref<!tpu.dma_semaphore, #tpu.memory_space<semaphore_mem>>) src(%dma_wait3A_94 : memref<20480x128xf32, #tpu.memory_space<hbm>>) dst(%arg21 : memref<128x128xf32, #tpu.memory_space<vmem>>)
      %dma_start3A_95 = arith.constant 0 : i32
      %dma_start3A_96 = arith.constant 0 : i32
      %dma_start3A_97 = tpu.memref_slice %arg24[%dma_start3A_95, %dma_start3A_96] : memref<5120x128xf32, #tpu.memory_space<vmem_shared>> -> memref<5120x128xf32, #tpu.memory_space<vmem_shared>>
      tpu.enqueue_indirect_dma source(%arg21 : memref<128x128xf32, #tpu.memory_space<vmem>>) target(%dma_start3A_97 : memref<5120x128xf32, #tpu.memory_space<vmem_shared>>) offsets(%arg20 : memref<128xi32, #tpu.memory_space<vmem>>) semaphore(%arg23 : memref<!tpu.dma_semaphore, #tpu.memory_space<semaphore_mem>>) {add = true}
      %dma_wait3A_98 = arith.constant 0 : i32
      %dma_wait3A_99 = arith.constant 0 : i32
      %dma_wait3A_100 = tpu.memref_slice %arg24[%dma_wait3A_98, %dma_wait3A_99] : memref<5120x128xf32, #tpu.memory_space<vmem_shared>> -> memref<5120x128xf32, #tpu.memory_space<vmem_shared>>
      tpu.wait_indirect_dma semaphore(%arg23 : memref<!tpu.dma_semaphore, #tpu.memory_space<semaphore_mem>>) src(%arg21 : memref<128x128xf32, #tpu.memory_space<vmem>>) dst(%dma_wait3A_100 : memref<5120x128xf32, #tpu.memory_space<vmem_shared>>)
      %add3A_101 = arith.constant 4 : i32
      %add3A_102 = arith.addi %mul3A_53, %add3A_101 : i32
      %scan3A_103 = arith.constant 0 : i32
      %scan3A_104 = arith.constant 8 : i32
      %scan3A_105 = arith.addi %scan3A_103, %scan3A_104 : i32
      %scan3A_106 = arith.constant 1 : i32
      scf.for %scan3A_111 = %scan3A_103 to %scan3A_105 step %scan3A_106  : i32 {
        %mul3A_112 = arith.constant 1 : i32
        %mul3A_113 = arith.muli %scan3A_111, %mul3A_112 : i32
        %add3A_114 = arith.constant 0 : i32
        %add3A_115 = arith.addi %add3A_114, %mul3A_113 : i32
        %mul3A_116 = arith.constant 128 : i32
        %mul3A_117 = arith.muli %add3A_102, %mul3A_116 : i32
        %mul3A_118 = arith.constant 16 : i32
        %mul3A_119 = arith.muli %add3A_115, %mul3A_118 : i32
        %add3A_120 = arith.addi %mul3A_117, %mul3A_119 : i32
        %get3A = arith.index_cast %add3A_120 : i32 to index
        %get3A_121 = tpu.vector_load %arg7[%get3A] {strides = array<i32>} : memref<10240xi32, #tpu.memory_space<vmem>>, vector<16xi32>,
        %get3A_122 = vector.shape_cast %get3A_121 : vector<16xi32> to vector<16xi32>
        %add3A_123 = vector.broadcast %mul3A_3 : i32 to vector<16xi32>
        %add3A_124 = arith.addi %get3A_122, %add3A_123 : vector<16xi32>
        %mul3A_125 = arith.constant 16 : i32
        %mul3A_126 = arith.muli %add3A_115, %mul3A_125 : i32
        %swap3A = arith.index_cast %mul3A_126 : i32 to index
        %swap3A_127 = tpu.vector_load %arg14[%swap3A] {strides = array<i32>} : memref<128xi32, #tpu.memory_space<vmem>>, vector<16xi32>,
        %swap3A_128 = vector.shape_cast %swap3A_127 : vector<16xi32> to vector<16xi32>
        %swap3A_129 = vector.shape_cast %add3A_124 : vector<16xi32> to vector<16xi32>
        tpu.vector_store %arg14[%swap3A], %swap3A_129 {strides = array<i32>} : memref<128xi32, #tpu.memory_space<vmem>>, vector<16xi32>,
        %mul3A_130 = arith.constant 128 : i32
        %mul3A_131 = arith.muli %add3A_102, %mul3A_130 : i32
        %mul3A_132 = arith.constant 16 : i32
        %mul3A_133 = arith.muli %add3A_115, %mul3A_132 : i32
        %add3A_134 = arith.addi %mul3A_131, %mul3A_133 : i32
        %get3A_135 = arith.index_cast %add3A_134 : i32 to index
        %get3A_136 = tpu.vector_load %arg8[%get3A_135] {strides = array<i32>} : memref<10240xi32, #tpu.memory_space<vmem>>, vector<16xi32>,
        %get3A_137 = vector.shape_cast %get3A_136 : vector<16xi32> to vector<16xi32>
        %mul3A_138 = arith.constant 16 : i32
        %mul3A_139 = arith.muli %add3A_115, %mul3A_138 : i32
        %swap3A_140 = arith.index_cast %mul3A_139 : i32 to index
        %swap3A_141 = tpu.vector_load %arg15[%swap3A_140] {strides = array<i32>} : memref<128xi32, #tpu.memory_space<vmem>>, vector<16xi32>,
        %swap3A_142 = vector.shape_cast %swap3A_141 : vector<16xi32> to vector<16xi32>
        %swap3A_143 = vector.shape_cast %get3A_137 : vector<16xi32> to vector<16xi32>
        tpu.vector_store %arg15[%swap3A_140], %swap3A_143 {strides = array<i32>} : memref<128xi32, #tpu.memory_space<vmem>>, vector<16xi32>,
      }
      %scan3A_107 = arith.constant 8 : i32
      %dma_start3A_108 = arith.constant 0 : i32
      %dma_start3A_109 = arith.constant 0 : i32
      %dma_start3A_110 = tpu.memref_slice %arg2[%dma_start3A_108, %dma_start3A_109] : memref<20480x128xf32, #tpu.memory_space<hbm>> -> memref<20480x128xf32, #tpu.memory_space<hbm>>
      tpu.enqueue_indirect_dma source(%dma_start3A_110 : memref<20480x128xf32, #tpu.memory_space<hbm>>) target(%arg16 : memref<128x128xf32, #tpu.memory_space<vmem>>) offsets(%arg14 : memref<128xi32, #tpu.memory_space<vmem>>) semaphore(%arg17 : memref<!tpu.dma_semaphore, #tpu.memory_space<semaphore_mem>>)
    }
    %scan3A_24 = arith.constant 26 : i32
    %dma_wait3A = arith.constant 0 : i32
    %dma_wait3A_25 = arith.constant 0 : i32
    %dma_wait3A_26 = tpu.memref_slice %arg2[%dma_wait3A, %dma_wait3A_25] : memref<20480x128xf32, #tpu.memory_space<hbm>> -> memref<20480x128xf32, #tpu.memory_space<hbm>>
    tpu.wait_indirect_dma semaphore(%arg12 : memref<!tpu.dma_semaphore, #tpu.memory_space<semaphore_mem>>) src(%dma_wait3A_26 : memref<20480x128xf32, #tpu.memory_space<hbm>>) dst(%arg11 : memref<128x128xf32, #tpu.memory_space<vmem>>)
    %dma_start3A_27 = arith.constant 0 : i32
    %dma_start3A_28 = arith.constant 0 : i32
    %dma_start3A_29 = tpu.memref_slice %arg24[%dma_start3A_27, %dma_start3A_28] : memref<5120x128xf32, #tpu.memory_space<vmem_shared>> -> memref<5120x128xf32, #tpu.memory_space<vmem_shared>>
    tpu.enqueue_indirect_dma source(%arg11 : memref<128x128xf32, #tpu.memory_space<vmem>>) target(%dma_start3A_29 : memref<5120x128xf32, #tpu.memory_space<vmem_shared>>) offsets(%arg10 : memref<128xi32, #tpu.memory_space<vmem>>) semaphore(%arg13 : memref<!tpu.dma_semaphore, #tpu.memory_space<semaphore_mem>>) {add = true}
    %dma_wait3A_30 = arith.constant 0 : i32
    %dma_wait3A_31 = arith.constant 0 : i32
    %dma_wait3A_32 = tpu.memref_slice %arg24[%dma_wait3A_30, %dma_wait3A_31] : memref<5120x128xf32, #tpu.memory_space<vmem_shared>> -> memref<5120x128xf32, #tpu.memory_space<vmem_shared>>
    tpu.wait_indirect_dma semaphore(%arg13 : memref<!tpu.dma_semaphore, #tpu.memory_space<semaphore_mem>>) src(%arg11 : memref<128x128xf32, #tpu.memory_space<vmem>>) dst(%dma_wait3A_32 : memref<5120x128xf32, #tpu.memory_space<vmem_shared>>)
    %dma_wait3A_33 = arith.constant 0 : i32
    %dma_wait3A_34 = arith.constant 0 : i32
    %dma_wait3A_35 = tpu.memref_slice %arg2[%dma_wait3A_33, %dma_wait3A_34] : memref<20480x128xf32, #tpu.memory_space<hbm>> -> memref<20480x128xf32, #tpu.memory_space<hbm>>
    tpu.wait_indirect_dma semaphore(%arg17 : memref<!tpu.dma_semaphore, #tpu.memory_space<semaphore_mem>>) src(%dma_wait3A_35 : memref<20480x128xf32, #tpu.memory_space<hbm>>) dst(%arg16 : memref<128x128xf32, #tpu.memory_space<vmem>>)
    %dma_start3A_36 = arith.constant 0 : i32
    %dma_start3A_37 = arith.constant 0 : i32
    %dma_start3A_38 = tpu.memref_slice %arg24[%dma_start3A_36, %dma_start3A_37] : memref<5120x128xf32, #tpu.memory_space<vmem_shared>> -> memref<5120x128xf32, #tpu.memory_space<vmem_shared>>
    tpu.enqueue_indirect_dma source(%arg16 : memref<128x128xf32, #tpu.memory_space<vmem>>) target(%dma_start3A_38 : memref<5120x128xf32, #tpu.memory_space<vmem_shared>>) offsets(%arg15 : memref<128xi32, #tpu.memory_space<vmem>>) semaphore(%arg18 : memref<!tpu.dma_semaphore, #tpu.memory_space<semaphore_mem>>) {add = true}
    %dma_wait3A_39 = arith.constant 0 : i32
    %dma_wait3A_40 = arith.constant 0 : i32
    %dma_wait3A_41 = tpu.memref_slice %arg24[%dma_wait3A_39, %dma_wait3A_40] : memref<5120x128xf32, #tpu.memory_space<vmem_shared>> -> memref<5120x128xf32, #tpu.memory_space<vmem_shared>>
    tpu.wait_indirect_dma semaphore(%arg18 : memref<!tpu.dma_semaphore, #tpu.memory_space<semaphore_mem>>) src(%arg16 : memref<128x128xf32, #tpu.memory_space<vmem>>) dst(%dma_wait3A_41 : memref<5120x128xf32, #tpu.memory_space<vmem_shared>>)
    %barrier3A_42 = arith.constant 0 : index
    tpu.barrier barrier_id(%barrier3A_42)
    %mul3A_43 = arith.constant 320 : i32
    %mul3A_44 = arith.muli %arg1, %mul3A_43 : i32
    %mul3A_45 = arith.constant 320 : i32
    %mul3A_46 = arith.muli %arg1, %mul3A_45 : i32
    "tpu.region"() ({
      %run_scoped3A = tpu.sem_alloc : memref<!tpu.dma_semaphore, #tpu.memory_space<semaphore_mem>>
      %dma_start3A_47 = arith.constant 0 : i32
      %dma_start3A_48 = tpu.memref_slice %arg6[%add3A_1, %mul3A_46, %dma_start3A_47] : memref<2x5120x128xf32, #tpu.memory_space<hbm>> -> memref<1x320x128xf32, #tpu.memory_space<hbm>>
      %dma_start3A_49 = tpu.memref_squeeze %dma_start3A_48 : memref<1x320x128xf32, #tpu.memory_space<hbm>> -> memref<320x128xf32, #tpu.memory_space<hbm>>
      %dma_start3A_50 = arith.constant 0 : i32
      %dma_start3A_51 = tpu.memref_slice %arg24[%mul3A_44, %dma_start3A_50] : memref<5120x128xf32, #tpu.memory_space<vmem_shared>> -> memref<320x128xf32, #tpu.memory_space<vmem_shared>>
      tpu.enqueue_dma source(%dma_start3A_51 : memref<320x128xf32, #tpu.memory_space<vmem_shared>>) target(%dma_start3A_49 : memref<320x128xf32, #tpu.memory_space<hbm>>) target_semaphore(%run_scoped3A : memref<!tpu.dma_semaphore, #tpu.memory_space<semaphore_mem>>)
      %dma_wait3A_52 = arith.constant 0 : i32
      %dma_wait3A_53 = tpu.memref_slice %arg6[%add3A_1, %mul3A_46, %dma_wait3A_52] : memref<2x5120x128xf32, #tpu.memory_space<hbm>> -> memref<1x320x128xf32, #tpu.memory_space<hbm>>
      %dma_wait3A_54 = tpu.memref_squeeze %dma_wait3A_53 : memref<1x320x128xf32, #tpu.memory_space<hbm>> -> memref<320x128xf32, #tpu.memory_space<hbm>>
      %dma_wait3A_55 = arith.constant 0 : i32
      %dma_wait3A_56 = tpu.memref_slice %arg24[%mul3A_44, %dma_wait3A_55] : memref<5120x128xf32, #tpu.memory_space<vmem_shared>> -> memref<320x128xf32, #tpu.memory_space<vmem_shared>>
      tpu.wait_dma2 semaphore(%run_scoped3A : memref<!tpu.dma_semaphore, #tpu.memory_space<semaphore_mem>>) src(%dma_wait3A_56 : memref<320x128xf32, #tpu.memory_space<vmem_shared>>) dst(%dma_wait3A_54 : memref<320x128xf32, #tpu.memory_space<hbm>>)
      tpu.yield
    }) : () -> ()
    return
  }
}

#map = affine_map<(d0, d1) -> (0, 0)>
#map1 = affine_map<(d0, d1) -> (0)>
#map2 = affine_map<(d0, d1) -> (0, 0, 0)>
module attributes {stable_mosaic.version = 14 : i64} {
  func.func @k(%arg0: i32, %arg1: i32, %arg2: memref<10240x128xf32, #tpu.memory_space<hbm>>, %arg3: memref<163840xi32, #tpu.memory_space<hbm>>, %arg4: memref<163840xi32, #tpu.memory_space<hbm>>, %arg5: memref<10240x128xf32, #tpu.memory_space<hbm>>, %arg6: memref<2x10240x128xf32, #tpu.memory_space<hbm>>, %arg7: memref<10240xi32, #tpu.memory_space<vmem>>, %arg8: memref<10240xi32, #tpu.memory_space<vmem>>, %arg9: memref<80xi32, #tpu.memory_space<vmem>>, %arg10: memref<80xi32, #tpu.memory_space<vmem>>, %arg11: memref<80x128xf32, #tpu.memory_space<vmem>>, %arg12: memref<!tpu.dma_semaphore, #tpu.memory_space<semaphore_mem>>, %arg13: memref<!tpu.dma_semaphore, #tpu.memory_space<semaphore_mem>>, %arg14: memref<80xi32, #tpu.memory_space<vmem>>, %arg15: memref<80xi32, #tpu.memory_space<vmem>>, %arg16: memref<80x128xf32, #tpu.memory_space<vmem>>, %arg17: memref<!tpu.dma_semaphore, #tpu.memory_space<semaphore_mem>>, %arg18: memref<!tpu.dma_semaphore, #tpu.memory_space<semaphore_mem>>, %arg19: memref<10240x128xf32, #tpu.memory_space<vmem_shared>>) attributes {dimension_semantics = [#tpu.dimension_semantics<core_parallel>, #tpu.dimension_semantics<subcore_parallel>], iteration_bounds = array<i64: 2, 16>, scalar_prefetch = 0 : i64, scratch_operands = 13 : i64, tpu.core_type = #tpu.core_type<sc_vector_subcore>, window_params = [{transform_indices = #map}, {transform_indices = #map1}, {transform_indices = #map1}, {transform_indices = #map}, {transform_indices = #map2}]} {
    %mul3A = arith.constant 10240 : i32
    %mul3A_0 = arith.muli %arg1, %mul3A : i32
    "tpu.region"() ({
      %run_scoped3A = tpu.sem_alloc : memref<!tpu.dma_semaphore, #tpu.memory_space<semaphore_mem>>
      %dma_start3A_47 = tpu.memref_slice %arg3[%mul3A_0] : memref<163840xi32, #tpu.memory_space<hbm>> -> memref<10240xi32, #tpu.memory_space<hbm>>
      %dma_start3A_48 = tpu.memref_slice %arg3[%mul3A_0] : memref<163840xi32, #tpu.memory_space<hbm>> -> memref<10240xi32, #tpu.memory_space<hbm>>
      tpu.enqueue_dma source(%dma_start3A_48 : memref<10240xi32, #tpu.memory_space<hbm>>) target(%arg7 : memref<10240xi32, #tpu.memory_space<vmem>>) target_semaphore(%run_scoped3A : memref<!tpu.dma_semaphore, #tpu.memory_space<semaphore_mem>>)
      %dma_wait3A_49 = tpu.memref_slice %arg3[%mul3A_0] : memref<163840xi32, #tpu.memory_space<hbm>> -> memref<10240xi32, #tpu.memory_space<hbm>>
      %dma_wait3A_50 = tpu.memref_slice %arg3[%mul3A_0] : memref<163840xi32, #tpu.memory_space<hbm>> -> memref<10240xi32, #tpu.memory_space<hbm>>
      tpu.wait_dma2 semaphore(%run_scoped3A : memref<!tpu.dma_semaphore, #tpu.memory_space<semaphore_mem>>) src(%dma_wait3A_50 : memref<10240xi32, #tpu.memory_space<hbm>>) dst(%arg7 : memref<10240xi32, #tpu.memory_space<vmem>>)
      tpu.yield
    }) : () -> ()
    "tpu.region"() ({
      %run_scoped3A = tpu.sem_alloc : memref<!tpu.dma_semaphore, #tpu.memory_space<semaphore_mem>>
      %dma_start3A_47 = tpu.memref_slice %arg4[%mul3A_0] : memref<163840xi32, #tpu.memory_space<hbm>> -> memref<10240xi32, #tpu.memory_space<hbm>>
      %dma_start3A_48 = tpu.memref_slice %arg4[%mul3A_0] : memref<163840xi32, #tpu.memory_space<hbm>> -> memref<10240xi32, #tpu.memory_space<hbm>>
      tpu.enqueue_dma source(%dma_start3A_48 : memref<10240xi32, #tpu.memory_space<hbm>>) target(%arg8 : memref<10240xi32, #tpu.memory_space<vmem>>) target_semaphore(%run_scoped3A : memref<!tpu.dma_semaphore, #tpu.memory_space<semaphore_mem>>)
      %dma_wait3A_49 = tpu.memref_slice %arg4[%mul3A_0] : memref<163840xi32, #tpu.memory_space<hbm>> -> memref<10240xi32, #tpu.memory_space<hbm>>
      %dma_wait3A_50 = tpu.memref_slice %arg4[%mul3A_0] : memref<163840xi32, #tpu.memory_space<hbm>> -> memref<10240xi32, #tpu.memory_space<hbm>>
      tpu.wait_dma2 semaphore(%run_scoped3A : memref<!tpu.dma_semaphore, #tpu.memory_space<semaphore_mem>>) src(%dma_wait3A_50 : memref<10240xi32, #tpu.memory_space<hbm>>) dst(%arg8 : memref<10240xi32, #tpu.memory_space<vmem>>)
      tpu.yield
    }) : () -> ()
    %add3A = arith.constant 0 : i32
    %add3A_1 = arith.addi %arg0, %add3A : i32
    %mul3A_2 = arith.constant 5120 : i32
    %mul3A_3 = arith.muli %add3A_1, %mul3A_2 : i32
    %mul3A_4 = arith.constant 640 : i32
    %mul3A_5 = arith.muli %arg1, %mul3A_4 : i32
    "tpu.region"() ({
      %run_scoped3A = tpu.sem_alloc : memref<!tpu.dma_semaphore, #tpu.memory_space<semaphore_mem>>
      %dma_start3A_47 = arith.constant 0 : i32
      %dma_start3A_48 = tpu.memref_slice %arg19[%mul3A_5, %dma_start3A_47] : memref<10240x128xf32, #tpu.memory_space<vmem_shared>> -> memref<640x128xf32, #tpu.memory_space<vmem_shared>>
      %dma_start3A_49 = arith.constant 0 : i32
      %dma_start3A_50 = arith.constant 0 : i32
      %dma_start3A_51 = tpu.memref_slice %arg5[%dma_start3A_49, %dma_start3A_50] : memref<10240x128xf32, #tpu.memory_space<hbm>> -> memref<640x128xf32, #tpu.memory_space<hbm>>
      tpu.enqueue_dma source(%dma_start3A_51 : memref<640x128xf32, #tpu.memory_space<hbm>>) target(%dma_start3A_48 : memref<640x128xf32, #tpu.memory_space<vmem_shared>>) target_semaphore(%run_scoped3A : memref<!tpu.dma_semaphore, #tpu.memory_space<semaphore_mem>>)
      %dma_wait3A_52 = arith.constant 0 : i32
      %dma_wait3A_53 = tpu.memref_slice %arg19[%mul3A_5, %dma_wait3A_52] : memref<10240x128xf32, #tpu.memory_space<vmem_shared>> -> memref<640x128xf32, #tpu.memory_space<vmem_shared>>
      %dma_wait3A_54 = arith.constant 0 : i32
      %dma_wait3A_55 = arith.constant 0 : i32
      %dma_wait3A_56 = tpu.memref_slice %arg5[%dma_wait3A_54, %dma_wait3A_55] : memref<10240x128xf32, #tpu.memory_space<hbm>> -> memref<640x128xf32, #tpu.memory_space<hbm>>
      tpu.wait_dma2 semaphore(%run_scoped3A : memref<!tpu.dma_semaphore, #tpu.memory_space<semaphore_mem>>) src(%dma_wait3A_56 : memref<640x128xf32, #tpu.memory_space<hbm>>) dst(%dma_wait3A_53 : memref<640x128xf32, #tpu.memory_space<vmem_shared>>)
      tpu.yield
    }) : () -> ()
    %barrier3A = arith.constant 0 : index
    tpu.barrier barrier_id(%barrier3A)
    %scan3A = arith.constant 0 : i32
    %scan3A_6 = arith.constant 5 : i32
    %scan3A_7 = arith.addi %scan3A, %scan3A_6 : i32
    %scan3A_8 = arith.constant 1 : i32
    scf.for %scan3A_47 = %scan3A to %scan3A_7 step %scan3A_8  : i32 {
      %mul3A_48 = arith.constant 1 : i32
      %mul3A_49 = arith.muli %scan3A_47, %mul3A_48 : i32
      %add3A_50 = arith.constant 0 : i32
      %add3A_51 = arith.addi %add3A_50, %mul3A_49 : i32
      %mul3A_52 = arith.constant 16 : i32
      %mul3A_53 = arith.muli %add3A_51, %mul3A_52 : i32
      %add3A_54 = arith.constant 0 : i32
      %add3A_55 = arith.addi %add3A_54, %mul3A_53 : i32
      %get3A = arith.index_cast %add3A_55 : i32 to index
      %get3A_56 = tpu.vector_load %arg7[%get3A] {strides = array<i32>} : memref<10240xi32, #tpu.memory_space<vmem>>, vector<16xi32>,
      %get3A_57 = vector.shape_cast %get3A_56 : vector<16xi32> to vector<16xi32>
      %add3A_58 = vector.broadcast %mul3A_3 : i32 to vector<16xi32>
      %add3A_59 = arith.addi %get3A_57, %add3A_58 : vector<16xi32>
      %mul3A_60 = arith.constant 16 : i32
      %mul3A_61 = arith.muli %add3A_51, %mul3A_60 : i32
      %swap3A = arith.index_cast %mul3A_61 : i32 to index
      %swap3A_62 = tpu.vector_load %arg9[%swap3A] {strides = array<i32>} : memref<80xi32, #tpu.memory_space<vmem>>, vector<16xi32>,
      %swap3A_63 = vector.shape_cast %swap3A_62 : vector<16xi32> to vector<16xi32>
      %swap3A_64 = vector.shape_cast %add3A_59 : vector<16xi32> to vector<16xi32>
      tpu.vector_store %arg9[%swap3A], %swap3A_64 {strides = array<i32>} : memref<80xi32, #tpu.memory_space<vmem>>, vector<16xi32>,
      %mul3A_65 = arith.constant 16 : i32
      %mul3A_66 = arith.muli %add3A_51, %mul3A_65 : i32
      %add3A_67 = arith.constant 0 : i32
      %add3A_68 = arith.addi %add3A_67, %mul3A_66 : i32
      %get3A_69 = arith.index_cast %add3A_68 : i32 to index
      %get3A_70 = tpu.vector_load %arg8[%get3A_69] {strides = array<i32>} : memref<10240xi32, #tpu.memory_space<vmem>>, vector<16xi32>,
      %get3A_71 = vector.shape_cast %get3A_70 : vector<16xi32> to vector<16xi32>
      %mul3A_72 = arith.constant 16 : i32
      %mul3A_73 = arith.muli %add3A_51, %mul3A_72 : i32
      %swap3A_74 = arith.index_cast %mul3A_73 : i32 to index
      %swap3A_75 = tpu.vector_load %arg10[%swap3A_74] {strides = array<i32>} : memref<80xi32, #tpu.memory_space<vmem>>, vector<16xi32>,
      %swap3A_76 = vector.shape_cast %swap3A_75 : vector<16xi32> to vector<16xi32>
      %swap3A_77 = vector.shape_cast %get3A_71 : vector<16xi32> to vector<16xi32>
      tpu.vector_store %arg10[%swap3A_74], %swap3A_77 {strides = array<i32>} : memref<80xi32, #tpu.memory_space<vmem>>, vector<16xi32>,
    }
    %scan3A_9 = arith.constant 5 : i32
    %dma_start3A = arith.constant 0 : i32
    %dma_start3A_10 = arith.constant 0 : i32
    %dma_start3A_11 = tpu.memref_slice %arg2[%dma_start3A, %dma_start3A_10] : memref<10240x128xf32, #tpu.memory_space<hbm>> -> memref<10240x128xf32, #tpu.memory_space<hbm>>
    tpu.enqueue_indirect_dma source(%dma_start3A_11 : memref<10240x128xf32, #tpu.memory_space<hbm>>) target(%arg11 : memref<80x128xf32, #tpu.memory_space<vmem>>) offsets(%arg9 : memref<80xi32, #tpu.memory_space<vmem>>) semaphore(%arg12 : memref<!tpu.dma_semaphore, #tpu.memory_space<semaphore_mem>>)
    %scan3A_12 = arith.constant 0 : i32
    %scan3A_13 = arith.constant 5 : i32
    %scan3A_14 = arith.addi %scan3A_12, %scan3A_13 : i32
    %scan3A_15 = arith.constant 1 : i32
    scf.for %scan3A_47 = %scan3A_12 to %scan3A_14 step %scan3A_15  : i32 {
      %mul3A_48 = arith.constant 1 : i32
      %mul3A_49 = arith.muli %scan3A_47, %mul3A_48 : i32
      %add3A_50 = arith.constant 0 : i32
      %add3A_51 = arith.addi %add3A_50, %mul3A_49 : i32
      %mul3A_52 = arith.constant 16 : i32
      %mul3A_53 = arith.muli %add3A_51, %mul3A_52 : i32
      %add3A_54 = arith.constant 80 : i32
      %add3A_55 = arith.addi %add3A_54, %mul3A_53 : i32
      %get3A = arith.index_cast %add3A_55 : i32 to index
      %get3A_56 = tpu.vector_load %arg7[%get3A] {strides = array<i32>} : memref<10240xi32, #tpu.memory_space<vmem>>, vector<16xi32>,
      %get3A_57 = vector.shape_cast %get3A_56 : vector<16xi32> to vector<16xi32>
      %add3A_58 = vector.broadcast %mul3A_3 : i32 to vector<16xi32>
      %add3A_59 = arith.addi %get3A_57, %add3A_58 : vector<16xi32>
      %mul3A_60 = arith.constant 16 : i32
      %mul3A_61 = arith.muli %add3A_51, %mul3A_60 : i32
      %swap3A = arith.index_cast %mul3A_61 : i32 to index
      %swap3A_62 = tpu.vector_load %arg14[%swap3A] {strides = array<i32>} : memref<80xi32, #tpu.memory_space<vmem>>, vector<16xi32>,
      %swap3A_63 = vector.shape_cast %swap3A_62 : vector<16xi32> to vector<16xi32>
      %swap3A_64 = vector.shape_cast %add3A_59 : vector<16xi32> to vector<16xi32>
      tpu.vector_store %arg14[%swap3A], %swap3A_64 {strides = array<i32>} : memref<80xi32, #tpu.memory_space<vmem>>, vector<16xi32>,
      %mul3A_65 = arith.constant 16 : i32
      %mul3A_66 = arith.muli %add3A_51, %mul3A_65 : i32
      %add3A_67 = arith.constant 80 : i32
      %add3A_68 = arith.addi %add3A_67, %mul3A_66 : i32
      %get3A_69 = arith.index_cast %add3A_68 : i32 to index
      %get3A_70 = tpu.vector_load %arg8[%get3A_69] {strides = array<i32>} : memref<10240xi32, #tpu.memory_space<vmem>>, vector<16xi32>,
      %get3A_71 = vector.shape_cast %get3A_70 : vector<16xi32> to vector<16xi32>
      %mul3A_72 = arith.constant 16 : i32
      %mul3A_73 = arith.muli %add3A_51, %mul3A_72 : i32
      %swap3A_74 = arith.index_cast %mul3A_73 : i32 to index
      %swap3A_75 = tpu.vector_load %arg15[%swap3A_74] {strides = array<i32>} : memref<80xi32, #tpu.memory_space<vmem>>, vector<16xi32>,
      %swap3A_76 = vector.shape_cast %swap3A_75 : vector<16xi32> to vector<16xi32>
      %swap3A_77 = vector.shape_cast %get3A_71 : vector<16xi32> to vector<16xi32>
      tpu.vector_store %arg15[%swap3A_74], %swap3A_77 {strides = array<i32>} : memref<80xi32, #tpu.memory_space<vmem>>, vector<16xi32>,
    }
    %scan3A_16 = arith.constant 5 : i32
    %dma_start3A_17 = arith.constant 0 : i32
    %dma_start3A_18 = arith.constant 0 : i32
    %dma_start3A_19 = tpu.memref_slice %arg2[%dma_start3A_17, %dma_start3A_18] : memref<10240x128xf32, #tpu.memory_space<hbm>> -> memref<10240x128xf32, #tpu.memory_space<hbm>>
    tpu.enqueue_indirect_dma source(%dma_start3A_19 : memref<10240x128xf32, #tpu.memory_space<hbm>>) target(%arg16 : memref<80x128xf32, #tpu.memory_space<vmem>>) offsets(%arg14 : memref<80xi32, #tpu.memory_space<vmem>>) semaphore(%arg17 : memref<!tpu.dma_semaphore, #tpu.memory_space<semaphore_mem>>)
    %scan3A_20 = arith.constant 0 : i32
    %scan3A_21 = arith.constant 63 : i32
    %scan3A_22 = arith.addi %scan3A_20, %scan3A_21 : i32
    %scan3A_23 = arith.constant 1 : i32
    scf.for %scan3A_47 = %scan3A_20 to %scan3A_22 step %scan3A_23  : i32 {
      %mul3A_48 = arith.constant 1 : i32
      %mul3A_49 = arith.muli %scan3A_47, %mul3A_48 : i32
      %add3A_50 = arith.constant 0 : i32
      %add3A_51 = arith.addi %add3A_50, %mul3A_49 : i32
      %mul3A_52 = arith.constant 2 : i32
      %mul3A_53 = arith.muli %mul3A_52, %add3A_51 : i32
      %dma_wait3A_54 = arith.constant 0 : i32
      %dma_wait3A_55 = arith.constant 0 : i32
      %dma_wait3A_56 = tpu.memref_slice %arg2[%dma_wait3A_54, %dma_wait3A_55] : memref<10240x128xf32, #tpu.memory_space<hbm>> -> memref<10240x128xf32, #tpu.memory_space<hbm>>
      tpu.wait_indirect_dma semaphore(%arg12 : memref<!tpu.dma_semaphore, #tpu.memory_space<semaphore_mem>>) src(%dma_wait3A_56 : memref<10240x128xf32, #tpu.memory_space<hbm>>) dst(%arg11 : memref<80x128xf32, #tpu.memory_space<vmem>>)
      %dma_start3A_57 = arith.constant 0 : i32
      %dma_start3A_58 = arith.constant 0 : i32
      %dma_start3A_59 = tpu.memref_slice %arg19[%dma_start3A_57, %dma_start3A_58] : memref<10240x128xf32, #tpu.memory_space<vmem_shared>> -> memref<10240x128xf32, #tpu.memory_space<vmem_shared>>
      tpu.enqueue_indirect_dma source(%arg11 : memref<80x128xf32, #tpu.memory_space<vmem>>) target(%dma_start3A_59 : memref<10240x128xf32, #tpu.memory_space<vmem_shared>>) offsets(%arg10 : memref<80xi32, #tpu.memory_space<vmem>>) semaphore(%arg13 : memref<!tpu.dma_semaphore, #tpu.memory_space<semaphore_mem>>) {add = true}
      %dma_wait3A_60 = arith.constant 0 : i32
      %dma_wait3A_61 = arith.constant 0 : i32
      %dma_wait3A_62 = tpu.memref_slice %arg19[%dma_wait3A_60, %dma_wait3A_61] : memref<10240x128xf32, #tpu.memory_space<vmem_shared>> -> memref<10240x128xf32, #tpu.memory_space<vmem_shared>>
      tpu.wait_indirect_dma semaphore(%arg13 : memref<!tpu.dma_semaphore, #tpu.memory_space<semaphore_mem>>) src(%arg11 : memref<80x128xf32, #tpu.memory_space<vmem>>) dst(%dma_wait3A_62 : memref<10240x128xf32, #tpu.memory_space<vmem_shared>>)
      %add3A_63 = arith.constant 2 : i32
      %add3A_64 = arith.addi %mul3A_53, %add3A_63 : i32
      %scan3A_65 = arith.constant 0 : i32
      %scan3A_66 = arith.constant 5 : i32
      %scan3A_67 = arith.addi %scan3A_65, %scan3A_66 : i32
      %scan3A_68 = arith.constant 1 : i32
      scf.for %scan3A_92 = %scan3A_65 to %scan3A_67 step %scan3A_68  : i32 {
        %mul3A_93 = arith.constant 1 : i32
        %mul3A_94 = arith.muli %scan3A_92, %mul3A_93 : i32
        %add3A_95 = arith.constant 0 : i32
        %add3A_96 = arith.addi %add3A_95, %mul3A_94 : i32
        %mul3A_97 = arith.constant 80 : i32
        %mul3A_98 = arith.muli %add3A_64, %mul3A_97 : i32
        %mul3A_99 = arith.constant 16 : i32
        %mul3A_100 = arith.muli %add3A_96, %mul3A_99 : i32
        %add3A_101 = arith.addi %mul3A_98, %mul3A_100 : i32
        %get3A = arith.index_cast %add3A_101 : i32 to index
        %get3A_102 = tpu.vector_load %arg7[%get3A] {strides = array<i32>} : memref<10240xi32, #tpu.memory_space<vmem>>, vector<16xi32>,
        %get3A_103 = vector.shape_cast %get3A_102 : vector<16xi32> to vector<16xi32>
        %add3A_104 = vector.broadcast %mul3A_3 : i32 to vector<16xi32>
        %add3A_105 = arith.addi %get3A_103, %add3A_104 : vector<16xi32>
        %mul3A_106 = arith.constant 16 : i32
        %mul3A_107 = arith.muli %add3A_96, %mul3A_106 : i32
        %swap3A = arith.index_cast %mul3A_107 : i32 to index
        %swap3A_108 = tpu.vector_load %arg9[%swap3A] {strides = array<i32>} : memref<80xi32, #tpu.memory_space<vmem>>, vector<16xi32>,
        %swap3A_109 = vector.shape_cast %swap3A_108 : vector<16xi32> to vector<16xi32>
        %swap3A_110 = vector.shape_cast %add3A_105 : vector<16xi32> to vector<16xi32>
        tpu.vector_store %arg9[%swap3A], %swap3A_110 {strides = array<i32>} : memref<80xi32, #tpu.memory_space<vmem>>, vector<16xi32>,
        %mul3A_111 = arith.constant 80 : i32
        %mul3A_112 = arith.muli %add3A_64, %mul3A_111 : i32
        %mul3A_113 = arith.constant 16 : i32
        %mul3A_114 = arith.muli %add3A_96, %mul3A_113 : i32
        %add3A_115 = arith.addi %mul3A_112, %mul3A_114 : i32
        %get3A_116 = arith.index_cast %add3A_115 : i32 to index
        %get3A_117 = tpu.vector_load %arg8[%get3A_116] {strides = array<i32>} : memref<10240xi32, #tpu.memory_space<vmem>>, vector<16xi32>,
        %get3A_118 = vector.shape_cast %get3A_117 : vector<16xi32> to vector<16xi32>
        %mul3A_119 = arith.constant 16 : i32
        %mul3A_120 = arith.muli %add3A_96, %mul3A_119 : i32
        %swap3A_121 = arith.index_cast %mul3A_120 : i32 to index
        %swap3A_122 = tpu.vector_load %arg10[%swap3A_121] {strides = array<i32>} : memref<80xi32, #tpu.memory_space<vmem>>, vector<16xi32>,
        %swap3A_123 = vector.shape_cast %swap3A_122 : vector<16xi32> to vector<16xi32>
        %swap3A_124 = vector.shape_cast %get3A_118 : vector<16xi32> to vector<16xi32>
        tpu.vector_store %arg10[%swap3A_121], %swap3A_124 {strides = array<i32>} : memref<80xi32, #tpu.memory_space<vmem>>, vector<16xi32>,
      }
      %scan3A_69 = arith.constant 5 : i32
      %dma_start3A_70 = arith.constant 0 : i32
      %dma_start3A_71 = arith.constant 0 : i32
      %dma_start3A_72 = tpu.memref_slice %arg2[%dma_start3A_70, %dma_start3A_71] : memref<10240x128xf32, #tpu.memory_space<hbm>> -> memref<10240x128xf32, #tpu.memory_space<hbm>>
      tpu.enqueue_indirect_dma source(%dma_start3A_72 : memref<10240x128xf32, #tpu.memory_space<hbm>>) target(%arg11 : memref<80x128xf32, #tpu.memory_space<vmem>>) offsets(%arg9 : memref<80xi32, #tpu.memory_space<vmem>>) semaphore(%arg12 : memref<!tpu.dma_semaphore, #tpu.memory_space<semaphore_mem>>)
      %dma_wait3A_73 = arith.constant 0 : i32
      %dma_wait3A_74 = arith.constant 0 : i32
      %dma_wait3A_75 = tpu.memref_slice %arg2[%dma_wait3A_73, %dma_wait3A_74] : memref<10240x128xf32, #tpu.memory_space<hbm>> -> memref<10240x128xf32, #tpu.memory_space<hbm>>
      tpu.wait_indirect_dma semaphore(%arg17 : memref<!tpu.dma_semaphore, #tpu.memory_space<semaphore_mem>>) src(%dma_wait3A_75 : memref<10240x128xf32, #tpu.memory_space<hbm>>) dst(%arg16 : memref<80x128xf32, #tpu.memory_space<vmem>>)
      %dma_start3A_76 = arith.constant 0 : i32
      %dma_start3A_77 = arith.constant 0 : i32
      %dma_start3A_78 = tpu.memref_slice %arg19[%dma_start3A_76, %dma_start3A_77] : memref<10240x128xf32, #tpu.memory_space<vmem_shared>> -> memref<10240x128xf32, #tpu.memory_space<vmem_shared>>
      tpu.enqueue_indirect_dma source(%arg16 : memref<80x128xf32, #tpu.memory_space<vmem>>) target(%dma_start3A_78 : memref<10240x128xf32, #tpu.memory_space<vmem_shared>>) offsets(%arg15 : memref<80xi32, #tpu.memory_space<vmem>>) semaphore(%arg18 : memref<!tpu.dma_semaphore, #tpu.memory_space<semaphore_mem>>) {add = true}
      %dma_wait3A_79 = arith.constant 0 : i32
      %dma_wait3A_80 = arith.constant 0 : i32
      %dma_wait3A_81 = tpu.memref_slice %arg19[%dma_wait3A_79, %dma_wait3A_80] : memref<10240x128xf32, #tpu.memory_space<vmem_shared>> -> memref<10240x128xf32, #tpu.memory_space<vmem_shared>>
      tpu.wait_indirect_dma semaphore(%arg18 : memref<!tpu.dma_semaphore, #tpu.memory_space<semaphore_mem>>) src(%arg16 : memref<80x128xf32, #tpu.memory_space<vmem>>) dst(%dma_wait3A_81 : memref<10240x128xf32, #tpu.memory_space<vmem_shared>>)
      %add3A_82 = arith.constant 3 : i32
      %add3A_83 = arith.addi %mul3A_53, %add3A_82 : i32
      %scan3A_84 = arith.constant 0 : i32
      %scan3A_85 = arith.constant 5 : i32
      %scan3A_86 = arith.addi %scan3A_84, %scan3A_85 : i32
      %scan3A_87 = arith.constant 1 : i32
      scf.for %scan3A_92 = %scan3A_84 to %scan3A_86 step %scan3A_87  : i32 {
        %mul3A_93 = arith.constant 1 : i32
        %mul3A_94 = arith.muli %scan3A_92, %mul3A_93 : i32
        %add3A_95 = arith.constant 0 : i32
        %add3A_96 = arith.addi %add3A_95, %mul3A_94 : i32
        %mul3A_97 = arith.constant 80 : i32
        %mul3A_98 = arith.muli %add3A_83, %mul3A_97 : i32
        %mul3A_99 = arith.constant 16 : i32
        %mul3A_100 = arith.muli %add3A_96, %mul3A_99 : i32
        %add3A_101 = arith.addi %mul3A_98, %mul3A_100 : i32
        %get3A = arith.index_cast %add3A_101 : i32 to index
        %get3A_102 = tpu.vector_load %arg7[%get3A] {strides = array<i32>} : memref<10240xi32, #tpu.memory_space<vmem>>, vector<16xi32>,
        %get3A_103 = vector.shape_cast %get3A_102 : vector<16xi32> to vector<16xi32>
        %add3A_104 = vector.broadcast %mul3A_3 : i32 to vector<16xi32>
        %add3A_105 = arith.addi %get3A_103, %add3A_104 : vector<16xi32>
        %mul3A_106 = arith.constant 16 : i32
        %mul3A_107 = arith.muli %add3A_96, %mul3A_106 : i32
        %swap3A = arith.index_cast %mul3A_107 : i32 to index
        %swap3A_108 = tpu.vector_load %arg14[%swap3A] {strides = array<i32>} : memref<80xi32, #tpu.memory_space<vmem>>, vector<16xi32>,
        %swap3A_109 = vector.shape_cast %swap3A_108 : vector<16xi32> to vector<16xi32>
        %swap3A_110 = vector.shape_cast %add3A_105 : vector<16xi32> to vector<16xi32>
        tpu.vector_store %arg14[%swap3A], %swap3A_110 {strides = array<i32>} : memref<80xi32, #tpu.memory_space<vmem>>, vector<16xi32>,
        %mul3A_111 = arith.constant 80 : i32
        %mul3A_112 = arith.muli %add3A_83, %mul3A_111 : i32
        %mul3A_113 = arith.constant 16 : i32
        %mul3A_114 = arith.muli %add3A_96, %mul3A_113 : i32
        %add3A_115 = arith.addi %mul3A_112, %mul3A_114 : i32
        %get3A_116 = arith.index_cast %add3A_115 : i32 to index
        %get3A_117 = tpu.vector_load %arg8[%get3A_116] {strides = array<i32>} : memref<10240xi32, #tpu.memory_space<vmem>>, vector<16xi32>,
        %get3A_118 = vector.shape_cast %get3A_117 : vector<16xi32> to vector<16xi32>
        %mul3A_119 = arith.constant 16 : i32
        %mul3A_120 = arith.muli %add3A_96, %mul3A_119 : i32
        %swap3A_121 = arith.index_cast %mul3A_120 : i32 to index
        %swap3A_122 = tpu.vector_load %arg15[%swap3A_121] {strides = array<i32>} : memref<80xi32, #tpu.memory_space<vmem>>, vector<16xi32>,
        %swap3A_123 = vector.shape_cast %swap3A_122 : vector<16xi32> to vector<16xi32>
        %swap3A_124 = vector.shape_cast %get3A_118 : vector<16xi32> to vector<16xi32>
        tpu.vector_store %arg15[%swap3A_121], %swap3A_124 {strides = array<i32>} : memref<80xi32, #tpu.memory_space<vmem>>, vector<16xi32>,
      }
      %scan3A_88 = arith.constant 5 : i32
      %dma_start3A_89 = arith.constant 0 : i32
      %dma_start3A_90 = arith.constant 0 : i32
      %dma_start3A_91 = tpu.memref_slice %arg2[%dma_start3A_89, %dma_start3A_90] : memref<10240x128xf32, #tpu.memory_space<hbm>> -> memref<10240x128xf32, #tpu.memory_space<hbm>>
      tpu.enqueue_indirect_dma source(%dma_start3A_91 : memref<10240x128xf32, #tpu.memory_space<hbm>>) target(%arg16 : memref<80x128xf32, #tpu.memory_space<vmem>>) offsets(%arg14 : memref<80xi32, #tpu.memory_space<vmem>>) semaphore(%arg17 : memref<!tpu.dma_semaphore, #tpu.memory_space<semaphore_mem>>)
    }
    %scan3A_24 = arith.constant 63 : i32
    %dma_wait3A = arith.constant 0 : i32
    %dma_wait3A_25 = arith.constant 0 : i32
    %dma_wait3A_26 = tpu.memref_slice %arg2[%dma_wait3A, %dma_wait3A_25] : memref<10240x128xf32, #tpu.memory_space<hbm>> -> memref<10240x128xf32, #tpu.memory_space<hbm>>
    tpu.wait_indirect_dma semaphore(%arg12 : memref<!tpu.dma_semaphore, #tpu.memory_space<semaphore_mem>>) src(%dma_wait3A_26 : memref<10240x128xf32, #tpu.memory_space<hbm>>) dst(%arg11 : memref<80x128xf32, #tpu.memory_space<vmem>>)
    %dma_start3A_27 = arith.constant 0 : i32
    %dma_start3A_28 = arith.constant 0 : i32
    %dma_start3A_29 = tpu.memref_slice %arg19[%dma_start3A_27, %dma_start3A_28] : memref<10240x128xf32, #tpu.memory_space<vmem_shared>> -> memref<10240x128xf32, #tpu.memory_space<vmem_shared>>
    tpu.enqueue_indirect_dma source(%arg11 : memref<80x128xf32, #tpu.memory_space<vmem>>) target(%dma_start3A_29 : memref<10240x128xf32, #tpu.memory_space<vmem_shared>>) offsets(%arg10 : memref<80xi32, #tpu.memory_space<vmem>>) semaphore(%arg13 : memref<!tpu.dma_semaphore, #tpu.memory_space<semaphore_mem>>) {add = true}
    %dma_wait3A_30 = arith.constant 0 : i32
    %dma_wait3A_31 = arith.constant 0 : i32
    %dma_wait3A_32 = tpu.memref_slice %arg19[%dma_wait3A_30, %dma_wait3A_31] : memref<10240x128xf32, #tpu.memory_space<vmem_shared>> -> memref<10240x128xf32, #tpu.memory_space<vmem_shared>>
    tpu.wait_indirect_dma semaphore(%arg13 : memref<!tpu.dma_semaphore, #tpu.memory_space<semaphore_mem>>) src(%arg11 : memref<80x128xf32, #tpu.memory_space<vmem>>) dst(%dma_wait3A_32 : memref<10240x128xf32, #tpu.memory_space<vmem_shared>>)
    %dma_wait3A_33 = arith.constant 0 : i32
    %dma_wait3A_34 = arith.constant 0 : i32
    %dma_wait3A_35 = tpu.memref_slice %arg2[%dma_wait3A_33, %dma_wait3A_34] : memref<10240x128xf32, #tpu.memory_space<hbm>> -> memref<10240x128xf32, #tpu.memory_space<hbm>>
    tpu.wait_indirect_dma semaphore(%arg17 : memref<!tpu.dma_semaphore, #tpu.memory_space<semaphore_mem>>) src(%dma_wait3A_35 : memref<10240x128xf32, #tpu.memory_space<hbm>>) dst(%arg16 : memref<80x128xf32, #tpu.memory_space<vmem>>)
    %dma_start3A_36 = arith.constant 0 : i32
    %dma_start3A_37 = arith.constant 0 : i32
    %dma_start3A_38 = tpu.memref_slice %arg19[%dma_start3A_36, %dma_start3A_37] : memref<10240x128xf32, #tpu.memory_space<vmem_shared>> -> memref<10240x128xf32, #tpu.memory_space<vmem_shared>>
    tpu.enqueue_indirect_dma source(%arg16 : memref<80x128xf32, #tpu.memory_space<vmem>>) target(%dma_start3A_38 : memref<10240x128xf32, #tpu.memory_space<vmem_shared>>) offsets(%arg15 : memref<80xi32, #tpu.memory_space<vmem>>) semaphore(%arg18 : memref<!tpu.dma_semaphore, #tpu.memory_space<semaphore_mem>>) {add = true}
    %dma_wait3A_39 = arith.constant 0 : i32
    %dma_wait3A_40 = arith.constant 0 : i32
    %dma_wait3A_41 = tpu.memref_slice %arg19[%dma_wait3A_39, %dma_wait3A_40] : memref<10240x128xf32, #tpu.memory_space<vmem_shared>> -> memref<10240x128xf32, #tpu.memory_space<vmem_shared>>
    tpu.wait_indirect_dma semaphore(%arg18 : memref<!tpu.dma_semaphore, #tpu.memory_space<semaphore_mem>>) src(%arg16 : memref<80x128xf32, #tpu.memory_space<vmem>>) dst(%dma_wait3A_41 : memref<10240x128xf32, #tpu.memory_space<vmem_shared>>)
    %barrier3A_42 = arith.constant 0 : index
    tpu.barrier barrier_id(%barrier3A_42)
    %mul3A_43 = arith.constant 640 : i32
    %mul3A_44 = arith.muli %arg1, %mul3A_43 : i32
    %mul3A_45 = arith.constant 640 : i32
    %mul3A_46 = arith.muli %arg1, %mul3A_45 : i32
    "tpu.region"() ({
      %run_scoped3A = tpu.sem_alloc : memref<!tpu.dma_semaphore, #tpu.memory_space<semaphore_mem>>
      %dma_start3A_47 = arith.constant 0 : i32
      %dma_start3A_48 = tpu.memref_slice %arg6[%add3A_1, %mul3A_46, %dma_start3A_47] : memref<2x10240x128xf32, #tpu.memory_space<hbm>> -> memref<1x640x128xf32, #tpu.memory_space<hbm>>
      %dma_start3A_49 = tpu.memref_squeeze %dma_start3A_48 : memref<1x640x128xf32, #tpu.memory_space<hbm>> -> memref<640x128xf32, #tpu.memory_space<hbm>>
      %dma_start3A_50 = arith.constant 0 : i32
      %dma_start3A_51 = tpu.memref_slice %arg19[%mul3A_44, %dma_start3A_50] : memref<10240x128xf32, #tpu.memory_space<vmem_shared>> -> memref<640x128xf32, #tpu.memory_space<vmem_shared>>
      tpu.enqueue_dma source(%dma_start3A_51 : memref<640x128xf32, #tpu.memory_space<vmem_shared>>) target(%dma_start3A_49 : memref<640x128xf32, #tpu.memory_space<hbm>>) target_semaphore(%run_scoped3A : memref<!tpu.dma_semaphore, #tpu.memory_space<semaphore_mem>>)
      %dma_wait3A_52 = arith.constant 0 : i32
      %dma_wait3A_53 = tpu.memref_slice %arg6[%add3A_1, %mul3A_46, %dma_wait3A_52] : memref<2x10240x128xf32, #tpu.memory_space<hbm>> -> memref<1x640x128xf32, #tpu.memory_space<hbm>>
      %dma_wait3A_54 = tpu.memref_squeeze %dma_wait3A_53 : memref<1x640x128xf32, #tpu.memory_space<hbm>> -> memref<640x128xf32, #tpu.memory_space<hbm>>
      %dma_wait3A_55 = arith.constant 0 : i32
      %dma_wait3A_56 = tpu.memref_slice %arg19[%mul3A_44, %dma_wait3A_55] : memref<10240x128xf32, #tpu.memory_space<vmem_shared>> -> memref<640x128xf32, #tpu.memory_space<vmem_shared>>
      tpu.wait_dma2 semaphore(%run_scoped3A : memref<!tpu.dma_semaphore, #tpu.memory_space<semaphore_mem>>) src(%dma_wait3A_56 : memref<640x128xf32, #tpu.memory_space<vmem_shared>>) dst(%dma_wait3A_54 : memref<640x128xf32, #tpu.memory_space<hbm>>)
      tpu.yield
    }) : () -> ()
    return
  }
}

#map = affine_map<(d0, d1) -> (0)>
#map1 = affine_map<(d0, d1) -> (0, 0)>
#map2 = affine_map<(d0, d1) -> (0, 0, 0)>
module attributes {stable_mosaic.version = 14 : i64} {
  func.func @k(%arg0: i32, %arg1: i32, %arg2: memref<163840xi32, #tpu.memory_space<hbm>>, %arg3: memref<128x128xf32, #tpu.memory_space<hbm>>, %arg4: memref<10240x128xf32, #tpu.memory_space<hbm>>, %arg5: memref<2x5120x128xf32, #tpu.memory_space<hbm>>, %arg6: memref<5120xi32, #tpu.memory_space<vmem>>, %arg7: memref<128xi32, #tpu.memory_space<vmem>>, %arg8: memref<128xi32, #tpu.memory_space<vmem>>, %arg9: memref<128x128xf32, #tpu.memory_space<vmem>>, %arg10: memref<5120x128xf32, #tpu.memory_space<vmem_shared>>, %arg11: memref<!tpu.dma_semaphore, #tpu.memory_space<semaphore_mem>>, %arg12: memref<!tpu.dma_semaphore, #tpu.memory_space<semaphore_mem>>) attributes {dimension_semantics = [#tpu.dimension_semantics<core_parallel>, #tpu.dimension_semantics<subcore_parallel>], iteration_bounds = array<i64: 2, 16>, scalar_prefetch = 0 : i64, scratch_operands = 7 : i64, tpu.core_type = #tpu.core_type<sc_vector_subcore>, window_params = [{transform_indices = #map}, {transform_indices = #map1}, {transform_indices = #map1}, {transform_indices = #map2}]} {
    %mul3A = arith.constant 320 : i32
    %mul3A_0 = arith.muli %arg1, %mul3A : i32
    "tpu.region"() ({
      %run_scoped3A = tpu.sem_alloc : memref<!tpu.dma_semaphore, #tpu.memory_space<semaphore_mem>>
      %dma_start3A_34 = arith.constant 0 : i32
      %dma_start3A_35 = tpu.memref_slice %arg10[%mul3A_0, %dma_start3A_34] : memref<5120x128xf32, #tpu.memory_space<vmem_shared>> -> memref<320x128xf32, #tpu.memory_space<vmem_shared>>
      %dma_start3A_36 = arith.constant 0 : i32
      %dma_start3A_37 = arith.constant 0 : i32
      %dma_start3A_38 = tpu.memref_slice %arg4[%dma_start3A_36, %dma_start3A_37] : memref<10240x128xf32, #tpu.memory_space<hbm>> -> memref<320x128xf32, #tpu.memory_space<hbm>>
      tpu.enqueue_dma source(%dma_start3A_38 : memref<320x128xf32, #tpu.memory_space<hbm>>) target(%dma_start3A_35 : memref<320x128xf32, #tpu.memory_space<vmem_shared>>) target_semaphore(%run_scoped3A : memref<!tpu.dma_semaphore, #tpu.memory_space<semaphore_mem>>)
      %dma_wait3A_39 = arith.constant 0 : i32
      %dma_wait3A_40 = tpu.memref_slice %arg10[%mul3A_0, %dma_wait3A_39] : memref<5120x128xf32, #tpu.memory_space<vmem_shared>> -> memref<320x128xf32, #tpu.memory_space<vmem_shared>>
      %dma_wait3A_41 = arith.constant 0 : i32
      %dma_wait3A_42 = arith.constant 0 : i32
      %dma_wait3A_43 = tpu.memref_slice %arg4[%dma_wait3A_41, %dma_wait3A_42] : memref<10240x128xf32, #tpu.memory_space<hbm>> -> memref<320x128xf32, #tpu.memory_space<hbm>>
      tpu.wait_dma2 semaphore(%run_scoped3A : memref<!tpu.dma_semaphore, #tpu.memory_space<semaphore_mem>>) src(%dma_wait3A_43 : memref<320x128xf32, #tpu.memory_space<hbm>>) dst(%dma_wait3A_40 : memref<320x128xf32, #tpu.memory_space<vmem_shared>>)
      tpu.yield
    }) : () -> ()
    "tpu.region"() ({
      %run_scoped3A = tpu.sem_alloc : memref<!tpu.dma_semaphore, #tpu.memory_space<semaphore_mem>>
      tpu.enqueue_dma source(%arg3 : memref<128x128xf32, #tpu.memory_space<hbm>>) target(%arg9 : memref<128x128xf32, #tpu.memory_space<vmem>>) target_semaphore(%run_scoped3A : memref<!tpu.dma_semaphore, #tpu.memory_space<semaphore_mem>>)
      tpu.wait_dma2 semaphore(%run_scoped3A : memref<!tpu.dma_semaphore, #tpu.memory_space<semaphore_mem>>) src(%arg3 : memref<128x128xf32, #tpu.memory_space<hbm>>) dst(%arg9 : memref<128x128xf32, #tpu.memory_space<vmem>>)
      tpu.yield
    }) : () -> ()
    %mul3A_1 = arith.constant 16 : i32
    %mul3A_2 = arith.muli %arg0, %mul3A_1 : i32
    %add3A = arith.addi %mul3A_2, %arg1 : i32
    %mul3A_3 = arith.constant 5120 : i32
    %mul3A_4 = arith.muli %add3A, %mul3A_3 : i32
    "tpu.region"() ({
      %run_scoped3A = tpu.sem_alloc : memref<!tpu.dma_semaphore, #tpu.memory_space<semaphore_mem>>
      %dma_start3A_34 = tpu.memref_slice %arg2[%mul3A_4] : memref<163840xi32, #tpu.memory_space<hbm>> -> memref<5120xi32, #tpu.memory_space<hbm>>
      %dma_start3A_35 = tpu.memref_slice %arg2[%mul3A_4] : memref<163840xi32, #tpu.memory_space<hbm>> -> memref<5120xi32, #tpu.memory_space<hbm>>
      tpu.enqueue_dma source(%dma_start3A_35 : memref<5120xi32, #tpu.memory_space<hbm>>) target(%arg6 : memref<5120xi32, #tpu.memory_space<vmem>>) target_semaphore(%run_scoped3A : memref<!tpu.dma_semaphore, #tpu.memory_space<semaphore_mem>>)
      %dma_wait3A_36 = tpu.memref_slice %arg2[%mul3A_4] : memref<163840xi32, #tpu.memory_space<hbm>> -> memref<5120xi32, #tpu.memory_space<hbm>>
      %dma_wait3A_37 = tpu.memref_slice %arg2[%mul3A_4] : memref<163840xi32, #tpu.memory_space<hbm>> -> memref<5120xi32, #tpu.memory_space<hbm>>
      tpu.wait_dma2 semaphore(%run_scoped3A : memref<!tpu.dma_semaphore, #tpu.memory_space<semaphore_mem>>) src(%dma_wait3A_37 : memref<5120xi32, #tpu.memory_space<hbm>>) dst(%arg6 : memref<5120xi32, #tpu.memory_space<vmem>>)
      tpu.yield
    }) : () -> ()
    %barrier3A = arith.constant 0 : index
    tpu.barrier barrier_id(%barrier3A)
    %scan3A = arith.constant 0 : i32
    %scan3A_5 = arith.constant 8 : i32
    %scan3A_6 = arith.addi %scan3A, %scan3A_5 : i32
    %scan3A_7 = arith.constant 1 : i32
    scf.for %scan3A_34 = %scan3A to %scan3A_6 step %scan3A_7  : i32 {
      %mul3A_35 = arith.constant 1 : i32
      %mul3A_36 = arith.muli %scan3A_34, %mul3A_35 : i32
      %add3A_37 = arith.constant 0 : i32
      %add3A_38 = arith.addi %add3A_37, %mul3A_36 : i32
      %mul3A_39 = arith.constant 16 : i32
      %mul3A_40 = arith.muli %add3A_38, %mul3A_39 : i32
      %add3A_41 = arith.constant 0 : i32
      %add3A_42 = arith.addi %add3A_41, %mul3A_40 : i32
      %get3A = arith.index_cast %add3A_42 : i32 to index
      %get3A_43 = tpu.vector_load %arg6[%get3A] {strides = array<i32>} : memref<5120xi32, #tpu.memory_space<vmem>>, vector<16xi32>,
      %get3A_44 = vector.shape_cast %get3A_43 : vector<16xi32> to vector<16xi32>
      %mul3A_45 = arith.constant 16 : i32
      %mul3A_46 = arith.muli %add3A_38, %mul3A_45 : i32
      %swap3A = arith.index_cast %mul3A_46 : i32 to index
      %swap3A_47 = tpu.vector_load %arg7[%swap3A] {strides = array<i32>} : memref<128xi32, #tpu.memory_space<vmem>>, vector<16xi32>,
      %swap3A_48 = vector.shape_cast %swap3A_47 : vector<16xi32> to vector<16xi32>
      %swap3A_49 = vector.shape_cast %get3A_44 : vector<16xi32> to vector<16xi32>
      tpu.vector_store %arg7[%swap3A], %swap3A_49 {strides = array<i32>} : memref<128xi32, #tpu.memory_space<vmem>>, vector<16xi32>,
    }
    %scan3A_8 = arith.constant 8 : i32
    %dma_start3A = arith.constant 0 : i32
    %dma_start3A_9 = arith.constant 0 : i32
    %dma_start3A_10 = tpu.memref_slice %arg10[%dma_start3A, %dma_start3A_9] : memref<5120x128xf32, #tpu.memory_space<vmem_shared>> -> memref<5120x128xf32, #tpu.memory_space<vmem_shared>>
    tpu.enqueue_indirect_dma source(%arg9 : memref<128x128xf32, #tpu.memory_space<vmem>>) target(%dma_start3A_10 : memref<5120x128xf32, #tpu.memory_space<vmem_shared>>) offsets(%arg7 : memref<128xi32, #tpu.memory_space<vmem>>) semaphore(%arg11 : memref<!tpu.dma_semaphore, #tpu.memory_space<semaphore_mem>>) {add = true}
    %scan3A_11 = arith.constant 0 : i32
    %scan3A_12 = arith.constant 8 : i32
    %scan3A_13 = arith.addi %scan3A_11, %scan3A_12 : i32
    %scan3A_14 = arith.constant 1 : i32
    scf.for %scan3A_34 = %scan3A_11 to %scan3A_13 step %scan3A_14  : i32 {
      %mul3A_35 = arith.constant 1 : i32
      %mul3A_36 = arith.muli %scan3A_34, %mul3A_35 : i32
      %add3A_37 = arith.constant 0 : i32
      %add3A_38 = arith.addi %add3A_37, %mul3A_36 : i32
      %mul3A_39 = arith.constant 16 : i32
      %mul3A_40 = arith.muli %add3A_38, %mul3A_39 : i32
      %add3A_41 = arith.constant 128 : i32
      %add3A_42 = arith.addi %add3A_41, %mul3A_40 : i32
      %get3A = arith.index_cast %add3A_42 : i32 to index
      %get3A_43 = tpu.vector_load %arg6[%get3A] {strides = array<i32>} : memref<5120xi32, #tpu.memory_space<vmem>>, vector<16xi32>,
      %get3A_44 = vector.shape_cast %get3A_43 : vector<16xi32> to vector<16xi32>
      %mul3A_45 = arith.constant 16 : i32
      %mul3A_46 = arith.muli %add3A_38, %mul3A_45 : i32
      %swap3A = arith.index_cast %mul3A_46 : i32 to index
      %swap3A_47 = tpu.vector_load %arg8[%swap3A] {strides = array<i32>} : memref<128xi32, #tpu.memory_space<vmem>>, vector<16xi32>,
      %swap3A_48 = vector.shape_cast %swap3A_47 : vector<16xi32> to vector<16xi32>
      %swap3A_49 = vector.shape_cast %get3A_44 : vector<16xi32> to vector<16xi32>
      tpu.vector_store %arg8[%swap3A], %swap3A_49 {strides = array<i32>} : memref<128xi32, #tpu.memory_space<vmem>>, vector<16xi32>,
    }
    %scan3A_15 = arith.constant 8 : i32
    %dma_start3A_16 = arith.constant 0 : i32
    %dma_start3A_17 = arith.constant 0 : i32
    %dma_start3A_18 = tpu.memref_slice %arg10[%dma_start3A_16, %dma_start3A_17] : memref<5120x128xf32, #tpu.memory_space<vmem_shared>> -> memref<5120x128xf32, #tpu.memory_space<vmem_shared>>
    tpu.enqueue_indirect_dma source(%arg9 : memref<128x128xf32, #tpu.memory_space<vmem>>) target(%dma_start3A_18 : memref<5120x128xf32, #tpu.memory_space<vmem_shared>>) offsets(%arg8 : memref<128xi32, #tpu.memory_space<vmem>>) semaphore(%arg12 : memref<!tpu.dma_semaphore, #tpu.memory_space<semaphore_mem>>) {add = true}
    %scan3A_19 = arith.constant 0 : i32
    %scan3A_20 = arith.constant 19 : i32
    %scan3A_21 = arith.addi %scan3A_19, %scan3A_20 : i32
    %scan3A_22 = arith.constant 1 : i32
    scf.for %scan3A_34 = %scan3A_19 to %scan3A_21 step %scan3A_22  : i32 {
      %mul3A_35 = arith.constant 1 : i32
      %mul3A_36 = arith.muli %scan3A_34, %mul3A_35 : i32
      %add3A_37 = arith.constant 0 : i32
      %add3A_38 = arith.addi %add3A_37, %mul3A_36 : i32
      %mul3A_39 = arith.constant 2 : i32
      %mul3A_40 = arith.muli %mul3A_39, %add3A_38 : i32
      %dma_wait3A_41 = arith.constant 0 : i32
      %dma_wait3A_42 = arith.constant 0 : i32
      %dma_wait3A_43 = tpu.memref_slice %arg10[%dma_wait3A_41, %dma_wait3A_42] : memref<5120x128xf32, #tpu.memory_space<vmem_shared>> -> memref<5120x128xf32, #tpu.memory_space<vmem_shared>>
      tpu.wait_indirect_dma semaphore(%arg11 : memref<!tpu.dma_semaphore, #tpu.memory_space<semaphore_mem>>) src(%arg9 : memref<128x128xf32, #tpu.memory_space<vmem>>) dst(%dma_wait3A_43 : memref<5120x128xf32, #tpu.memory_space<vmem_shared>>)
      %add3A_44 = arith.constant 2 : i32
      %add3A_45 = arith.addi %mul3A_40, %add3A_44 : i32
      %scan3A_46 = arith.constant 0 : i32
      %scan3A_47 = arith.constant 8 : i32
      %scan3A_48 = arith.addi %scan3A_46, %scan3A_47 : i32
      %scan3A_49 = arith.constant 1 : i32
      scf.for %scan3A_67 = %scan3A_46 to %scan3A_48 step %scan3A_49  : i32 {
        %mul3A_68 = arith.constant 1 : i32
        %mul3A_69 = arith.muli %scan3A_67, %mul3A_68 : i32
        %add3A_70 = arith.constant 0 : i32
        %add3A_71 = arith.addi %add3A_70, %mul3A_69 : i32
        %mul3A_72 = arith.constant 128 : i32
        %mul3A_73 = arith.muli %add3A_45, %mul3A_72 : i32
        %mul3A_74 = arith.constant 16 : i32
        %mul3A_75 = arith.muli %add3A_71, %mul3A_74 : i32
        %add3A_76 = arith.addi %mul3A_73, %mul3A_75 : i32
        %get3A = arith.index_cast %add3A_76 : i32 to index
        %get3A_77 = tpu.vector_load %arg6[%get3A] {strides = array<i32>} : memref<5120xi32, #tpu.memory_space<vmem>>, vector<16xi32>,
        %get3A_78 = vector.shape_cast %get3A_77 : vector<16xi32> to vector<16xi32>
        %mul3A_79 = arith.constant 16 : i32
        %mul3A_80 = arith.muli %add3A_71, %mul3A_79 : i32
        %swap3A = arith.index_cast %mul3A_80 : i32 to index
        %swap3A_81 = tpu.vector_load %arg7[%swap3A] {strides = array<i32>} : memref<128xi32, #tpu.memory_space<vmem>>, vector<16xi32>,
        %swap3A_82 = vector.shape_cast %swap3A_81 : vector<16xi32> to vector<16xi32>
        %swap3A_83 = vector.shape_cast %get3A_78 : vector<16xi32> to vector<16xi32>
        tpu.vector_store %arg7[%swap3A], %swap3A_83 {strides = array<i32>} : memref<128xi32, #tpu.memory_space<vmem>>, vector<16xi32>,
      }
      %scan3A_50 = arith.constant 8 : i32
      %dma_start3A_51 = arith.constant 0 : i32
      %dma_start3A_52 = arith.constant 0 : i32
      %dma_start3A_53 = tpu.memref_slice %arg10[%dma_start3A_51, %dma_start3A_52] : memref<5120x128xf32, #tpu.memory_space<vmem_shared>> -> memref<5120x128xf32, #tpu.memory_space<vmem_shared>>
      tpu.enqueue_indirect_dma source(%arg9 : memref<128x128xf32, #tpu.memory_space<vmem>>) target(%dma_start3A_53 : memref<5120x128xf32, #tpu.memory_space<vmem_shared>>) offsets(%arg7 : memref<128xi32, #tpu.memory_space<vmem>>) semaphore(%arg11 : memref<!tpu.dma_semaphore, #tpu.memory_space<semaphore_mem>>) {add = true}
      %dma_wait3A_54 = arith.constant 0 : i32
      %dma_wait3A_55 = arith.constant 0 : i32
      %dma_wait3A_56 = tpu.memref_slice %arg10[%dma_wait3A_54, %dma_wait3A_55] : memref<5120x128xf32, #tpu.memory_space<vmem_shared>> -> memref<5120x128xf32, #tpu.memory_space<vmem_shared>>
      tpu.wait_indirect_dma semaphore(%arg12 : memref<!tpu.dma_semaphore, #tpu.memory_space<semaphore_mem>>) src(%arg9 : memref<128x128xf32, #tpu.memory_space<vmem>>) dst(%dma_wait3A_56 : memref<5120x128xf32, #tpu.memory_space<vmem_shared>>)
      %add3A_57 = arith.constant 3 : i32
      %add3A_58 = arith.addi %mul3A_40, %add3A_57 : i32
      %scan3A_59 = arith.constant 0 : i32
      %scan3A_60 = arith.constant 8 : i32
      %scan3A_61 = arith.addi %scan3A_59, %scan3A_60 : i32
      %scan3A_62 = arith.constant 1 : i32
      scf.for %scan3A_67 = %scan3A_59 to %scan3A_61 step %scan3A_62  : i32 {
        %mul3A_68 = arith.constant 1 : i32
        %mul3A_69 = arith.muli %scan3A_67, %mul3A_68 : i32
        %add3A_70 = arith.constant 0 : i32
        %add3A_71 = arith.addi %add3A_70, %mul3A_69 : i32
        %mul3A_72 = arith.constant 128 : i32
        %mul3A_73 = arith.muli %add3A_58, %mul3A_72 : i32
        %mul3A_74 = arith.constant 16 : i32
        %mul3A_75 = arith.muli %add3A_71, %mul3A_74 : i32
        %add3A_76 = arith.addi %mul3A_73, %mul3A_75 : i32
        %get3A = arith.index_cast %add3A_76 : i32 to index
        %get3A_77 = tpu.vector_load %arg6[%get3A] {strides = array<i32>} : memref<5120xi32, #tpu.memory_space<vmem>>, vector<16xi32>,
        %get3A_78 = vector.shape_cast %get3A_77 : vector<16xi32> to vector<16xi32>
        %mul3A_79 = arith.constant 16 : i32
        %mul3A_80 = arith.muli %add3A_71, %mul3A_79 : i32
        %swap3A = arith.index_cast %mul3A_80 : i32 to index
        %swap3A_81 = tpu.vector_load %arg8[%swap3A] {strides = array<i32>} : memref<128xi32, #tpu.memory_space<vmem>>, vector<16xi32>,
        %swap3A_82 = vector.shape_cast %swap3A_81 : vector<16xi32> to vector<16xi32>
        %swap3A_83 = vector.shape_cast %get3A_78 : vector<16xi32> to vector<16xi32>
        tpu.vector_store %arg8[%swap3A], %swap3A_83 {strides = array<i32>} : memref<128xi32, #tpu.memory_space<vmem>>, vector<16xi32>,
      }
      %scan3A_63 = arith.constant 8 : i32
      %dma_start3A_64 = arith.constant 0 : i32
      %dma_start3A_65 = arith.constant 0 : i32
      %dma_start3A_66 = tpu.memref_slice %arg10[%dma_start3A_64, %dma_start3A_65] : memref<5120x128xf32, #tpu.memory_space<vmem_shared>> -> memref<5120x128xf32, #tpu.memory_space<vmem_shared>>
      tpu.enqueue_indirect_dma source(%arg9 : memref<128x128xf32, #tpu.memory_space<vmem>>) target(%dma_start3A_66 : memref<5120x128xf32, #tpu.memory_space<vmem_shared>>) offsets(%arg8 : memref<128xi32, #tpu.memory_space<vmem>>) semaphore(%arg12 : memref<!tpu.dma_semaphore, #tpu.memory_space<semaphore_mem>>) {add = true}
    }
    %scan3A_23 = arith.constant 19 : i32
    %dma_wait3A = arith.constant 0 : i32
    %dma_wait3A_24 = arith.constant 0 : i32
    %dma_wait3A_25 = tpu.memref_slice %arg10[%dma_wait3A, %dma_wait3A_24] : memref<5120x128xf32, #tpu.memory_space<vmem_shared>> -> memref<5120x128xf32, #tpu.memory_space<vmem_shared>>
    tpu.wait_indirect_dma semaphore(%arg11 : memref<!tpu.dma_semaphore, #tpu.memory_space<semaphore_mem>>) src(%arg9 : memref<128x128xf32, #tpu.memory_space<vmem>>) dst(%dma_wait3A_25 : memref<5120x128xf32, #tpu.memory_space<vmem_shared>>)
    %dma_wait3A_26 = arith.constant 0 : i32
    %dma_wait3A_27 = arith.constant 0 : i32
    %dma_wait3A_28 = tpu.memref_slice %arg10[%dma_wait3A_26, %dma_wait3A_27] : memref<5120x128xf32, #tpu.memory_space<vmem_shared>> -> memref<5120x128xf32, #tpu.memory_space<vmem_shared>>
    tpu.wait_indirect_dma semaphore(%arg12 : memref<!tpu.dma_semaphore, #tpu.memory_space<semaphore_mem>>) src(%arg9 : memref<128x128xf32, #tpu.memory_space<vmem>>) dst(%dma_wait3A_28 : memref<5120x128xf32, #tpu.memory_space<vmem_shared>>)
    %barrier3A_29 = arith.constant 0 : index
    tpu.barrier barrier_id(%barrier3A_29)
    %mul3A_30 = arith.constant 320 : i32
    %mul3A_31 = arith.muli %arg1, %mul3A_30 : i32
    %mul3A_32 = arith.constant 320 : i32
    %mul3A_33 = arith.muli %arg1, %mul3A_32 : i32
    "tpu.region"() ({
      %run_scoped3A = tpu.sem_alloc : memref<!tpu.dma_semaphore, #tpu.memory_space<semaphore_mem>>
      %dma_start3A_34 = arith.constant 0 : i32
      %dma_start3A_35 = tpu.memref_slice %arg5[%arg0, %mul3A_33, %dma_start3A_34] : memref<2x5120x128xf32, #tpu.memory_space<hbm>> -> memref<1x320x128xf32, #tpu.memory_space<hbm>>
      %dma_start3A_36 = tpu.memref_squeeze %dma_start3A_35 : memref<1x320x128xf32, #tpu.memory_space<hbm>> -> memref<320x128xf32, #tpu.memory_space<hbm>>
      %dma_start3A_37 = arith.constant 0 : i32
      %dma_start3A_38 = tpu.memref_slice %arg10[%mul3A_31, %dma_start3A_37] : memref<5120x128xf32, #tpu.memory_space<vmem_shared>> -> memref<320x128xf32, #tpu.memory_space<vmem_shared>>
      tpu.enqueue_dma source(%dma_start3A_38 : memref<320x128xf32, #tpu.memory_space<vmem_shared>>) target(%dma_start3A_36 : memref<320x128xf32, #tpu.memory_space<hbm>>) target_semaphore(%run_scoped3A : memref<!tpu.dma_semaphore, #tpu.memory_space<semaphore_mem>>)
      %dma_wait3A_39 = arith.constant 0 : i32
      %dma_wait3A_40 = tpu.memref_slice %arg5[%arg0, %mul3A_33, %dma_wait3A_39] : memref<2x5120x128xf32, #tpu.memory_space<hbm>> -> memref<1x320x128xf32, #tpu.memory_space<hbm>>
      %dma_wait3A_41 = tpu.memref_squeeze %dma_wait3A_40 : memref<1x320x128xf32, #tpu.memory_space<hbm>> -> memref<320x128xf32, #tpu.memory_space<hbm>>
      %dma_wait3A_42 = arith.constant 0 : i32
      %dma_wait3A_43 = tpu.memref_slice %arg10[%mul3A_31, %dma_wait3A_42] : memref<5120x128xf32, #tpu.memory_space<vmem_shared>> -> memref<320x128xf32, #tpu.memory_space<vmem_shared>>
      tpu.wait_dma2 semaphore(%run_scoped3A : memref<!tpu.dma_semaphore, #tpu.memory_space<semaphore_mem>>) src(%dma_wait3A_43 : memref<320x128xf32, #tpu.memory_space<vmem_shared>>) dst(%dma_wait3A_41 : memref<320x128xf32, #tpu.memory_space<hbm>>)
      tpu.yield
    }) : () -> ()
    return
  }
}

#map = affine_map<(d0, d1) -> (0, 0)>
#map1 = affine_map<(d0, d1) -> (0)>
#map2 = affine_map<(d0, d1) -> (0, 0, 0)>
module attributes {stable_mosaic.version = 14 : i64} {
  func.func @k(%arg0: i32, %arg1: i32, %arg2: memref<5120x128xf32, #tpu.memory_space<hbm>>, %arg3: memref<163840xi32, #tpu.memory_space<hbm>>, %arg4: memref<163840xi32, #tpu.memory_space<hbm>>, %arg5: memref<10240x128xf32, #tpu.memory_space<hbm>>, %arg6: memref<2x10240x128xf32, #tpu.memory_space<hbm>>, %arg7: memref<5120xi32, #tpu.memory_space<vmem>>, %arg8: memref<5120xi32, #tpu.memory_space<vmem>>, %arg9: memref<80xi32, #tpu.memory_space<vmem>>, %arg10: memref<80xi32, #tpu.memory_space<vmem>>, %arg11: memref<80xi32, #tpu.memory_space<vmem>>, %arg12: memref<80xi32, #tpu.memory_space<vmem>>, %arg13: memref<80x128xf32, #tpu.memory_space<vmem>>, %arg14: memref<80x128xf32, #tpu.memory_space<vmem>>, %arg15: memref<10240x128xf32, #tpu.memory_space<vmem_shared>>, %arg16: memref<!tpu.dma_semaphore, #tpu.memory_space<semaphore_mem>>, %arg17: memref<!tpu.dma_semaphore, #tpu.memory_space<semaphore_mem>>, %arg18: memref<!tpu.dma_semaphore, #tpu.memory_space<semaphore_mem>>, %arg19: memref<!tpu.dma_semaphore, #tpu.memory_space<semaphore_mem>>) attributes {dimension_semantics = [#tpu.dimension_semantics<core_parallel>, #tpu.dimension_semantics<subcore_parallel>], iteration_bounds = array<i64: 2, 16>, scalar_prefetch = 0 : i64, scratch_operands = 13 : i64, tpu.core_type = #tpu.core_type<sc_vector_subcore>, window_params = [{transform_indices = #map}, {transform_indices = #map1}, {transform_indices = #map1}, {transform_indices = #map}, {transform_indices = #map2}]} {
    %mul3A = arith.constant 640 : i32
    %mul3A_0 = arith.muli %arg1, %mul3A : i32
    "tpu.region"() ({
      %run_scoped3A = tpu.sem_alloc : memref<!tpu.dma_semaphore, #tpu.memory_space<semaphore_mem>>
      %dma_start3A_46 = arith.constant 0 : i32
      %dma_start3A_47 = tpu.memref_slice %arg15[%mul3A_0, %dma_start3A_46] : memref<10240x128xf32, #tpu.memory_space<vmem_shared>> -> memref<640x128xf32, #tpu.memory_space<vmem_shared>>
      %dma_start3A_48 = arith.constant 0 : i32
      %dma_start3A_49 = arith.constant 0 : i32
      %dma_start3A_50 = tpu.memref_slice %arg5[%dma_start3A_48, %dma_start3A_49] : memref<10240x128xf32, #tpu.memory_space<hbm>> -> memref<640x128xf32, #tpu.memory_space<hbm>>
      tpu.enqueue_dma source(%dma_start3A_50 : memref<640x128xf32, #tpu.memory_space<hbm>>) target(%dma_start3A_47 : memref<640x128xf32, #tpu.memory_space<vmem_shared>>) target_semaphore(%run_scoped3A : memref<!tpu.dma_semaphore, #tpu.memory_space<semaphore_mem>>)
      %dma_wait3A_51 = arith.constant 0 : i32
      %dma_wait3A_52 = tpu.memref_slice %arg15[%mul3A_0, %dma_wait3A_51] : memref<10240x128xf32, #tpu.memory_space<vmem_shared>> -> memref<640x128xf32, #tpu.memory_space<vmem_shared>>
      %dma_wait3A_53 = arith.constant 0 : i32
      %dma_wait3A_54 = arith.constant 0 : i32
      %dma_wait3A_55 = tpu.memref_slice %arg5[%dma_wait3A_53, %dma_wait3A_54] : memref<10240x128xf32, #tpu.memory_space<hbm>> -> memref<640x128xf32, #tpu.memory_space<hbm>>
      tpu.wait_dma2 semaphore(%run_scoped3A : memref<!tpu.dma_semaphore, #tpu.memory_space<semaphore_mem>>) src(%dma_wait3A_55 : memref<640x128xf32, #tpu.memory_space<hbm>>) dst(%dma_wait3A_52 : memref<640x128xf32, #tpu.memory_space<vmem_shared>>)
      tpu.yield
    }) : () -> ()
    %mul3A_1 = arith.constant 16 : i32
    %mul3A_2 = arith.muli %arg0, %mul3A_1 : i32
    %add3A = arith.addi %mul3A_2, %arg1 : i32
    %mul3A_3 = arith.constant 5120 : i32
    %mul3A_4 = arith.muli %add3A, %mul3A_3 : i32
    "tpu.region"() ({
      %run_scoped3A = tpu.sem_alloc : memref<!tpu.dma_semaphore, #tpu.memory_space<semaphore_mem>>
      %dma_start3A_46 = tpu.memref_slice %arg4[%mul3A_4] : memref<163840xi32, #tpu.memory_space<hbm>> -> memref<5120xi32, #tpu.memory_space<hbm>>
      %dma_start3A_47 = tpu.memref_slice %arg4[%mul3A_4] : memref<163840xi32, #tpu.memory_space<hbm>> -> memref<5120xi32, #tpu.memory_space<hbm>>
      tpu.enqueue_dma source(%dma_start3A_47 : memref<5120xi32, #tpu.memory_space<hbm>>) target(%arg7 : memref<5120xi32, #tpu.memory_space<vmem>>) target_semaphore(%run_scoped3A : memref<!tpu.dma_semaphore, #tpu.memory_space<semaphore_mem>>)
      %dma_wait3A_48 = tpu.memref_slice %arg4[%mul3A_4] : memref<163840xi32, #tpu.memory_space<hbm>> -> memref<5120xi32, #tpu.memory_space<hbm>>
      %dma_wait3A_49 = tpu.memref_slice %arg4[%mul3A_4] : memref<163840xi32, #tpu.memory_space<hbm>> -> memref<5120xi32, #tpu.memory_space<hbm>>
      tpu.wait_dma2 semaphore(%run_scoped3A : memref<!tpu.dma_semaphore, #tpu.memory_space<semaphore_mem>>) src(%dma_wait3A_49 : memref<5120xi32, #tpu.memory_space<hbm>>) dst(%arg7 : memref<5120xi32, #tpu.memory_space<vmem>>)
      tpu.yield
    }) : () -> ()
    "tpu.region"() ({
      %run_scoped3A = tpu.sem_alloc : memref<!tpu.dma_semaphore, #tpu.memory_space<semaphore_mem>>
      %dma_start3A_46 = tpu.memref_slice %arg3[%mul3A_4] : memref<163840xi32, #tpu.memory_space<hbm>> -> memref<5120xi32, #tpu.memory_space<hbm>>
      %dma_start3A_47 = tpu.memref_slice %arg3[%mul3A_4] : memref<163840xi32, #tpu.memory_space<hbm>> -> memref<5120xi32, #tpu.memory_space<hbm>>
      tpu.enqueue_dma source(%dma_start3A_47 : memref<5120xi32, #tpu.memory_space<hbm>>) target(%arg8 : memref<5120xi32, #tpu.memory_space<vmem>>) target_semaphore(%run_scoped3A : memref<!tpu.dma_semaphore, #tpu.memory_space<semaphore_mem>>)
      %dma_wait3A_48 = tpu.memref_slice %arg3[%mul3A_4] : memref<163840xi32, #tpu.memory_space<hbm>> -> memref<5120xi32, #tpu.memory_space<hbm>>
      %dma_wait3A_49 = tpu.memref_slice %arg3[%mul3A_4] : memref<163840xi32, #tpu.memory_space<hbm>> -> memref<5120xi32, #tpu.memory_space<hbm>>
      tpu.wait_dma2 semaphore(%run_scoped3A : memref<!tpu.dma_semaphore, #tpu.memory_space<semaphore_mem>>) src(%dma_wait3A_49 : memref<5120xi32, #tpu.memory_space<hbm>>) dst(%arg8 : memref<5120xi32, #tpu.memory_space<vmem>>)
      tpu.yield
    }) : () -> ()
    %barrier3A = arith.constant 0 : index
    tpu.barrier barrier_id(%barrier3A)
    %scan3A = arith.constant 0 : i32
    %scan3A_5 = arith.constant 5 : i32
    %scan3A_6 = arith.addi %scan3A, %scan3A_5 : i32
    %scan3A_7 = arith.constant 1 : i32
    scf.for %scan3A_46 = %scan3A to %scan3A_6 step %scan3A_7  : i32 {
      %mul3A_47 = arith.constant 1 : i32
      %mul3A_48 = arith.muli %scan3A_46, %mul3A_47 : i32
      %add3A_49 = arith.constant 0 : i32
      %add3A_50 = arith.addi %add3A_49, %mul3A_48 : i32
      %mul3A_51 = arith.constant 16 : i32
      %mul3A_52 = arith.muli %add3A_50, %mul3A_51 : i32
      %add3A_53 = arith.constant 0 : i32
      %add3A_54 = arith.addi %add3A_53, %mul3A_52 : i32
      %get3A = arith.index_cast %add3A_54 : i32 to index
      %get3A_55 = tpu.vector_load %arg7[%get3A] {strides = array<i32>} : memref<5120xi32, #tpu.memory_space<vmem>>, vector<16xi32>,
      %get3A_56 = vector.shape_cast %get3A_55 : vector<16xi32> to vector<16xi32>
      %mul3A_57 = arith.constant 16 : i32
      %mul3A_58 = arith.muli %add3A_50, %mul3A_57 : i32
      %swap3A = arith.index_cast %mul3A_58 : i32 to index
      %swap3A_59 = tpu.vector_load %arg9[%swap3A] {strides = array<i32>} : memref<80xi32, #tpu.memory_space<vmem>>, vector<16xi32>,
      %swap3A_60 = vector.shape_cast %swap3A_59 : vector<16xi32> to vector<16xi32>
      %swap3A_61 = vector.shape_cast %get3A_56 : vector<16xi32> to vector<16xi32>
      tpu.vector_store %arg9[%swap3A], %swap3A_61 {strides = array<i32>} : memref<80xi32, #tpu.memory_space<vmem>>, vector<16xi32>,
      %mul3A_62 = arith.constant 16 : i32
      %mul3A_63 = arith.muli %add3A_50, %mul3A_62 : i32
      %add3A_64 = arith.constant 0 : i32
      %add3A_65 = arith.addi %add3A_64, %mul3A_63 : i32
      %get3A_66 = arith.index_cast %add3A_65 : i32 to index
      %get3A_67 = tpu.vector_load %arg8[%get3A_66] {strides = array<i32>} : memref<5120xi32, #tpu.memory_space<vmem>>, vector<16xi32>,
      %get3A_68 = vector.shape_cast %get3A_67 : vector<16xi32> to vector<16xi32>
      %mul3A_69 = arith.constant 16 : i32
      %mul3A_70 = arith.muli %add3A_50, %mul3A_69 : i32
      %swap3A_71 = arith.index_cast %mul3A_70 : i32 to index
      %swap3A_72 = tpu.vector_load %arg10[%swap3A_71] {strides = array<i32>} : memref<80xi32, #tpu.memory_space<vmem>>, vector<16xi32>,
      %swap3A_73 = vector.shape_cast %swap3A_72 : vector<16xi32> to vector<16xi32>
      %swap3A_74 = vector.shape_cast %get3A_68 : vector<16xi32> to vector<16xi32>
      tpu.vector_store %arg10[%swap3A_71], %swap3A_74 {strides = array<i32>} : memref<80xi32, #tpu.memory_space<vmem>>, vector<16xi32>,
    }
    %scan3A_8 = arith.constant 5 : i32
    %dma_start3A = arith.constant 0 : i32
    %dma_start3A_9 = arith.constant 0 : i32
    %dma_start3A_10 = tpu.memref_slice %arg2[%dma_start3A, %dma_start3A_9] : memref<5120x128xf32, #tpu.memory_space<hbm>> -> memref<5120x128xf32, #tpu.memory_space<hbm>>
    tpu.enqueue_indirect_dma source(%dma_start3A_10 : memref<5120x128xf32, #tpu.memory_space<hbm>>) target(%arg13 : memref<80x128xf32, #tpu.memory_space<vmem>>) offsets(%arg9 : memref<80xi32, #tpu.memory_space<vmem>>) semaphore(%arg16 : memref<!tpu.dma_semaphore, #tpu.memory_space<semaphore_mem>>)
    %scan3A_11 = arith.constant 0 : i32
    %scan3A_12 = arith.constant 5 : i32
    %scan3A_13 = arith.addi %scan3A_11, %scan3A_12 : i32
    %scan3A_14 = arith.constant 1 : i32
    scf.for %scan3A_46 = %scan3A_11 to %scan3A_13 step %scan3A_14  : i32 {
      %mul3A_47 = arith.constant 1 : i32
      %mul3A_48 = arith.muli %scan3A_46, %mul3A_47 : i32
      %add3A_49 = arith.constant 0 : i32
      %add3A_50 = arith.addi %add3A_49, %mul3A_48 : i32
      %mul3A_51 = arith.constant 16 : i32
      %mul3A_52 = arith.muli %add3A_50, %mul3A_51 : i32
      %add3A_53 = arith.constant 80 : i32
      %add3A_54 = arith.addi %add3A_53, %mul3A_52 : i32
      %get3A = arith.index_cast %add3A_54 : i32 to index
      %get3A_55 = tpu.vector_load %arg7[%get3A] {strides = array<i32>} : memref<5120xi32, #tpu.memory_space<vmem>>, vector<16xi32>,
      %get3A_56 = vector.shape_cast %get3A_55 : vector<16xi32> to vector<16xi32>
      %mul3A_57 = arith.constant 16 : i32
      %mul3A_58 = arith.muli %add3A_50, %mul3A_57 : i32
      %swap3A = arith.index_cast %mul3A_58 : i32 to index
      %swap3A_59 = tpu.vector_load %arg11[%swap3A] {strides = array<i32>} : memref<80xi32, #tpu.memory_space<vmem>>, vector<16xi32>,
      %swap3A_60 = vector.shape_cast %swap3A_59 : vector<16xi32> to vector<16xi32>
      %swap3A_61 = vector.shape_cast %get3A_56 : vector<16xi32> to vector<16xi32>
      tpu.vector_store %arg11[%swap3A], %swap3A_61 {strides = array<i32>} : memref<80xi32, #tpu.memory_space<vmem>>, vector<16xi32>,
      %mul3A_62 = arith.constant 16 : i32
      %mul3A_63 = arith.muli %add3A_50, %mul3A_62 : i32
      %add3A_64 = arith.constant 80 : i32
      %add3A_65 = arith.addi %add3A_64, %mul3A_63 : i32
      %get3A_66 = arith.index_cast %add3A_65 : i32 to index
      %get3A_67 = tpu.vector_load %arg8[%get3A_66] {strides = array<i32>} : memref<5120xi32, #tpu.memory_space<vmem>>, vector<16xi32>,
      %get3A_68 = vector.shape_cast %get3A_67 : vector<16xi32> to vector<16xi32>
      %mul3A_69 = arith.constant 16 : i32
      %mul3A_70 = arith.muli %add3A_50, %mul3A_69 : i32
      %swap3A_71 = arith.index_cast %mul3A_70 : i32 to index
      %swap3A_72 = tpu.vector_load %arg12[%swap3A_71] {strides = array<i32>} : memref<80xi32, #tpu.memory_space<vmem>>, vector<16xi32>,
      %swap3A_73 = vector.shape_cast %swap3A_72 : vector<16xi32> to vector<16xi32>
      %swap3A_74 = vector.shape_cast %get3A_68 : vector<16xi32> to vector<16xi32>
      tpu.vector_store %arg12[%swap3A_71], %swap3A_74 {strides = array<i32>} : memref<80xi32, #tpu.memory_space<vmem>>, vector<16xi32>,
    }
    %scan3A_15 = arith.constant 5 : i32
    %dma_start3A_16 = arith.constant 0 : i32
    %dma_start3A_17 = arith.constant 0 : i32
    %dma_start3A_18 = tpu.memref_slice %arg2[%dma_start3A_16, %dma_start3A_17] : memref<5120x128xf32, #tpu.memory_space<hbm>> -> memref<5120x128xf32, #tpu.memory_space<hbm>>
    tpu.enqueue_indirect_dma source(%dma_start3A_18 : memref<5120x128xf32, #tpu.memory_space<hbm>>) target(%arg14 : memref<80x128xf32, #tpu.memory_space<vmem>>) offsets(%arg11 : memref<80xi32, #tpu.memory_space<vmem>>) semaphore(%arg18 : memref<!tpu.dma_semaphore, #tpu.memory_space<semaphore_mem>>)
    %scan3A_19 = arith.constant 0 : i32
    %scan3A_20 = arith.constant 31 : i32
    %scan3A_21 = arith.addi %scan3A_19, %scan3A_20 : i32
    %scan3A_22 = arith.constant 1 : i32
    scf.for %scan3A_46 = %scan3A_19 to %scan3A_21 step %scan3A_22  : i32 {
      %mul3A_47 = arith.constant 1 : i32
      %mul3A_48 = arith.muli %scan3A_46, %mul3A_47 : i32
      %add3A_49 = arith.constant 0 : i32
      %add3A_50 = arith.addi %add3A_49, %mul3A_48 : i32
      %mul3A_51 = arith.constant 2 : i32
      %mul3A_52 = arith.muli %mul3A_51, %add3A_50 : i32
      %dma_wait3A_53 = arith.constant 0 : i32
      %dma_wait3A_54 = arith.constant 0 : i32
      %dma_wait3A_55 = tpu.memref_slice %arg2[%dma_wait3A_53, %dma_wait3A_54] : memref<5120x128xf32, #tpu.memory_space<hbm>> -> memref<5120x128xf32, #tpu.memory_space<hbm>>
      tpu.wait_indirect_dma semaphore(%arg16 : memref<!tpu.dma_semaphore, #tpu.memory_space<semaphore_mem>>) src(%dma_wait3A_55 : memref<5120x128xf32, #tpu.memory_space<hbm>>) dst(%arg13 : memref<80x128xf32, #tpu.memory_space<vmem>>)
      %dma_start3A_56 = arith.constant 0 : i32
      %dma_start3A_57 = arith.constant 0 : i32
      %dma_start3A_58 = tpu.memref_slice %arg15[%dma_start3A_56, %dma_start3A_57] : memref<10240x128xf32, #tpu.memory_space<vmem_shared>> -> memref<10240x128xf32, #tpu.memory_space<vmem_shared>>
      tpu.enqueue_indirect_dma source(%arg13 : memref<80x128xf32, #tpu.memory_space<vmem>>) target(%dma_start3A_58 : memref<10240x128xf32, #tpu.memory_space<vmem_shared>>) offsets(%arg10 : memref<80xi32, #tpu.memory_space<vmem>>) semaphore(%arg17 : memref<!tpu.dma_semaphore, #tpu.memory_space<semaphore_mem>>) {add = true}
      %dma_wait3A_59 = arith.constant 0 : i32
      %dma_wait3A_60 = arith.constant 0 : i32
      %dma_wait3A_61 = tpu.memref_slice %arg15[%dma_wait3A_59, %dma_wait3A_60] : memref<10240x128xf32, #tpu.memory_space<vmem_shared>> -> memref<10240x128xf32, #tpu.memory_space<vmem_shared>>
      tpu.wait_indirect_dma semaphore(%arg17 : memref<!tpu.dma_semaphore, #tpu.memory_space<semaphore_mem>>) src(%arg13 : memref<80x128xf32, #tpu.memory_space<vmem>>) dst(%dma_wait3A_61 : memref<10240x128xf32, #tpu.memory_space<vmem_shared>>)
      %add3A_62 = arith.constant 2 : i32
      %add3A_63 = arith.addi %mul3A_52, %add3A_62 : i32
      %scan3A_64 = arith.constant 0 : i32
      %scan3A_65 = arith.constant 5 : i32
      %scan3A_66 = arith.addi %scan3A_64, %scan3A_65 : i32
      %scan3A_67 = arith.constant 1 : i32
      scf.for %scan3A_91 = %scan3A_64 to %scan3A_66 step %scan3A_67  : i32 {
        %mul3A_92 = arith.constant 1 : i32
        %mul3A_93 = arith.muli %scan3A_91, %mul3A_92 : i32
        %add3A_94 = arith.constant 0 : i32
        %add3A_95 = arith.addi %add3A_94, %mul3A_93 : i32
        %mul3A_96 = arith.constant 80 : i32
        %mul3A_97 = arith.muli %add3A_63, %mul3A_96 : i32
        %mul3A_98 = arith.constant 16 : i32
        %mul3A_99 = arith.muli %add3A_95, %mul3A_98 : i32
        %add3A_100 = arith.addi %mul3A_97, %mul3A_99 : i32
        %get3A = arith.index_cast %add3A_100 : i32 to index
        %get3A_101 = tpu.vector_load %arg7[%get3A] {strides = array<i32>} : memref<5120xi32, #tpu.memory_space<vmem>>, vector<16xi32>,
        %get3A_102 = vector.shape_cast %get3A_101 : vector<16xi32> to vector<16xi32>
        %mul3A_103 = arith.constant 16 : i32
        %mul3A_104 = arith.muli %add3A_95, %mul3A_103 : i32
        %swap3A = arith.index_cast %mul3A_104 : i32 to index
        %swap3A_105 = tpu.vector_load %arg9[%swap3A] {strides = array<i32>} : memref<80xi32, #tpu.memory_space<vmem>>, vector<16xi32>,
        %swap3A_106 = vector.shape_cast %swap3A_105 : vector<16xi32> to vector<16xi32>
        %swap3A_107 = vector.shape_cast %get3A_102 : vector<16xi32> to vector<16xi32>
        tpu.vector_store %arg9[%swap3A], %swap3A_107 {strides = array<i32>} : memref<80xi32, #tpu.memory_space<vmem>>, vector<16xi32>,
        %mul3A_108 = arith.constant 80 : i32
        %mul3A_109 = arith.muli %add3A_63, %mul3A_108 : i32
        %mul3A_110 = arith.constant 16 : i32
        %mul3A_111 = arith.muli %add3A_95, %mul3A_110 : i32
        %add3A_112 = arith.addi %mul3A_109, %mul3A_111 : i32
        %get3A_113 = arith.index_cast %add3A_112 : i32 to index
        %get3A_114 = tpu.vector_load %arg8[%get3A_113] {strides = array<i32>} : memref<5120xi32, #tpu.memory_space<vmem>>, vector<16xi32>,
        %get3A_115 = vector.shape_cast %get3A_114 : vector<16xi32> to vector<16xi32>
        %mul3A_116 = arith.constant 16 : i32
        %mul3A_117 = arith.muli %add3A_95, %mul3A_116 : i32
        %swap3A_118 = arith.index_cast %mul3A_117 : i32 to index
        %swap3A_119 = tpu.vector_load %arg10[%swap3A_118] {strides = array<i32>} : memref<80xi32, #tpu.memory_space<vmem>>, vector<16xi32>,
        %swap3A_120 = vector.shape_cast %swap3A_119 : vector<16xi32> to vector<16xi32>
        %swap3A_121 = vector.shape_cast %get3A_115 : vector<16xi32> to vector<16xi32>
        tpu.vector_store %arg10[%swap3A_118], %swap3A_121 {strides = array<i32>} : memref<80xi32, #tpu.memory_space<vmem>>, vector<16xi32>,
      }
      %scan3A_68 = arith.constant 5 : i32
      %dma_start3A_69 = arith.constant 0 : i32
      %dma_start3A_70 = arith.constant 0 : i32
      %dma_start3A_71 = tpu.memref_slice %arg2[%dma_start3A_69, %dma_start3A_70] : memref<5120x128xf32, #tpu.memory_space<hbm>> -> memref<5120x128xf32, #tpu.memory_space<hbm>>
      tpu.enqueue_indirect_dma source(%dma_start3A_71 : memref<5120x128xf32, #tpu.memory_space<hbm>>) target(%arg13 : memref<80x128xf32, #tpu.memory_space<vmem>>) offsets(%arg9 : memref<80xi32, #tpu.memory_space<vmem>>) semaphore(%arg16 : memref<!tpu.dma_semaphore, #tpu.memory_space<semaphore_mem>>)
      %dma_wait3A_72 = arith.constant 0 : i32
      %dma_wait3A_73 = arith.constant 0 : i32
      %dma_wait3A_74 = tpu.memref_slice %arg2[%dma_wait3A_72, %dma_wait3A_73] : memref<5120x128xf32, #tpu.memory_space<hbm>> -> memref<5120x128xf32, #tpu.memory_space<hbm>>
      tpu.wait_indirect_dma semaphore(%arg18 : memref<!tpu.dma_semaphore, #tpu.memory_space<semaphore_mem>>) src(%dma_wait3A_74 : memref<5120x128xf32, #tpu.memory_space<hbm>>) dst(%arg14 : memref<80x128xf32, #tpu.memory_space<vmem>>)
      %dma_start3A_75 = arith.constant 0 : i32
      %dma_start3A_76 = arith.constant 0 : i32
      %dma_start3A_77 = tpu.memref_slice %arg15[%dma_start3A_75, %dma_start3A_76] : memref<10240x128xf32, #tpu.memory_space<vmem_shared>> -> memref<10240x128xf32, #tpu.memory_space<vmem_shared>>
      tpu.enqueue_indirect_dma source(%arg14 : memref<80x128xf32, #tpu.memory_space<vmem>>) target(%dma_start3A_77 : memref<10240x128xf32, #tpu.memory_space<vmem_shared>>) offsets(%arg12 : memref<80xi32, #tpu.memory_space<vmem>>) semaphore(%arg19 : memref<!tpu.dma_semaphore, #tpu.memory_space<semaphore_mem>>) {add = true}
      %dma_wait3A_78 = arith.constant 0 : i32
      %dma_wait3A_79 = arith.constant 0 : i32
      %dma_wait3A_80 = tpu.memref_slice %arg15[%dma_wait3A_78, %dma_wait3A_79] : memref<10240x128xf32, #tpu.memory_space<vmem_shared>> -> memref<10240x128xf32, #tpu.memory_space<vmem_shared>>
      tpu.wait_indirect_dma semaphore(%arg19 : memref<!tpu.dma_semaphore, #tpu.memory_space<semaphore_mem>>) src(%arg14 : memref<80x128xf32, #tpu.memory_space<vmem>>) dst(%dma_wait3A_80 : memref<10240x128xf32, #tpu.memory_space<vmem_shared>>)
      %add3A_81 = arith.constant 3 : i32
      %add3A_82 = arith.addi %mul3A_52, %add3A_81 : i32
      %scan3A_83 = arith.constant 0 : i32
      %scan3A_84 = arith.constant 5 : i32
      %scan3A_85 = arith.addi %scan3A_83, %scan3A_84 : i32
      %scan3A_86 = arith.constant 1 : i32
      scf.for %scan3A_91 = %scan3A_83 to %scan3A_85 step %scan3A_86  : i32 {
        %mul3A_92 = arith.constant 1 : i32
        %mul3A_93 = arith.muli %scan3A_91, %mul3A_92 : i32
        %add3A_94 = arith.constant 0 : i32
        %add3A_95 = arith.addi %add3A_94, %mul3A_93 : i32
        %mul3A_96 = arith.constant 80 : i32
        %mul3A_97 = arith.muli %add3A_82, %mul3A_96 : i32
        %mul3A_98 = arith.constant 16 : i32
        %mul3A_99 = arith.muli %add3A_95, %mul3A_98 : i32
        %add3A_100 = arith.addi %mul3A_97, %mul3A_99 : i32
        %get3A = arith.index_cast %add3A_100 : i32 to index
        %get3A_101 = tpu.vector_load %arg7[%get3A] {strides = array<i32>} : memref<5120xi32, #tpu.memory_space<vmem>>, vector<16xi32>,
        %get3A_102 = vector.shape_cast %get3A_101 : vector<16xi32> to vector<16xi32>
        %mul3A_103 = arith.constant 16 : i32
        %mul3A_104 = arith.muli %add3A_95, %mul3A_103 : i32
        %swap3A = arith.index_cast %mul3A_104 : i32 to index
        %swap3A_105 = tpu.vector_load %arg11[%swap3A] {strides = array<i32>} : memref<80xi32, #tpu.memory_space<vmem>>, vector<16xi32>,
        %swap3A_106 = vector.shape_cast %swap3A_105 : vector<16xi32> to vector<16xi32>
        %swap3A_107 = vector.shape_cast %get3A_102 : vector<16xi32> to vector<16xi32>
        tpu.vector_store %arg11[%swap3A], %swap3A_107 {strides = array<i32>} : memref<80xi32, #tpu.memory_space<vmem>>, vector<16xi32>,
        %mul3A_108 = arith.constant 80 : i32
        %mul3A_109 = arith.muli %add3A_82, %mul3A_108 : i32
        %mul3A_110 = arith.constant 16 : i32
        %mul3A_111 = arith.muli %add3A_95, %mul3A_110 : i32
        %add3A_112 = arith.addi %mul3A_109, %mul3A_111 : i32
        %get3A_113 = arith.index_cast %add3A_112 : i32 to index
        %get3A_114 = tpu.vector_load %arg8[%get3A_113] {strides = array<i32>} : memref<5120xi32, #tpu.memory_space<vmem>>, vector<16xi32>,
        %get3A_115 = vector.shape_cast %get3A_114 : vector<16xi32> to vector<16xi32>
        %mul3A_116 = arith.constant 16 : i32
        %mul3A_117 = arith.muli %add3A_95, %mul3A_116 : i32
        %swap3A_118 = arith.index_cast %mul3A_117 : i32 to index
        %swap3A_119 = tpu.vector_load %arg12[%swap3A_118] {strides = array<i32>} : memref<80xi32, #tpu.memory_space<vmem>>, vector<16xi32>,
        %swap3A_120 = vector.shape_cast %swap3A_119 : vector<16xi32> to vector<16xi32>
        %swap3A_121 = vector.shape_cast %get3A_115 : vector<16xi32> to vector<16xi32>
        tpu.vector_store %arg12[%swap3A_118], %swap3A_121 {strides = array<i32>} : memref<80xi32, #tpu.memory_space<vmem>>, vector<16xi32>,
      }
      %scan3A_87 = arith.constant 5 : i32
      %dma_start3A_88 = arith.constant 0 : i32
      %dma_start3A_89 = arith.constant 0 : i32
      %dma_start3A_90 = tpu.memref_slice %arg2[%dma_start3A_88, %dma_start3A_89] : memref<5120x128xf32, #tpu.memory_space<hbm>> -> memref<5120x128xf32, #tpu.memory_space<hbm>>
      tpu.enqueue_indirect_dma source(%dma_start3A_90 : memref<5120x128xf32, #tpu.memory_space<hbm>>) target(%arg14 : memref<80x128xf32, #tpu.memory_space<vmem>>) offsets(%arg11 : memref<80xi32, #tpu.memory_space<vmem>>) semaphore(%arg18 : memref<!tpu.dma_semaphore, #tpu.memory_space<semaphore_mem>>)
    }
    %scan3A_23 = arith.constant 31 : i32
    %dma_wait3A = arith.constant 0 : i32
    %dma_wait3A_24 = arith.constant 0 : i32
    %dma_wait3A_25 = tpu.memref_slice %arg2[%dma_wait3A, %dma_wait3A_24] : memref<5120x128xf32, #tpu.memory_space<hbm>> -> memref<5120x128xf32, #tpu.memory_space<hbm>>
    tpu.wait_indirect_dma semaphore(%arg16 : memref<!tpu.dma_semaphore, #tpu.memory_space<semaphore_mem>>) src(%dma_wait3A_25 : memref<5120x128xf32, #tpu.memory_space<hbm>>) dst(%arg13 : memref<80x128xf32, #tpu.memory_space<vmem>>)
    %dma_start3A_26 = arith.constant 0 : i32
    %dma_start3A_27 = arith.constant 0 : i32
    %dma_start3A_28 = tpu.memref_slice %arg15[%dma_start3A_26, %dma_start3A_27] : memref<10240x128xf32, #tpu.memory_space<vmem_shared>> -> memref<10240x128xf32, #tpu.memory_space<vmem_shared>>
    tpu.enqueue_indirect_dma source(%arg13 : memref<80x128xf32, #tpu.memory_space<vmem>>) target(%dma_start3A_28 : memref<10240x128xf32, #tpu.memory_space<vmem_shared>>) offsets(%arg10 : memref<80xi32, #tpu.memory_space<vmem>>) semaphore(%arg17 : memref<!tpu.dma_semaphore, #tpu.memory_space<semaphore_mem>>) {add = true}
    %dma_wait3A_29 = arith.constant 0 : i32
    %dma_wait3A_30 = arith.constant 0 : i32
    %dma_wait3A_31 = tpu.memref_slice %arg15[%dma_wait3A_29, %dma_wait3A_30] : memref<10240x128xf32, #tpu.memory_space<vmem_shared>> -> memref<10240x128xf32, #tpu.memory_space<vmem_shared>>
    tpu.wait_indirect_dma semaphore(%arg17 : memref<!tpu.dma_semaphore, #tpu.memory_space<semaphore_mem>>) src(%arg13 : memref<80x128xf32, #tpu.memory_space<vmem>>) dst(%dma_wait3A_31 : memref<10240x128xf32, #tpu.memory_space<vmem_shared>>)
    %dma_wait3A_32 = arith.constant 0 : i32
    %dma_wait3A_33 = arith.constant 0 : i32
    %dma_wait3A_34 = tpu.memref_slice %arg2[%dma_wait3A_32, %dma_wait3A_33] : memref<5120x128xf32, #tpu.memory_space<hbm>> -> memref<5120x128xf32, #tpu.memory_space<hbm>>
    tpu.wait_indirect_dma semaphore(%arg18 : memref<!tpu.dma_semaphore, #tpu.memory_space<semaphore_mem>>) src(%dma_wait3A_34 : memref<5120x128xf32, #tpu.memory_space<hbm>>) dst(%arg14 : memref<80x128xf32, #tpu.memory_space<vmem>>)
    %dma_start3A_35 = arith.constant 0 : i32
    %dma_start3A_36 = arith.constant 0 : i32
    %dma_start3A_37 = tpu.memref_slice %arg15[%dma_start3A_35, %dma_start3A_36] : memref<10240x128xf32, #tpu.memory_space<vmem_shared>> -> memref<10240x128xf32, #tpu.memory_space<vmem_shared>>
    tpu.enqueue_indirect_dma source(%arg14 : memref<80x128xf32, #tpu.memory_space<vmem>>) target(%dma_start3A_37 : memref<10240x128xf32, #tpu.memory_space<vmem_shared>>) offsets(%arg12 : memref<80xi32, #tpu.memory_space<vmem>>) semaphore(%arg19 : memref<!tpu.dma_semaphore, #tpu.memory_space<semaphore_mem>>) {add = true}
    %dma_wait3A_38 = arith.constant 0 : i32
    %dma_wait3A_39 = arith.constant 0 : i32
    %dma_wait3A_40 = tpu.memref_slice %arg15[%dma_wait3A_38, %dma_wait3A_39] : memref<10240x128xf32, #tpu.memory_space<vmem_shared>> -> memref<10240x128xf32, #tpu.memory_space<vmem_shared>>
    tpu.wait_indirect_dma semaphore(%arg19 : memref<!tpu.dma_semaphore, #tpu.memory_space<semaphore_mem>>) src(%arg14 : memref<80x128xf32, #tpu.memory_space<vmem>>) dst(%dma_wait3A_40 : memref<10240x128xf32, #tpu.memory_space<vmem_shared>>)
    %barrier3A_41 = arith.constant 0 : index
    tpu.barrier barrier_id(%barrier3A_41)
    %mul3A_42 = arith.constant 640 : i32
    %mul3A_43 = arith.muli %arg1, %mul3A_42 : i32
    %mul3A_44 = arith.constant 640 : i32
    %mul3A_45 = arith.muli %arg1, %mul3A_44 : i32
    "tpu.region"() ({
      %run_scoped3A = tpu.sem_alloc : memref<!tpu.dma_semaphore, #tpu.memory_space<semaphore_mem>>
      %dma_start3A_46 = arith.constant 0 : i32
      %dma_start3A_47 = tpu.memref_slice %arg6[%arg0, %mul3A_45, %dma_start3A_46] : memref<2x10240x128xf32, #tpu.memory_space<hbm>> -> memref<1x640x128xf32, #tpu.memory_space<hbm>>
      %dma_start3A_48 = tpu.memref_squeeze %dma_start3A_47 : memref<1x640x128xf32, #tpu.memory_space<hbm>> -> memref<640x128xf32, #tpu.memory_space<hbm>>
      %dma_start3A_49 = arith.constant 0 : i32
      %dma_start3A_50 = tpu.memref_slice %arg15[%mul3A_43, %dma_start3A_49] : memref<10240x128xf32, #tpu.memory_space<vmem_shared>> -> memref<640x128xf32, #tpu.memory_space<vmem_shared>>
      tpu.enqueue_dma source(%dma_start3A_50 : memref<640x128xf32, #tpu.memory_space<vmem_shared>>) target(%dma_start3A_48 : memref<640x128xf32, #tpu.memory_space<hbm>>) target_semaphore(%run_scoped3A : memref<!tpu.dma_semaphore, #tpu.memory_space<semaphore_mem>>)
      %dma_wait3A_51 = arith.constant 0 : i32
      %dma_wait3A_52 = tpu.memref_slice %arg6[%arg0, %mul3A_45, %dma_wait3A_51] : memref<2x10240x128xf32, #tpu.memory_space<hbm>> -> memref<1x640x128xf32, #tpu.memory_space<hbm>>
      %dma_wait3A_53 = tpu.memref_squeeze %dma_wait3A_52 : memref<1x640x128xf32, #tpu.memory_space<hbm>> -> memref<640x128xf32, #tpu.memory_space<hbm>>
      %dma_wait3A_54 = arith.constant 0 : i32
      %dma_wait3A_55 = tpu.memref_slice %arg15[%mul3A_43, %dma_wait3A_54] : memref<10240x128xf32, #tpu.memory_space<vmem_shared>> -> memref<640x128xf32, #tpu.memory_space<vmem_shared>>
      tpu.wait_dma2 semaphore(%run_scoped3A : memref<!tpu.dma_semaphore, #tpu.memory_space<semaphore_mem>>) src(%dma_wait3A_55 : memref<640x128xf32, #tpu.memory_space<vmem_shared>>) dst(%dma_wait3A_53 : memref<640x128xf32, #tpu.memory_space<hbm>>)
      tpu.yield
    }) : () -> ()
    return
  }
}

#map = affine_map<(d0, d1) -> (0, 0)>
#map1 = affine_map<(d0, d1) -> (0)>
#map2 = affine_map<(d0, d1) -> (0, 0, 0)>
module attributes {stable_mosaic.version = 14 : i64} {
  func.func @k(%arg0: i32, %arg1: i32, %arg2: memref<40960x128xf32, #tpu.memory_space<hbm>>, %arg3: memref<163840xi32, #tpu.memory_space<hbm>>, %arg4: memref<163840xi32, #tpu.memory_space<hbm>>, %arg5: memref<10240x128xf32, #tpu.memory_space<hbm>>, %arg6: memref<4x5120x128xf32, #tpu.memory_space<hbm>>, %arg7: memref<10240xi32, #tpu.memory_space<vmem>>, %arg8: memref<10240xi32, #tpu.memory_space<vmem>>, %arg9: memref<128xi32, #tpu.memory_space<vmem>>, %arg10: memref<128xi32, #tpu.memory_space<vmem>>, %arg11: memref<128x128xf32, #tpu.memory_space<vmem>>, %arg12: memref<!tpu.dma_semaphore, #tpu.memory_space<semaphore_mem>>, %arg13: memref<!tpu.dma_semaphore, #tpu.memory_space<semaphore_mem>>, %arg14: memref<128xi32, #tpu.memory_space<vmem>>, %arg15: memref<128xi32, #tpu.memory_space<vmem>>, %arg16: memref<128x128xf32, #tpu.memory_space<vmem>>, %arg17: memref<!tpu.dma_semaphore, #tpu.memory_space<semaphore_mem>>, %arg18: memref<!tpu.dma_semaphore, #tpu.memory_space<semaphore_mem>>, %arg19: memref<128xi32, #tpu.memory_space<vmem>>, %arg20: memref<128xi32, #tpu.memory_space<vmem>>, %arg21: memref<128x128xf32, #tpu.memory_space<vmem>>, %arg22: memref<!tpu.dma_semaphore, #tpu.memory_space<semaphore_mem>>, %arg23: memref<!tpu.dma_semaphore, #tpu.memory_space<semaphore_mem>>, %arg24: memref<5120x128xf32, #tpu.memory_space<vmem_shared>>) attributes {dimension_semantics = [#tpu.dimension_semantics<core_parallel>, #tpu.dimension_semantics<subcore_parallel>], iteration_bounds = array<i64: 2, 16>, scalar_prefetch = 0 : i64, scratch_operands = 18 : i64, tpu.core_type = #tpu.core_type<sc_vector_subcore>, window_params = [{transform_indices = #map}, {transform_indices = #map1}, {transform_indices = #map1}, {transform_indices = #map}, {transform_indices = #map2}]} {
    %mul3A = arith.constant 10240 : i32
    %mul3A_0 = arith.muli %arg1, %mul3A : i32
    "tpu.region"() ({
      %run_scoped3A = tpu.sem_alloc : memref<!tpu.dma_semaphore, #tpu.memory_space<semaphore_mem>>
      %dma_start3A_98 = tpu.memref_slice %arg3[%mul3A_0] : memref<163840xi32, #tpu.memory_space<hbm>> -> memref<10240xi32, #tpu.memory_space<hbm>>
      %dma_start3A_99 = tpu.memref_slice %arg3[%mul3A_0] : memref<163840xi32, #tpu.memory_space<hbm>> -> memref<10240xi32, #tpu.memory_space<hbm>>
      tpu.enqueue_dma source(%dma_start3A_99 : memref<10240xi32, #tpu.memory_space<hbm>>) target(%arg7 : memref<10240xi32, #tpu.memory_space<vmem>>) target_semaphore(%run_scoped3A : memref<!tpu.dma_semaphore, #tpu.memory_space<semaphore_mem>>)
      %dma_wait3A_100 = tpu.memref_slice %arg3[%mul3A_0] : memref<163840xi32, #tpu.memory_space<hbm>> -> memref<10240xi32, #tpu.memory_space<hbm>>
      %dma_wait3A_101 = tpu.memref_slice %arg3[%mul3A_0] : memref<163840xi32, #tpu.memory_space<hbm>> -> memref<10240xi32, #tpu.memory_space<hbm>>
      tpu.wait_dma2 semaphore(%run_scoped3A : memref<!tpu.dma_semaphore, #tpu.memory_space<semaphore_mem>>) src(%dma_wait3A_101 : memref<10240xi32, #tpu.memory_space<hbm>>) dst(%arg7 : memref<10240xi32, #tpu.memory_space<vmem>>)
      tpu.yield
    }) : () -> ()
    "tpu.region"() ({
      %run_scoped3A = tpu.sem_alloc : memref<!tpu.dma_semaphore, #tpu.memory_space<semaphore_mem>>
      %dma_start3A_98 = tpu.memref_slice %arg4[%mul3A_0] : memref<163840xi32, #tpu.memory_space<hbm>> -> memref<10240xi32, #tpu.memory_space<hbm>>
      %dma_start3A_99 = tpu.memref_slice %arg4[%mul3A_0] : memref<163840xi32, #tpu.memory_space<hbm>> -> memref<10240xi32, #tpu.memory_space<hbm>>
      tpu.enqueue_dma source(%dma_start3A_99 : memref<10240xi32, #tpu.memory_space<hbm>>) target(%arg8 : memref<10240xi32, #tpu.memory_space<vmem>>) target_semaphore(%run_scoped3A : memref<!tpu.dma_semaphore, #tpu.memory_space<semaphore_mem>>)
      %dma_wait3A_100 = tpu.memref_slice %arg4[%mul3A_0] : memref<163840xi32, #tpu.memory_space<hbm>> -> memref<10240xi32, #tpu.memory_space<hbm>>
      %dma_wait3A_101 = tpu.memref_slice %arg4[%mul3A_0] : memref<163840xi32, #tpu.memory_space<hbm>> -> memref<10240xi32, #tpu.memory_space<hbm>>
      tpu.wait_dma2 semaphore(%run_scoped3A : memref<!tpu.dma_semaphore, #tpu.memory_space<semaphore_mem>>) src(%dma_wait3A_101 : memref<10240xi32, #tpu.memory_space<hbm>>) dst(%arg8 : memref<10240xi32, #tpu.memory_space<vmem>>)
      tpu.yield
    }) : () -> ()
    %add3A = arith.constant 0 : i32
    %add3A_1 = arith.addi %arg0, %add3A : i32
    %mul3A_2 = arith.constant 10240 : i32
    %mul3A_3 = arith.muli %add3A_1, %mul3A_2 : i32
    %mul3A_4 = arith.constant 320 : i32
    %mul3A_5 = arith.muli %arg1, %mul3A_4 : i32
    "tpu.region"() ({
      %run_scoped3A = tpu.sem_alloc : memref<!tpu.dma_semaphore, #tpu.memory_space<semaphore_mem>>
      %dma_start3A_98 = arith.constant 0 : i32
      %dma_start3A_99 = tpu.memref_slice %arg24[%mul3A_5, %dma_start3A_98] : memref<5120x128xf32, #tpu.memory_space<vmem_shared>> -> memref<320x128xf32, #tpu.memory_space<vmem_shared>>
      %dma_start3A_100 = arith.constant 0 : i32
      %dma_start3A_101 = arith.constant 0 : i32
      %dma_start3A_102 = tpu.memref_slice %arg5[%dma_start3A_100, %dma_start3A_101] : memref<10240x128xf32, #tpu.memory_space<hbm>> -> memref<320x128xf32, #tpu.memory_space<hbm>>
      tpu.enqueue_dma source(%dma_start3A_102 : memref<320x128xf32, #tpu.memory_space<hbm>>) target(%dma_start3A_99 : memref<320x128xf32, #tpu.memory_space<vmem_shared>>) target_semaphore(%run_scoped3A : memref<!tpu.dma_semaphore, #tpu.memory_space<semaphore_mem>>)
      %dma_wait3A_103 = arith.constant 0 : i32
      %dma_wait3A_104 = tpu.memref_slice %arg24[%mul3A_5, %dma_wait3A_103] : memref<5120x128xf32, #tpu.memory_space<vmem_shared>> -> memref<320x128xf32, #tpu.memory_space<vmem_shared>>
      %dma_wait3A_105 = arith.constant 0 : i32
      %dma_wait3A_106 = arith.constant 0 : i32
      %dma_wait3A_107 = tpu.memref_slice %arg5[%dma_wait3A_105, %dma_wait3A_106] : memref<10240x128xf32, #tpu.memory_space<hbm>> -> memref<320x128xf32, #tpu.memory_space<hbm>>
      tpu.wait_dma2 semaphore(%run_scoped3A : memref<!tpu.dma_semaphore, #tpu.memory_space<semaphore_mem>>) src(%dma_wait3A_107 : memref<320x128xf32, #tpu.memory_space<hbm>>) dst(%dma_wait3A_104 : memref<320x128xf32, #tpu.memory_space<vmem_shared>>)
      tpu.yield
    }) : () -> ()
    %barrier3A = arith.constant 0 : index
    tpu.barrier barrier_id(%barrier3A)
    %scan3A = arith.constant 0 : i32
    %scan3A_6 = arith.constant 8 : i32
    %scan3A_7 = arith.addi %scan3A, %scan3A_6 : i32
    %scan3A_8 = arith.constant 1 : i32
    scf.for %scan3A_98 = %scan3A to %scan3A_7 step %scan3A_8  : i32 {
      %mul3A_99 = arith.constant 1 : i32
      %mul3A_100 = arith.muli %scan3A_98, %mul3A_99 : i32
      %add3A_101 = arith.constant 0 : i32
      %add3A_102 = arith.addi %add3A_101, %mul3A_100 : i32
      %mul3A_103 = arith.constant 16 : i32
      %mul3A_104 = arith.muli %add3A_102, %mul3A_103 : i32
      %add3A_105 = arith.constant 0 : i32
      %add3A_106 = arith.addi %add3A_105, %mul3A_104 : i32
      %get3A = arith.index_cast %add3A_106 : i32 to index
      %get3A_107 = tpu.vector_load %arg7[%get3A] {strides = array<i32>} : memref<10240xi32, #tpu.memory_space<vmem>>, vector<16xi32>,
      %get3A_108 = vector.shape_cast %get3A_107 : vector<16xi32> to vector<16xi32>
      %add3A_109 = vector.broadcast %mul3A_3 : i32 to vector<16xi32>
      %add3A_110 = arith.addi %get3A_108, %add3A_109 : vector<16xi32>
      %mul3A_111 = arith.constant 16 : i32
      %mul3A_112 = arith.muli %add3A_102, %mul3A_111 : i32
      %swap3A = arith.index_cast %mul3A_112 : i32 to index
      %swap3A_113 = tpu.vector_load %arg9[%swap3A] {strides = array<i32>} : memref<128xi32, #tpu.memory_space<vmem>>, vector<16xi32>,
      %swap3A_114 = vector.shape_cast %swap3A_113 : vector<16xi32> to vector<16xi32>
      %swap3A_115 = vector.shape_cast %add3A_110 : vector<16xi32> to vector<16xi32>
      tpu.vector_store %arg9[%swap3A], %swap3A_115 {strides = array<i32>} : memref<128xi32, #tpu.memory_space<vmem>>, vector<16xi32>,
      %mul3A_116 = arith.constant 16 : i32
      %mul3A_117 = arith.muli %add3A_102, %mul3A_116 : i32
      %add3A_118 = arith.constant 0 : i32
      %add3A_119 = arith.addi %add3A_118, %mul3A_117 : i32
      %get3A_120 = arith.index_cast %add3A_119 : i32 to index
      %get3A_121 = tpu.vector_load %arg8[%get3A_120] {strides = array<i32>} : memref<10240xi32, #tpu.memory_space<vmem>>, vector<16xi32>,
      %get3A_122 = vector.shape_cast %get3A_121 : vector<16xi32> to vector<16xi32>
      %mul3A_123 = arith.constant 16 : i32
      %mul3A_124 = arith.muli %add3A_102, %mul3A_123 : i32
      %swap3A_125 = arith.index_cast %mul3A_124 : i32 to index
      %swap3A_126 = tpu.vector_load %arg10[%swap3A_125] {strides = array<i32>} : memref<128xi32, #tpu.memory_space<vmem>>, vector<16xi32>,
      %swap3A_127 = vector.shape_cast %swap3A_126 : vector<16xi32> to vector<16xi32>
      %swap3A_128 = vector.shape_cast %get3A_122 : vector<16xi32> to vector<16xi32>
      tpu.vector_store %arg10[%swap3A_125], %swap3A_128 {strides = array<i32>} : memref<128xi32, #tpu.memory_space<vmem>>, vector<16xi32>,
    }
    %scan3A_9 = arith.constant 8 : i32
    %dma_start3A = arith.constant 0 : i32
    %dma_start3A_10 = arith.constant 0 : i32
    %dma_start3A_11 = tpu.memref_slice %arg2[%dma_start3A, %dma_start3A_10] : memref<40960x128xf32, #tpu.memory_space<hbm>> -> memref<40960x128xf32, #tpu.memory_space<hbm>>
    tpu.enqueue_indirect_dma source(%dma_start3A_11 : memref<40960x128xf32, #tpu.memory_space<hbm>>) target(%arg11 : memref<128x128xf32, #tpu.memory_space<vmem>>) offsets(%arg9 : memref<128xi32, #tpu.memory_space<vmem>>) semaphore(%arg12 : memref<!tpu.dma_semaphore, #tpu.memory_space<semaphore_mem>>)
    %scan3A_12 = arith.constant 0 : i32
    %scan3A_13 = arith.constant 8 : i32
    %scan3A_14 = arith.addi %scan3A_12, %scan3A_13 : i32
    %scan3A_15 = arith.constant 1 : i32
    scf.for %scan3A_98 = %scan3A_12 to %scan3A_14 step %scan3A_15  : i32 {
      %mul3A_99 = arith.constant 1 : i32
      %mul3A_100 = arith.muli %scan3A_98, %mul3A_99 : i32
      %add3A_101 = arith.constant 0 : i32
      %add3A_102 = arith.addi %add3A_101, %mul3A_100 : i32
      %mul3A_103 = arith.constant 16 : i32
      %mul3A_104 = arith.muli %add3A_102, %mul3A_103 : i32
      %add3A_105 = arith.constant 128 : i32
      %add3A_106 = arith.addi %add3A_105, %mul3A_104 : i32
      %get3A = arith.index_cast %add3A_106 : i32 to index
      %get3A_107 = tpu.vector_load %arg7[%get3A] {strides = array<i32>} : memref<10240xi32, #tpu.memory_space<vmem>>, vector<16xi32>,
      %get3A_108 = vector.shape_cast %get3A_107 : vector<16xi32> to vector<16xi32>
      %add3A_109 = vector.broadcast %mul3A_3 : i32 to vector<16xi32>
      %add3A_110 = arith.addi %get3A_108, %add3A_109 : vector<16xi32>
      %mul3A_111 = arith.constant 16 : i32
      %mul3A_112 = arith.muli %add3A_102, %mul3A_111 : i32
      %swap3A = arith.index_cast %mul3A_112 : i32 to index
      %swap3A_113 = tpu.vector_load %arg14[%swap3A] {strides = array<i32>} : memref<128xi32, #tpu.memory_space<vmem>>, vector<16xi32>,
      %swap3A_114 = vector.shape_cast %swap3A_113 : vector<16xi32> to vector<16xi32>
      %swap3A_115 = vector.shape_cast %add3A_110 : vector<16xi32> to vector<16xi32>
      tpu.vector_store %arg14[%swap3A], %swap3A_115 {strides = array<i32>} : memref<128xi32, #tpu.memory_space<vmem>>, vector<16xi32>,
      %mul3A_116 = arith.constant 16 : i32
      %mul3A_117 = arith.muli %add3A_102, %mul3A_116 : i32
      %add3A_118 = arith.constant 128 : i32
      %add3A_119 = arith.addi %add3A_118, %mul3A_117 : i32
      %get3A_120 = arith.index_cast %add3A_119 : i32 to index
      %get3A_121 = tpu.vector_load %arg8[%get3A_120] {strides = array<i32>} : memref<10240xi32, #tpu.memory_space<vmem>>, vector<16xi32>,
      %get3A_122 = vector.shape_cast %get3A_121 : vector<16xi32> to vector<16xi32>
      %mul3A_123 = arith.constant 16 : i32
      %mul3A_124 = arith.muli %add3A_102, %mul3A_123 : i32
      %swap3A_125 = arith.index_cast %mul3A_124 : i32 to index
      %swap3A_126 = tpu.vector_load %arg15[%swap3A_125] {strides = array<i32>} : memref<128xi32, #tpu.memory_space<vmem>>, vector<16xi32>,
      %swap3A_127 = vector.shape_cast %swap3A_126 : vector<16xi32> to vector<16xi32>
      %swap3A_128 = vector.shape_cast %get3A_122 : vector<16xi32> to vector<16xi32>
      tpu.vector_store %arg15[%swap3A_125], %swap3A_128 {strides = array<i32>} : memref<128xi32, #tpu.memory_space<vmem>>, vector<16xi32>,
    }
    %scan3A_16 = arith.constant 8 : i32
    %dma_start3A_17 = arith.constant 0 : i32
    %dma_start3A_18 = arith.constant 0 : i32
    %dma_start3A_19 = tpu.memref_slice %arg2[%dma_start3A_17, %dma_start3A_18] : memref<40960x128xf32, #tpu.memory_space<hbm>> -> memref<40960x128xf32, #tpu.memory_space<hbm>>
    tpu.enqueue_indirect_dma source(%dma_start3A_19 : memref<40960x128xf32, #tpu.memory_space<hbm>>) target(%arg16 : memref<128x128xf32, #tpu.memory_space<vmem>>) offsets(%arg14 : memref<128xi32, #tpu.memory_space<vmem>>) semaphore(%arg17 : memref<!tpu.dma_semaphore, #tpu.memory_space<semaphore_mem>>)
    %scan3A_20 = arith.constant 0 : i32
    %scan3A_21 = arith.constant 26 : i32
    %scan3A_22 = arith.addi %scan3A_20, %scan3A_21 : i32
    %scan3A_23 = arith.constant 1 : i32
    scf.for %scan3A_98 = %scan3A_20 to %scan3A_22 step %scan3A_23  : i32 {
      %mul3A_99 = arith.constant 1 : i32
      %mul3A_100 = arith.muli %scan3A_98, %mul3A_99 : i32
      %add3A_101 = arith.constant 0 : i32
      %add3A_102 = arith.addi %add3A_101, %mul3A_100 : i32
      %mul3A_103 = arith.constant 3 : i32
      %mul3A_104 = arith.muli %mul3A_103, %add3A_102 : i32
      %dma_wait3A_105 = arith.constant 0 : i32
      %dma_wait3A_106 = arith.constant 0 : i32
      %dma_wait3A_107 = tpu.memref_slice %arg2[%dma_wait3A_105, %dma_wait3A_106] : memref<40960x128xf32, #tpu.memory_space<hbm>> -> memref<40960x128xf32, #tpu.memory_space<hbm>>
      tpu.wait_indirect_dma semaphore(%arg12 : memref<!tpu.dma_semaphore, #tpu.memory_space<semaphore_mem>>) src(%dma_wait3A_107 : memref<40960x128xf32, #tpu.memory_space<hbm>>) dst(%arg11 : memref<128x128xf32, #tpu.memory_space<vmem>>)
      %dma_start3A_108 = arith.constant 0 : i32
      %dma_start3A_109 = arith.constant 0 : i32
      %dma_start3A_110 = tpu.memref_slice %arg24[%dma_start3A_108, %dma_start3A_109] : memref<5120x128xf32, #tpu.memory_space<vmem_shared>> -> memref<5120x128xf32, #tpu.memory_space<vmem_shared>>
      tpu.enqueue_indirect_dma source(%arg11 : memref<128x128xf32, #tpu.memory_space<vmem>>) target(%dma_start3A_110 : memref<5120x128xf32, #tpu.memory_space<vmem_shared>>) offsets(%arg10 : memref<128xi32, #tpu.memory_space<vmem>>) semaphore(%arg13 : memref<!tpu.dma_semaphore, #tpu.memory_space<semaphore_mem>>) {add = true}
      %dma_wait3A_111 = arith.constant 0 : i32
      %dma_wait3A_112 = arith.constant 0 : i32
      %dma_wait3A_113 = tpu.memref_slice %arg24[%dma_wait3A_111, %dma_wait3A_112] : memref<5120x128xf32, #tpu.memory_space<vmem_shared>> -> memref<5120x128xf32, #tpu.memory_space<vmem_shared>>
      tpu.wait_indirect_dma semaphore(%arg13 : memref<!tpu.dma_semaphore, #tpu.memory_space<semaphore_mem>>) src(%arg11 : memref<128x128xf32, #tpu.memory_space<vmem>>) dst(%dma_wait3A_113 : memref<5120x128xf32, #tpu.memory_space<vmem_shared>>)
      %add3A_114 = arith.constant 2 : i32
      %add3A_115 = arith.addi %mul3A_104, %add3A_114 : i32
      %scan3A_116 = arith.constant 0 : i32
      %scan3A_117 = arith.constant 8 : i32
      %scan3A_118 = arith.addi %scan3A_116, %scan3A_117 : i32
      %scan3A_119 = arith.constant 1 : i32
      scf.for %scan3A_162 = %scan3A_116 to %scan3A_118 step %scan3A_119  : i32 {
        %mul3A_163 = arith.constant 1 : i32
        %mul3A_164 = arith.muli %scan3A_162, %mul3A_163 : i32
        %add3A_165 = arith.constant 0 : i32
        %add3A_166 = arith.addi %add3A_165, %mul3A_164 : i32
        %mul3A_167 = arith.constant 128 : i32
        %mul3A_168 = arith.muli %add3A_115, %mul3A_167 : i32
        %mul3A_169 = arith.constant 16 : i32
        %mul3A_170 = arith.muli %add3A_166, %mul3A_169 : i32
        %add3A_171 = arith.addi %mul3A_168, %mul3A_170 : i32
        %get3A = arith.index_cast %add3A_171 : i32 to index
        %get3A_172 = tpu.vector_load %arg7[%get3A] {strides = array<i32>} : memref<10240xi32, #tpu.memory_space<vmem>>, vector<16xi32>,
        %get3A_173 = vector.shape_cast %get3A_172 : vector<16xi32> to vector<16xi32>
        %add3A_174 = vector.broadcast %mul3A_3 : i32 to vector<16xi32>
        %add3A_175 = arith.addi %get3A_173, %add3A_174 : vector<16xi32>
        %mul3A_176 = arith.constant 16 : i32
        %mul3A_177 = arith.muli %add3A_166, %mul3A_176 : i32
        %swap3A = arith.index_cast %mul3A_177 : i32 to index
        %swap3A_178 = tpu.vector_load %arg19[%swap3A] {strides = array<i32>} : memref<128xi32, #tpu.memory_space<vmem>>, vector<16xi32>,
        %swap3A_179 = vector.shape_cast %swap3A_178 : vector<16xi32> to vector<16xi32>
        %swap3A_180 = vector.shape_cast %add3A_175 : vector<16xi32> to vector<16xi32>
        tpu.vector_store %arg19[%swap3A], %swap3A_180 {strides = array<i32>} : memref<128xi32, #tpu.memory_space<vmem>>, vector<16xi32>,
        %mul3A_181 = arith.constant 128 : i32
        %mul3A_182 = arith.muli %add3A_115, %mul3A_181 : i32
        %mul3A_183 = arith.constant 16 : i32
        %mul3A_184 = arith.muli %add3A_166, %mul3A_183 : i32
        %add3A_185 = arith.addi %mul3A_182, %mul3A_184 : i32
        %get3A_186 = arith.index_cast %add3A_185 : i32 to index
        %get3A_187 = tpu.vector_load %arg8[%get3A_186] {strides = array<i32>} : memref<10240xi32, #tpu.memory_space<vmem>>, vector<16xi32>,
        %get3A_188 = vector.shape_cast %get3A_187 : vector<16xi32> to vector<16xi32>
        %mul3A_189 = arith.constant 16 : i32
        %mul3A_190 = arith.muli %add3A_166, %mul3A_189 : i32
        %swap3A_191 = arith.index_cast %mul3A_190 : i32 to index
        %swap3A_192 = tpu.vector_load %arg20[%swap3A_191] {strides = array<i32>} : memref<128xi32, #tpu.memory_space<vmem>>, vector<16xi32>,
        %swap3A_193 = vector.shape_cast %swap3A_192 : vector<16xi32> to vector<16xi32>
        %swap3A_194 = vector.shape_cast %get3A_188 : vector<16xi32> to vector<16xi32>
        tpu.vector_store %arg20[%swap3A_191], %swap3A_194 {strides = array<i32>} : memref<128xi32, #tpu.memory_space<vmem>>, vector<16xi32>,
      }
      %scan3A_120 = arith.constant 8 : i32
      %dma_start3A_121 = arith.constant 0 : i32
      %dma_start3A_122 = arith.constant 0 : i32
      %dma_start3A_123 = tpu.memref_slice %arg2[%dma_start3A_121, %dma_start3A_122] : memref<40960x128xf32, #tpu.memory_space<hbm>> -> memref<40960x128xf32, #tpu.memory_space<hbm>>
      tpu.enqueue_indirect_dma source(%dma_start3A_123 : memref<40960x128xf32, #tpu.memory_space<hbm>>) target(%arg21 : memref<128x128xf32, #tpu.memory_space<vmem>>) offsets(%arg19 : memref<128xi32, #tpu.memory_space<vmem>>) semaphore(%arg22 : memref<!tpu.dma_semaphore, #tpu.memory_space<semaphore_mem>>)
      %dma_wait3A_124 = arith.constant 0 : i32
      %dma_wait3A_125 = arith.constant 0 : i32
      %dma_wait3A_126 = tpu.memref_slice %arg2[%dma_wait3A_124, %dma_wait3A_125] : memref<40960x128xf32, #tpu.memory_space<hbm>> -> memref<40960x128xf32, #tpu.memory_space<hbm>>
      tpu.wait_indirect_dma semaphore(%arg17 : memref<!tpu.dma_semaphore, #tpu.memory_space<semaphore_mem>>) src(%dma_wait3A_126 : memref<40960x128xf32, #tpu.memory_space<hbm>>) dst(%arg16 : memref<128x128xf32, #tpu.memory_space<vmem>>)
      %dma_start3A_127 = arith.constant 0 : i32
      %dma_start3A_128 = arith.constant 0 : i32
      %dma_start3A_129 = tpu.memref_slice %arg24[%dma_start3A_127, %dma_start3A_128] : memref<5120x128xf32, #tpu.memory_space<vmem_shared>> -> memref<5120x128xf32, #tpu.memory_space<vmem_shared>>
      tpu.enqueue_indirect_dma source(%arg16 : memref<128x128xf32, #tpu.memory_space<vmem>>) target(%dma_start3A_129 : memref<5120x128xf32, #tpu.memory_space<vmem_shared>>) offsets(%arg15 : memref<128xi32, #tpu.memory_space<vmem>>) semaphore(%arg18 : memref<!tpu.dma_semaphore, #tpu.memory_space<semaphore_mem>>) {add = true}
      %dma_wait3A_130 = arith.constant 0 : i32
      %dma_wait3A_131 = arith.constant 0 : i32
      %dma_wait3A_132 = tpu.memref_slice %arg24[%dma_wait3A_130, %dma_wait3A_131] : memref<5120x128xf32, #tpu.memory_space<vmem_shared>> -> memref<5120x128xf32, #tpu.memory_space<vmem_shared>>
      tpu.wait_indirect_dma semaphore(%arg18 : memref<!tpu.dma_semaphore, #tpu.memory_space<semaphore_mem>>) src(%arg16 : memref<128x128xf32, #tpu.memory_space<vmem>>) dst(%dma_wait3A_132 : memref<5120x128xf32, #tpu.memory_space<vmem_shared>>)
      %add3A_133 = arith.constant 3 : i32
      %add3A_134 = arith.addi %mul3A_104, %add3A_133 : i32
      %scan3A_135 = arith.constant 0 : i32
      %scan3A_136 = arith.constant 8 : i32
      %scan3A_137 = arith.addi %scan3A_135, %scan3A_136 : i32
      %scan3A_138 = arith.constant 1 : i32
      scf.for %scan3A_162 = %scan3A_135 to %scan3A_137 step %scan3A_138  : i32 {
        %mul3A_163 = arith.constant 1 : i32
        %mul3A_164 = arith.muli %scan3A_162, %mul3A_163 : i32
        %add3A_165 = arith.constant 0 : i32
        %add3A_166 = arith.addi %add3A_165, %mul3A_164 : i32
        %mul3A_167 = arith.constant 128 : i32
        %mul3A_168 = arith.muli %add3A_134, %mul3A_167 : i32
        %mul3A_169 = arith.constant 16 : i32
        %mul3A_170 = arith.muli %add3A_166, %mul3A_169 : i32
        %add3A_171 = arith.addi %mul3A_168, %mul3A_170 : i32
        %get3A = arith.index_cast %add3A_171 : i32 to index
        %get3A_172 = tpu.vector_load %arg7[%get3A] {strides = array<i32>} : memref<10240xi32, #tpu.memory_space<vmem>>, vector<16xi32>,
        %get3A_173 = vector.shape_cast %get3A_172 : vector<16xi32> to vector<16xi32>
        %add3A_174 = vector.broadcast %mul3A_3 : i32 to vector<16xi32>
        %add3A_175 = arith.addi %get3A_173, %add3A_174 : vector<16xi32>
        %mul3A_176 = arith.constant 16 : i32
        %mul3A_177 = arith.muli %add3A_166, %mul3A_176 : i32
        %swap3A = arith.index_cast %mul3A_177 : i32 to index
        %swap3A_178 = tpu.vector_load %arg9[%swap3A] {strides = array<i32>} : memref<128xi32, #tpu.memory_space<vmem>>, vector<16xi32>,
        %swap3A_179 = vector.shape_cast %swap3A_178 : vector<16xi32> to vector<16xi32>
        %swap3A_180 = vector.shape_cast %add3A_175 : vector<16xi32> to vector<16xi32>
        tpu.vector_store %arg9[%swap3A], %swap3A_180 {strides = array<i32>} : memref<128xi32, #tpu.memory_space<vmem>>, vector<16xi32>,
        %mul3A_181 = arith.constant 128 : i32
        %mul3A_182 = arith.muli %add3A_134, %mul3A_181 : i32
        %mul3A_183 = arith.constant 16 : i32
        %mul3A_184 = arith.muli %add3A_166, %mul3A_183 : i32
        %add3A_185 = arith.addi %mul3A_182, %mul3A_184 : i32
        %get3A_186 = arith.index_cast %add3A_185 : i32 to index
        %get3A_187 = tpu.vector_load %arg8[%get3A_186] {strides = array<i32>} : memref<10240xi32, #tpu.memory_space<vmem>>, vector<16xi32>,
        %get3A_188 = vector.shape_cast %get3A_187 : vector<16xi32> to vector<16xi32>
        %mul3A_189 = arith.constant 16 : i32
        %mul3A_190 = arith.muli %add3A_166, %mul3A_189 : i32
        %swap3A_191 = arith.index_cast %mul3A_190 : i32 to index
        %swap3A_192 = tpu.vector_load %arg10[%swap3A_191] {strides = array<i32>} : memref<128xi32, #tpu.memory_space<vmem>>, vector<16xi32>,
        %swap3A_193 = vector.shape_cast %swap3A_192 : vector<16xi32> to vector<16xi32>
        %swap3A_194 = vector.shape_cast %get3A_188 : vector<16xi32> to vector<16xi32>
        tpu.vector_store %arg10[%swap3A_191], %swap3A_194 {strides = array<i32>} : memref<128xi32, #tpu.memory_space<vmem>>, vector<16xi32>,
      }
      %scan3A_139 = arith.constant 8 : i32
      %dma_start3A_140 = arith.constant 0 : i32
      %dma_start3A_141 = arith.constant 0 : i32
      %dma_start3A_142 = tpu.memref_slice %arg2[%dma_start3A_140, %dma_start3A_141] : memref<40960x128xf32, #tpu.memory_space<hbm>> -> memref<40960x128xf32, #tpu.memory_space<hbm>>
      tpu.enqueue_indirect_dma source(%dma_start3A_142 : memref<40960x128xf32, #tpu.memory_space<hbm>>) target(%arg11 : memref<128x128xf32, #tpu.memory_space<vmem>>) offsets(%arg9 : memref<128xi32, #tpu.memory_space<vmem>>) semaphore(%arg12 : memref<!tpu.dma_semaphore, #tpu.memory_space<semaphore_mem>>)
      %dma_wait3A_143 = arith.constant 0 : i32
      %dma_wait3A_144 = arith.constant 0 : i32
      %dma_wait3A_145 = tpu.memref_slice %arg2[%dma_wait3A_143, %dma_wait3A_144] : memref<40960x128xf32, #tpu.memory_space<hbm>> -> memref<40960x128xf32, #tpu.memory_space<hbm>>
      tpu.wait_indirect_dma semaphore(%arg22 : memref<!tpu.dma_semaphore, #tpu.memory_space<semaphore_mem>>) src(%dma_wait3A_145 : memref<40960x128xf32, #tpu.memory_space<hbm>>) dst(%arg21 : memref<128x128xf32, #tpu.memory_space<vmem>>)
      %dma_start3A_146 = arith.constant 0 : i32
      %dma_start3A_147 = arith.constant 0 : i32
      %dma_start3A_148 = tpu.memref_slice %arg24[%dma_start3A_146, %dma_start3A_147] : memref<5120x128xf32, #tpu.memory_space<vmem_shared>> -> memref<5120x128xf32, #tpu.memory_space<vmem_shared>>
      tpu.enqueue_indirect_dma source(%arg21 : memref<128x128xf32, #tpu.memory_space<vmem>>) target(%dma_start3A_148 : memref<5120x128xf32, #tpu.memory_space<vmem_shared>>) offsets(%arg20 : memref<128xi32, #tpu.memory_space<vmem>>) semaphore(%arg23 : memref<!tpu.dma_semaphore, #tpu.memory_space<semaphore_mem>>) {add = true}
      %dma_wait3A_149 = arith.constant 0 : i32
      %dma_wait3A_150 = arith.constant 0 : i32
      %dma_wait3A_151 = tpu.memref_slice %arg24[%dma_wait3A_149, %dma_wait3A_150] : memref<5120x128xf32, #tpu.memory_space<vmem_shared>> -> memref<5120x128xf32, #tpu.memory_space<vmem_shared>>
      tpu.wait_indirect_dma semaphore(%arg23 : memref<!tpu.dma_semaphore, #tpu.memory_space<semaphore_mem>>) src(%arg21 : memref<128x128xf32, #tpu.memory_space<vmem>>) dst(%dma_wait3A_151 : memref<5120x128xf32, #tpu.memory_space<vmem_shared>>)
      %add3A_152 = arith.constant 4 : i32
      %add3A_153 = arith.addi %mul3A_104, %add3A_152 : i32
      %scan3A_154 = arith.constant 0 : i32
      %scan3A_155 = arith.constant 8 : i32
      %scan3A_156 = arith.addi %scan3A_154, %scan3A_155 : i32
      %scan3A_157 = arith.constant 1 : i32
      scf.for %scan3A_162 = %scan3A_154 to %scan3A_156 step %scan3A_157  : i32 {
        %mul3A_163 = arith.constant 1 : i32
        %mul3A_164 = arith.muli %scan3A_162, %mul3A_163 : i32
        %add3A_165 = arith.constant 0 : i32
        %add3A_166 = arith.addi %add3A_165, %mul3A_164 : i32
        %mul3A_167 = arith.constant 128 : i32
        %mul3A_168 = arith.muli %add3A_153, %mul3A_167 : i32
        %mul3A_169 = arith.constant 16 : i32
        %mul3A_170 = arith.muli %add3A_166, %mul3A_169 : i32
        %add3A_171 = arith.addi %mul3A_168, %mul3A_170 : i32
        %get3A = arith.index_cast %add3A_171 : i32 to index
        %get3A_172 = tpu.vector_load %arg7[%get3A] {strides = array<i32>} : memref<10240xi32, #tpu.memory_space<vmem>>, vector<16xi32>,
        %get3A_173 = vector.shape_cast %get3A_172 : vector<16xi32> to vector<16xi32>
        %add3A_174 = vector.broadcast %mul3A_3 : i32 to vector<16xi32>
        %add3A_175 = arith.addi %get3A_173, %add3A_174 : vector<16xi32>
        %mul3A_176 = arith.constant 16 : i32
        %mul3A_177 = arith.muli %add3A_166, %mul3A_176 : i32
        %swap3A = arith.index_cast %mul3A_177 : i32 to index
        %swap3A_178 = tpu.vector_load %arg14[%swap3A] {strides = array<i32>} : memref<128xi32, #tpu.memory_space<vmem>>, vector<16xi32>,
        %swap3A_179 = vector.shape_cast %swap3A_178 : vector<16xi32> to vector<16xi32>
        %swap3A_180 = vector.shape_cast %add3A_175 : vector<16xi32> to vector<16xi32>
        tpu.vector_store %arg14[%swap3A], %swap3A_180 {strides = array<i32>} : memref<128xi32, #tpu.memory_space<vmem>>, vector<16xi32>,
        %mul3A_181 = arith.constant 128 : i32
        %mul3A_182 = arith.muli %add3A_153, %mul3A_181 : i32
        %mul3A_183 = arith.constant 16 : i32
        %mul3A_184 = arith.muli %add3A_166, %mul3A_183 : i32
        %add3A_185 = arith.addi %mul3A_182, %mul3A_184 : i32
        %get3A_186 = arith.index_cast %add3A_185 : i32 to index
        %get3A_187 = tpu.vector_load %arg8[%get3A_186] {strides = array<i32>} : memref<10240xi32, #tpu.memory_space<vmem>>, vector<16xi32>,
        %get3A_188 = vector.shape_cast %get3A_187 : vector<16xi32> to vector<16xi32>
        %mul3A_189 = arith.constant 16 : i32
        %mul3A_190 = arith.muli %add3A_166, %mul3A_189 : i32
        %swap3A_191 = arith.index_cast %mul3A_190 : i32 to index
        %swap3A_192 = tpu.vector_load %arg15[%swap3A_191] {strides = array<i32>} : memref<128xi32, #tpu.memory_space<vmem>>, vector<16xi32>,
        %swap3A_193 = vector.shape_cast %swap3A_192 : vector<16xi32> to vector<16xi32>
        %swap3A_194 = vector.shape_cast %get3A_188 : vector<16xi32> to vector<16xi32>
        tpu.vector_store %arg15[%swap3A_191], %swap3A_194 {strides = array<i32>} : memref<128xi32, #tpu.memory_space<vmem>>, vector<16xi32>,
      }
      %scan3A_158 = arith.constant 8 : i32
      %dma_start3A_159 = arith.constant 0 : i32
      %dma_start3A_160 = arith.constant 0 : i32
      %dma_start3A_161 = tpu.memref_slice %arg2[%dma_start3A_159, %dma_start3A_160] : memref<40960x128xf32, #tpu.memory_space<hbm>> -> memref<40960x128xf32, #tpu.memory_space<hbm>>
      tpu.enqueue_indirect_dma source(%dma_start3A_161 : memref<40960x128xf32, #tpu.memory_space<hbm>>) target(%arg16 : memref<128x128xf32, #tpu.memory_space<vmem>>) offsets(%arg14 : memref<128xi32, #tpu.memory_space<vmem>>) semaphore(%arg17 : memref<!tpu.dma_semaphore, #tpu.memory_space<semaphore_mem>>)
    }
    %scan3A_24 = arith.constant 26 : i32
    %dma_wait3A = arith.constant 0 : i32
    %dma_wait3A_25 = arith.constant 0 : i32
    %dma_wait3A_26 = tpu.memref_slice %arg2[%dma_wait3A, %dma_wait3A_25] : memref<40960x128xf32, #tpu.memory_space<hbm>> -> memref<40960x128xf32, #tpu.memory_space<hbm>>
    tpu.wait_indirect_dma semaphore(%arg12 : memref<!tpu.dma_semaphore, #tpu.memory_space<semaphore_mem>>) src(%dma_wait3A_26 : memref<40960x128xf32, #tpu.memory_space<hbm>>) dst(%arg11 : memref<128x128xf32, #tpu.memory_space<vmem>>)
    %dma_start3A_27 = arith.constant 0 : i32
    %dma_start3A_28 = arith.constant 0 : i32
    %dma_start3A_29 = tpu.memref_slice %arg24[%dma_start3A_27, %dma_start3A_28] : memref<5120x128xf32, #tpu.memory_space<vmem_shared>> -> memref<5120x128xf32, #tpu.memory_space<vmem_shared>>
    tpu.enqueue_indirect_dma source(%arg11 : memref<128x128xf32, #tpu.memory_space<vmem>>) target(%dma_start3A_29 : memref<5120x128xf32, #tpu.memory_space<vmem_shared>>) offsets(%arg10 : memref<128xi32, #tpu.memory_space<vmem>>) semaphore(%arg13 : memref<!tpu.dma_semaphore, #tpu.memory_space<semaphore_mem>>) {add = true}
    %dma_wait3A_30 = arith.constant 0 : i32
    %dma_wait3A_31 = arith.constant 0 : i32
    %dma_wait3A_32 = tpu.memref_slice %arg24[%dma_wait3A_30, %dma_wait3A_31] : memref<5120x128xf32, #tpu.memory_space<vmem_shared>> -> memref<5120x128xf32, #tpu.memory_space<vmem_shared>>
    tpu.wait_indirect_dma semaphore(%arg13 : memref<!tpu.dma_semaphore, #tpu.memory_space<semaphore_mem>>) src(%arg11 : memref<128x128xf32, #tpu.memory_space<vmem>>) dst(%dma_wait3A_32 : memref<5120x128xf32, #tpu.memory_space<vmem_shared>>)
    %dma_wait3A_33 = arith.constant 0 : i32
    %dma_wait3A_34 = arith.constant 0 : i32
    %dma_wait3A_35 = tpu.memref_slice %arg2[%dma_wait3A_33, %dma_wait3A_34] : memref<40960x128xf32, #tpu.memory_space<hbm>> -> memref<40960x128xf32, #tpu.memory_space<hbm>>
    tpu.wait_indirect_dma semaphore(%arg17 : memref<!tpu.dma_semaphore, #tpu.memory_space<semaphore_mem>>) src(%dma_wait3A_35 : memref<40960x128xf32, #tpu.memory_space<hbm>>) dst(%arg16 : memref<128x128xf32, #tpu.memory_space<vmem>>)
    %dma_start3A_36 = arith.constant 0 : i32
    %dma_start3A_37 = arith.constant 0 : i32
    %dma_start3A_38 = tpu.memref_slice %arg24[%dma_start3A_36, %dma_start3A_37] : memref<5120x128xf32, #tpu.memory_space<vmem_shared>> -> memref<5120x128xf32, #tpu.memory_space<vmem_shared>>
    tpu.enqueue_indirect_dma source(%arg16 : memref<128x128xf32, #tpu.memory_space<vmem>>) target(%dma_start3A_38 : memref<5120x128xf32, #tpu.memory_space<vmem_shared>>) offsets(%arg15 : memref<128xi32, #tpu.memory_space<vmem>>) semaphore(%arg18 : memref<!tpu.dma_semaphore, #tpu.memory_space<semaphore_mem>>) {add = true}
    %dma_wait3A_39 = arith.constant 0 : i32
    %dma_wait3A_40 = arith.constant 0 : i32
    %dma_wait3A_41 = tpu.memref_slice %arg24[%dma_wait3A_39, %dma_wait3A_40] : memref<5120x128xf32, #tpu.memory_space<vmem_shared>> -> memref<5120x128xf32, #tpu.memory_space<vmem_shared>>
    tpu.wait_indirect_dma semaphore(%arg18 : memref<!tpu.dma_semaphore, #tpu.memory_space<semaphore_mem>>) src(%arg16 : memref<128x128xf32, #tpu.memory_space<vmem>>) dst(%dma_wait3A_41 : memref<5120x128xf32, #tpu.memory_space<vmem_shared>>)
    %barrier3A_42 = arith.constant 0 : index
    tpu.barrier barrier_id(%barrier3A_42)
    %mul3A_43 = arith.constant 320 : i32
    %mul3A_44 = arith.muli %arg1, %mul3A_43 : i32
    %mul3A_45 = arith.constant 320 : i32
    %mul3A_46 = arith.muli %arg1, %mul3A_45 : i32
    "tpu.region"() ({
      %run_scoped3A = tpu.sem_alloc : memref<!tpu.dma_semaphore, #tpu.memory_space<semaphore_mem>>
      %dma_start3A_98 = arith.constant 0 : i32
      %dma_start3A_99 = tpu.memref_slice %arg6[%add3A_1, %mul3A_46, %dma_start3A_98] : memref<4x5120x128xf32, #tpu.memory_space<hbm>> -> memref<1x320x128xf32, #tpu.memory_space<hbm>>
      %dma_start3A_100 = tpu.memref_squeeze %dma_start3A_99 : memref<1x320x128xf32, #tpu.memory_space<hbm>> -> memref<320x128xf32, #tpu.memory_space<hbm>>
      %dma_start3A_101 = arith.constant 0 : i32
      %dma_start3A_102 = tpu.memref_slice %arg24[%mul3A_44, %dma_start3A_101] : memref<5120x128xf32, #tpu.memory_space<vmem_shared>> -> memref<320x128xf32, #tpu.memory_space<vmem_shared>>
      tpu.enqueue_dma source(%dma_start3A_102 : memref<320x128xf32, #tpu.memory_space<vmem_shared>>) target(%dma_start3A_100 : memref<320x128xf32, #tpu.memory_space<hbm>>) target_semaphore(%run_scoped3A : memref<!tpu.dma_semaphore, #tpu.memory_space<semaphore_mem>>)
      %dma_wait3A_103 = arith.constant 0 : i32
      %dma_wait3A_104 = tpu.memref_slice %arg6[%add3A_1, %mul3A_46, %dma_wait3A_103] : memref<4x5120x128xf32, #tpu.memory_space<hbm>> -> memref<1x320x128xf32, #tpu.memory_space<hbm>>
      %dma_wait3A_105 = tpu.memref_squeeze %dma_wait3A_104 : memref<1x320x128xf32, #tpu.memory_space<hbm>> -> memref<320x128xf32, #tpu.memory_space<hbm>>
      %dma_wait3A_106 = arith.constant 0 : i32
      %dma_wait3A_107 = tpu.memref_slice %arg24[%mul3A_44, %dma_wait3A_106] : memref<5120x128xf32, #tpu.memory_space<vmem_shared>> -> memref<320x128xf32, #tpu.memory_space<vmem_shared>>
      tpu.wait_dma2 semaphore(%run_scoped3A : memref<!tpu.dma_semaphore, #tpu.memory_space<semaphore_mem>>) src(%dma_wait3A_107 : memref<320x128xf32, #tpu.memory_space<vmem_shared>>) dst(%dma_wait3A_105 : memref<320x128xf32, #tpu.memory_space<hbm>>)
      tpu.yield
    }) : () -> ()
    %add3A_47 = arith.constant 2 : i32
    %add3A_48 = arith.addi %arg0, %add3A_47 : i32
    %mul3A_49 = arith.constant 10240 : i32
    %mul3A_50 = arith.muli %add3A_48, %mul3A_49 : i32
    %mul3A_51 = arith.constant 320 : i32
    %mul3A_52 = arith.muli %arg1, %mul3A_51 : i32
    "tpu.region"() ({
      %run_scoped3A = tpu.sem_alloc : memref<!tpu.dma_semaphore, #tpu.memory_space<semaphore_mem>>
      %dma_start3A_98 = arith.constant 0 : i32
      %dma_start3A_99 = tpu.memref_slice %arg24[%mul3A_52, %dma_start3A_98] : memref<5120x128xf32, #tpu.memory_space<vmem_shared>> -> memref<320x128xf32, #tpu.memory_space<vmem_shared>>
      %dma_start3A_100 = arith.constant 0 : i32
      %dma_start3A_101 = arith.constant 0 : i32
      %dma_start3A_102 = tpu.memref_slice %arg5[%dma_start3A_100, %dma_start3A_101] : memref<10240x128xf32, #tpu.memory_space<hbm>> -> memref<320x128xf32, #tpu.memory_space<hbm>>
      tpu.enqueue_dma source(%dma_start3A_102 : memref<320x128xf32, #tpu.memory_space<hbm>>) target(%dma_start3A_99 : memref<320x128xf32, #tpu.memory_space<vmem_shared>>) target_semaphore(%run_scoped3A : memref<!tpu.dma_semaphore, #tpu.memory_space<semaphore_mem>>)
      %dma_wait3A_103 = arith.constant 0 : i32
      %dma_wait3A_104 = tpu.memref_slice %arg24[%mul3A_52, %dma_wait3A_103] : memref<5120x128xf32, #tpu.memory_space<vmem_shared>> -> memref<320x128xf32, #tpu.memory_space<vmem_shared>>
      %dma_wait3A_105 = arith.constant 0 : i32
      %dma_wait3A_106 = arith.constant 0 : i32
      %dma_wait3A_107 = tpu.memref_slice %arg5[%dma_wait3A_105, %dma_wait3A_106] : memref<10240x128xf32, #tpu.memory_space<hbm>> -> memref<320x128xf32, #tpu.memory_space<hbm>>
      tpu.wait_dma2 semaphore(%run_scoped3A : memref<!tpu.dma_semaphore, #tpu.memory_space<semaphore_mem>>) src(%dma_wait3A_107 : memref<320x128xf32, #tpu.memory_space<hbm>>) dst(%dma_wait3A_104 : memref<320x128xf32, #tpu.memory_space<vmem_shared>>)
      tpu.yield
    }) : () -> ()
    %barrier3A_53 = arith.constant 0 : index
    tpu.barrier barrier_id(%barrier3A_53)
    %scan3A_54 = arith.constant 0 : i32
    %scan3A_55 = arith.constant 8 : i32
    %scan3A_56 = arith.addi %scan3A_54, %scan3A_55 : i32
    %scan3A_57 = arith.constant 1 : i32
    scf.for %scan3A_98 = %scan3A_54 to %scan3A_56 step %scan3A_57  : i32 {
      %mul3A_99 = arith.constant 1 : i32
      %mul3A_100 = arith.muli %scan3A_98, %mul3A_99 : i32
      %add3A_101 = arith.constant 0 : i32
      %add3A_102 = arith.addi %add3A_101, %mul3A_100 : i32
      %mul3A_103 = arith.constant 16 : i32
      %mul3A_104 = arith.muli %add3A_102, %mul3A_103 : i32
      %add3A_105 = arith.constant 0 : i32
      %add3A_106 = arith.addi %add3A_105, %mul3A_104 : i32
      %get3A = arith.index_cast %add3A_106 : i32 to index
      %get3A_107 = tpu.vector_load %arg7[%get3A] {strides = array<i32>} : memref<10240xi32, #tpu.memory_space<vmem>>, vector<16xi32>,
      %get3A_108 = vector.shape_cast %get3A_107 : vector<16xi32> to vector<16xi32>
      %add3A_109 = vector.broadcast %mul3A_50 : i32 to vector<16xi32>
      %add3A_110 = arith.addi %get3A_108, %add3A_109 : vector<16xi32>
      %mul3A_111 = arith.constant 16 : i32
      %mul3A_112 = arith.muli %add3A_102, %mul3A_111 : i32
      %swap3A = arith.index_cast %mul3A_112 : i32 to index
      %swap3A_113 = tpu.vector_load %arg9[%swap3A] {strides = array<i32>} : memref<128xi32, #tpu.memory_space<vmem>>, vector<16xi32>,
      %swap3A_114 = vector.shape_cast %swap3A_113 : vector<16xi32> to vector<16xi32>
      %swap3A_115 = vector.shape_cast %add3A_110 : vector<16xi32> to vector<16xi32>
      tpu.vector_store %arg9[%swap3A], %swap3A_115 {strides = array<i32>} : memref<128xi32, #tpu.memory_space<vmem>>, vector<16xi32>,
      %mul3A_116 = arith.constant 16 : i32
      %mul3A_117 = arith.muli %add3A_102, %mul3A_116 : i32
      %add3A_118 = arith.constant 0 : i32
      %add3A_119 = arith.addi %add3A_118, %mul3A_117 : i32
      %get3A_120 = arith.index_cast %add3A_119 : i32 to index
      %get3A_121 = tpu.vector_load %arg8[%get3A_120] {strides = array<i32>} : memref<10240xi32, #tpu.memory_space<vmem>>, vector<16xi32>,
      %get3A_122 = vector.shape_cast %get3A_121 : vector<16xi32> to vector<16xi32>
      %mul3A_123 = arith.constant 16 : i32
      %mul3A_124 = arith.muli %add3A_102, %mul3A_123 : i32
      %swap3A_125 = arith.index_cast %mul3A_124 : i32 to index
      %swap3A_126 = tpu.vector_load %arg10[%swap3A_125] {strides = array<i32>} : memref<128xi32, #tpu.memory_space<vmem>>, vector<16xi32>,
      %swap3A_127 = vector.shape_cast %swap3A_126 : vector<16xi32> to vector<16xi32>
      %swap3A_128 = vector.shape_cast %get3A_122 : vector<16xi32> to vector<16xi32>
      tpu.vector_store %arg10[%swap3A_125], %swap3A_128 {strides = array<i32>} : memref<128xi32, #tpu.memory_space<vmem>>, vector<16xi32>,
    }
    %scan3A_58 = arith.constant 8 : i32
    %dma_start3A_59 = arith.constant 0 : i32
    %dma_start3A_60 = arith.constant 0 : i32
    %dma_start3A_61 = tpu.memref_slice %arg2[%dma_start3A_59, %dma_start3A_60] : memref<40960x128xf32, #tpu.memory_space<hbm>> -> memref<40960x128xf32, #tpu.memory_space<hbm>>
    tpu.enqueue_indirect_dma source(%dma_start3A_61 : memref<40960x128xf32, #tpu.memory_space<hbm>>) target(%arg11 : memref<128x128xf32, #tpu.memory_space<vmem>>) offsets(%arg9 : memref<128xi32, #tpu.memory_space<vmem>>) semaphore(%arg12 : memref<!tpu.dma_semaphore, #tpu.memory_space<semaphore_mem>>)
    %scan3A_62 = arith.constant 0 : i32
    %scan3A_63 = arith.constant 8 : i32
    %scan3A_64 = arith.addi %scan3A_62, %scan3A_63 : i32
    %scan3A_65 = arith.constant 1 : i32
    scf.for %scan3A_98 = %scan3A_62 to %scan3A_64 step %scan3A_65  : i32 {
      %mul3A_99 = arith.constant 1 : i32
      %mul3A_100 = arith.muli %scan3A_98, %mul3A_99 : i32
      %add3A_101 = arith.constant 0 : i32
      %add3A_102 = arith.addi %add3A_101, %mul3A_100 : i32
      %mul3A_103 = arith.constant 16 : i32
      %mul3A_104 = arith.muli %add3A_102, %mul3A_103 : i32
      %add3A_105 = arith.constant 128 : i32
      %add3A_106 = arith.addi %add3A_105, %mul3A_104 : i32
      %get3A = arith.index_cast %add3A_106 : i32 to index
      %get3A_107 = tpu.vector_load %arg7[%get3A] {strides = array<i32>} : memref<10240xi32, #tpu.memory_space<vmem>>, vector<16xi32>,
      %get3A_108 = vector.shape_cast %get3A_107 : vector<16xi32> to vector<16xi32>
      %add3A_109 = vector.broadcast %mul3A_50 : i32 to vector<16xi32>
      %add3A_110 = arith.addi %get3A_108, %add3A_109 : vector<16xi32>
      %mul3A_111 = arith.constant 16 : i32
      %mul3A_112 = arith.muli %add3A_102, %mul3A_111 : i32
      %swap3A = arith.index_cast %mul3A_112 : i32 to index
      %swap3A_113 = tpu.vector_load %arg14[%swap3A] {strides = array<i32>} : memref<128xi32, #tpu.memory_space<vmem>>, vector<16xi32>,
      %swap3A_114 = vector.shape_cast %swap3A_113 : vector<16xi32> to vector<16xi32>
      %swap3A_115 = vector.shape_cast %add3A_110 : vector<16xi32> to vector<16xi32>
      tpu.vector_store %arg14[%swap3A], %swap3A_115 {strides = array<i32>} : memref<128xi32, #tpu.memory_space<vmem>>, vector<16xi32>,
      %mul3A_116 = arith.constant 16 : i32
      %mul3A_117 = arith.muli %add3A_102, %mul3A_116 : i32
      %add3A_118 = arith.constant 128 : i32
      %add3A_119 = arith.addi %add3A_118, %mul3A_117 : i32
      %get3A_120 = arith.index_cast %add3A_119 : i32 to index
      %get3A_121 = tpu.vector_load %arg8[%get3A_120] {strides = array<i32>} : memref<10240xi32, #tpu.memory_space<vmem>>, vector<16xi32>,
      %get3A_122 = vector.shape_cast %get3A_121 : vector<16xi32> to vector<16xi32>
      %mul3A_123 = arith.constant 16 : i32
      %mul3A_124 = arith.muli %add3A_102, %mul3A_123 : i32
      %swap3A_125 = arith.index_cast %mul3A_124 : i32 to index
      %swap3A_126 = tpu.vector_load %arg15[%swap3A_125] {strides = array<i32>} : memref<128xi32, #tpu.memory_space<vmem>>, vector<16xi32>,
      %swap3A_127 = vector.shape_cast %swap3A_126 : vector<16xi32> to vector<16xi32>
      %swap3A_128 = vector.shape_cast %get3A_122 : vector<16xi32> to vector<16xi32>
      tpu.vector_store %arg15[%swap3A_125], %swap3A_128 {strides = array<i32>} : memref<128xi32, #tpu.memory_space<vmem>>, vector<16xi32>,
    }
    %scan3A_66 = arith.constant 8 : i32
    %dma_start3A_67 = arith.constant 0 : i32
    %dma_start3A_68 = arith.constant 0 : i32
    %dma_start3A_69 = tpu.memref_slice %arg2[%dma_start3A_67, %dma_start3A_68] : memref<40960x128xf32, #tpu.memory_space<hbm>> -> memref<40960x128xf32, #tpu.memory_space<hbm>>
    tpu.enqueue_indirect_dma source(%dma_start3A_69 : memref<40960x128xf32, #tpu.memory_space<hbm>>) target(%arg16 : memref<128x128xf32, #tpu.memory_space<vmem>>) offsets(%arg14 : memref<128xi32, #tpu.memory_space<vmem>>) semaphore(%arg17 : memref<!tpu.dma_semaphore, #tpu.memory_space<semaphore_mem>>)
    %scan3A_70 = arith.constant 0 : i32
    %scan3A_71 = arith.constant 26 : i32
    %scan3A_72 = arith.addi %scan3A_70, %scan3A_71 : i32
    %scan3A_73 = arith.constant 1 : i32
    scf.for %scan3A_98 = %scan3A_70 to %scan3A_72 step %scan3A_73  : i32 {
      %mul3A_99 = arith.constant 1 : i32
      %mul3A_100 = arith.muli %scan3A_98, %mul3A_99 : i32
      %add3A_101 = arith.constant 0 : i32
      %add3A_102 = arith.addi %add3A_101, %mul3A_100 : i32
      %mul3A_103 = arith.constant 3 : i32
      %mul3A_104 = arith.muli %mul3A_103, %add3A_102 : i32
      %dma_wait3A_105 = arith.constant 0 : i32
      %dma_wait3A_106 = arith.constant 0 : i32
      %dma_wait3A_107 = tpu.memref_slice %arg2[%dma_wait3A_105, %dma_wait3A_106] : memref<40960x128xf32, #tpu.memory_space<hbm>> -> memref<40960x128xf32, #tpu.memory_space<hbm>>
      tpu.wait_indirect_dma semaphore(%arg12 : memref<!tpu.dma_semaphore, #tpu.memory_space<semaphore_mem>>) src(%dma_wait3A_107 : memref<40960x128xf32, #tpu.memory_space<hbm>>) dst(%arg11 : memref<128x128xf32, #tpu.memory_space<vmem>>)
      %dma_start3A_108 = arith.constant 0 : i32
      %dma_start3A_109 = arith.constant 0 : i32
      %dma_start3A_110 = tpu.memref_slice %arg24[%dma_start3A_108, %dma_start3A_109] : memref<5120x128xf32, #tpu.memory_space<vmem_shared>> -> memref<5120x128xf32, #tpu.memory_space<vmem_shared>>
      tpu.enqueue_indirect_dma source(%arg11 : memref<128x128xf32, #tpu.memory_space<vmem>>) target(%dma_start3A_110 : memref<5120x128xf32, #tpu.memory_space<vmem_shared>>) offsets(%arg10 : memref<128xi32, #tpu.memory_space<vmem>>) semaphore(%arg13 : memref<!tpu.dma_semaphore, #tpu.memory_space<semaphore_mem>>) {add = true}
      %dma_wait3A_111 = arith.constant 0 : i32
      %dma_wait3A_112 = arith.constant 0 : i32
      %dma_wait3A_113 = tpu.memref_slice %arg24[%dma_wait3A_111, %dma_wait3A_112] : memref<5120x128xf32, #tpu.memory_space<vmem_shared>> -> memref<5120x128xf32, #tpu.memory_space<vmem_shared>>
      tpu.wait_indirect_dma semaphore(%arg13 : memref<!tpu.dma_semaphore, #tpu.memory_space<semaphore_mem>>) src(%arg11 : memref<128x128xf32, #tpu.memory_space<vmem>>) dst(%dma_wait3A_113 : memref<5120x128xf32, #tpu.memory_space<vmem_shared>>)
      %add3A_114 = arith.constant 2 : i32
      %add3A_115 = arith.addi %mul3A_104, %add3A_114 : i32
      %scan3A_116 = arith.constant 0 : i32
      %scan3A_117 = arith.constant 8 : i32
      %scan3A_118 = arith.addi %scan3A_116, %scan3A_117 : i32
      %scan3A_119 = arith.constant 1 : i32
      scf.for %scan3A_162 = %scan3A_116 to %scan3A_118 step %scan3A_119  : i32 {
        %mul3A_163 = arith.constant 1 : i32
        %mul3A_164 = arith.muli %scan3A_162, %mul3A_163 : i32
        %add3A_165 = arith.constant 0 : i32
        %add3A_166 = arith.addi %add3A_165, %mul3A_164 : i32
        %mul3A_167 = arith.constant 128 : i32
        %mul3A_168 = arith.muli %add3A_115, %mul3A_167 : i32
        %mul3A_169 = arith.constant 16 : i32
        %mul3A_170 = arith.muli %add3A_166, %mul3A_169 : i32
        %add3A_171 = arith.addi %mul3A_168, %mul3A_170 : i32
        %get3A = arith.index_cast %add3A_171 : i32 to index
        %get3A_172 = tpu.vector_load %arg7[%get3A] {strides = array<i32>} : memref<10240xi32, #tpu.memory_space<vmem>>, vector<16xi32>,
        %get3A_173 = vector.shape_cast %get3A_172 : vector<16xi32> to vector<16xi32>
        %add3A_174 = vector.broadcast %mul3A_50 : i32 to vector<16xi32>
        %add3A_175 = arith.addi %get3A_173, %add3A_174 : vector<16xi32>
        %mul3A_176 = arith.constant 16 : i32
        %mul3A_177 = arith.muli %add3A_166, %mul3A_176 : i32
        %swap3A = arith.index_cast %mul3A_177 : i32 to index
        %swap3A_178 = tpu.vector_load %arg19[%swap3A] {strides = array<i32>} : memref<128xi32, #tpu.memory_space<vmem>>, vector<16xi32>,
        %swap3A_179 = vector.shape_cast %swap3A_178 : vector<16xi32> to vector<16xi32>
        %swap3A_180 = vector.shape_cast %add3A_175 : vector<16xi32> to vector<16xi32>
        tpu.vector_store %arg19[%swap3A], %swap3A_180 {strides = array<i32>} : memref<128xi32, #tpu.memory_space<vmem>>, vector<16xi32>,
        %mul3A_181 = arith.constant 128 : i32
        %mul3A_182 = arith.muli %add3A_115, %mul3A_181 : i32
        %mul3A_183 = arith.constant 16 : i32
        %mul3A_184 = arith.muli %add3A_166, %mul3A_183 : i32
        %add3A_185 = arith.addi %mul3A_182, %mul3A_184 : i32
        %get3A_186 = arith.index_cast %add3A_185 : i32 to index
        %get3A_187 = tpu.vector_load %arg8[%get3A_186] {strides = array<i32>} : memref<10240xi32, #tpu.memory_space<vmem>>, vector<16xi32>,
        %get3A_188 = vector.shape_cast %get3A_187 : vector<16xi32> to vector<16xi32>
        %mul3A_189 = arith.constant 16 : i32
        %mul3A_190 = arith.muli %add3A_166, %mul3A_189 : i32
        %swap3A_191 = arith.index_cast %mul3A_190 : i32 to index
        %swap3A_192 = tpu.vector_load %arg20[%swap3A_191] {strides = array<i32>} : memref<128xi32, #tpu.memory_space<vmem>>, vector<16xi32>,
        %swap3A_193 = vector.shape_cast %swap3A_192 : vector<16xi32> to vector<16xi32>
        %swap3A_194 = vector.shape_cast %get3A_188 : vector<16xi32> to vector<16xi32>
        tpu.vector_store %arg20[%swap3A_191], %swap3A_194 {strides = array<i32>} : memref<128xi32, #tpu.memory_space<vmem>>, vector<16xi32>,
      }
      %scan3A_120 = arith.constant 8 : i32
      %dma_start3A_121 = arith.constant 0 : i32
      %dma_start3A_122 = arith.constant 0 : i32
      %dma_start3A_123 = tpu.memref_slice %arg2[%dma_start3A_121, %dma_start3A_122] : memref<40960x128xf32, #tpu.memory_space<hbm>> -> memref<40960x128xf32, #tpu.memory_space<hbm>>
      tpu.enqueue_indirect_dma source(%dma_start3A_123 : memref<40960x128xf32, #tpu.memory_space<hbm>>) target(%arg21 : memref<128x128xf32, #tpu.memory_space<vmem>>) offsets(%arg19 : memref<128xi32, #tpu.memory_space<vmem>>) semaphore(%arg22 : memref<!tpu.dma_semaphore, #tpu.memory_space<semaphore_mem>>)
      %dma_wait3A_124 = arith.constant 0 : i32
      %dma_wait3A_125 = arith.constant 0 : i32
      %dma_wait3A_126 = tpu.memref_slice %arg2[%dma_wait3A_124, %dma_wait3A_125] : memref<40960x128xf32, #tpu.memory_space<hbm>> -> memref<40960x128xf32, #tpu.memory_space<hbm>>
      tpu.wait_indirect_dma semaphore(%arg17 : memref<!tpu.dma_semaphore, #tpu.memory_space<semaphore_mem>>) src(%dma_wait3A_126 : memref<40960x128xf32, #tpu.memory_space<hbm>>) dst(%arg16 : memref<128x128xf32, #tpu.memory_space<vmem>>)
      %dma_start3A_127 = arith.constant 0 : i32
      %dma_start3A_128 = arith.constant 0 : i32
      %dma_start3A_129 = tpu.memref_slice %arg24[%dma_start3A_127, %dma_start3A_128] : memref<5120x128xf32, #tpu.memory_space<vmem_shared>> -> memref<5120x128xf32, #tpu.memory_space<vmem_shared>>
      tpu.enqueue_indirect_dma source(%arg16 : memref<128x128xf32, #tpu.memory_space<vmem>>) target(%dma_start3A_129 : memref<5120x128xf32, #tpu.memory_space<vmem_shared>>) offsets(%arg15 : memref<128xi32, #tpu.memory_space<vmem>>) semaphore(%arg18 : memref<!tpu.dma_semaphore, #tpu.memory_space<semaphore_mem>>) {add = true}
      %dma_wait3A_130 = arith.constant 0 : i32
      %dma_wait3A_131 = arith.constant 0 : i32
      %dma_wait3A_132 = tpu.memref_slice %arg24[%dma_wait3A_130, %dma_wait3A_131] : memref<5120x128xf32, #tpu.memory_space<vmem_shared>> -> memref<5120x128xf32, #tpu.memory_space<vmem_shared>>
      tpu.wait_indirect_dma semaphore(%arg18 : memref<!tpu.dma_semaphore, #tpu.memory_space<semaphore_mem>>) src(%arg16 : memref<128x128xf32, #tpu.memory_space<vmem>>) dst(%dma_wait3A_132 : memref<5120x128xf32, #tpu.memory_space<vmem_shared>>)
      %add3A_133 = arith.constant 3 : i32
      %add3A_134 = arith.addi %mul3A_104, %add3A_133 : i32
      %scan3A_135 = arith.constant 0 : i32
      %scan3A_136 = arith.constant 8 : i32
      %scan3A_137 = arith.addi %scan3A_135, %scan3A_136 : i32
      %scan3A_138 = arith.constant 1 : i32
      scf.for %scan3A_162 = %scan3A_135 to %scan3A_137 step %scan3A_138  : i32 {
        %mul3A_163 = arith.constant 1 : i32
        %mul3A_164 = arith.muli %scan3A_162, %mul3A_163 : i32
        %add3A_165 = arith.constant 0 : i32
        %add3A_166 = arith.addi %add3A_165, %mul3A_164 : i32
        %mul3A_167 = arith.constant 128 : i32
        %mul3A_168 = arith.muli %add3A_134, %mul3A_167 : i32
        %mul3A_169 = arith.constant 16 : i32
        %mul3A_170 = arith.muli %add3A_166, %mul3A_169 : i32
        %add3A_171 = arith.addi %mul3A_168, %mul3A_170 : i32
        %get3A = arith.index_cast %add3A_171 : i32 to index
        %get3A_172 = tpu.vector_load %arg7[%get3A] {strides = array<i32>} : memref<10240xi32, #tpu.memory_space<vmem>>, vector<16xi32>,
        %get3A_173 = vector.shape_cast %get3A_172 : vector<16xi32> to vector<16xi32>
        %add3A_174 = vector.broadcast %mul3A_50 : i32 to vector<16xi32>
        %add3A_175 = arith.addi %get3A_173, %add3A_174 : vector<16xi32>
        %mul3A_176 = arith.constant 16 : i32
        %mul3A_177 = arith.muli %add3A_166, %mul3A_176 : i32
        %swap3A = arith.index_cast %mul3A_177 : i32 to index
        %swap3A_178 = tpu.vector_load %arg9[%swap3A] {strides = array<i32>} : memref<128xi32, #tpu.memory_space<vmem>>, vector<16xi32>,
        %swap3A_179 = vector.shape_cast %swap3A_178 : vector<16xi32> to vector<16xi32>
        %swap3A_180 = vector.shape_cast %add3A_175 : vector<16xi32> to vector<16xi32>
        tpu.vector_store %arg9[%swap3A], %swap3A_180 {strides = array<i32>} : memref<128xi32, #tpu.memory_space<vmem>>, vector<16xi32>,
        %mul3A_181 = arith.constant 128 : i32
        %mul3A_182 = arith.muli %add3A_134, %mul3A_181 : i32
        %mul3A_183 = arith.constant 16 : i32
        %mul3A_184 = arith.muli %add3A_166, %mul3A_183 : i32
        %add3A_185 = arith.addi %mul3A_182, %mul3A_184 : i32
        %get3A_186 = arith.index_cast %add3A_185 : i32 to index
        %get3A_187 = tpu.vector_load %arg8[%get3A_186] {strides = array<i32>} : memref<10240xi32, #tpu.memory_space<vmem>>, vector<16xi32>,
        %get3A_188 = vector.shape_cast %get3A_187 : vector<16xi32> to vector<16xi32>
        %mul3A_189 = arith.constant 16 : i32
        %mul3A_190 = arith.muli %add3A_166, %mul3A_189 : i32
        %swap3A_191 = arith.index_cast %mul3A_190 : i32 to index
        %swap3A_192 = tpu.vector_load %arg10[%swap3A_191] {strides = array<i32>} : memref<128xi32, #tpu.memory_space<vmem>>, vector<16xi32>,
        %swap3A_193 = vector.shape_cast %swap3A_192 : vector<16xi32> to vector<16xi32>
        %swap3A_194 = vector.shape_cast %get3A_188 : vector<16xi32> to vector<16xi32>
        tpu.vector_store %arg10[%swap3A_191], %swap3A_194 {strides = array<i32>} : memref<128xi32, #tpu.memory_space<vmem>>, vector<16xi32>,
      }
      %scan3A_139 = arith.constant 8 : i32
      %dma_start3A_140 = arith.constant 0 : i32
      %dma_start3A_141 = arith.constant 0 : i32
      %dma_start3A_142 = tpu.memref_slice %arg2[%dma_start3A_140, %dma_start3A_141] : memref<40960x128xf32, #tpu.memory_space<hbm>> -> memref<40960x128xf32, #tpu.memory_space<hbm>>
      tpu.enqueue_indirect_dma source(%dma_start3A_142 : memref<40960x128xf32, #tpu.memory_space<hbm>>) target(%arg11 : memref<128x128xf32, #tpu.memory_space<vmem>>) offsets(%arg9 : memref<128xi32, #tpu.memory_space<vmem>>) semaphore(%arg12 : memref<!tpu.dma_semaphore, #tpu.memory_space<semaphore_mem>>)
      %dma_wait3A_143 = arith.constant 0 : i32
      %dma_wait3A_144 = arith.constant 0 : i32
      %dma_wait3A_145 = tpu.memref_slice %arg2[%dma_wait3A_143, %dma_wait3A_144] : memref<40960x128xf32, #tpu.memory_space<hbm>> -> memref<40960x128xf32, #tpu.memory_space<hbm>>
      tpu.wait_indirect_dma semaphore(%arg22 : memref<!tpu.dma_semaphore, #tpu.memory_space<semaphore_mem>>) src(%dma_wait3A_145 : memref<40960x128xf32, #tpu.memory_space<hbm>>) dst(%arg21 : memref<128x128xf32, #tpu.memory_space<vmem>>)
      %dma_start3A_146 = arith.constant 0 : i32
      %dma_start3A_147 = arith.constant 0 : i32
      %dma_start3A_148 = tpu.memref_slice %arg24[%dma_start3A_146, %dma_start3A_147] : memref<5120x128xf32, #tpu.memory_space<vmem_shared>> -> memref<5120x128xf32, #tpu.memory_space<vmem_shared>>
      tpu.enqueue_indirect_dma source(%arg21 : memref<128x128xf32, #tpu.memory_space<vmem>>) target(%dma_start3A_148 : memref<5120x128xf32, #tpu.memory_space<vmem_shared>>) offsets(%arg20 : memref<128xi32, #tpu.memory_space<vmem>>) semaphore(%arg23 : memref<!tpu.dma_semaphore, #tpu.memory_space<semaphore_mem>>) {add = true}
      %dma_wait3A_149 = arith.constant 0 : i32
      %dma_wait3A_150 = arith.constant 0 : i32
      %dma_wait3A_151 = tpu.memref_slice %arg24[%dma_wait3A_149, %dma_wait3A_150] : memref<5120x128xf32, #tpu.memory_space<vmem_shared>> -> memref<5120x128xf32, #tpu.memory_space<vmem_shared>>
      tpu.wait_indirect_dma semaphore(%arg23 : memref<!tpu.dma_semaphore, #tpu.memory_space<semaphore_mem>>) src(%arg21 : memref<128x128xf32, #tpu.memory_space<vmem>>) dst(%dma_wait3A_151 : memref<5120x128xf32, #tpu.memory_space<vmem_shared>>)
      %add3A_152 = arith.constant 4 : i32
      %add3A_153 = arith.addi %mul3A_104, %add3A_152 : i32
      %scan3A_154 = arith.constant 0 : i32
      %scan3A_155 = arith.constant 8 : i32
      %scan3A_156 = arith.addi %scan3A_154, %scan3A_155 : i32
      %scan3A_157 = arith.constant 1 : i32
      scf.for %scan3A_162 = %scan3A_154 to %scan3A_156 step %scan3A_157  : i32 {
        %mul3A_163 = arith.constant 1 : i32
        %mul3A_164 = arith.muli %scan3A_162, %mul3A_163 : i32
        %add3A_165 = arith.constant 0 : i32
        %add3A_166 = arith.addi %add3A_165, %mul3A_164 : i32
        %mul3A_167 = arith.constant 128 : i32
        %mul3A_168 = arith.muli %add3A_153, %mul3A_167 : i32
        %mul3A_169 = arith.constant 16 : i32
        %mul3A_170 = arith.muli %add3A_166, %mul3A_169 : i32
        %add3A_171 = arith.addi %mul3A_168, %mul3A_170 : i32
        %get3A = arith.index_cast %add3A_171 : i32 to index
        %get3A_172 = tpu.vector_load %arg7[%get3A] {strides = array<i32>} : memref<10240xi32, #tpu.memory_space<vmem>>, vector<16xi32>,
        %get3A_173 = vector.shape_cast %get3A_172 : vector<16xi32> to vector<16xi32>
        %add3A_174 = vector.broadcast %mul3A_50 : i32 to vector<16xi32>
        %add3A_175 = arith.addi %get3A_173, %add3A_174 : vector<16xi32>
        %mul3A_176 = arith.constant 16 : i32
        %mul3A_177 = arith.muli %add3A_166, %mul3A_176 : i32
        %swap3A = arith.index_cast %mul3A_177 : i32 to index
        %swap3A_178 = tpu.vector_load %arg14[%swap3A] {strides = array<i32>} : memref<128xi32, #tpu.memory_space<vmem>>, vector<16xi32>,
        %swap3A_179 = vector.shape_cast %swap3A_178 : vector<16xi32> to vector<16xi32>
        %swap3A_180 = vector.shape_cast %add3A_175 : vector<16xi32> to vector<16xi32>
        tpu.vector_store %arg14[%swap3A], %swap3A_180 {strides = array<i32>} : memref<128xi32, #tpu.memory_space<vmem>>, vector<16xi32>,
        %mul3A_181 = arith.constant 128 : i32
        %mul3A_182 = arith.muli %add3A_153, %mul3A_181 : i32
        %mul3A_183 = arith.constant 16 : i32
        %mul3A_184 = arith.muli %add3A_166, %mul3A_183 : i32
        %add3A_185 = arith.addi %mul3A_182, %mul3A_184 : i32
        %get3A_186 = arith.index_cast %add3A_185 : i32 to index
        %get3A_187 = tpu.vector_load %arg8[%get3A_186] {strides = array<i32>} : memref<10240xi32, #tpu.memory_space<vmem>>, vector<16xi32>,
        %get3A_188 = vector.shape_cast %get3A_187 : vector<16xi32> to vector<16xi32>
        %mul3A_189 = arith.constant 16 : i32
        %mul3A_190 = arith.muli %add3A_166, %mul3A_189 : i32
        %swap3A_191 = arith.index_cast %mul3A_190 : i32 to index
        %swap3A_192 = tpu.vector_load %arg15[%swap3A_191] {strides = array<i32>} : memref<128xi32, #tpu.memory_space<vmem>>, vector<16xi32>,
        %swap3A_193 = vector.shape_cast %swap3A_192 : vector<16xi32> to vector<16xi32>
        %swap3A_194 = vector.shape_cast %get3A_188 : vector<16xi32> to vector<16xi32>
        tpu.vector_store %arg15[%swap3A_191], %swap3A_194 {strides = array<i32>} : memref<128xi32, #tpu.memory_space<vmem>>, vector<16xi32>,
      }
      %scan3A_158 = arith.constant 8 : i32
      %dma_start3A_159 = arith.constant 0 : i32
      %dma_start3A_160 = arith.constant 0 : i32
      %dma_start3A_161 = tpu.memref_slice %arg2[%dma_start3A_159, %dma_start3A_160] : memref<40960x128xf32, #tpu.memory_space<hbm>> -> memref<40960x128xf32, #tpu.memory_space<hbm>>
      tpu.enqueue_indirect_dma source(%dma_start3A_161 : memref<40960x128xf32, #tpu.memory_space<hbm>>) target(%arg16 : memref<128x128xf32, #tpu.memory_space<vmem>>) offsets(%arg14 : memref<128xi32, #tpu.memory_space<vmem>>) semaphore(%arg17 : memref<!tpu.dma_semaphore, #tpu.memory_space<semaphore_mem>>)
    }
    %scan3A_74 = arith.constant 26 : i32
    %dma_wait3A_75 = arith.constant 0 : i32
    %dma_wait3A_76 = arith.constant 0 : i32
    %dma_wait3A_77 = tpu.memref_slice %arg2[%dma_wait3A_75, %dma_wait3A_76] : memref<40960x128xf32, #tpu.memory_space<hbm>> -> memref<40960x128xf32, #tpu.memory_space<hbm>>
    tpu.wait_indirect_dma semaphore(%arg12 : memref<!tpu.dma_semaphore, #tpu.memory_space<semaphore_mem>>) src(%dma_wait3A_77 : memref<40960x128xf32, #tpu.memory_space<hbm>>) dst(%arg11 : memref<128x128xf32, #tpu.memory_space<vmem>>)
    %dma_start3A_78 = arith.constant 0 : i32
    %dma_start3A_79 = arith.constant 0 : i32
    %dma_start3A_80 = tpu.memref_slice %arg24[%dma_start3A_78, %dma_start3A_79] : memref<5120x128xf32, #tpu.memory_space<vmem_shared>> -> memref<5120x128xf32, #tpu.memory_space<vmem_shared>>
    tpu.enqueue_indirect_dma source(%arg11 : memref<128x128xf32, #tpu.memory_space<vmem>>) target(%dma_start3A_80 : memref<5120x128xf32, #tpu.memory_space<vmem_shared>>) offsets(%arg10 : memref<128xi32, #tpu.memory_space<vmem>>) semaphore(%arg13 : memref<!tpu.dma_semaphore, #tpu.memory_space<semaphore_mem>>) {add = true}
    %dma_wait3A_81 = arith.constant 0 : i32
    %dma_wait3A_82 = arith.constant 0 : i32
    %dma_wait3A_83 = tpu.memref_slice %arg24[%dma_wait3A_81, %dma_wait3A_82] : memref<5120x128xf32, #tpu.memory_space<vmem_shared>> -> memref<5120x128xf32, #tpu.memory_space<vmem_shared>>
    tpu.wait_indirect_dma semaphore(%arg13 : memref<!tpu.dma_semaphore, #tpu.memory_space<semaphore_mem>>) src(%arg11 : memref<128x128xf32, #tpu.memory_space<vmem>>) dst(%dma_wait3A_83 : memref<5120x128xf32, #tpu.memory_space<vmem_shared>>)
    %dma_wait3A_84 = arith.constant 0 : i32
    %dma_wait3A_85 = arith.constant 0 : i32
    %dma_wait3A_86 = tpu.memref_slice %arg2[%dma_wait3A_84, %dma_wait3A_85] : memref<40960x128xf32, #tpu.memory_space<hbm>> -> memref<40960x128xf32, #tpu.memory_space<hbm>>
    tpu.wait_indirect_dma semaphore(%arg17 : memref<!tpu.dma_semaphore, #tpu.memory_space<semaphore_mem>>) src(%dma_wait3A_86 : memref<40960x128xf32, #tpu.memory_space<hbm>>) dst(%arg16 : memref<128x128xf32, #tpu.memory_space<vmem>>)
    %dma_start3A_87 = arith.constant 0 : i32
    %dma_start3A_88 = arith.constant 0 : i32
    %dma_start3A_89 = tpu.memref_slice %arg24[%dma_start3A_87, %dma_start3A_88] : memref<5120x128xf32, #tpu.memory_space<vmem_shared>> -> memref<5120x128xf32, #tpu.memory_space<vmem_shared>>
    tpu.enqueue_indirect_dma source(%arg16 : memref<128x128xf32, #tpu.memory_space<vmem>>) target(%dma_start3A_89 : memref<5120x128xf32, #tpu.memory_space<vmem_shared>>) offsets(%arg15 : memref<128xi32, #tpu.memory_space<vmem>>) semaphore(%arg18 : memref<!tpu.dma_semaphore, #tpu.memory_space<semaphore_mem>>) {add = true}
    %dma_wait3A_90 = arith.constant 0 : i32
    %dma_wait3A_91 = arith.constant 0 : i32
    %dma_wait3A_92 = tpu.memref_slice %arg24[%dma_wait3A_90, %dma_wait3A_91] : memref<5120x128xf32, #tpu.memory_space<vmem_shared>> -> memref<5120x128xf32, #tpu.memory_space<vmem_shared>>
    tpu.wait_indirect_dma semaphore(%arg18 : memref<!tpu.dma_semaphore, #tpu.memory_space<semaphore_mem>>) src(%arg16 : memref<128x128xf32, #tpu.memory_space<vmem>>) dst(%dma_wait3A_92 : memref<5120x128xf32, #tpu.memory_space<vmem_shared>>)
    %barrier3A_93 = arith.constant 0 : index
    tpu.barrier barrier_id(%barrier3A_93)
    %mul3A_94 = arith.constant 320 : i32
    %mul3A_95 = arith.muli %arg1, %mul3A_94 : i32
    %mul3A_96 = arith.constant 320 : i32
    %mul3A_97 = arith.muli %arg1, %mul3A_96 : i32
    "tpu.region"() ({
      %run_scoped3A = tpu.sem_alloc : memref<!tpu.dma_semaphore, #tpu.memory_space<semaphore_mem>>
      %dma_start3A_98 = arith.constant 0 : i32
      %dma_start3A_99 = tpu.memref_slice %arg6[%add3A_48, %mul3A_97, %dma_start3A_98] : memref<4x5120x128xf32, #tpu.memory_space<hbm>> -> memref<1x320x128xf32, #tpu.memory_space<hbm>>
      %dma_start3A_100 = tpu.memref_squeeze %dma_start3A_99 : memref<1x320x128xf32, #tpu.memory_space<hbm>> -> memref<320x128xf32, #tpu.memory_space<hbm>>
      %dma_start3A_101 = arith.constant 0 : i32
      %dma_start3A_102 = tpu.memref_slice %arg24[%mul3A_95, %dma_start3A_101] : memref<5120x128xf32, #tpu.memory_space<vmem_shared>> -> memref<320x128xf32, #tpu.memory_space<vmem_shared>>
      tpu.enqueue_dma source(%dma_start3A_102 : memref<320x128xf32, #tpu.memory_space<vmem_shared>>) target(%dma_start3A_100 : memref<320x128xf32, #tpu.memory_space<hbm>>) target_semaphore(%run_scoped3A : memref<!tpu.dma_semaphore, #tpu.memory_space<semaphore_mem>>)
      %dma_wait3A_103 = arith.constant 0 : i32
      %dma_wait3A_104 = tpu.memref_slice %arg6[%add3A_48, %mul3A_97, %dma_wait3A_103] : memref<4x5120x128xf32, #tpu.memory_space<hbm>> -> memref<1x320x128xf32, #tpu.memory_space<hbm>>
      %dma_wait3A_105 = tpu.memref_squeeze %dma_wait3A_104 : memref<1x320x128xf32, #tpu.memory_space<hbm>> -> memref<320x128xf32, #tpu.memory_space<hbm>>
      %dma_wait3A_106 = arith.constant 0 : i32
      %dma_wait3A_107 = tpu.memref_slice %arg24[%mul3A_95, %dma_wait3A_106] : memref<5120x128xf32, #tpu.memory_space<vmem_shared>> -> memref<320x128xf32, #tpu.memory_space<vmem_shared>>
      tpu.wait_dma2 semaphore(%run_scoped3A : memref<!tpu.dma_semaphore, #tpu.memory_space<semaphore_mem>>) src(%dma_wait3A_107 : memref<320x128xf32, #tpu.memory_space<vmem_shared>>) dst(%dma_wait3A_105 : memref<320x128xf32, #tpu.memory_space<hbm>>)
      tpu.yield
    }) : () -> ()
    return
  }
}

#map = affine_map<(d0, d1) -> (0, 0)>
#map1 = affine_map<(d0, d1) -> (0)>
#map2 = affine_map<(d0, d1) -> (0, 0, 0)>
module attributes {stable_mosaic.version = 14 : i64} {
  func.func @k(%arg0: i32, %arg1: i32, %arg2: memref<20480x128xf32, #tpu.memory_space<hbm>>, %arg3: memref<163840xi32, #tpu.memory_space<hbm>>, %arg4: memref<163840xi32, #tpu.memory_space<hbm>>, %arg5: memref<10240x128xf32, #tpu.memory_space<hbm>>, %arg6: memref<4x10240x128xf32, #tpu.memory_space<hbm>>, %arg7: memref<10240xi32, #tpu.memory_space<vmem>>, %arg8: memref<10240xi32, #tpu.memory_space<vmem>>, %arg9: memref<80xi32, #tpu.memory_space<vmem>>, %arg10: memref<80xi32, #tpu.memory_space<vmem>>, %arg11: memref<80x128xf32, #tpu.memory_space<vmem>>, %arg12: memref<!tpu.dma_semaphore, #tpu.memory_space<semaphore_mem>>, %arg13: memref<!tpu.dma_semaphore, #tpu.memory_space<semaphore_mem>>, %arg14: memref<80xi32, #tpu.memory_space<vmem>>, %arg15: memref<80xi32, #tpu.memory_space<vmem>>, %arg16: memref<80x128xf32, #tpu.memory_space<vmem>>, %arg17: memref<!tpu.dma_semaphore, #tpu.memory_space<semaphore_mem>>, %arg18: memref<!tpu.dma_semaphore, #tpu.memory_space<semaphore_mem>>, %arg19: memref<10240x128xf32, #tpu.memory_space<vmem_shared>>) attributes {dimension_semantics = [#tpu.dimension_semantics<core_parallel>, #tpu.dimension_semantics<subcore_parallel>], iteration_bounds = array<i64: 2, 16>, scalar_prefetch = 0 : i64, scratch_operands = 13 : i64, tpu.core_type = #tpu.core_type<sc_vector_subcore>, window_params = [{transform_indices = #map}, {transform_indices = #map1}, {transform_indices = #map1}, {transform_indices = #map}, {transform_indices = #map2}]} {
    %mul3A = arith.constant 10240 : i32
    %mul3A_0 = arith.muli %arg1, %mul3A : i32
    "tpu.region"() ({
      %run_scoped3A = tpu.sem_alloc : memref<!tpu.dma_semaphore, #tpu.memory_space<semaphore_mem>>
      %dma_start3A_98 = tpu.memref_slice %arg3[%mul3A_0] : memref<163840xi32, #tpu.memory_space<hbm>> -> memref<10240xi32, #tpu.memory_space<hbm>>
      %dma_start3A_99 = tpu.memref_slice %arg3[%mul3A_0] : memref<163840xi32, #tpu.memory_space<hbm>> -> memref<10240xi32, #tpu.memory_space<hbm>>
      tpu.enqueue_dma source(%dma_start3A_99 : memref<10240xi32, #tpu.memory_space<hbm>>) target(%arg7 : memref<10240xi32, #tpu.memory_space<vmem>>) target_semaphore(%run_scoped3A : memref<!tpu.dma_semaphore, #tpu.memory_space<semaphore_mem>>)
      %dma_wait3A_100 = tpu.memref_slice %arg3[%mul3A_0] : memref<163840xi32, #tpu.memory_space<hbm>> -> memref<10240xi32, #tpu.memory_space<hbm>>
      %dma_wait3A_101 = tpu.memref_slice %arg3[%mul3A_0] : memref<163840xi32, #tpu.memory_space<hbm>> -> memref<10240xi32, #tpu.memory_space<hbm>>
      tpu.wait_dma2 semaphore(%run_scoped3A : memref<!tpu.dma_semaphore, #tpu.memory_space<semaphore_mem>>) src(%dma_wait3A_101 : memref<10240xi32, #tpu.memory_space<hbm>>) dst(%arg7 : memref<10240xi32, #tpu.memory_space<vmem>>)
      tpu.yield
    }) : () -> ()
    "tpu.region"() ({
      %run_scoped3A = tpu.sem_alloc : memref<!tpu.dma_semaphore, #tpu.memory_space<semaphore_mem>>
      %dma_start3A_98 = tpu.memref_slice %arg4[%mul3A_0] : memref<163840xi32, #tpu.memory_space<hbm>> -> memref<10240xi32, #tpu.memory_space<hbm>>
      %dma_start3A_99 = tpu.memref_slice %arg4[%mul3A_0] : memref<163840xi32, #tpu.memory_space<hbm>> -> memref<10240xi32, #tpu.memory_space<hbm>>
      tpu.enqueue_dma source(%dma_start3A_99 : memref<10240xi32, #tpu.memory_space<hbm>>) target(%arg8 : memref<10240xi32, #tpu.memory_space<vmem>>) target_semaphore(%run_scoped3A : memref<!tpu.dma_semaphore, #tpu.memory_space<semaphore_mem>>)
      %dma_wait3A_100 = tpu.memref_slice %arg4[%mul3A_0] : memref<163840xi32, #tpu.memory_space<hbm>> -> memref<10240xi32, #tpu.memory_space<hbm>>
      %dma_wait3A_101 = tpu.memref_slice %arg4[%mul3A_0] : memref<163840xi32, #tpu.memory_space<hbm>> -> memref<10240xi32, #tpu.memory_space<hbm>>
      tpu.wait_dma2 semaphore(%run_scoped3A : memref<!tpu.dma_semaphore, #tpu.memory_space<semaphore_mem>>) src(%dma_wait3A_101 : memref<10240xi32, #tpu.memory_space<hbm>>) dst(%arg8 : memref<10240xi32, #tpu.memory_space<vmem>>)
      tpu.yield
    }) : () -> ()
    %add3A = arith.constant 0 : i32
    %add3A_1 = arith.addi %arg0, %add3A : i32
    %mul3A_2 = arith.constant 5120 : i32
    %mul3A_3 = arith.muli %add3A_1, %mul3A_2 : i32
    %mul3A_4 = arith.constant 640 : i32
    %mul3A_5 = arith.muli %arg1, %mul3A_4 : i32
    "tpu.region"() ({
      %run_scoped3A = tpu.sem_alloc : memref<!tpu.dma_semaphore, #tpu.memory_space<semaphore_mem>>
      %dma_start3A_98 = arith.constant 0 : i32
      %dma_start3A_99 = tpu.memref_slice %arg19[%mul3A_5, %dma_start3A_98] : memref<10240x128xf32, #tpu.memory_space<vmem_shared>> -> memref<640x128xf32, #tpu.memory_space<vmem_shared>>
      %dma_start3A_100 = arith.constant 0 : i32
      %dma_start3A_101 = arith.constant 0 : i32
      %dma_start3A_102 = tpu.memref_slice %arg5[%dma_start3A_100, %dma_start3A_101] : memref<10240x128xf32, #tpu.memory_space<hbm>> -> memref<640x128xf32, #tpu.memory_space<hbm>>
      tpu.enqueue_dma source(%dma_start3A_102 : memref<640x128xf32, #tpu.memory_space<hbm>>) target(%dma_start3A_99 : memref<640x128xf32, #tpu.memory_space<vmem_shared>>) target_semaphore(%run_scoped3A : memref<!tpu.dma_semaphore, #tpu.memory_space<semaphore_mem>>)
      %dma_wait3A_103 = arith.constant 0 : i32
      %dma_wait3A_104 = tpu.memref_slice %arg19[%mul3A_5, %dma_wait3A_103] : memref<10240x128xf32, #tpu.memory_space<vmem_shared>> -> memref<640x128xf32, #tpu.memory_space<vmem_shared>>
      %dma_wait3A_105 = arith.constant 0 : i32
      %dma_wait3A_106 = arith.constant 0 : i32
      %dma_wait3A_107 = tpu.memref_slice %arg5[%dma_wait3A_105, %dma_wait3A_106] : memref<10240x128xf32, #tpu.memory_space<hbm>> -> memref<640x128xf32, #tpu.memory_space<hbm>>
      tpu.wait_dma2 semaphore(%run_scoped3A : memref<!tpu.dma_semaphore, #tpu.memory_space<semaphore_mem>>) src(%dma_wait3A_107 : memref<640x128xf32, #tpu.memory_space<hbm>>) dst(%dma_wait3A_104 : memref<640x128xf32, #tpu.memory_space<vmem_shared>>)
      tpu.yield
    }) : () -> ()
    %barrier3A = arith.constant 0 : index
    tpu.barrier barrier_id(%barrier3A)
    %scan3A = arith.constant 0 : i32
    %scan3A_6 = arith.constant 5 : i32
    %scan3A_7 = arith.addi %scan3A, %scan3A_6 : i32
    %scan3A_8 = arith.constant 1 : i32
    scf.for %scan3A_98 = %scan3A to %scan3A_7 step %scan3A_8  : i32 {
      %mul3A_99 = arith.constant 1 : i32
      %mul3A_100 = arith.muli %scan3A_98, %mul3A_99 : i32
      %add3A_101 = arith.constant 0 : i32
      %add3A_102 = arith.addi %add3A_101, %mul3A_100 : i32
      %mul3A_103 = arith.constant 16 : i32
      %mul3A_104 = arith.muli %add3A_102, %mul3A_103 : i32
      %add3A_105 = arith.constant 0 : i32
      %add3A_106 = arith.addi %add3A_105, %mul3A_104 : i32
      %get3A = arith.index_cast %add3A_106 : i32 to index
      %get3A_107 = tpu.vector_load %arg7[%get3A] {strides = array<i32>} : memref<10240xi32, #tpu.memory_space<vmem>>, vector<16xi32>,
      %get3A_108 = vector.shape_cast %get3A_107 : vector<16xi32> to vector<16xi32>
      %add3A_109 = vector.broadcast %mul3A_3 : i32 to vector<16xi32>
      %add3A_110 = arith.addi %get3A_108, %add3A_109 : vector<16xi32>
      %mul3A_111 = arith.constant 16 : i32
      %mul3A_112 = arith.muli %add3A_102, %mul3A_111 : i32
      %swap3A = arith.index_cast %mul3A_112 : i32 to index
      %swap3A_113 = tpu.vector_load %arg9[%swap3A] {strides = array<i32>} : memref<80xi32, #tpu.memory_space<vmem>>, vector<16xi32>,
      %swap3A_114 = vector.shape_cast %swap3A_113 : vector<16xi32> to vector<16xi32>
      %swap3A_115 = vector.shape_cast %add3A_110 : vector<16xi32> to vector<16xi32>
      tpu.vector_store %arg9[%swap3A], %swap3A_115 {strides = array<i32>} : memref<80xi32, #tpu.memory_space<vmem>>, vector<16xi32>,
      %mul3A_116 = arith.constant 16 : i32
      %mul3A_117 = arith.muli %add3A_102, %mul3A_116 : i32
      %add3A_118 = arith.constant 0 : i32
      %add3A_119 = arith.addi %add3A_118, %mul3A_117 : i32
      %get3A_120 = arith.index_cast %add3A_119 : i32 to index
      %get3A_121 = tpu.vector_load %arg8[%get3A_120] {strides = array<i32>} : memref<10240xi32, #tpu.memory_space<vmem>>, vector<16xi32>,
      %get3A_122 = vector.shape_cast %get3A_121 : vector<16xi32> to vector<16xi32>
      %mul3A_123 = arith.constant 16 : i32
      %mul3A_124 = arith.muli %add3A_102, %mul3A_123 : i32
      %swap3A_125 = arith.index_cast %mul3A_124 : i32 to index
      %swap3A_126 = tpu.vector_load %arg10[%swap3A_125] {strides = array<i32>} : memref<80xi32, #tpu.memory_space<vmem>>, vector<16xi32>,
      %swap3A_127 = vector.shape_cast %swap3A_126 : vector<16xi32> to vector<16xi32>
      %swap3A_128 = vector.shape_cast %get3A_122 : vector<16xi32> to vector<16xi32>
      tpu.vector_store %arg10[%swap3A_125], %swap3A_128 {strides = array<i32>} : memref<80xi32, #tpu.memory_space<vmem>>, vector<16xi32>,
    }
    %scan3A_9 = arith.constant 5 : i32
    %dma_start3A = arith.constant 0 : i32
    %dma_start3A_10 = arith.constant 0 : i32
    %dma_start3A_11 = tpu.memref_slice %arg2[%dma_start3A, %dma_start3A_10] : memref<20480x128xf32, #tpu.memory_space<hbm>> -> memref<20480x128xf32, #tpu.memory_space<hbm>>
    tpu.enqueue_indirect_dma source(%dma_start3A_11 : memref<20480x128xf32, #tpu.memory_space<hbm>>) target(%arg11 : memref<80x128xf32, #tpu.memory_space<vmem>>) offsets(%arg9 : memref<80xi32, #tpu.memory_space<vmem>>) semaphore(%arg12 : memref<!tpu.dma_semaphore, #tpu.memory_space<semaphore_mem>>)
    %scan3A_12 = arith.constant 0 : i32
    %scan3A_13 = arith.constant 5 : i32
    %scan3A_14 = arith.addi %scan3A_12, %scan3A_13 : i32
    %scan3A_15 = arith.constant 1 : i32
    scf.for %scan3A_98 = %scan3A_12 to %scan3A_14 step %scan3A_15  : i32 {
      %mul3A_99 = arith.constant 1 : i32
      %mul3A_100 = arith.muli %scan3A_98, %mul3A_99 : i32
      %add3A_101 = arith.constant 0 : i32
      %add3A_102 = arith.addi %add3A_101, %mul3A_100 : i32
      %mul3A_103 = arith.constant 16 : i32
      %mul3A_104 = arith.muli %add3A_102, %mul3A_103 : i32
      %add3A_105 = arith.constant 80 : i32
      %add3A_106 = arith.addi %add3A_105, %mul3A_104 : i32
      %get3A = arith.index_cast %add3A_106 : i32 to index
      %get3A_107 = tpu.vector_load %arg7[%get3A] {strides = array<i32>} : memref<10240xi32, #tpu.memory_space<vmem>>, vector<16xi32>,
      %get3A_108 = vector.shape_cast %get3A_107 : vector<16xi32> to vector<16xi32>
      %add3A_109 = vector.broadcast %mul3A_3 : i32 to vector<16xi32>
      %add3A_110 = arith.addi %get3A_108, %add3A_109 : vector<16xi32>
      %mul3A_111 = arith.constant 16 : i32
      %mul3A_112 = arith.muli %add3A_102, %mul3A_111 : i32
      %swap3A = arith.index_cast %mul3A_112 : i32 to index
      %swap3A_113 = tpu.vector_load %arg14[%swap3A] {strides = array<i32>} : memref<80xi32, #tpu.memory_space<vmem>>, vector<16xi32>,
      %swap3A_114 = vector.shape_cast %swap3A_113 : vector<16xi32> to vector<16xi32>
      %swap3A_115 = vector.shape_cast %add3A_110 : vector<16xi32> to vector<16xi32>
      tpu.vector_store %arg14[%swap3A], %swap3A_115 {strides = array<i32>} : memref<80xi32, #tpu.memory_space<vmem>>, vector<16xi32>,
      %mul3A_116 = arith.constant 16 : i32
      %mul3A_117 = arith.muli %add3A_102, %mul3A_116 : i32
      %add3A_118 = arith.constant 80 : i32
      %add3A_119 = arith.addi %add3A_118, %mul3A_117 : i32
      %get3A_120 = arith.index_cast %add3A_119 : i32 to index
      %get3A_121 = tpu.vector_load %arg8[%get3A_120] {strides = array<i32>} : memref<10240xi32, #tpu.memory_space<vmem>>, vector<16xi32>,
      %get3A_122 = vector.shape_cast %get3A_121 : vector<16xi32> to vector<16xi32>
      %mul3A_123 = arith.constant 16 : i32
      %mul3A_124 = arith.muli %add3A_102, %mul3A_123 : i32
      %swap3A_125 = arith.index_cast %mul3A_124 : i32 to index
      %swap3A_126 = tpu.vector_load %arg15[%swap3A_125] {strides = array<i32>} : memref<80xi32, #tpu.memory_space<vmem>>, vector<16xi32>,
      %swap3A_127 = vector.shape_cast %swap3A_126 : vector<16xi32> to vector<16xi32>
      %swap3A_128 = vector.shape_cast %get3A_122 : vector<16xi32> to vector<16xi32>
      tpu.vector_store %arg15[%swap3A_125], %swap3A_128 {strides = array<i32>} : memref<80xi32, #tpu.memory_space<vmem>>, vector<16xi32>,
    }
    %scan3A_16 = arith.constant 5 : i32
    %dma_start3A_17 = arith.constant 0 : i32
    %dma_start3A_18 = arith.constant 0 : i32
    %dma_start3A_19 = tpu.memref_slice %arg2[%dma_start3A_17, %dma_start3A_18] : memref<20480x128xf32, #tpu.memory_space<hbm>> -> memref<20480x128xf32, #tpu.memory_space<hbm>>
    tpu.enqueue_indirect_dma source(%dma_start3A_19 : memref<20480x128xf32, #tpu.memory_space<hbm>>) target(%arg16 : memref<80x128xf32, #tpu.memory_space<vmem>>) offsets(%arg14 : memref<80xi32, #tpu.memory_space<vmem>>) semaphore(%arg17 : memref<!tpu.dma_semaphore, #tpu.memory_space<semaphore_mem>>)
    %scan3A_20 = arith.constant 0 : i32
    %scan3A_21 = arith.constant 63 : i32
    %scan3A_22 = arith.addi %scan3A_20, %scan3A_21 : i32
    %scan3A_23 = arith.constant 1 : i32
    scf.for %scan3A_98 = %scan3A_20 to %scan3A_22 step %scan3A_23  : i32 {
      %mul3A_99 = arith.constant 1 : i32
      %mul3A_100 = arith.muli %scan3A_98, %mul3A_99 : i32
      %add3A_101 = arith.constant 0 : i32
      %add3A_102 = arith.addi %add3A_101, %mul3A_100 : i32
      %mul3A_103 = arith.constant 2 : i32
      %mul3A_104 = arith.muli %mul3A_103, %add3A_102 : i32
      %dma_wait3A_105 = arith.constant 0 : i32
      %dma_wait3A_106 = arith.constant 0 : i32
      %dma_wait3A_107 = tpu.memref_slice %arg2[%dma_wait3A_105, %dma_wait3A_106] : memref<20480x128xf32, #tpu.memory_space<hbm>> -> memref<20480x128xf32, #tpu.memory_space<hbm>>
      tpu.wait_indirect_dma semaphore(%arg12 : memref<!tpu.dma_semaphore, #tpu.memory_space<semaphore_mem>>) src(%dma_wait3A_107 : memref<20480x128xf32, #tpu.memory_space<hbm>>) dst(%arg11 : memref<80x128xf32, #tpu.memory_space<vmem>>)
      %dma_start3A_108 = arith.constant 0 : i32
      %dma_start3A_109 = arith.constant 0 : i32
      %dma_start3A_110 = tpu.memref_slice %arg19[%dma_start3A_108, %dma_start3A_109] : memref<10240x128xf32, #tpu.memory_space<vmem_shared>> -> memref<10240x128xf32, #tpu.memory_space<vmem_shared>>
      tpu.enqueue_indirect_dma source(%arg11 : memref<80x128xf32, #tpu.memory_space<vmem>>) target(%dma_start3A_110 : memref<10240x128xf32, #tpu.memory_space<vmem_shared>>) offsets(%arg10 : memref<80xi32, #tpu.memory_space<vmem>>) semaphore(%arg13 : memref<!tpu.dma_semaphore, #tpu.memory_space<semaphore_mem>>) {add = true}
      %dma_wait3A_111 = arith.constant 0 : i32
      %dma_wait3A_112 = arith.constant 0 : i32
      %dma_wait3A_113 = tpu.memref_slice %arg19[%dma_wait3A_111, %dma_wait3A_112] : memref<10240x128xf32, #tpu.memory_space<vmem_shared>> -> memref<10240x128xf32, #tpu.memory_space<vmem_shared>>
      tpu.wait_indirect_dma semaphore(%arg13 : memref<!tpu.dma_semaphore, #tpu.memory_space<semaphore_mem>>) src(%arg11 : memref<80x128xf32, #tpu.memory_space<vmem>>) dst(%dma_wait3A_113 : memref<10240x128xf32, #tpu.memory_space<vmem_shared>>)
      %add3A_114 = arith.constant 2 : i32
      %add3A_115 = arith.addi %mul3A_104, %add3A_114 : i32
      %scan3A_116 = arith.constant 0 : i32
      %scan3A_117 = arith.constant 5 : i32
      %scan3A_118 = arith.addi %scan3A_116, %scan3A_117 : i32
      %scan3A_119 = arith.constant 1 : i32
      scf.for %scan3A_143 = %scan3A_116 to %scan3A_118 step %scan3A_119  : i32 {
        %mul3A_144 = arith.constant 1 : i32
        %mul3A_145 = arith.muli %scan3A_143, %mul3A_144 : i32
        %add3A_146 = arith.constant 0 : i32
        %add3A_147 = arith.addi %add3A_146, %mul3A_145 : i32
        %mul3A_148 = arith.constant 80 : i32
        %mul3A_149 = arith.muli %add3A_115, %mul3A_148 : i32
        %mul3A_150 = arith.constant 16 : i32
        %mul3A_151 = arith.muli %add3A_147, %mul3A_150 : i32
        %add3A_152 = arith.addi %mul3A_149, %mul3A_151 : i32
        %get3A = arith.index_cast %add3A_152 : i32 to index
        %get3A_153 = tpu.vector_load %arg7[%get3A] {strides = array<i32>} : memref<10240xi32, #tpu.memory_space<vmem>>, vector<16xi32>,
        %get3A_154 = vector.shape_cast %get3A_153 : vector<16xi32> to vector<16xi32>
        %add3A_155 = vector.broadcast %mul3A_3 : i32 to vector<16xi32>
        %add3A_156 = arith.addi %get3A_154, %add3A_155 : vector<16xi32>
        %mul3A_157 = arith.constant 16 : i32
        %mul3A_158 = arith.muli %add3A_147, %mul3A_157 : i32
        %swap3A = arith.index_cast %mul3A_158 : i32 to index
        %swap3A_159 = tpu.vector_load %arg9[%swap3A] {strides = array<i32>} : memref<80xi32, #tpu.memory_space<vmem>>, vector<16xi32>,
        %swap3A_160 = vector.shape_cast %swap3A_159 : vector<16xi32> to vector<16xi32>
        %swap3A_161 = vector.shape_cast %add3A_156 : vector<16xi32> to vector<16xi32>
        tpu.vector_store %arg9[%swap3A], %swap3A_161 {strides = array<i32>} : memref<80xi32, #tpu.memory_space<vmem>>, vector<16xi32>,
        %mul3A_162 = arith.constant 80 : i32
        %mul3A_163 = arith.muli %add3A_115, %mul3A_162 : i32
        %mul3A_164 = arith.constant 16 : i32
        %mul3A_165 = arith.muli %add3A_147, %mul3A_164 : i32
        %add3A_166 = arith.addi %mul3A_163, %mul3A_165 : i32
        %get3A_167 = arith.index_cast %add3A_166 : i32 to index
        %get3A_168 = tpu.vector_load %arg8[%get3A_167] {strides = array<i32>} : memref<10240xi32, #tpu.memory_space<vmem>>, vector<16xi32>,
        %get3A_169 = vector.shape_cast %get3A_168 : vector<16xi32> to vector<16xi32>
        %mul3A_170 = arith.constant 16 : i32
        %mul3A_171 = arith.muli %add3A_147, %mul3A_170 : i32
        %swap3A_172 = arith.index_cast %mul3A_171 : i32 to index
        %swap3A_173 = tpu.vector_load %arg10[%swap3A_172] {strides = array<i32>} : memref<80xi32, #tpu.memory_space<vmem>>, vector<16xi32>,
        %swap3A_174 = vector.shape_cast %swap3A_173 : vector<16xi32> to vector<16xi32>
        %swap3A_175 = vector.shape_cast %get3A_169 : vector<16xi32> to vector<16xi32>
        tpu.vector_store %arg10[%swap3A_172], %swap3A_175 {strides = array<i32>} : memref<80xi32, #tpu.memory_space<vmem>>, vector<16xi32>,
      }
      %scan3A_120 = arith.constant 5 : i32
      %dma_start3A_121 = arith.constant 0 : i32
      %dma_start3A_122 = arith.constant 0 : i32
      %dma_start3A_123 = tpu.memref_slice %arg2[%dma_start3A_121, %dma_start3A_122] : memref<20480x128xf32, #tpu.memory_space<hbm>> -> memref<20480x128xf32, #tpu.memory_space<hbm>>
      tpu.enqueue_indirect_dma source(%dma_start3A_123 : memref<20480x128xf32, #tpu.memory_space<hbm>>) target(%arg11 : memref<80x128xf32, #tpu.memory_space<vmem>>) offsets(%arg9 : memref<80xi32, #tpu.memory_space<vmem>>) semaphore(%arg12 : memref<!tpu.dma_semaphore, #tpu.memory_space<semaphore_mem>>)
      %dma_wait3A_124 = arith.constant 0 : i32
      %dma_wait3A_125 = arith.constant 0 : i32
      %dma_wait3A_126 = tpu.memref_slice %arg2[%dma_wait3A_124, %dma_wait3A_125] : memref<20480x128xf32, #tpu.memory_space<hbm>> -> memref<20480x128xf32, #tpu.memory_space<hbm>>
      tpu.wait_indirect_dma semaphore(%arg17 : memref<!tpu.dma_semaphore, #tpu.memory_space<semaphore_mem>>) src(%dma_wait3A_126 : memref<20480x128xf32, #tpu.memory_space<hbm>>) dst(%arg16 : memref<80x128xf32, #tpu.memory_space<vmem>>)
      %dma_start3A_127 = arith.constant 0 : i32
      %dma_start3A_128 = arith.constant 0 : i32
      %dma_start3A_129 = tpu.memref_slice %arg19[%dma_start3A_127, %dma_start3A_128] : memref<10240x128xf32, #tpu.memory_space<vmem_shared>> -> memref<10240x128xf32, #tpu.memory_space<vmem_shared>>
      tpu.enqueue_indirect_dma source(%arg16 : memref<80x128xf32, #tpu.memory_space<vmem>>) target(%dma_start3A_129 : memref<10240x128xf32, #tpu.memory_space<vmem_shared>>) offsets(%arg15 : memref<80xi32, #tpu.memory_space<vmem>>) semaphore(%arg18 : memref<!tpu.dma_semaphore, #tpu.memory_space<semaphore_mem>>) {add = true}
      %dma_wait3A_130 = arith.constant 0 : i32
      %dma_wait3A_131 = arith.constant 0 : i32
      %dma_wait3A_132 = tpu.memref_slice %arg19[%dma_wait3A_130, %dma_wait3A_131] : memref<10240x128xf32, #tpu.memory_space<vmem_shared>> -> memref<10240x128xf32, #tpu.memory_space<vmem_shared>>
      tpu.wait_indirect_dma semaphore(%arg18 : memref<!tpu.dma_semaphore, #tpu.memory_space<semaphore_mem>>) src(%arg16 : memref<80x128xf32, #tpu.memory_space<vmem>>) dst(%dma_wait3A_132 : memref<10240x128xf32, #tpu.memory_space<vmem_shared>>)
      %add3A_133 = arith.constant 3 : i32
      %add3A_134 = arith.addi %mul3A_104, %add3A_133 : i32
      %scan3A_135 = arith.constant 0 : i32
      %scan3A_136 = arith.constant 5 : i32
      %scan3A_137 = arith.addi %scan3A_135, %scan3A_136 : i32
      %scan3A_138 = arith.constant 1 : i32
      scf.for %scan3A_143 = %scan3A_135 to %scan3A_137 step %scan3A_138  : i32 {
        %mul3A_144 = arith.constant 1 : i32
        %mul3A_145 = arith.muli %scan3A_143, %mul3A_144 : i32
        %add3A_146 = arith.constant 0 : i32
        %add3A_147 = arith.addi %add3A_146, %mul3A_145 : i32
        %mul3A_148 = arith.constant 80 : i32
        %mul3A_149 = arith.muli %add3A_134, %mul3A_148 : i32
        %mul3A_150 = arith.constant 16 : i32
        %mul3A_151 = arith.muli %add3A_147, %mul3A_150 : i32
        %add3A_152 = arith.addi %mul3A_149, %mul3A_151 : i32
        %get3A = arith.index_cast %add3A_152 : i32 to index
        %get3A_153 = tpu.vector_load %arg7[%get3A] {strides = array<i32>} : memref<10240xi32, #tpu.memory_space<vmem>>, vector<16xi32>,
        %get3A_154 = vector.shape_cast %get3A_153 : vector<16xi32> to vector<16xi32>
        %add3A_155 = vector.broadcast %mul3A_3 : i32 to vector<16xi32>
        %add3A_156 = arith.addi %get3A_154, %add3A_155 : vector<16xi32>
        %mul3A_157 = arith.constant 16 : i32
        %mul3A_158 = arith.muli %add3A_147, %mul3A_157 : i32
        %swap3A = arith.index_cast %mul3A_158 : i32 to index
        %swap3A_159 = tpu.vector_load %arg14[%swap3A] {strides = array<i32>} : memref<80xi32, #tpu.memory_space<vmem>>, vector<16xi32>,
        %swap3A_160 = vector.shape_cast %swap3A_159 : vector<16xi32> to vector<16xi32>
        %swap3A_161 = vector.shape_cast %add3A_156 : vector<16xi32> to vector<16xi32>
        tpu.vector_store %arg14[%swap3A], %swap3A_161 {strides = array<i32>} : memref<80xi32, #tpu.memory_space<vmem>>, vector<16xi32>,
        %mul3A_162 = arith.constant 80 : i32
        %mul3A_163 = arith.muli %add3A_134, %mul3A_162 : i32
        %mul3A_164 = arith.constant 16 : i32
        %mul3A_165 = arith.muli %add3A_147, %mul3A_164 : i32
        %add3A_166 = arith.addi %mul3A_163, %mul3A_165 : i32
        %get3A_167 = arith.index_cast %add3A_166 : i32 to index
        %get3A_168 = tpu.vector_load %arg8[%get3A_167] {strides = array<i32>} : memref<10240xi32, #tpu.memory_space<vmem>>, vector<16xi32>,
        %get3A_169 = vector.shape_cast %get3A_168 : vector<16xi32> to vector<16xi32>
        %mul3A_170 = arith.constant 16 : i32
        %mul3A_171 = arith.muli %add3A_147, %mul3A_170 : i32
        %swap3A_172 = arith.index_cast %mul3A_171 : i32 to index
        %swap3A_173 = tpu.vector_load %arg15[%swap3A_172] {strides = array<i32>} : memref<80xi32, #tpu.memory_space<vmem>>, vector<16xi32>,
        %swap3A_174 = vector.shape_cast %swap3A_173 : vector<16xi32> to vector<16xi32>
        %swap3A_175 = vector.shape_cast %get3A_169 : vector<16xi32> to vector<16xi32>
        tpu.vector_store %arg15[%swap3A_172], %swap3A_175 {strides = array<i32>} : memref<80xi32, #tpu.memory_space<vmem>>, vector<16xi32>,
      }
      %scan3A_139 = arith.constant 5 : i32
      %dma_start3A_140 = arith.constant 0 : i32
      %dma_start3A_141 = arith.constant 0 : i32
      %dma_start3A_142 = tpu.memref_slice %arg2[%dma_start3A_140, %dma_start3A_141] : memref<20480x128xf32, #tpu.memory_space<hbm>> -> memref<20480x128xf32, #tpu.memory_space<hbm>>
      tpu.enqueue_indirect_dma source(%dma_start3A_142 : memref<20480x128xf32, #tpu.memory_space<hbm>>) target(%arg16 : memref<80x128xf32, #tpu.memory_space<vmem>>) offsets(%arg14 : memref<80xi32, #tpu.memory_space<vmem>>) semaphore(%arg17 : memref<!tpu.dma_semaphore, #tpu.memory_space<semaphore_mem>>)
    }
    %scan3A_24 = arith.constant 63 : i32
    %dma_wait3A = arith.constant 0 : i32
    %dma_wait3A_25 = arith.constant 0 : i32
    %dma_wait3A_26 = tpu.memref_slice %arg2[%dma_wait3A, %dma_wait3A_25] : memref<20480x128xf32, #tpu.memory_space<hbm>> -> memref<20480x128xf32, #tpu.memory_space<hbm>>
    tpu.wait_indirect_dma semaphore(%arg12 : memref<!tpu.dma_semaphore, #tpu.memory_space<semaphore_mem>>) src(%dma_wait3A_26 : memref<20480x128xf32, #tpu.memory_space<hbm>>) dst(%arg11 : memref<80x128xf32, #tpu.memory_space<vmem>>)
    %dma_start3A_27 = arith.constant 0 : i32
    %dma_start3A_28 = arith.constant 0 : i32
    %dma_start3A_29 = tpu.memref_slice %arg19[%dma_start3A_27, %dma_start3A_28] : memref<10240x128xf32, #tpu.memory_space<vmem_shared>> -> memref<10240x128xf32, #tpu.memory_space<vmem_shared>>
    tpu.enqueue_indirect_dma source(%arg11 : memref<80x128xf32, #tpu.memory_space<vmem>>) target(%dma_start3A_29 : memref<10240x128xf32, #tpu.memory_space<vmem_shared>>) offsets(%arg10 : memref<80xi32, #tpu.memory_space<vmem>>) semaphore(%arg13 : memref<!tpu.dma_semaphore, #tpu.memory_space<semaphore_mem>>) {add = true}
    %dma_wait3A_30 = arith.constant 0 : i32
    %dma_wait3A_31 = arith.constant 0 : i32
    %dma_wait3A_32 = tpu.memref_slice %arg19[%dma_wait3A_30, %dma_wait3A_31] : memref<10240x128xf32, #tpu.memory_space<vmem_shared>> -> memref<10240x128xf32, #tpu.memory_space<vmem_shared>>
    tpu.wait_indirect_dma semaphore(%arg13 : memref<!tpu.dma_semaphore, #tpu.memory_space<semaphore_mem>>) src(%arg11 : memref<80x128xf32, #tpu.memory_space<vmem>>) dst(%dma_wait3A_32 : memref<10240x128xf32, #tpu.memory_space<vmem_shared>>)
    %dma_wait3A_33 = arith.constant 0 : i32
    %dma_wait3A_34 = arith.constant 0 : i32
    %dma_wait3A_35 = tpu.memref_slice %arg2[%dma_wait3A_33, %dma_wait3A_34] : memref<20480x128xf32, #tpu.memory_space<hbm>> -> memref<20480x128xf32, #tpu.memory_space<hbm>>
    tpu.wait_indirect_dma semaphore(%arg17 : memref<!tpu.dma_semaphore, #tpu.memory_space<semaphore_mem>>) src(%dma_wait3A_35 : memref<20480x128xf32, #tpu.memory_space<hbm>>) dst(%arg16 : memref<80x128xf32, #tpu.memory_space<vmem>>)
    %dma_start3A_36 = arith.constant 0 : i32
    %dma_start3A_37 = arith.constant 0 : i32
    %dma_start3A_38 = tpu.memref_slice %arg19[%dma_start3A_36, %dma_start3A_37] : memref<10240x128xf32, #tpu.memory_space<vmem_shared>> -> memref<10240x128xf32, #tpu.memory_space<vmem_shared>>
    tpu.enqueue_indirect_dma source(%arg16 : memref<80x128xf32, #tpu.memory_space<vmem>>) target(%dma_start3A_38 : memref<10240x128xf32, #tpu.memory_space<vmem_shared>>) offsets(%arg15 : memref<80xi32, #tpu.memory_space<vmem>>) semaphore(%arg18 : memref<!tpu.dma_semaphore, #tpu.memory_space<semaphore_mem>>) {add = true}
    %dma_wait3A_39 = arith.constant 0 : i32
    %dma_wait3A_40 = arith.constant 0 : i32
    %dma_wait3A_41 = tpu.memref_slice %arg19[%dma_wait3A_39, %dma_wait3A_40] : memref<10240x128xf32, #tpu.memory_space<vmem_shared>> -> memref<10240x128xf32, #tpu.memory_space<vmem_shared>>
    tpu.wait_indirect_dma semaphore(%arg18 : memref<!tpu.dma_semaphore, #tpu.memory_space<semaphore_mem>>) src(%arg16 : memref<80x128xf32, #tpu.memory_space<vmem>>) dst(%dma_wait3A_41 : memref<10240x128xf32, #tpu.memory_space<vmem_shared>>)
    %barrier3A_42 = arith.constant 0 : index
    tpu.barrier barrier_id(%barrier3A_42)
    %mul3A_43 = arith.constant 640 : i32
    %mul3A_44 = arith.muli %arg1, %mul3A_43 : i32
    %mul3A_45 = arith.constant 640 : i32
    %mul3A_46 = arith.muli %arg1, %mul3A_45 : i32
    "tpu.region"() ({
      %run_scoped3A = tpu.sem_alloc : memref<!tpu.dma_semaphore, #tpu.memory_space<semaphore_mem>>
      %dma_start3A_98 = arith.constant 0 : i32
      %dma_start3A_99 = tpu.memref_slice %arg6[%add3A_1, %mul3A_46, %dma_start3A_98] : memref<4x10240x128xf32, #tpu.memory_space<hbm>> -> memref<1x640x128xf32, #tpu.memory_space<hbm>>
      %dma_start3A_100 = tpu.memref_squeeze %dma_start3A_99 : memref<1x640x128xf32, #tpu.memory_space<hbm>> -> memref<640x128xf32, #tpu.memory_space<hbm>>
      %dma_start3A_101 = arith.constant 0 : i32
      %dma_start3A_102 = tpu.memref_slice %arg19[%mul3A_44, %dma_start3A_101] : memref<10240x128xf32, #tpu.memory_space<vmem_shared>> -> memref<640x128xf32, #tpu.memory_space<vmem_shared>>
      tpu.enqueue_dma source(%dma_start3A_102 : memref<640x128xf32, #tpu.memory_space<vmem_shared>>) target(%dma_start3A_100 : memref<640x128xf32, #tpu.memory_space<hbm>>) target_semaphore(%run_scoped3A : memref<!tpu.dma_semaphore, #tpu.memory_space<semaphore_mem>>)
      %dma_wait3A_103 = arith.constant 0 : i32
      %dma_wait3A_104 = tpu.memref_slice %arg6[%add3A_1, %mul3A_46, %dma_wait3A_103] : memref<4x10240x128xf32, #tpu.memory_space<hbm>> -> memref<1x640x128xf32, #tpu.memory_space<hbm>>
      %dma_wait3A_105 = tpu.memref_squeeze %dma_wait3A_104 : memref<1x640x128xf32, #tpu.memory_space<hbm>> -> memref<640x128xf32, #tpu.memory_space<hbm>>
      %dma_wait3A_106 = arith.constant 0 : i32
      %dma_wait3A_107 = tpu.memref_slice %arg19[%mul3A_44, %dma_wait3A_106] : memref<10240x128xf32, #tpu.memory_space<vmem_shared>> -> memref<640x128xf32, #tpu.memory_space<vmem_shared>>
      tpu.wait_dma2 semaphore(%run_scoped3A : memref<!tpu.dma_semaphore, #tpu.memory_space<semaphore_mem>>) src(%dma_wait3A_107 : memref<640x128xf32, #tpu.memory_space<vmem_shared>>) dst(%dma_wait3A_105 : memref<640x128xf32, #tpu.memory_space<hbm>>)
      tpu.yield
    }) : () -> ()
    %add3A_47 = arith.constant 2 : i32
    %add3A_48 = arith.addi %arg0, %add3A_47 : i32
    %mul3A_49 = arith.constant 5120 : i32
    %mul3A_50 = arith.muli %add3A_48, %mul3A_49 : i32
    %mul3A_51 = arith.constant 640 : i32
    %mul3A_52 = arith.muli %arg1, %mul3A_51 : i32
    "tpu.region"() ({
      %run_scoped3A = tpu.sem_alloc : memref<!tpu.dma_semaphore, #tpu.memory_space<semaphore_mem>>
      %dma_start3A_98 = arith.constant 0 : i32
      %dma_start3A_99 = tpu.memref_slice %arg19[%mul3A_52, %dma_start3A_98] : memref<10240x128xf32, #tpu.memory_space<vmem_shared>> -> memref<640x128xf32, #tpu.memory_space<vmem_shared>>
      %dma_start3A_100 = arith.constant 0 : i32
      %dma_start3A_101 = arith.constant 0 : i32
      %dma_start3A_102 = tpu.memref_slice %arg5[%dma_start3A_100, %dma_start3A_101] : memref<10240x128xf32, #tpu.memory_space<hbm>> -> memref<640x128xf32, #tpu.memory_space<hbm>>
      tpu.enqueue_dma source(%dma_start3A_102 : memref<640x128xf32, #tpu.memory_space<hbm>>) target(%dma_start3A_99 : memref<640x128xf32, #tpu.memory_space<vmem_shared>>) target_semaphore(%run_scoped3A : memref<!tpu.dma_semaphore, #tpu.memory_space<semaphore_mem>>)
      %dma_wait3A_103 = arith.constant 0 : i32
      %dma_wait3A_104 = tpu.memref_slice %arg19[%mul3A_52, %dma_wait3A_103] : memref<10240x128xf32, #tpu.memory_space<vmem_shared>> -> memref<640x128xf32, #tpu.memory_space<vmem_shared>>
      %dma_wait3A_105 = arith.constant 0 : i32
      %dma_wait3A_106 = arith.constant 0 : i32
      %dma_wait3A_107 = tpu.memref_slice %arg5[%dma_wait3A_105, %dma_wait3A_106] : memref<10240x128xf32, #tpu.memory_space<hbm>> -> memref<640x128xf32, #tpu.memory_space<hbm>>
      tpu.wait_dma2 semaphore(%run_scoped3A : memref<!tpu.dma_semaphore, #tpu.memory_space<semaphore_mem>>) src(%dma_wait3A_107 : memref<640x128xf32, #tpu.memory_space<hbm>>) dst(%dma_wait3A_104 : memref<640x128xf32, #tpu.memory_space<vmem_shared>>)
      tpu.yield
    }) : () -> ()
    %barrier3A_53 = arith.constant 0 : index
    tpu.barrier barrier_id(%barrier3A_53)
    %scan3A_54 = arith.constant 0 : i32
    %scan3A_55 = arith.constant 5 : i32
    %scan3A_56 = arith.addi %scan3A_54, %scan3A_55 : i32
    %scan3A_57 = arith.constant 1 : i32
    scf.for %scan3A_98 = %scan3A_54 to %scan3A_56 step %scan3A_57  : i32 {
      %mul3A_99 = arith.constant 1 : i32
      %mul3A_100 = arith.muli %scan3A_98, %mul3A_99 : i32
      %add3A_101 = arith.constant 0 : i32
      %add3A_102 = arith.addi %add3A_101, %mul3A_100 : i32
      %mul3A_103 = arith.constant 16 : i32
      %mul3A_104 = arith.muli %add3A_102, %mul3A_103 : i32
      %add3A_105 = arith.constant 0 : i32
      %add3A_106 = arith.addi %add3A_105, %mul3A_104 : i32
      %get3A = arith.index_cast %add3A_106 : i32 to index
      %get3A_107 = tpu.vector_load %arg7[%get3A] {strides = array<i32>} : memref<10240xi32, #tpu.memory_space<vmem>>, vector<16xi32>,
      %get3A_108 = vector.shape_cast %get3A_107 : vector<16xi32> to vector<16xi32>
      %add3A_109 = vector.broadcast %mul3A_50 : i32 to vector<16xi32>
      %add3A_110 = arith.addi %get3A_108, %add3A_109 : vector<16xi32>
      %mul3A_111 = arith.constant 16 : i32
      %mul3A_112 = arith.muli %add3A_102, %mul3A_111 : i32
      %swap3A = arith.index_cast %mul3A_112 : i32 to index
      %swap3A_113 = tpu.vector_load %arg9[%swap3A] {strides = array<i32>} : memref<80xi32, #tpu.memory_space<vmem>>, vector<16xi32>,
      %swap3A_114 = vector.shape_cast %swap3A_113 : vector<16xi32> to vector<16xi32>
      %swap3A_115 = vector.shape_cast %add3A_110 : vector<16xi32> to vector<16xi32>
      tpu.vector_store %arg9[%swap3A], %swap3A_115 {strides = array<i32>} : memref<80xi32, #tpu.memory_space<vmem>>, vector<16xi32>,
      %mul3A_116 = arith.constant 16 : i32
      %mul3A_117 = arith.muli %add3A_102, %mul3A_116 : i32
      %add3A_118 = arith.constant 0 : i32
      %add3A_119 = arith.addi %add3A_118, %mul3A_117 : i32
      %get3A_120 = arith.index_cast %add3A_119 : i32 to index
      %get3A_121 = tpu.vector_load %arg8[%get3A_120] {strides = array<i32>} : memref<10240xi32, #tpu.memory_space<vmem>>, vector<16xi32>,
      %get3A_122 = vector.shape_cast %get3A_121 : vector<16xi32> to vector<16xi32>
      %mul3A_123 = arith.constant 16 : i32
      %mul3A_124 = arith.muli %add3A_102, %mul3A_123 : i32
      %swap3A_125 = arith.index_cast %mul3A_124 : i32 to index
      %swap3A_126 = tpu.vector_load %arg10[%swap3A_125] {strides = array<i32>} : memref<80xi32, #tpu.memory_space<vmem>>, vector<16xi32>,
      %swap3A_127 = vector.shape_cast %swap3A_126 : vector<16xi32> to vector<16xi32>
      %swap3A_128 = vector.shape_cast %get3A_122 : vector<16xi32> to vector<16xi32>
      tpu.vector_store %arg10[%swap3A_125], %swap3A_128 {strides = array<i32>} : memref<80xi32, #tpu.memory_space<vmem>>, vector<16xi32>,
    }
    %scan3A_58 = arith.constant 5 : i32
    %dma_start3A_59 = arith.constant 0 : i32
    %dma_start3A_60 = arith.constant 0 : i32
    %dma_start3A_61 = tpu.memref_slice %arg2[%dma_start3A_59, %dma_start3A_60] : memref<20480x128xf32, #tpu.memory_space<hbm>> -> memref<20480x128xf32, #tpu.memory_space<hbm>>
    tpu.enqueue_indirect_dma source(%dma_start3A_61 : memref<20480x128xf32, #tpu.memory_space<hbm>>) target(%arg11 : memref<80x128xf32, #tpu.memory_space<vmem>>) offsets(%arg9 : memref<80xi32, #tpu.memory_space<vmem>>) semaphore(%arg12 : memref<!tpu.dma_semaphore, #tpu.memory_space<semaphore_mem>>)
    %scan3A_62 = arith.constant 0 : i32
    %scan3A_63 = arith.constant 5 : i32
    %scan3A_64 = arith.addi %scan3A_62, %scan3A_63 : i32
    %scan3A_65 = arith.constant 1 : i32
    scf.for %scan3A_98 = %scan3A_62 to %scan3A_64 step %scan3A_65  : i32 {
      %mul3A_99 = arith.constant 1 : i32
      %mul3A_100 = arith.muli %scan3A_98, %mul3A_99 : i32
      %add3A_101 = arith.constant 0 : i32
      %add3A_102 = arith.addi %add3A_101, %mul3A_100 : i32
      %mul3A_103 = arith.constant 16 : i32
      %mul3A_104 = arith.muli %add3A_102, %mul3A_103 : i32
      %add3A_105 = arith.constant 80 : i32
      %add3A_106 = arith.addi %add3A_105, %mul3A_104 : i32
      %get3A = arith.index_cast %add3A_106 : i32 to index
      %get3A_107 = tpu.vector_load %arg7[%get3A] {strides = array<i32>} : memref<10240xi32, #tpu.memory_space<vmem>>, vector<16xi32>,
      %get3A_108 = vector.shape_cast %get3A_107 : vector<16xi32> to vector<16xi32>
      %add3A_109 = vector.broadcast %mul3A_50 : i32 to vector<16xi32>
      %add3A_110 = arith.addi %get3A_108, %add3A_109 : vector<16xi32>
      %mul3A_111 = arith.constant 16 : i32
      %mul3A_112 = arith.muli %add3A_102, %mul3A_111 : i32
      %swap3A = arith.index_cast %mul3A_112 : i32 to index
      %swap3A_113 = tpu.vector_load %arg14[%swap3A] {strides = array<i32>} : memref<80xi32, #tpu.memory_space<vmem>>, vector<16xi32>,
      %swap3A_114 = vector.shape_cast %swap3A_113 : vector<16xi32> to vector<16xi32>
      %swap3A_115 = vector.shape_cast %add3A_110 : vector<16xi32> to vector<16xi32>
      tpu.vector_store %arg14[%swap3A], %swap3A_115 {strides = array<i32>} : memref<80xi32, #tpu.memory_space<vmem>>, vector<16xi32>,
      %mul3A_116 = arith.constant 16 : i32
      %mul3A_117 = arith.muli %add3A_102, %mul3A_116 : i32
      %add3A_118 = arith.constant 80 : i32
      %add3A_119 = arith.addi %add3A_118, %mul3A_117 : i32
      %get3A_120 = arith.index_cast %add3A_119 : i32 to index
      %get3A_121 = tpu.vector_load %arg8[%get3A_120] {strides = array<i32>} : memref<10240xi32, #tpu.memory_space<vmem>>, vector<16xi32>,
      %get3A_122 = vector.shape_cast %get3A_121 : vector<16xi32> to vector<16xi32>
      %mul3A_123 = arith.constant 16 : i32
      %mul3A_124 = arith.muli %add3A_102, %mul3A_123 : i32
      %swap3A_125 = arith.index_cast %mul3A_124 : i32 to index
      %swap3A_126 = tpu.vector_load %arg15[%swap3A_125] {strides = array<i32>} : memref<80xi32, #tpu.memory_space<vmem>>, vector<16xi32>,
      %swap3A_127 = vector.shape_cast %swap3A_126 : vector<16xi32> to vector<16xi32>
      %swap3A_128 = vector.shape_cast %get3A_122 : vector<16xi32> to vector<16xi32>
      tpu.vector_store %arg15[%swap3A_125], %swap3A_128 {strides = array<i32>} : memref<80xi32, #tpu.memory_space<vmem>>, vector<16xi32>,
    }
    %scan3A_66 = arith.constant 5 : i32
    %dma_start3A_67 = arith.constant 0 : i32
    %dma_start3A_68 = arith.constant 0 : i32
    %dma_start3A_69 = tpu.memref_slice %arg2[%dma_start3A_67, %dma_start3A_68] : memref<20480x128xf32, #tpu.memory_space<hbm>> -> memref<20480x128xf32, #tpu.memory_space<hbm>>
    tpu.enqueue_indirect_dma source(%dma_start3A_69 : memref<20480x128xf32, #tpu.memory_space<hbm>>) target(%arg16 : memref<80x128xf32, #tpu.memory_space<vmem>>) offsets(%arg14 : memref<80xi32, #tpu.memory_space<vmem>>) semaphore(%arg17 : memref<!tpu.dma_semaphore, #tpu.memory_space<semaphore_mem>>)
    %scan3A_70 = arith.constant 0 : i32
    %scan3A_71 = arith.constant 63 : i32
    %scan3A_72 = arith.addi %scan3A_70, %scan3A_71 : i32
    %scan3A_73 = arith.constant 1 : i32
    scf.for %scan3A_98 = %scan3A_70 to %scan3A_72 step %scan3A_73  : i32 {
      %mul3A_99 = arith.constant 1 : i32
      %mul3A_100 = arith.muli %scan3A_98, %mul3A_99 : i32
      %add3A_101 = arith.constant 0 : i32
      %add3A_102 = arith.addi %add3A_101, %mul3A_100 : i32
      %mul3A_103 = arith.constant 2 : i32
      %mul3A_104 = arith.muli %mul3A_103, %add3A_102 : i32
      %dma_wait3A_105 = arith.constant 0 : i32
      %dma_wait3A_106 = arith.constant 0 : i32
      %dma_wait3A_107 = tpu.memref_slice %arg2[%dma_wait3A_105, %dma_wait3A_106] : memref<20480x128xf32, #tpu.memory_space<hbm>> -> memref<20480x128xf32, #tpu.memory_space<hbm>>
      tpu.wait_indirect_dma semaphore(%arg12 : memref<!tpu.dma_semaphore, #tpu.memory_space<semaphore_mem>>) src(%dma_wait3A_107 : memref<20480x128xf32, #tpu.memory_space<hbm>>) dst(%arg11 : memref<80x128xf32, #tpu.memory_space<vmem>>)
      %dma_start3A_108 = arith.constant 0 : i32
      %dma_start3A_109 = arith.constant 0 : i32
      %dma_start3A_110 = tpu.memref_slice %arg19[%dma_start3A_108, %dma_start3A_109] : memref<10240x128xf32, #tpu.memory_space<vmem_shared>> -> memref<10240x128xf32, #tpu.memory_space<vmem_shared>>
      tpu.enqueue_indirect_dma source(%arg11 : memref<80x128xf32, #tpu.memory_space<vmem>>) target(%dma_start3A_110 : memref<10240x128xf32, #tpu.memory_space<vmem_shared>>) offsets(%arg10 : memref<80xi32, #tpu.memory_space<vmem>>) semaphore(%arg13 : memref<!tpu.dma_semaphore, #tpu.memory_space<semaphore_mem>>) {add = true}
      %dma_wait3A_111 = arith.constant 0 : i32
      %dma_wait3A_112 = arith.constant 0 : i32
      %dma_wait3A_113 = tpu.memref_slice %arg19[%dma_wait3A_111, %dma_wait3A_112] : memref<10240x128xf32, #tpu.memory_space<vmem_shared>> -> memref<10240x128xf32, #tpu.memory_space<vmem_shared>>
      tpu.wait_indirect_dma semaphore(%arg13 : memref<!tpu.dma_semaphore, #tpu.memory_space<semaphore_mem>>) src(%arg11 : memref<80x128xf32, #tpu.memory_space<vmem>>) dst(%dma_wait3A_113 : memref<10240x128xf32, #tpu.memory_space<vmem_shared>>)
      %add3A_114 = arith.constant 2 : i32
      %add3A_115 = arith.addi %mul3A_104, %add3A_114 : i32
      %scan3A_116 = arith.constant 0 : i32
      %scan3A_117 = arith.constant 5 : i32
      %scan3A_118 = arith.addi %scan3A_116, %scan3A_117 : i32
      %scan3A_119 = arith.constant 1 : i32
      scf.for %scan3A_143 = %scan3A_116 to %scan3A_118 step %scan3A_119  : i32 {
        %mul3A_144 = arith.constant 1 : i32
        %mul3A_145 = arith.muli %scan3A_143, %mul3A_144 : i32
        %add3A_146 = arith.constant 0 : i32
        %add3A_147 = arith.addi %add3A_146, %mul3A_145 : i32
        %mul3A_148 = arith.constant 80 : i32
        %mul3A_149 = arith.muli %add3A_115, %mul3A_148 : i32
        %mul3A_150 = arith.constant 16 : i32
        %mul3A_151 = arith.muli %add3A_147, %mul3A_150 : i32
        %add3A_152 = arith.addi %mul3A_149, %mul3A_151 : i32
        %get3A = arith.index_cast %add3A_152 : i32 to index
        %get3A_153 = tpu.vector_load %arg7[%get3A] {strides = array<i32>} : memref<10240xi32, #tpu.memory_space<vmem>>, vector<16xi32>,
        %get3A_154 = vector.shape_cast %get3A_153 : vector<16xi32> to vector<16xi32>
        %add3A_155 = vector.broadcast %mul3A_50 : i32 to vector<16xi32>
        %add3A_156 = arith.addi %get3A_154, %add3A_155 : vector<16xi32>
        %mul3A_157 = arith.constant 16 : i32
        %mul3A_158 = arith.muli %add3A_147, %mul3A_157 : i32
        %swap3A = arith.index_cast %mul3A_158 : i32 to index
        %swap3A_159 = tpu.vector_load %arg9[%swap3A] {strides = array<i32>} : memref<80xi32, #tpu.memory_space<vmem>>, vector<16xi32>,
        %swap3A_160 = vector.shape_cast %swap3A_159 : vector<16xi32> to vector<16xi32>
        %swap3A_161 = vector.shape_cast %add3A_156 : vector<16xi32> to vector<16xi32>
        tpu.vector_store %arg9[%swap3A], %swap3A_161 {strides = array<i32>} : memref<80xi32, #tpu.memory_space<vmem>>, vector<16xi32>,
        %mul3A_162 = arith.constant 80 : i32
        %mul3A_163 = arith.muli %add3A_115, %mul3A_162 : i32
        %mul3A_164 = arith.constant 16 : i32
        %mul3A_165 = arith.muli %add3A_147, %mul3A_164 : i32
        %add3A_166 = arith.addi %mul3A_163, %mul3A_165 : i32
        %get3A_167 = arith.index_cast %add3A_166 : i32 to index
        %get3A_168 = tpu.vector_load %arg8[%get3A_167] {strides = array<i32>} : memref<10240xi32, #tpu.memory_space<vmem>>, vector<16xi32>,
        %get3A_169 = vector.shape_cast %get3A_168 : vector<16xi32> to vector<16xi32>
        %mul3A_170 = arith.constant 16 : i32
        %mul3A_171 = arith.muli %add3A_147, %mul3A_170 : i32
        %swap3A_172 = arith.index_cast %mul3A_171 : i32 to index
        %swap3A_173 = tpu.vector_load %arg10[%swap3A_172] {strides = array<i32>} : memref<80xi32, #tpu.memory_space<vmem>>, vector<16xi32>,
        %swap3A_174 = vector.shape_cast %swap3A_173 : vector<16xi32> to vector<16xi32>
        %swap3A_175 = vector.shape_cast %get3A_169 : vector<16xi32> to vector<16xi32>
        tpu.vector_store %arg10[%swap3A_172], %swap3A_175 {strides = array<i32>} : memref<80xi32, #tpu.memory_space<vmem>>, vector<16xi32>,
      }
      %scan3A_120 = arith.constant 5 : i32
      %dma_start3A_121 = arith.constant 0 : i32
      %dma_start3A_122 = arith.constant 0 : i32
      %dma_start3A_123 = tpu.memref_slice %arg2[%dma_start3A_121, %dma_start3A_122] : memref<20480x128xf32, #tpu.memory_space<hbm>> -> memref<20480x128xf32, #tpu.memory_space<hbm>>
      tpu.enqueue_indirect_dma source(%dma_start3A_123 : memref<20480x128xf32, #tpu.memory_space<hbm>>) target(%arg11 : memref<80x128xf32, #tpu.memory_space<vmem>>) offsets(%arg9 : memref<80xi32, #tpu.memory_space<vmem>>) semaphore(%arg12 : memref<!tpu.dma_semaphore, #tpu.memory_space<semaphore_mem>>)
      %dma_wait3A_124 = arith.constant 0 : i32
      %dma_wait3A_125 = arith.constant 0 : i32
      %dma_wait3A_126 = tpu.memref_slice %arg2[%dma_wait3A_124, %dma_wait3A_125] : memref<20480x128xf32, #tpu.memory_space<hbm>> -> memref<20480x128xf32, #tpu.memory_space<hbm>>
      tpu.wait_indirect_dma semaphore(%arg17 : memref<!tpu.dma_semaphore, #tpu.memory_space<semaphore_mem>>) src(%dma_wait3A_126 : memref<20480x128xf32, #tpu.memory_space<hbm>>) dst(%arg16 : memref<80x128xf32, #tpu.memory_space<vmem>>)
      %dma_start3A_127 = arith.constant 0 : i32
      %dma_start3A_128 = arith.constant 0 : i32
      %dma_start3A_129 = tpu.memref_slice %arg19[%dma_start3A_127, %dma_start3A_128] : memref<10240x128xf32, #tpu.memory_space<vmem_shared>> -> memref<10240x128xf32, #tpu.memory_space<vmem_shared>>
      tpu.enqueue_indirect_dma source(%arg16 : memref<80x128xf32, #tpu.memory_space<vmem>>) target(%dma_start3A_129 : memref<10240x128xf32, #tpu.memory_space<vmem_shared>>) offsets(%arg15 : memref<80xi32, #tpu.memory_space<vmem>>) semaphore(%arg18 : memref<!tpu.dma_semaphore, #tpu.memory_space<semaphore_mem>>) {add = true}
      %dma_wait3A_130 = arith.constant 0 : i32
      %dma_wait3A_131 = arith.constant 0 : i32
      %dma_wait3A_132 = tpu.memref_slice %arg19[%dma_wait3A_130, %dma_wait3A_131] : memref<10240x128xf32, #tpu.memory_space<vmem_shared>> -> memref<10240x128xf32, #tpu.memory_space<vmem_shared>>
      tpu.wait_indirect_dma semaphore(%arg18 : memref<!tpu.dma_semaphore, #tpu.memory_space<semaphore_mem>>) src(%arg16 : memref<80x128xf32, #tpu.memory_space<vmem>>) dst(%dma_wait3A_132 : memref<10240x128xf32, #tpu.memory_space<vmem_shared>>)
      %add3A_133 = arith.constant 3 : i32
      %add3A_134 = arith.addi %mul3A_104, %add3A_133 : i32
      %scan3A_135 = arith.constant 0 : i32
      %scan3A_136 = arith.constant 5 : i32
      %scan3A_137 = arith.addi %scan3A_135, %scan3A_136 : i32
      %scan3A_138 = arith.constant 1 : i32
      scf.for %scan3A_143 = %scan3A_135 to %scan3A_137 step %scan3A_138  : i32 {
        %mul3A_144 = arith.constant 1 : i32
        %mul3A_145 = arith.muli %scan3A_143, %mul3A_144 : i32
        %add3A_146 = arith.constant 0 : i32
        %add3A_147 = arith.addi %add3A_146, %mul3A_145 : i32
        %mul3A_148 = arith.constant 80 : i32
        %mul3A_149 = arith.muli %add3A_134, %mul3A_148 : i32
        %mul3A_150 = arith.constant 16 : i32
        %mul3A_151 = arith.muli %add3A_147, %mul3A_150 : i32
        %add3A_152 = arith.addi %mul3A_149, %mul3A_151 : i32
        %get3A = arith.index_cast %add3A_152 : i32 to index
        %get3A_153 = tpu.vector_load %arg7[%get3A] {strides = array<i32>} : memref<10240xi32, #tpu.memory_space<vmem>>, vector<16xi32>,
        %get3A_154 = vector.shape_cast %get3A_153 : vector<16xi32> to vector<16xi32>
        %add3A_155 = vector.broadcast %mul3A_50 : i32 to vector<16xi32>
        %add3A_156 = arith.addi %get3A_154, %add3A_155 : vector<16xi32>
        %mul3A_157 = arith.constant 16 : i32
        %mul3A_158 = arith.muli %add3A_147, %mul3A_157 : i32
        %swap3A = arith.index_cast %mul3A_158 : i32 to index
        %swap3A_159 = tpu.vector_load %arg14[%swap3A] {strides = array<i32>} : memref<80xi32, #tpu.memory_space<vmem>>, vector<16xi32>,
        %swap3A_160 = vector.shape_cast %swap3A_159 : vector<16xi32> to vector<16xi32>
        %swap3A_161 = vector.shape_cast %add3A_156 : vector<16xi32> to vector<16xi32>
        tpu.vector_store %arg14[%swap3A], %swap3A_161 {strides = array<i32>} : memref<80xi32, #tpu.memory_space<vmem>>, vector<16xi32>,
        %mul3A_162 = arith.constant 80 : i32
        %mul3A_163 = arith.muli %add3A_134, %mul3A_162 : i32
        %mul3A_164 = arith.constant 16 : i32
        %mul3A_165 = arith.muli %add3A_147, %mul3A_164 : i32
        %add3A_166 = arith.addi %mul3A_163, %mul3A_165 : i32
        %get3A_167 = arith.index_cast %add3A_166 : i32 to index
        %get3A_168 = tpu.vector_load %arg8[%get3A_167] {strides = array<i32>} : memref<10240xi32, #tpu.memory_space<vmem>>, vector<16xi32>,
        %get3A_169 = vector.shape_cast %get3A_168 : vector<16xi32> to vector<16xi32>
        %mul3A_170 = arith.constant 16 : i32
        %mul3A_171 = arith.muli %add3A_147, %mul3A_170 : i32
        %swap3A_172 = arith.index_cast %mul3A_171 : i32 to index
        %swap3A_173 = tpu.vector_load %arg15[%swap3A_172] {strides = array<i32>} : memref<80xi32, #tpu.memory_space<vmem>>, vector<16xi32>,
        %swap3A_174 = vector.shape_cast %swap3A_173 : vector<16xi32> to vector<16xi32>
        %swap3A_175 = vector.shape_cast %get3A_169 : vector<16xi32> to vector<16xi32>
        tpu.vector_store %arg15[%swap3A_172], %swap3A_175 {strides = array<i32>} : memref<80xi32, #tpu.memory_space<vmem>>, vector<16xi32>,
      }
      %scan3A_139 = arith.constant 5 : i32
      %dma_start3A_140 = arith.constant 0 : i32
      %dma_start3A_141 = arith.constant 0 : i32
      %dma_start3A_142 = tpu.memref_slice %arg2[%dma_start3A_140, %dma_start3A_141] : memref<20480x128xf32, #tpu.memory_space<hbm>> -> memref<20480x128xf32, #tpu.memory_space<hbm>>
      tpu.enqueue_indirect_dma source(%dma_start3A_142 : memref<20480x128xf32, #tpu.memory_space<hbm>>) target(%arg16 : memref<80x128xf32, #tpu.memory_space<vmem>>) offsets(%arg14 : memref<80xi32, #tpu.memory_space<vmem>>) semaphore(%arg17 : memref<!tpu.dma_semaphore, #tpu.memory_space<semaphore_mem>>)
    }
    %scan3A_74 = arith.constant 63 : i32
    %dma_wait3A_75 = arith.constant 0 : i32
    %dma_wait3A_76 = arith.constant 0 : i32
    %dma_wait3A_77 = tpu.memref_slice %arg2[%dma_wait3A_75, %dma_wait3A_76] : memref<20480x128xf32, #tpu.memory_space<hbm>> -> memref<20480x128xf32, #tpu.memory_space<hbm>>
    tpu.wait_indirect_dma semaphore(%arg12 : memref<!tpu.dma_semaphore, #tpu.memory_space<semaphore_mem>>) src(%dma_wait3A_77 : memref<20480x128xf32, #tpu.memory_space<hbm>>) dst(%arg11 : memref<80x128xf32, #tpu.memory_space<vmem>>)
    %dma_start3A_78 = arith.constant 0 : i32
    %dma_start3A_79 = arith.constant 0 : i32
    %dma_start3A_80 = tpu.memref_slice %arg19[%dma_start3A_78, %dma_start3A_79] : memref<10240x128xf32, #tpu.memory_space<vmem_shared>> -> memref<10240x128xf32, #tpu.memory_space<vmem_shared>>
    tpu.enqueue_indirect_dma source(%arg11 : memref<80x128xf32, #tpu.memory_space<vmem>>) target(%dma_start3A_80 : memref<10240x128xf32, #tpu.memory_space<vmem_shared>>) offsets(%arg10 : memref<80xi32, #tpu.memory_space<vmem>>) semaphore(%arg13 : memref<!tpu.dma_semaphore, #tpu.memory_space<semaphore_mem>>) {add = true}
    %dma_wait3A_81 = arith.constant 0 : i32
    %dma_wait3A_82 = arith.constant 0 : i32
    %dma_wait3A_83 = tpu.memref_slice %arg19[%dma_wait3A_81, %dma_wait3A_82] : memref<10240x128xf32, #tpu.memory_space<vmem_shared>> -> memref<10240x128xf32, #tpu.memory_space<vmem_shared>>
    tpu.wait_indirect_dma semaphore(%arg13 : memref<!tpu.dma_semaphore, #tpu.memory_space<semaphore_mem>>) src(%arg11 : memref<80x128xf32, #tpu.memory_space<vmem>>) dst(%dma_wait3A_83 : memref<10240x128xf32, #tpu.memory_space<vmem_shared>>)
    %dma_wait3A_84 = arith.constant 0 : i32
    %dma_wait3A_85 = arith.constant 0 : i32
    %dma_wait3A_86 = tpu.memref_slice %arg2[%dma_wait3A_84, %dma_wait3A_85] : memref<20480x128xf32, #tpu.memory_space<hbm>> -> memref<20480x128xf32, #tpu.memory_space<hbm>>
    tpu.wait_indirect_dma semaphore(%arg17 : memref<!tpu.dma_semaphore, #tpu.memory_space<semaphore_mem>>) src(%dma_wait3A_86 : memref<20480x128xf32, #tpu.memory_space<hbm>>) dst(%arg16 : memref<80x128xf32, #tpu.memory_space<vmem>>)
    %dma_start3A_87 = arith.constant 0 : i32
    %dma_start3A_88 = arith.constant 0 : i32
    %dma_start3A_89 = tpu.memref_slice %arg19[%dma_start3A_87, %dma_start3A_88] : memref<10240x128xf32, #tpu.memory_space<vmem_shared>> -> memref<10240x128xf32, #tpu.memory_space<vmem_shared>>
    tpu.enqueue_indirect_dma source(%arg16 : memref<80x128xf32, #tpu.memory_space<vmem>>) target(%dma_start3A_89 : memref<10240x128xf32, #tpu.memory_space<vmem_shared>>) offsets(%arg15 : memref<80xi32, #tpu.memory_space<vmem>>) semaphore(%arg18 : memref<!tpu.dma_semaphore, #tpu.memory_space<semaphore_mem>>) {add = true}
    %dma_wait3A_90 = arith.constant 0 : i32
    %dma_wait3A_91 = arith.constant 0 : i32
    %dma_wait3A_92 = tpu.memref_slice %arg19[%dma_wait3A_90, %dma_wait3A_91] : memref<10240x128xf32, #tpu.memory_space<vmem_shared>> -> memref<10240x128xf32, #tpu.memory_space<vmem_shared>>
    tpu.wait_indirect_dma semaphore(%arg18 : memref<!tpu.dma_semaphore, #tpu.memory_space<semaphore_mem>>) src(%arg16 : memref<80x128xf32, #tpu.memory_space<vmem>>) dst(%dma_wait3A_92 : memref<10240x128xf32, #tpu.memory_space<vmem_shared>>)
    %barrier3A_93 = arith.constant 0 : index
    tpu.barrier barrier_id(%barrier3A_93)
    %mul3A_94 = arith.constant 640 : i32
    %mul3A_95 = arith.muli %arg1, %mul3A_94 : i32
    %mul3A_96 = arith.constant 640 : i32
    %mul3A_97 = arith.muli %arg1, %mul3A_96 : i32
    "tpu.region"() ({
      %run_scoped3A = tpu.sem_alloc : memref<!tpu.dma_semaphore, #tpu.memory_space<semaphore_mem>>
      %dma_start3A_98 = arith.constant 0 : i32
      %dma_start3A_99 = tpu.memref_slice %arg6[%add3A_48, %mul3A_97, %dma_start3A_98] : memref<4x10240x128xf32, #tpu.memory_space<hbm>> -> memref<1x640x128xf32, #tpu.memory_space<hbm>>
      %dma_start3A_100 = tpu.memref_squeeze %dma_start3A_99 : memref<1x640x128xf32, #tpu.memory_space<hbm>> -> memref<640x128xf32, #tpu.memory_space<hbm>>
      %dma_start3A_101 = arith.constant 0 : i32
      %dma_start3A_102 = tpu.memref_slice %arg19[%mul3A_95, %dma_start3A_101] : memref<10240x128xf32, #tpu.memory_space<vmem_shared>> -> memref<640x128xf32, #tpu.memory_space<vmem_shared>>
      tpu.enqueue_dma source(%dma_start3A_102 : memref<640x128xf32, #tpu.memory_space<vmem_shared>>) target(%dma_start3A_100 : memref<640x128xf32, #tpu.memory_space<hbm>>) target_semaphore(%run_scoped3A : memref<!tpu.dma_semaphore, #tpu.memory_space<semaphore_mem>>)
      %dma_wait3A_103 = arith.constant 0 : i32
      %dma_wait3A_104 = tpu.memref_slice %arg6[%add3A_48, %mul3A_97, %dma_wait3A_103] : memref<4x10240x128xf32, #tpu.memory_space<hbm>> -> memref<1x640x128xf32, #tpu.memory_space<hbm>>
      %dma_wait3A_105 = tpu.memref_squeeze %dma_wait3A_104 : memref<1x640x128xf32, #tpu.memory_space<hbm>> -> memref<640x128xf32, #tpu.memory_space<hbm>>
      %dma_wait3A_106 = arith.constant 0 : i32
      %dma_wait3A_107 = tpu.memref_slice %arg19[%mul3A_95, %dma_wait3A_106] : memref<10240x128xf32, #tpu.memory_space<vmem_shared>> -> memref<640x128xf32, #tpu.memory_space<vmem_shared>>
      tpu.wait_dma2 semaphore(%run_scoped3A : memref<!tpu.dma_semaphore, #tpu.memory_space<semaphore_mem>>) src(%dma_wait3A_107 : memref<640x128xf32, #tpu.memory_space<vmem_shared>>) dst(%dma_wait3A_105 : memref<640x128xf32, #tpu.memory_space<hbm>>)
      tpu.yield
    }) : () -> ()
    return
  }
}

module attributes {stable_mosaic.version = 14 : i64} {
  func.func @body(%arg0: memref<2x5120x128xf32, #tpu.memory_space<vmem>>, %arg1: memref<5120x128xf32, #tpu.memory_space<vmem>>, %arg2: memref<5120x16xf32, #tpu.memory_space<vmem>>) attributes {dimension_semantics = [], scalar_prefetch = 0 : i64, scratch_operands = 0 : i64, tpu.core_type = #tpu.core_type<tc>} {
    %get3A = arith.constant 0 : index
    %get3A_0 = arith.constant 0 : index
    %get3A_1 = arith.constant 0 : index
    %get3A_2 = vector.load %arg0[%get3A, %get3A_0, %get3A_1] : memref<2x5120x128xf32, #tpu.memory_space<vmem>>, vector<1x5120x128xf32>
    %get3A_3 = vector.shape_cast %get3A_2 : vector<1x5120x128xf32> to vector<5120x128xf32>
    %get3A_4 = arith.constant 1 : index
    %get3A_5 = arith.constant 0 : index
    %get3A_6 = arith.constant 0 : index
    %get3A_7 = vector.load %arg0[%get3A_4, %get3A_5, %get3A_6] : memref<2x5120x128xf32, #tpu.memory_space<vmem>>, vector<1x5120x128xf32>
    %get3A_8 = vector.shape_cast %get3A_7 : vector<1x5120x128xf32> to vector<5120x128xf32>
    %add3A = arith.addf %get3A_3, %get3A_8 : vector<5120x128xf32>
    %slice3A = vector.extract_strided_slice %add3A {offsets = [0, 0], sizes = [5120, 1], strides = [1, 1]} : vector<5120x128xf32> to vector<5120x1xf32>
    %max3A = arith.constant 1.000000e+00 : f32
    %max3A_9 = vector.broadcast %max3A : f32 to vector<5120x1xf32>
    %max3A_10 = arith.maximumf %slice3A, %max3A_9 : vector<5120x1xf32>
    %iota3A = tpu.iota {dimensions = array<i32: 1>} : vector<5120x128xi32>
    %eq3A = arith.constant 0 : i32
    %eq3A_11 = vector.broadcast %eq3A : i32 to vector<5120x128xi32>
    %eq3A_12 = arith.cmpi eq, %iota3A, %eq3A_11 : vector<5120x128xi32>
    %eq3A_13 = arith.constant 1 : i32
    %eq3A_14 = vector.broadcast %eq3A_13 : i32 to vector<5120x128xi32>
    %eq3A_15 = arith.cmpi eq, %iota3A, %eq3A_14 : vector<5120x128xi32>
    %jit3A = arith.constant 1.000000e+00 : f32
    %jit3A_16 = arith.constant 0.000000e+00 : f32
    %broadcast_in_dim3A = vector.broadcast %jit3A : f32 to vector<5120x128xf32>
    %broadcast_in_dim3A_17 = vector.broadcast %jit3A_16 : f32 to vector<5120x128xf32>
    %select_n3A = arith.select %eq3A_15, %broadcast_in_dim3A, %broadcast_in_dim3A_17 : vector<5120x128xi1>, vector<5120x128xf32>
    %broadcast_in_dim3A_18 = vector.shape_cast %max3A_10 : vector<5120x1xf32> to vector<5120x1xf32>
    %broadcast_in_dim3A_19 = vector.broadcast %broadcast_in_dim3A_18 : vector<5120x1xf32> to vector<5120x128xf32>
    %select_n3A_20 = arith.select %eq3A_12, %broadcast_in_dim3A_19, %select_n3A : vector<5120x128xi1>, vector<5120x128xf32>
    %swap3A = arith.constant 0 : index
    %swap3A_21 = arith.constant 0 : index
    %swap3A_22 = vector.load %arg1[%swap3A, %swap3A_21] : memref<5120x128xf32, #tpu.memory_space<vmem>>, vector<5120x128xf32>
    tpu.vector_store %arg1[%swap3A, %swap3A_21], %select_n3A_20 {strides = array<i32>} : memref<5120x128xf32, #tpu.memory_space<vmem>>, vector<5120x128xf32>,
    %div3A = arith.constant 1.000000e+00 : f32
    %div3A_23 = vector.broadcast %div3A : f32 to vector<5120x1xf32>
    %div3A_24 = arith.divf %div3A_23, %max3A_10 : vector<5120x1xf32>
    %broadcast_in_dim3A_25 = vector.shape_cast %div3A_24 : vector<5120x1xf32> to vector<5120x1xf32>
    %broadcast_in_dim3A_26 = vector.broadcast %broadcast_in_dim3A_25 : vector<5120x1xf32> to vector<5120x16xf32>
    %swap3A_27 = arith.constant 0 : index
    %swap3A_28 = arith.constant 0 : index
    %swap3A_29 = vector.load %arg2[%swap3A_27, %swap3A_28] : memref<5120x16xf32, #tpu.memory_space<vmem>>, vector<5120x16xf32>
    tpu.vector_store %arg2[%swap3A_27, %swap3A_28], %broadcast_in_dim3A_26 {strides = array<i32>} : memref<5120x16xf32, #tpu.memory_space<vmem>>, vector<5120x16xf32>,
    return
  }
}

module attributes {stable_mosaic.version = 14 : i64} {
  func.func @body(%arg0: i32, %arg1: memref<5120x128xf32, #tpu.memory_space<vmem>>, %arg2: memref<5120x16xf32, #tpu.memory_space<vmem>>, %arg3: memref<5120x128xf32, #tpu.memory_space<vmem>>) attributes {dimension_semantics = [#tpu.dimension_semantics<arbitrary>], iteration_bounds = array<i64: 2>, scalar_prefetch = 0 : i64, scratch_operands = 0 : i64, tpu.core_type = #tpu.core_type<tc>, window_params = [{transform_indices = @transform_0, window_bounds = array<i64: 5120, 128>}, {pipeline_mode = #tpu.pipeline_mode<synchronous>, transform_indices = @transform_1, window_bounds = array<i64: 5120, 16>}, {transform_indices = @transform_2, window_bounds = array<i64: 5120, 128>}]} {
    %get3A = arith.constant 0 : index
    %get3A_0 = arith.constant 0 : index
    %get3A_1 = vector.load %arg1[%get3A, %get3A_0] : memref<5120x128xf32, #tpu.memory_space<vmem>>, vector<5120x128xf32>
    %get3A_2 = arith.constant 0 : index
    %get3A_3 = arith.constant 0 : index
    %get3A_4 = vector.load %arg2[%get3A_2, %get3A_3] : memref<5120x16xf32, #tpu.memory_space<vmem>>, vector<5120x1xf32>
    %mul3A = vector.broadcast %get3A_4 : vector<5120x1xf32> to vector<5120x128xf32>
    %mul3A_5 = arith.mulf %get3A_1, %mul3A : vector<5120x128xf32>
    %swap3A = arith.constant 0 : index
    %swap3A_6 = arith.constant 0 : index
    %swap3A_7 = vector.load %arg3[%swap3A, %swap3A_6] : memref<5120x128xf32, #tpu.memory_space<vmem>>, vector<5120x128xf32>
    tpu.vector_store %arg3[%swap3A, %swap3A_6], %mul3A_5 {strides = array<i32>} : memref<5120x128xf32, #tpu.memory_space<vmem>>, vector<5120x128xf32>,
    return
  }
  func.func @transform_0(%arg0: i32) -> (i32, i32) {
    %c0_i32 = arith.constant 0 : i32
    %c0_i32_0 = arith.constant 0 : i32
    return %arg0, %c0_i32 : i32, i32
  }
  func.func @transform_1(%arg0: i32) -> (i32, i32) {
    %c0_i32 = arith.constant 0 : i32
    %c0_i32_0 = arith.constant 0 : i32
    %c0_i32_1 = arith.constant 0 : i32
    return %c0_i32, %c0_i32_0 : i32, i32
  }
  func.func @transform_2(%arg0: i32) -> (i32, i32) {
    %c0_i32 = arith.constant 0 : i32
    %c0_i32_0 = arith.constant 0 : i32
    return %arg0, %c0_i32 : i32, i32
  }
}

module attributes {stable_mosaic.version = 14 : i64} {
  func.func @body(%arg0: i32, %arg1: i32, %arg2: i32, %arg3: memref<512x128xf32, #tpu.memory_space<vmem>>, %arg4: memref<128x256xf32, #tpu.memory_space<vmem>>, %arg5: memref<512x256xf32, #tpu.memory_space<vmem>>, %arg6: memref<512x256xf32, #tpu.memory_space<vmem>>) attributes {dimension_semantics = [#tpu.dimension_semantics<parallel>, #tpu.dimension_semantics<parallel>, #tpu.dimension_semantics<arbitrary>], iteration_bounds = array<i64: 20, 2, 2>, scalar_prefetch = 0 : i64, scratch_operands = 1 : i64, tpu.core_type = #tpu.core_type<tc>, window_params = [{transform_indices = @transform_0, window_bounds = array<i64: 512, 128>}, {transform_indices = @transform_1, window_bounds = array<i64: 128, 256>}, {transform_indices = @transform_2, window_bounds = array<i64: 512, 256>}]} {
    %eq3A = arith.constant 0 : i32
    %eq3A_0 = arith.cmpi eq, %arg2, %eq3A : i32
    %convert_element_type3A = arith.extui %eq3A_0 : i1 to i32
    %cond3A = arith.constant 0 : i32
    %cond3A_1 = arith.cmpi ne, %convert_element_type3A, %cond3A : i32
    scf.if %cond3A_1 {
      %broadcast_in_dim3A = arith.constant 0.000000e+00 : f32
      %broadcast_in_dim3A_20 = vector.broadcast %broadcast_in_dim3A : f32 to vector<512x256xf32>
      %swap3A_21 = arith.constant 0 : index
      %swap3A_22 = arith.constant 0 : index
      %swap3A_23 = vector.load %arg6[%swap3A_21, %swap3A_22] : memref<512x256xf32, #tpu.memory_space<vmem>>, vector<512x256xf32>
      tpu.vector_store %arg6[%swap3A_21, %swap3A_22], %broadcast_in_dim3A_20 {strides = array<i32>} : memref<512x256xf32, #tpu.memory_space<vmem>>, vector<512x256xf32>,
    } else {
    }
    %get3A = arith.constant 0 : index
    %get3A_2 = arith.constant 0 : index
    %get3A_3 = vector.load %arg6[%get3A, %get3A_2] : memref<512x256xf32, #tpu.memory_space<vmem>>, vector<512x256xf32>
    %get3A_4 = arith.constant 0 : index
    %get3A_5 = arith.constant 0 : index
    %get3A_6 = vector.load %arg3[%get3A_4, %get3A_5] : memref<512x128xf32, #tpu.memory_space<vmem>>, vector<512x128xf32>
    %convert_element_type3A_7 = arith.truncf %get3A_6 : vector<512x128xf32> to vector<512x128xbf16>
    %get3A_8 = arith.constant 0 : index
    %get3A_9 = arith.constant 0 : index
    %get3A_10 = vector.load %arg4[%get3A_8, %get3A_9] : memref<128x256xf32, #tpu.memory_space<vmem>>, vector<128x256xf32>
    %convert_element_type3A_11 = arith.truncf %get3A_10 : vector<128x256xf32> to vector<128x256xbf16>
    %dot_general3A = arith.constant dense<0.000000e+00> : vector<512x256xf32>
    %dot_general3A_12 = tpu.matmul %convert_element_type3A_7, %convert_element_type3A_11, %dot_general3A {dimension_numbers = #tpu.dot_dimension_numbers<[1], [0], [0], [1], [0, 0, 1, 1], [], []>, transpose_lhs_hint = false} : vector<512x128xbf16>, vector<128x256xbf16>, vector<512x256xf32> -> vector<512x256xf32>
    %add3A = arith.addf %get3A_3, %dot_general3A_12 : vector<512x256xf32>
    %swap3A = arith.constant 0 : index
    %swap3A_13 = arith.constant 0 : index
    %swap3A_14 = vector.load %arg6[%swap3A, %swap3A_13] : memref<512x256xf32, #tpu.memory_space<vmem>>, vector<512x256xf32>
    tpu.vector_store %arg6[%swap3A, %swap3A_13], %add3A {strides = array<i32>} : memref<512x256xf32, #tpu.memory_space<vmem>>, vector<512x256xf32>,
    %eq3A_15 = arith.constant 1 : i32
    %eq3A_16 = arith.cmpi eq, %arg2, %eq3A_15 : i32
    %convert_element_type3A_17 = arith.extui %eq3A_16 : i1 to i32
    %cond3A_18 = arith.constant 0 : i32
    %cond3A_19 = arith.cmpi ne, %convert_element_type3A_17, %cond3A_18 : i32
    scf.if %cond3A_19 {
      %get3A_20 = arith.constant 0 : index
      %get3A_21 = arith.constant 0 : index
      %get3A_22 = vector.load %arg6[%get3A_20, %get3A_21] : memref<512x256xf32, #tpu.memory_space<vmem>>, vector<512x256xf32>
      %swap3A_23 = arith.constant 0 : index
      %swap3A_24 = arith.constant 0 : index
      %swap3A_25 = vector.load %arg5[%swap3A_23, %swap3A_24] : memref<512x256xf32, #tpu.memory_space<vmem>>, vector<512x256xf32>
      tpu.vector_store %arg5[%swap3A_23, %swap3A_24], %get3A_22 {strides = array<i32>} : memref<512x256xf32, #tpu.memory_space<vmem>>, vector<512x256xf32>,
    } else {
    }
    return
  }
  func.func @transform_0(%arg0: i32, %arg1: i32, %arg2: i32) -> (i32, i32) {
    %mul3A = arith.constant 20 : i32
    %mul3A_0 = arith.muli %arg2, %mul3A : i32
    %add3A = arith.addi %mul3A_0, %arg0 : i32
    %c0_i32 = arith.constant 0 : i32
    %c0_i32_1 = arith.constant 0 : i32
    return %add3A, %c0_i32 : i32, i32
  }
  func.func @transform_1(%arg0: i32, %arg1: i32, %arg2: i32) -> (i32, i32) {
    %c0_i32 = arith.constant 0 : i32
    return %arg2, %arg1 : i32, i32
  }
  func.func @transform_2(%arg0: i32, %arg1: i32, %arg2: i32) -> (i32, i32) {
    %c0_i32 = arith.constant 0 : i32
    return %arg0, %arg1 : i32, i32
  }
}

module attributes {stable_mosaic.version = 14 : i64} {
  func.func @body(%arg0: memref<2x10240x128xf32, #tpu.memory_space<vmem>>, %arg1: memref<10240x16xf32, #tpu.memory_space<vmem>>) attributes {dimension_semantics = [], scalar_prefetch = 0 : i64, scratch_operands = 0 : i64, tpu.core_type = #tpu.core_type<tc>} {
    %get3A = arith.constant 0 : index
    %get3A_0 = arith.constant 0 : index
    %get3A_1 = arith.constant 0 : index
    %get3A_2 = vector.load %arg0[%get3A, %get3A_0, %get3A_1] : memref<2x10240x128xf32, #tpu.memory_space<vmem>>, vector<1x10240x16xf32>
    %get3A_3 = vector.shape_cast %get3A_2 : vector<1x10240x16xf32> to vector<10240x16xf32>
    %get3A_4 = arith.constant 1 : index
    %get3A_5 = arith.constant 0 : index
    %get3A_6 = arith.constant 0 : index
    %get3A_7 = vector.load %arg0[%get3A_4, %get3A_5, %get3A_6] : memref<2x10240x128xf32, #tpu.memory_space<vmem>>, vector<1x10240x16xf32>
    %get3A_8 = vector.shape_cast %get3A_7 : vector<1x10240x16xf32> to vector<10240x16xf32>
    %add3A = arith.addf %get3A_3, %get3A_8 : vector<10240x16xf32>
    %slice3A = vector.extract_strided_slice %add3A {offsets = [0, 0], sizes = [10240, 1], strides = [1, 1]} : vector<10240x16xf32> to vector<10240x1xf32>
    %max3A = arith.constant 1.000000e+00 : f32
    %max3A_9 = vector.broadcast %max3A : f32 to vector<10240x1xf32>
    %max3A_10 = arith.maximumf %slice3A, %max3A_9 : vector<10240x1xf32>
    %slice3A_11 = vector.extract_strided_slice %add3A {offsets = [0, 1], sizes = [10240, 1], strides = [1, 1]} : vector<10240x16xf32> to vector<10240x1xf32>
    %max3A_12 = arith.constant 1.000000e+00 : f32
    %max3A_13 = vector.broadcast %max3A_12 : f32 to vector<10240x1xf32>
    %max3A_14 = arith.maximumf %slice3A_11, %max3A_13 : vector<10240x1xf32>
    %mul3A = arith.mulf %max3A_14, %max3A_10 : vector<10240x1xf32>
    %div3A = arith.constant 1.000000e+00 : f32
    %div3A_15 = vector.broadcast %div3A : f32 to vector<10240x1xf32>
    %div3A_16 = arith.divf %div3A_15, %mul3A : vector<10240x1xf32>
    %broadcast_in_dim3A = vector.shape_cast %div3A_16 : vector<10240x1xf32> to vector<10240x1xf32>
    %broadcast_in_dim3A_17 = vector.broadcast %broadcast_in_dim3A : vector<10240x1xf32> to vector<10240x16xf32>
    %swap3A = arith.constant 0 : index
    %swap3A_18 = arith.constant 0 : index
    %swap3A_19 = vector.load %arg1[%swap3A, %swap3A_18] : memref<10240x16xf32, #tpu.memory_space<vmem>>, vector<10240x16xf32>
    tpu.vector_store %arg1[%swap3A, %swap3A_18], %broadcast_in_dim3A_17 {strides = array<i32>} : memref<10240x16xf32, #tpu.memory_space<vmem>>, vector<10240x16xf32>,
    return
  }
}

module attributes {stable_mosaic.version = 14 : i64} {
  func.func @body(%arg0: i32, %arg1: i32, %arg2: i32, %arg3: memref<1024x128xf32, #tpu.memory_space<vmem>>, %arg4: memref<1024x128xf32, #tpu.memory_space<vmem>>, %arg5: memref<1024x16xf32, #tpu.memory_space<vmem>>, %arg6: memref<128x128xf32, #tpu.memory_space<vmem>>, %arg7: memref<1024x128xf32, #tpu.memory_space<vmem>>, %arg8: memref<1024x128xf32, #tpu.memory_space<vmem>>) attributes {dimension_semantics = [#tpu.dimension_semantics<parallel>, #tpu.dimension_semantics<parallel>, #tpu.dimension_semantics<arbitrary>], iteration_bounds = array<i64: 10, 4, 2>, scalar_prefetch = 0 : i64, scratch_operands = 1 : i64, tpu.core_type = #tpu.core_type<tc>, window_params = [{transform_indices = @transform_0, window_bounds = array<i64: 1024, 128>}, {transform_indices = @transform_1, window_bounds = array<i64: 1024, 128>}, {transform_indices = @transform_2, window_bounds = array<i64: 1024, 16>}, {transform_indices = @transform_3, window_bounds = array<i64: 128, 128>}, {transform_indices = @transform_4, window_bounds = array<i64: 1024, 128>}]} {
    %eq3A = arith.constant 0 : i32
    %eq3A_0 = arith.cmpi eq, %arg2, %eq3A : i32
    %convert_element_type3A = arith.extui %eq3A_0 : i1 to i32
    %cond3A = arith.constant 0 : i32
    %cond3A_1 = arith.cmpi ne, %convert_element_type3A, %cond3A : i32
    scf.if %cond3A_1 {
      %get3A_24 = arith.constant 0 : index
      %get3A_25 = arith.constant 0 : index
      %get3A_26 = vector.load %arg3[%get3A_24, %get3A_25] : memref<1024x128xf32, #tpu.memory_space<vmem>>, vector<1024x128xf32>
      %swap3A_27 = arith.constant 0 : index
      %swap3A_28 = arith.constant 0 : index
      %swap3A_29 = vector.load %arg8[%swap3A_27, %swap3A_28] : memref<1024x128xf32, #tpu.memory_space<vmem>>, vector<1024x128xf32>
      tpu.vector_store %arg8[%swap3A_27, %swap3A_28], %get3A_26 {strides = array<i32>} : memref<1024x128xf32, #tpu.memory_space<vmem>>, vector<1024x128xf32>,
    } else {
    }
    %get3A = arith.constant 0 : index
    %get3A_2 = arith.constant 0 : index
    %get3A_3 = vector.load %arg4[%get3A, %get3A_2] : memref<1024x128xf32, #tpu.memory_space<vmem>>, vector<1024x128xf32>
    %get3A_4 = arith.constant 0 : index
    %get3A_5 = arith.constant 0 : index
    %get3A_6 = vector.load %arg5[%get3A_4, %get3A_5] : memref<1024x16xf32, #tpu.memory_space<vmem>>, vector<1024x1xf32>
    %mul3A = vector.broadcast %get3A_6 : vector<1024x1xf32> to vector<1024x128xf32>
    %mul3A_7 = arith.mulf %get3A_3, %mul3A : vector<1024x128xf32>
    %get3A_8 = arith.constant 0 : index
    %get3A_9 = arith.constant 0 : index
    %get3A_10 = vector.load %arg8[%get3A_8, %get3A_9] : memref<1024x128xf32, #tpu.memory_space<vmem>>, vector<1024x128xf32>
    %convert_element_type3A_11 = arith.truncf %mul3A_7 : vector<1024x128xf32> to vector<1024x128xbf16>
    %get3A_12 = arith.constant 0 : index
    %get3A_13 = arith.constant 0 : index
    %get3A_14 = vector.load %arg6[%get3A_12, %get3A_13] : memref<128x128xf32, #tpu.memory_space<vmem>>, vector<128x128xf32>
    %convert_element_type3A_15 = arith.truncf %get3A_14 : vector<128x128xf32> to vector<128x128xbf16>
    %dot_general3A = arith.constant dense<0.000000e+00> : vector<1024x128xf32>
    %dot_general3A_16 = tpu.matmul %convert_element_type3A_11, %convert_element_type3A_15, %dot_general3A {dimension_numbers = #tpu.dot_dimension_numbers<[1], [0], [0], [1], [0, 0, 1, 1], [], []>, transpose_lhs_hint = false} : vector<1024x128xbf16>, vector<128x128xbf16>, vector<1024x128xf32> -> vector<1024x128xf32>
    %add3A = arith.addf %get3A_10, %dot_general3A_16 : vector<1024x128xf32>
    %swap3A = arith.constant 0 : index
    %swap3A_17 = arith.constant 0 : index
    %swap3A_18 = vector.load %arg8[%swap3A, %swap3A_17] : memref<1024x128xf32, #tpu.memory_space<vmem>>, vector<1024x128xf32>
    tpu.vector_store %arg8[%swap3A, %swap3A_17], %add3A {strides = array<i32>} : memref<1024x128xf32, #tpu.memory_space<vmem>>, vector<1024x128xf32>,
    %eq3A_19 = arith.constant 1 : i32
    %eq3A_20 = arith.cmpi eq, %arg2, %eq3A_19 : i32
    %convert_element_type3A_21 = arith.extui %eq3A_20 : i1 to i32
    %cond3A_22 = arith.constant 0 : i32
    %cond3A_23 = arith.cmpi ne, %convert_element_type3A_21, %cond3A_22 : i32
    scf.if %cond3A_23 {
      %get3A_24 = arith.constant 0 : index
      %get3A_25 = arith.constant 0 : index
      %get3A_26 = vector.load %arg8[%get3A_24, %get3A_25] : memref<1024x128xf32, #tpu.memory_space<vmem>>, vector<1024x128xf32>
      %ge3A = arith.constant 0.000000e+00 : f32
      %ge3A_27 = vector.broadcast %ge3A : f32 to vector<1024x128xf32>
      %ge3A_28 = arith.cmpf oge, %get3A_26, %ge3A_27 : vector<1024x128xf32>
      %mul3A_29 = arith.constant 0.00999999977 : f32
      %mul3A_30 = vector.broadcast %mul3A_29 : f32 to vector<1024x128xf32>
      %mul3A_31 = arith.mulf %mul3A_30, %get3A_26 : vector<1024x128xf32>
      %select_n3A = arith.select %ge3A_28, %get3A_26, %mul3A_31 : vector<1024x128xi1>, vector<1024x128xf32>
      %swap3A_32 = arith.constant 0 : index
      %swap3A_33 = arith.constant 0 : index
      %swap3A_34 = vector.load %arg7[%swap3A_32, %swap3A_33] : memref<1024x128xf32, #tpu.memory_space<vmem>>, vector<1024x128xf32>
      tpu.vector_store %arg7[%swap3A_32, %swap3A_33], %select_n3A {strides = array<i32>} : memref<1024x128xf32, #tpu.memory_space<vmem>>, vector<1024x128xf32>,
    } else {
    }
    return
  }
  func.func @transform_0(%arg0: i32, %arg1: i32, %arg2: i32) -> (i32, i32) {
    %c0_i32 = arith.constant 0 : i32
    return %arg0, %arg1 : i32, i32
  }
  func.func @transform_1(%arg0: i32, %arg1: i32, %arg2: i32) -> (i32, i32) {
    %mul3A = arith.constant 10 : i32
    %mul3A_0 = arith.muli %arg2, %mul3A : i32
    %add3A = arith.addi %mul3A_0, %arg0 : i32
    %c0_i32 = arith.constant 0 : i32
    %c0_i32_1 = arith.constant 0 : i32
    return %add3A, %c0_i32 : i32, i32
  }
  func.func @transform_2(%arg0: i32, %arg1: i32, %arg2: i32) -> (i32, i32) {
    %c0_i32 = arith.constant 0 : i32
    %c0_i32_0 = arith.constant 0 : i32
    return %arg0, %c0_i32 : i32, i32
  }
  func.func @transform_3(%arg0: i32, %arg1: i32, %arg2: i32) -> (i32, i32) {
    %c0_i32 = arith.constant 0 : i32
    return %arg2, %arg1 : i32, i32
  }
  func.func @transform_4(%arg0: i32, %arg1: i32, %arg2: i32) -> (i32, i32) {
    %mul3A = arith.constant 10 : i32
    %mul3A_0 = arith.muli %arg1, %mul3A : i32
    %add3A = arith.addi %mul3A_0, %arg0 : i32
    %c0_i32 = arith.constant 0 : i32
    %c0_i32_1 = arith.constant 0 : i32
    return %add3A, %c0_i32 : i32, i32
  }
}

module attributes {stable_mosaic.version = 14 : i64} {
  func.func @body(%arg0: i32, %arg1: memref<5120x128xf32, #tpu.memory_space<vmem>>, %arg2: memref<5120x16xf32, #tpu.memory_space<vmem>>, %arg3: memref<5120x128xf32, #tpu.memory_space<vmem>>) attributes {dimension_semantics = [#tpu.dimension_semantics<arbitrary>], iteration_bounds = array<i64: 4>, scalar_prefetch = 0 : i64, scratch_operands = 0 : i64, tpu.core_type = #tpu.core_type<tc>, window_params = [{transform_indices = @transform_0, window_bounds = array<i64: 5120, 128>}, {pipeline_mode = #tpu.pipeline_mode<synchronous>, transform_indices = @transform_1, window_bounds = array<i64: 5120, 16>}, {transform_indices = @transform_2, window_bounds = array<i64: 5120, 128>}]} {
    %get3A = arith.constant 0 : index
    %get3A_0 = arith.constant 0 : index
    %get3A_1 = vector.load %arg1[%get3A, %get3A_0] : memref<5120x128xf32, #tpu.memory_space<vmem>>, vector<5120x128xf32>
    %get3A_2 = arith.constant 0 : index
    %get3A_3 = arith.constant 0 : index
    %get3A_4 = vector.load %arg2[%get3A_2, %get3A_3] : memref<5120x16xf32, #tpu.memory_space<vmem>>, vector<5120x1xf32>
    %mul3A = vector.broadcast %get3A_4 : vector<5120x1xf32> to vector<5120x128xf32>
    %mul3A_5 = arith.mulf %get3A_1, %mul3A : vector<5120x128xf32>
    %swap3A = arith.constant 0 : index
    %swap3A_6 = arith.constant 0 : index
    %swap3A_7 = vector.load %arg3[%swap3A, %swap3A_6] : memref<5120x128xf32, #tpu.memory_space<vmem>>, vector<5120x128xf32>
    tpu.vector_store %arg3[%swap3A, %swap3A_6], %mul3A_5 {strides = array<i32>} : memref<5120x128xf32, #tpu.memory_space<vmem>>, vector<5120x128xf32>,
    return
  }
  func.func @transform_0(%arg0: i32) -> (i32, i32) {
    %c0_i32 = arith.constant 0 : i32
    %c0_i32_0 = arith.constant 0 : i32
    return %arg0, %c0_i32 : i32, i32
  }
  func.func @transform_1(%arg0: i32) -> (i32, i32) {
    %c0_i32 = arith.constant 0 : i32
    %c0_i32_0 = arith.constant 0 : i32
    %c0_i32_1 = arith.constant 0 : i32
    return %c0_i32, %c0_i32_0 : i32, i32
  }
  func.func @transform_2(%arg0: i32) -> (i32, i32) {
    %c0_i32 = arith.constant 0 : i32
    %c0_i32_0 = arith.constant 0 : i32
    return %arg0, %c0_i32 : i32, i32
  }
}

module attributes {stable_mosaic.version = 14 : i64} {
  func.func @body(%arg0: i32, %arg1: i32, %arg2: i32, %arg3: memref<512x128xf32, #tpu.memory_space<vmem>>, %arg4: memref<128x256xf32, #tpu.memory_space<vmem>>, %arg5: memref<512x256xf32, #tpu.memory_space<vmem>>, %arg6: memref<512x256xf32, #tpu.memory_space<vmem>>) attributes {dimension_semantics = [#tpu.dimension_semantics<parallel>, #tpu.dimension_semantics<parallel>, #tpu.dimension_semantics<arbitrary>], iteration_bounds = array<i64: 20, 1, 4>, scalar_prefetch = 0 : i64, scratch_operands = 1 : i64, tpu.core_type = #tpu.core_type<tc>, window_params = [{transform_indices = @transform_0, window_bounds = array<i64: 512, 128>}, {transform_indices = @transform_1, window_bounds = array<i64: 128, 256>}, {transform_indices = @transform_2, window_bounds = array<i64: 512, 256>}]} {
    %eq3A = arith.constant 0 : i32
    %eq3A_0 = arith.cmpi eq, %arg2, %eq3A : i32
    %convert_element_type3A = arith.extui %eq3A_0 : i1 to i32
    %cond3A = arith.constant 0 : i32
    %cond3A_1 = arith.cmpi ne, %convert_element_type3A, %cond3A : i32
    scf.if %cond3A_1 {
      %broadcast_in_dim3A = arith.constant 0.000000e+00 : f32
      %broadcast_in_dim3A_20 = vector.broadcast %broadcast_in_dim3A : f32 to vector<512x256xf32>
      %swap3A_21 = arith.constant 0 : index
      %swap3A_22 = arith.constant 0 : index
      %swap3A_23 = vector.load %arg6[%swap3A_21, %swap3A_22] : memref<512x256xf32, #tpu.memory_space<vmem>>, vector<512x256xf32>
      tpu.vector_store %arg6[%swap3A_21, %swap3A_22], %broadcast_in_dim3A_20 {strides = array<i32>} : memref<512x256xf32, #tpu.memory_space<vmem>>, vector<512x256xf32>,
    } else {
    }
    %get3A = arith.constant 0 : index
    %get3A_2 = arith.constant 0 : index
    %get3A_3 = vector.load %arg6[%get3A, %get3A_2] : memref<512x256xf32, #tpu.memory_space<vmem>>, vector<512x256xf32>
    %get3A_4 = arith.constant 0 : index
    %get3A_5 = arith.constant 0 : index
    %get3A_6 = vector.load %arg3[%get3A_4, %get3A_5] : memref<512x128xf32, #tpu.memory_space<vmem>>, vector<512x128xf32>
    %convert_element_type3A_7 = arith.truncf %get3A_6 : vector<512x128xf32> to vector<512x128xbf16>
    %get3A_8 = arith.constant 0 : index
    %get3A_9 = arith.constant 0 : index
    %get3A_10 = vector.load %arg4[%get3A_8, %get3A_9] : memref<128x256xf32, #tpu.memory_space<vmem>>, vector<128x256xf32>
    %convert_element_type3A_11 = arith.truncf %get3A_10 : vector<128x256xf32> to vector<128x256xbf16>
    %dot_general3A = arith.constant dense<0.000000e+00> : vector<512x256xf32>
    %dot_general3A_12 = tpu.matmul %convert_element_type3A_7, %convert_element_type3A_11, %dot_general3A {dimension_numbers = #tpu.dot_dimension_numbers<[1], [0], [0], [1], [0, 0, 1, 1], [], []>, transpose_lhs_hint = false} : vector<512x128xbf16>, vector<128x256xbf16>, vector<512x256xf32> -> vector<512x256xf32>
    %add3A = arith.addf %get3A_3, %dot_general3A_12 : vector<512x256xf32>
    %swap3A = arith.constant 0 : index
    %swap3A_13 = arith.constant 0 : index
    %swap3A_14 = vector.load %arg6[%swap3A, %swap3A_13] : memref<512x256xf32, #tpu.memory_space<vmem>>, vector<512x256xf32>
    tpu.vector_store %arg6[%swap3A, %swap3A_13], %add3A {strides = array<i32>} : memref<512x256xf32, #tpu.memory_space<vmem>>, vector<512x256xf32>,
    %eq3A_15 = arith.constant 3 : i32
    %eq3A_16 = arith.cmpi eq, %arg2, %eq3A_15 : i32
    %convert_element_type3A_17 = arith.extui %eq3A_16 : i1 to i32
    %cond3A_18 = arith.constant 0 : i32
    %cond3A_19 = arith.cmpi ne, %convert_element_type3A_17, %cond3A_18 : i32
    scf.if %cond3A_19 {
      %get3A_20 = arith.constant 0 : index
      %get3A_21 = arith.constant 0 : index
      %get3A_22 = vector.load %arg6[%get3A_20, %get3A_21] : memref<512x256xf32, #tpu.memory_space<vmem>>, vector<512x256xf32>
      %swap3A_23 = arith.constant 0 : index
      %swap3A_24 = arith.constant 0 : index
      %swap3A_25 = vector.load %arg5[%swap3A_23, %swap3A_24] : memref<512x256xf32, #tpu.memory_space<vmem>>, vector<512x256xf32>
      tpu.vector_store %arg5[%swap3A_23, %swap3A_24], %get3A_22 {strides = array<i32>} : memref<512x256xf32, #tpu.memory_space<vmem>>, vector<512x256xf32>,
    } else {
    }
    return
  }
  func.func @transform_0(%arg0: i32, %arg1: i32, %arg2: i32) -> (i32, i32) {
    %mul3A = arith.constant 20 : i32
    %mul3A_0 = arith.muli %arg2, %mul3A : i32
    %add3A = arith.addi %mul3A_0, %arg0 : i32
    %c0_i32 = arith.constant 0 : i32
    %c0_i32_1 = arith.constant 0 : i32
    return %add3A, %c0_i32 : i32, i32
  }
  func.func @transform_1(%arg0: i32, %arg1: i32, %arg2: i32) -> (i32, i32) {
    %c0_i32 = arith.constant 0 : i32
    return %arg2, %arg1 : i32, i32
  }
  func.func @transform_2(%arg0: i32, %arg1: i32, %arg2: i32) -> (i32, i32) {
    %c0_i32 = arith.constant 0 : i32
    return %arg0, %arg1 : i32, i32
  }
}

module attributes {stable_mosaic.version = 14 : i64} {
  func.func @body(%arg0: i32, %arg1: i32, %arg2: i32, %arg3: memref<1024x256xf32, #tpu.memory_space<vmem>>, %arg4: memref<1024x128xf32, #tpu.memory_space<vmem>>, %arg5: memref<1024x16xf32, #tpu.memory_space<vmem>>, %arg6: memref<128x256xf32, #tpu.memory_space<vmem>>, %arg7: memref<1024x256xf32, #tpu.memory_space<vmem>>, %arg8: memref<1024x256xf32, #tpu.memory_space<vmem>>) attributes {dimension_semantics = [#tpu.dimension_semantics<parallel>, #tpu.dimension_semantics<parallel>, #tpu.dimension_semantics<arbitrary>], iteration_bounds = array<i64: 10, 1, 4>, scalar_prefetch = 0 : i64, scratch_operands = 1 : i64, tpu.core_type = #tpu.core_type<tc>, window_params = [{transform_indices = @transform_0, window_bounds = array<i64: 1024, 256>}, {transform_indices = @transform_1, window_bounds = array<i64: 1024, 128>}, {transform_indices = @transform_2, window_bounds = array<i64: 1024, 16>}, {transform_indices = @transform_3, window_bounds = array<i64: 128, 256>}, {transform_indices = @transform_4, window_bounds = array<i64: 1024, 256>}]} {
    %eq3A = arith.constant 0 : i32
    %eq3A_0 = arith.cmpi eq, %arg2, %eq3A : i32
    %convert_element_type3A = arith.extui %eq3A_0 : i1 to i32
    %cond3A = arith.constant 0 : i32
    %cond3A_1 = arith.cmpi ne, %convert_element_type3A, %cond3A : i32
    scf.if %cond3A_1 {
      %get3A_24 = arith.constant 0 : index
      %get3A_25 = arith.constant 0 : index
      %get3A_26 = vector.load %arg3[%get3A_24, %get3A_25] : memref<1024x256xf32, #tpu.memory_space<vmem>>, vector<1024x256xf32>
      %swap3A_27 = arith.constant 0 : index
      %swap3A_28 = arith.constant 0 : index
      %swap3A_29 = vector.load %arg8[%swap3A_27, %swap3A_28] : memref<1024x256xf32, #tpu.memory_space<vmem>>, vector<1024x256xf32>
      tpu.vector_store %arg8[%swap3A_27, %swap3A_28], %get3A_26 {strides = array<i32>} : memref<1024x256xf32, #tpu.memory_space<vmem>>, vector<1024x256xf32>,
    } else {
    }
    %get3A = arith.constant 0 : index
    %get3A_2 = arith.constant 0 : index
    %get3A_3 = vector.load %arg4[%get3A, %get3A_2] : memref<1024x128xf32, #tpu.memory_space<vmem>>, vector<1024x128xf32>
    %get3A_4 = arith.constant 0 : index
    %get3A_5 = arith.constant 0 : index
    %get3A_6 = vector.load %arg5[%get3A_4, %get3A_5] : memref<1024x16xf32, #tpu.memory_space<vmem>>, vector<1024x1xf32>
    %mul3A = vector.broadcast %get3A_6 : vector<1024x1xf32> to vector<1024x128xf32>
    %mul3A_7 = arith.mulf %get3A_3, %mul3A : vector<1024x128xf32>
    %get3A_8 = arith.constant 0 : index
    %get3A_9 = arith.constant 0 : index
    %get3A_10 = vector.load %arg8[%get3A_8, %get3A_9] : memref<1024x256xf32, #tpu.memory_space<vmem>>, vector<1024x256xf32>
    %convert_element_type3A_11 = arith.truncf %mul3A_7 : vector<1024x128xf32> to vector<1024x128xbf16>
    %get3A_12 = arith.constant 0 : index
    %get3A_13 = arith.constant 0 : index
    %get3A_14 = vector.load %arg6[%get3A_12, %get3A_13] : memref<128x256xf32, #tpu.memory_space<vmem>>, vector<128x256xf32>
    %convert_element_type3A_15 = arith.truncf %get3A_14 : vector<128x256xf32> to vector<128x256xbf16>
    %dot_general3A = arith.constant dense<0.000000e+00> : vector<1024x256xf32>
    %dot_general3A_16 = tpu.matmul %convert_element_type3A_11, %convert_element_type3A_15, %dot_general3A {dimension_numbers = #tpu.dot_dimension_numbers<[1], [0], [0], [1], [0, 0, 1, 1], [], []>, transpose_lhs_hint = false} : vector<1024x128xbf16>, vector<128x256xbf16>, vector<1024x256xf32> -> vector<1024x256xf32>
    %add3A = arith.addf %get3A_10, %dot_general3A_16 : vector<1024x256xf32>
    %swap3A = arith.constant 0 : index
    %swap3A_17 = arith.constant 0 : index
    %swap3A_18 = vector.load %arg8[%swap3A, %swap3A_17] : memref<1024x256xf32, #tpu.memory_space<vmem>>, vector<1024x256xf32>
    tpu.vector_store %arg8[%swap3A, %swap3A_17], %add3A {strides = array<i32>} : memref<1024x256xf32, #tpu.memory_space<vmem>>, vector<1024x256xf32>,
    %eq3A_19 = arith.constant 3 : i32
    %eq3A_20 = arith.cmpi eq, %arg2, %eq3A_19 : i32
    %convert_element_type3A_21 = arith.extui %eq3A_20 : i1 to i32
    %cond3A_22 = arith.constant 0 : i32
    %cond3A_23 = arith.cmpi ne, %convert_element_type3A_21, %cond3A_22 : i32
    scf.if %cond3A_23 {
      %get3A_24 = arith.constant 0 : index
      %get3A_25 = arith.constant 0 : index
      %get3A_26 = vector.load %arg8[%get3A_24, %get3A_25] : memref<1024x256xf32, #tpu.memory_space<vmem>>, vector<1024x256xf32>
      %ge3A = arith.constant 0.000000e+00 : f32
      %ge3A_27 = vector.broadcast %ge3A : f32 to vector<1024x256xf32>
      %ge3A_28 = arith.cmpf oge, %get3A_26, %ge3A_27 : vector<1024x256xf32>
      %mul3A_29 = arith.constant 0.00999999977 : f32
      %mul3A_30 = vector.broadcast %mul3A_29 : f32 to vector<1024x256xf32>
      %mul3A_31 = arith.mulf %mul3A_30, %get3A_26 : vector<1024x256xf32>
      %select_n3A = arith.select %ge3A_28, %get3A_26, %mul3A_31 : vector<1024x256xi1>, vector<1024x256xf32>
      %swap3A_32 = arith.constant 0 : index
      %swap3A_33 = arith.constant 0 : index
      %swap3A_34 = vector.load %arg7[%swap3A_32, %swap3A_33] : memref<1024x256xf32, #tpu.memory_space<vmem>>, vector<1024x256xf32>
      tpu.vector_store %arg7[%swap3A_32, %swap3A_33], %select_n3A {strides = array<i32>} : memref<1024x256xf32, #tpu.memory_space<vmem>>, vector<1024x256xf32>,
    } else {
    }
    return
  }
  func.func @transform_0(%arg0: i32, %arg1: i32, %arg2: i32) -> (i32, i32) {
    %c0_i32 = arith.constant 0 : i32
    return %arg0, %arg1 : i32, i32
  }
  func.func @transform_1(%arg0: i32, %arg1: i32, %arg2: i32) -> (i32, i32) {
    %mul3A = arith.constant 10 : i32
    %mul3A_0 = arith.muli %arg2, %mul3A : i32
    %add3A = arith.addi %mul3A_0, %arg0 : i32
    %c0_i32 = arith.constant 0 : i32
    %c0_i32_1 = arith.constant 0 : i32
    return %add3A, %c0_i32 : i32, i32
  }
  func.func @transform_2(%arg0: i32, %arg1: i32, %arg2: i32) -> (i32, i32) {
    %c0_i32 = arith.constant 0 : i32
    %c0_i32_0 = arith.constant 0 : i32
    return %arg0, %c0_i32 : i32, i32
  }
  func.func @transform_3(%arg0: i32, %arg1: i32, %arg2: i32) -> (i32, i32) {
    %c0_i32 = arith.constant 0 : i32
    return %arg2, %arg1 : i32, i32
  }
  func.func @transform_4(%arg0: i32, %arg1: i32, %arg2: i32) -> (i32, i32) {
    %c0_i32 = arith.constant 0 : i32
    return %arg0, %arg1 : i32, i32
  }
}

</mosaic_0001>

<sc_bundles>
// kernel: kernel.16.cloned.1.call-start
scs
__scs_entry_jumppad:
0x0: {  	(pc) =	sbr.rel $0x88, $3  }
0x1: {  	(tag) =	ssettag $0x0;
	lr =	simm.s32 $0x1  }
0x2: {  	[smem:$0x3F9C] =	sst lr;
	_ =	strace $0xD0000000  }
0x3: {  	_ = 	snop  }
0x4: {  	_ = 	snop  }
0x5: {  	_ = 	snop  }
0x6: {  	_ = 	snop  }
0x7: {  	_ = 	snop  }
__scs_overlays_trampoline_lowered:
0x8: {  	[smem:$0x3FAB] =	sst s0  }
0x9: {  	[smem:$0x3FAC] =	sst s1  }
0xa: {  	[smem:$0x3FAD] =	sst s2  }
0xb: {  	[smem:$0x3FAE] =	sst s3  }
0xc: {  	[smem:$0x3FAF] =	sst s4  }
0xd: {  	[smem:$0x3FB0] =	sst s5  }
0xe: {  	[smem:$0x3FB1] =	sst s6  }
0xf: {  	[smem:$0x3FB2] =	sst s7  }
0x10: {  	[smem:$0x3FB3] =	sst s8  }
0x11: {  	[smem:$0x3FB4] =	sst s9;
	s0 =	simm.s32 @!p0 $0x0  }
0x12: {  	s1 =	sld [smem:$0x3F9A];
	s0 =	simm.s32 @p0 $0x1  }
0x13: {  	[smem:$0x3FB5] =	sst s0;
	s0 =	simm.s32 @!p1 $0x0  }
0x14: {  	s2 =	sld [smem:$0x3F99];
	s0 =	simm.s32 @p1 $0x1  }
0x15: {  	[smem:$0x3FB6] =	sst s0;
	s0 =	simm.s32 @!p2 $0x0  }
0x16: {  	s3 =	sld [smem:$0x3FDB];
	s0 =	simm.s32 @p2 $0x1  }
0x17: {  	s4 =	simm.s32 $0x1BF5;
	[smem:$0x3FB8] =	sst s0  }
0x18: {  	s0 =	sld [smem:$0x3F9B];
	_ =	swait.ge [sflag:s4], $0x0  }
0x19: {  	s7 =	sld [smem:$0x3F9C]  }
0x1a: {  	s8 =	sadd.s32 $0xFFFFE003, lr  }
0x1b: {  	s9 =	sadd.s32 $0xFFFFFEF7, lr;
	s5 =	simm.s32 $0xFFFFFFFF;
	p2 =	slt.u32 s8, $0xFFFFF086  }
0x1c: {  	p1 =	slt.u32 s9, $0xF7A;
	s5 =	simm.s32 @!p2 $0x0  }
0x1d: {  	s5 =	simm.s32 @p1 $0x1;
	p0 =	seq.s32 s7, s2  }
0x1e: {  	s7 =	smul.u32 @!p0 $0xF7A, s2;
	p2 =	seq.s32 @!p0 s5, $0x0  }
0x1f: {  	s9 =	smul.u32 $0xF7A, s1;
	s8 =	simm.s32 @!p0 $0x1BF5;
	p2 =	por !p2, p0  }
0x20: {  	[sflag:s8] =	ssyncset.s32 @!p0 $0xFFFFF086;
	s6 =	sadd.s32 @!p0 s3, s7;
	s7 =	simm.s32 @!p0 $0x108  }
0x21: {  	s3 =	sadd.s32 s3, s9;
	s6 =	sadd.s32 @!p0 $0x88, s6;
	s7 =	simm.s32 @p2 $0x1082  }
0x22: {  	[simem:s7], [sflag:s8] =	dma.local @!p0 [hbm:s6], $0xF7A  }
0x23: {  	s9 =	sor.u32 $0xD0000000, s2;
	s6 =	simm.s32 $0x108;
	_ =	swait.ge @!p0 [sflag:s8], $0x0  }
0x24: {  	s3 =	sadd.s32 $0x88, s3;
	s6 =	simm.s32 @!p1 $0x1082;
	[sflag:s4] =	ssyncset.s32 $0xFFFFF086  }
0x25: {  	[simem:s6], [sflag:s4] =	dma.local [hbm:s3], $0xF7A  }
0x26: {  	[smem:$0x3F9C] =	sst s1;
	(tag) =	ssettag s2;
	_ =	strace s9  }
0x27: {  	s1 =	sld [smem:$0x3FAC]  }
0x28: {  	s2 =	sld [smem:$0x3FAD]  }
0x29: {  	s4 =	sld [smem:$0x3FAF]  }
0x2a: {  	p0 =	seq.s32 s5, $0x0;
	s5 =	sld [smem:$0x3FB0]  }
0x2b: {  	s6 =	sld [smem:$0x3FB1]  }
0x2c: {  	s7 =	sld [smem:$0x3FB2]  }
0x2d: {  	s3 =	simm.s32 $0x108;
	s8 =	sld [smem:$0x3FB3]  }
0x2e: {  	s3 =	simm.s32 @!p0 $0x1082;
	s9 =	sld [smem:$0x3FB4]  }
0x2f: {  	lr =	sadd.s32 s0, s3;
	s0 =	sld [smem:$0x3FAB]  }
0x30: {  	s3 =	sld [smem:$0x3FAE]  }
0x31: {  	[smem:$0x3FB7] =	sst s10  }
0x32: {  	s10 =	sld [smem:$0x3FB5];
	_ =	sdelay $0x3  }
0x33: {  	p0 =	seq.s32 s10, $0x1;
	s10 =	sld [smem:$0x3FB7];
	_ =	sdelay $0x3  }
0x34: {  	[smem:$0x3FB7] =	sst s10  }
0x35: {  	s10 =	sld [smem:$0x3FB6];
	_ =	sdelay $0x3  }
0x36: {  	p1 =	seq.s32 s10, $0x1;
	s10 =	sld [smem:$0x3FB7];
	_ =	sdelay $0x3  }
0x37: {  	[smem:$0x3FB7] =	sst s10  }
0x38: {  	s10 =	sld [smem:$0x3FB8]  }
0x39: {  	_ = 	snop;
	(pc) =	sbr.ind lr, $3  }
0x3a: {  	_ = 	snop  }
0x3b: {  	_ = 	snop  }
0x3c: {  	p2 =	seq.s32 s10, $0x1;
	s10 =	sld [smem:$0x3FB7]  }
0x3d: {  	_ =	shalt  }
0x3e: {  	_ =	shalt  }
0x3f: {  	_ =	shalt  }
0x40: {  	_ =	shalt  }
0x41: {  	_ =	shalt  }
0x42: {  	_ =	shalt  }
0x43: {  	_ =	shalt  }
0x44: {  	_ =	shalt  }
0x45: {  	_ =	shalt  }
0x46: {  	_ =	shalt  }
0x47: {  	_ =	shalt  }
0x48: {  	_ =	shalt  }
0x49: {  	_ =	shalt  }
0x4a: {  	_ =	shalt  }
0x4b: {  	_ =	shalt  }
0x4c: {  	_ =	shalt  }
0x4d: {  	_ =	shalt  }
0x4e: {  	_ =	shalt  }
0x4f: {  	_ =	shalt  }
0x50: {  	_ =	shalt  }
0x51: {  	_ =	shalt  }
0x52: {  	_ =	shalt  }
0x53: {  	_ =	shalt  }
0x54: {  	_ =	shalt  }
0x55: {  	_ =	shalt  }
0x56: {  	_ =	shalt  }
0x57: {  	_ =	shalt  }
0x58: {  	_ =	shalt  }
0x59: {  	_ =	shalt  }
0x5a: {  	_ =	shalt  }
0x5b: {  	_ =	shalt  }
0x5c: {  	_ =	shalt  }
0x5d: {  	_ =	shalt  }
0x5e: {  	_ =	shalt  }
0x5f: {  	_ =	shalt  }
0x60: {  	_ =	shalt  }
0x61: {  	_ =	shalt  }
0x62: {  	_ =	shalt  }
0x63: {  	_ =	shalt  }
0x64: {  	_ =	shalt  }
0x65: {  	_ =	shalt  }
0x66: {  	_ =	shalt  }
0x67: {  	_ =	shalt  }
0x68: {  	_ =	shalt  }
0x69: {  	_ =	shalt  }
0x6a: {  	_ =	shalt  }
0x6b: {  	_ =	shalt  }
0x6c: {  	_ =	shalt  }
0x6d: {  	_ =	shalt  }
0x6e: {  	_ =	shalt  }
0x6f: {  	_ =	shalt  }
0x70: {  	_ =	shalt  }
0x71: {  	_ =	shalt  }
0x72: {  	_ =	shalt  }
0x73: {  	_ =	shalt  }
0x74: {  	_ =	shalt  }
0x75: {  	_ =	shalt  }
0x76: {  	_ =	shalt  }
0x77: {  	_ =	shalt  }
0x78: {  	_ =	shalt  }
0x79: {  	_ =	shalt  }
0x7a: {  	_ =	shalt  }
0x7b: {  	_ =	shalt  }
0x7c: {  	_ =	shalt  }
0x7d: {  	_ =	shalt  }
0x7e: {  	_ =	shalt  }
0x7f: {  	_ =	shalt  }
0x80: {  	_ =	shalt  }
0x81: {  	_ =	shalt  }
0x82: {  	_ =	shalt  }
0x83: {  	_ =	shalt  }
0x84: {  	_ =	shalt  }
0x85: {  	_ =	shalt  }
0x86: {  	_ =	shalt  }
0x87: {  	_ =	shalt  }
.Lfunc_end0:
.L_simem_size_0:
called_computation_lowered:
.L_overlay_start_0:
0x88: {  	s2 =	sld [smem:$0x3FD9]  }
0x89: {  	s3 =	sld [smem:$0x3FFE];
	_ =	sdelay $0x1  }
0x8a: {  	s1 =	srdreg.scid  }
0x8b: {  	s0 =	sand.u32 $0x1, s1  }
0x8c: {  	s17 =	sshll.u32 s0, $0xA;
	s2 =	sadd.s32 s3, s2  }
0x8d: {  	s2 =	sadd.s32 s2, s17  }
0x8e: {  	[smem:$0x3FC3] =	sst s2  }
0x8f: {  	_ = 	snop  }
0x90: {  	s2 =	sld [smem:$0x3FD0];
	(tm) =	ssettm $0x1  }
0x91: {  	s18 =	sld [smem:$0x3FFB];
	_ =	sdelay $0x3  }
0x92: {  	_ =	strace s18  }
0x93: {  	s3 =	sld [smem:$0x3FFC];
	_ =	sdelay $0x3  }
0x94: {  	_ =	strace s3  }
0x95: {  	s3 =	sld [smem:$0x3FFD];
	_ =	sdelay $0x3  }
0x96: {  	_ =	strace s3  }
0x97: {  	_ =	strace $0x8FFFFFFF  }
0x98: {  	s19 =	sld [smem:$0x3FDB];
	_ =	sdelay $0x1  }
0x99: {  	s4 =	simm.s32 $_scs_section_size  }
0x9a: {  	s5 =	simm.s32 $_size__tile_overlayer_lowered;
	s6 =	simm.s32 $_tile_overlayer_lowered  }
0x9b: {  	s22 =	simm.s32 $0x1BFF;
	s21 =	sshll.u32 s6, $0x1;
	s3 =	sadd.s32 s4, s19  }
0x9c: {  	s7 =	simm.s32 $0x0;
	s20 =	sshll.u32 s5, $0x1;
	s5 =	sadd.s32 s21, s3  }
0x9d: {  	[timem:s7], [sflag:s22] =	dma.local [hbm:s5], s20  }
0x9e: {  	_ =	swait.ge [sflag:s22], s20  }
0x9f: {  	s4 =	ssub.s32 $0x0, s20;
	[sflag:s22] =	ssyncset.done $0x0  }
0xa0: {  	[sflag:s22] =	ssyncadd.s32 s4;
	_ =	sdelay $0x1  }
0xa1: {  	s23 =	simm.s32 $0x1B8B  }
0xa2: {  	_ =	swait.ge [sflag:s23], $0x1  }
0xa3: {  	[sflag:s23] =	ssyncset.done $0x0  }
0xa4: {  	s25 =	simm.s32 $0x1B8E;
	s24 =	sld [smem:$0x3FFE];
	[sflag:s23] =	ssyncadd.s32 $0xFFFFFFFF  }
0xa5: {  	s26 =	simm.s32 $execute0_lowered;
	[smem:$0x3FD2] =	sst s25  }
0xa6: {  	s5 =	sshll.u32 s26, $0x1;
	_ =	strace $0x80000046;
	[dreg:$0x1] =	wrdreg $0xFFFFFFFF  }
0xa7: {  	s28 =	simm.s32 $_size_execute0_lowered;
	s3 =	sadd.s32 s3, s5;
	[dreg:$0x0] =	wrdreg $0x0  }
0xa8: {  	s5 =	sshll.u32 s28, $0x1;
	[dreg:$0x2] =	wrdreg s3  }
0xa9: {  	[dreg:$0x3] =	wrdreg s5  }
0xaa: {  	[dreg:$0x4] =	wrdreg $0xC0  }
0xab: {  	_ =	task [dreg:s7], $0x5FFFF  }
0xac: {  	[dreg:$0x1] =	wrdreg $0xFFFFFFFF  }
0xad: {  	[dreg:$0x0] =	wrdreg $0x60  }
0xae: {  	[dreg:$0x2] =	wrdreg s24  }
0xaf: {  	[dreg:$0x3] =	wrdreg s2  }
0xb0: {  	[dreg:$0x4] =	wrdreg $0x55000  }
0xb1: {  	[dreg:$0x5] =	wrdreg $0x9  }
0xb2: {  	_ =	task.clear_ibuf [dreg:s7], $0x6FFFF;
	_ =	strace $0x90000046  }
0xb3: {  	s29 =	simm.s32 $0x9;
	_ =	strace $0x80000048  }
0xb4: {  	_ =	swait.ge [sflag:s29], $0x1  }
0xb5: {  	[sflag:s29] =	ssyncadd.s32 $0xFFFFFFFF  }
0xb6: {  	_ =	strace $0x90000048  }
0xb7: {  	_ =	sfence  }
0xb8: {  	s30 =	sld [smem:$0x0];
	_ =	sdelay $0x2  }
0xb9: {  	s31 =	sshll.u32 s1, $0xD;
	s1 =	sshrl.u32 s1, $0x2  }
0xba: {  	s3 =	sand.u32 $0x4000, s31;
	s1 =	sadd.s32 s1, s30  }
0xbb: {  	s0 =	sor.u32 s3, s0;
	s1 =	sshll.u32 s1, $0x11  }
0xbc: {  	s0 =	sor.u32 s1, s0  }
0xbd: {  	s0 =	sadd.s32 $0x8F2B, s0  }
0xbe: {  	[sflag:s0] =	ssyncadd.remote.s32 $0x1  }
0xbf: {  	_ =	sfence.sel $0xFFFF  }
0xc0: {  	[dreg:$0x0] =	wrdreg $0xFFFFFFFF;
	(pc) =	sbr.abs _section_cstart, $3  }
0xc1: {  	[dreg:$0x1] =	wrdreg $0xFFFFFFFF  }
0xc2: {  	_ =	task.clear_ibuf [dreg:s7], $0x2FFFF;
	_ =	strace $0x9FFFFFFF  }
0xc3: {  	(tm) =	ssettm $0x7FFFFFFF  }
tec
execute0_lowered:
.L_overlay_start_1:
0x0: {  	(tag) =	ssettag $0x1  }
0x1: {  	s6 =	rddreg [dreg:$0x0]  }
0x2: {  	s1 =	rddreg [dreg:$0x1]  }
0x3: {  	s3 =	rddreg [dreg:$0x2];
	s2 =	srdreg.scid  }
0x4: {  	s0 =	rddreg [dreg:$0x3];
	s4 =	simm.s32 $0x0;
	s13 =	simm.s32 $0x80  }
0x5: {  	s14 =	simm.s32 $0x1400;
	s15 =	simm.s32 $0x1480;
	s16 =	simm.s32 $0x1  }
0x6: {  	s17 =	simm.s32 $0x2;
	s7 =	sand.u32 $0x1, s2;
	s2 =	stileid.u32  }
0x7: {  	s18 =	simm.s32 $0x0;
	[smem:$0x7FF] =	sst s4;
	s8 =	smul.u32 $0xA0000, s7  }
0x8: {  	s5 =	sshll.u32 s7, $0x4;
	s9 =	smul.u32 $0xA000, s2;
	_ =	strace $0x80000047  }
0x9: {  	s10 =	smul.u32 $0x28000, s2;
	s31 =	ssub.s32 $0x2, s7;
	s5 =	sor.u32 s2, s5  }
0xa: {  	s11 =	sshll.u32 s2, $0x6;
	s7 =	sshrl.u32 s31, $0x1;
	s5 =	smul.u32 $0x280, s5  }
0xb: {  	s8 =	sadd.s32 s9, s8;
	s10 =	sshrl.u32 s10, $0x2;
	s12 =	ssub.s32 s31, s7  }
0xc: {  	s8 =	sshrl.u32 s8, $0x3;
	s10 =	sadd.s32 s10, s3;
	s9 =	smax.u32 s12, $0x1  }
0xd: {  	s12 =	simm.s32 $0x1500;
	s30 =	sadd.s32 s5, s6;
	s5 =	sadd.s32 $0xE800, s6  }
0xe: {  	s8 =	sadd.s32 s8, s6;
	s6 =	sor.u32 $0x1C03, s11;
	s10 =	sshrl.u32 s10, $0x3  }
0xf: {  	s11 =	simm.s32 $0x3;
	s7 =	sadd.s32 $0x9800, s30;
	s8 =	sadd.s32 $0xF000, s8  }
.LBB2_1:
0x10: {  	[spmem:s10], [sflag:s6] =	dma.local [hbm:s1], $0x1400  }
0x11: {  	_ =	swait.ge [sflag:s11], $0x1400  }
0x12: {  	[sflag:s11] =	ssyncset.done $0x0  }
0x13: {  	[sflag:s11] =	ssyncadd.s32 $0xFFFFEC00  }
0x14: {  	[tilespmem:s12], [sflag:$0x3] =	stream.linear.gather [hbm4b:s5+s4], $0x4000, $0x38;
	[tilespmem:$0xF500] =	vst v63  }
0x15: {  	_ =	swait.ge [sflag:s11], $0x4000  }
0x16: {  	[sflag:s11] =	ssyncset.done $0x0  }
0x17: {  	[sflag:s11] =	ssyncadd.s32 $0xFFFFC000  }
0x18: {  	[tilespmem:s4], [sflag:$0x3] =	stream.linear.gather [hbm4b:s7+s4], $0x1400, $0x38;
	[tilespmem:$0xF500] =	vst v63  }
0x19: {  	_ =	swait.ge [sflag:s11], $0x1400  }
0x1a: {  	[sflag:s11] =	ssyncset.done $0x0  }
0x1b: {  	[sflag:s11] =	ssyncadd.s32 $0xFFFFEC00  }
0x1c: {  	[bflag:$0x0] =	sbarrier.arrive $0xFFFF  }
0x1d: {  	v0 =	vld [tilespmem:$0x0]  }
0x1e: {  	v1 =	vld [tilespmem:$0x10]  }
0x1f: {  	v2 =	vld [tilespmem:$0x20]  }
0x20: {  	v3 =	vld [tilespmem:$0x30]  }
0x21: {  	v4 =	vld [tilespmem:$0x40]  }
0x22: {  	v51 =	vld [tilespmem:$0x50];
	[tilespmem:$0x1400] =	vst v0  }
0x23: {  	v52 =	vld [tilespmem:$0x60];
	[tilespmem:$0x1410] =	vst v1  }
0x24: {  	v53 =	vld [tilespmem:$0x70];
	[tilespmem:$0x1420] =	vst v2  }
0x25: {  	[tilespmem:$0x1430] =	vst v3  }
0x26: {  	[tilespmem:$0x1440] =	vst v4  }
0x27: {  	[tilespmem:$0x1450] =	vst v51  }
0x28: {  	[tilespmem:$0x1460] =	vst v52  }
0x29: {  	[tilespmem:$0x1470] =	vst v53  }
0x2a: {  	[spmem:s3] =	stream.indirect.scatter.add.f32 [tilespmem:s12], [sflag:$0x1], $0x80, s14, s13, $0xb8;
	[tilespmem:$0xF500] =	vst v63  }
0x2b: {  	v54 =	vld [tilespmem:$0x80]  }
0x2c: {  	v55 =	vld [tilespmem:$0x90]  }
0x2d: {  	v56 =	vld [tilespmem:$0xA0]  }
0x2e: {  	v57 =	vld [tilespmem:$0xB0]  }
0x2f: {  	v58 =	vld [tilespmem:$0xC0]  }
0x30: {  	v59 =	vld [tilespmem:$0xD0];
	[tilespmem:$0x1480] =	vst v54  }
0x31: {  	v60 =	vld [tilespmem:$0xE0];
	[tilespmem:$0x1490] =	vst v55  }
0x32: {  	v61 =	vld [tilespmem:$0xF0];
	[tilespmem:$0x14A0] =	vst v56  }
0x33: {  	[tilespmem:$0x14B0] =	vst v57  }
0x34: {  	[tilespmem:$0x14C0] =	vst v58  }
0x35: {  	[tilespmem:$0x14D0] =	vst v59  }
0x36: {  	[tilespmem:$0x14E0] =	vst v60  }
0x37: {  	[tilespmem:$0x14F0] =	vst v61  }
0x38: {  	[spmem:s3] =	stream.indirect.scatter.add.f32 [tilespmem:s12], [sflag:$0x2], $0x80, s15, s13, $0xb8;
	[tilespmem:$0xF500] =	vst v63  }
0x39: {  	_ =	swait.ge [sflag:s16], $0x4000  }
0x3a: {  	[sflag:s16] =	ssyncset.done $0x0  }
0x3b: {  	s19 =	simm.s32 $0x0;
	[sflag:s16] =	ssyncadd.s32 $0xFFFFC000  }
0x3c: {  	v62 =	vld [tilespmem:s19+$0x100];
	_ =	sdelay $0x4  }
0x3d: {  	[tilespmem:$0x1400] =	vst v62  }
0x3e: {  	v0 =	vld [tilespmem:s19+$0x110];
	_ =	sdelay $0x4  }
0x3f: {  	[tilespmem:$0x1410] =	vst v0  }
0x40: {  	v0 =	vld [tilespmem:s19+$0x120];
	_ =	sdelay $0x4  }
0x41: {  	[tilespmem:$0x1420] =	vst v0  }
0x42: {  	v0 =	vld [tilespmem:s19+$0x130];
	_ =	sdelay $0x4  }
0x43: {  	[tilespmem:$0x1430] =	vst v0  }
0x44: {  	v0 =	vld [tilespmem:s19+$0x140];
	_ =	sdelay $0x4  }
0x45: {  	[tilespmem:$0x1440] =	vst v0  }
0x46: {  	v0 =	vld [tilespmem:s19+$0x150];
	_ =	sdelay $0x4  }
0x47: {  	[tilespmem:$0x1450] =	vst v0  }
0x48: {  	v0 =	vld [tilespmem:s19+$0x160];
	_ =	sdelay $0x4  }
0x49: {  	[tilespmem:$0x1460] =	vst v0  }
0x4a: {  	v0 =	vld [tilespmem:s19+$0x170];
	_ =	sdelay $0x4  }
0x4b: {  	[tilespmem:$0x1470] =	vst v0  }
0x4c: {  	[spmem:s3] =	stream.indirect.scatter.add.f32 [tilespmem:s12], [sflag:$0x1], $0x80, s14, s13, $0xb8;
	[tilespmem:$0xF500] =	vst v63  }
0x4d: {  	_ =	swait.ge [sflag:s17], $0x4000  }
0x4e: {  	[sflag:s17] =	ssyncset.done $0x0  }
0x4f: {  	[sflag:s17] =	ssyncadd.s32 $0xFFFFC000  }
0x50: {  	v63 =	vld [tilespmem:s19+$0x180];
	_ =	sdelay $0x4  }
0x51: {  	[tilespmem:$0x1480] =	vst v63  }
0x52: {  	v0 =	vld [tilespmem:s19+$0x190];
	_ =	sdelay $0x4  }
0x53: {  	[tilespmem:$0x1490] =	vst v0  }
0x54: {  	v0 =	vld [tilespmem:s19+$0x1A0];
	_ =	sdelay $0x4  }
0x55: {  	[tilespmem:$0x14A0] =	vst v0  }
0x56: {  	v0 =	vld [tilespmem:s19+$0x1B0];
	_ =	sdelay $0x4  }
0x57: {  	[tilespmem:$0x14B0] =	vst v0  }
0x58: {  	v0 =	vld [tilespmem:s19+$0x1C0];
	_ =	sdelay $0x4  }
0x59: {  	[tilespmem:$0x14C0] =	vst v0  }
0x5a: {  	v0 =	vld [tilespmem:s19+$0x1D0];
	_ =	sdelay $0x4  }
0x5b: {  	[tilespmem:$0x14D0] =	vst v0  }
0x5c: {  	v0 =	vld [tilespmem:s19+$0x1E0];
	_ =	sdelay $0x4  }
0x5d: {  	[tilespmem:$0x14E0] =	vst v0  }
0x5e: {  	v0 =	vld [tilespmem:s19+$0x1F0];
	_ =	sdelay $0x4  }
0x5f: {  	s19 =	simm.s32 $0x400;
	[tilespmem:$0x14F0] =	vst v0  }
.LBB2_2:
0x60: {  	[spmem:s3] =	stream.indirect.scatter.add.f32 [tilespmem:s12], [sflag:$0x2], $0x80, s15, s13, $0xb8;
	[tilespmem:$0xF500] =	vst v63  }
0x61: {  	s20 =	smov.u32 s19  }
0x62: {  	p0 =	sne.s32 s19, $0x4800;
	s19 =	sadd.s32 $0x400, s19;
	_ =	swait.ge [sflag:s16], $0x4000  }
0x63: {  	[sflag:s16] =	ssyncset.done $0x0  }
0x64: {  	s20 =	sshra.s32 s20, $0x2;
	[sflag:s16] =	ssyncadd.s32 $0xFFFFC000  }
0x65: {  	v0 =	vld [tilespmem:s20+$0x100];
	_ =	sdelay $0x4  }
0x66: {  	[tilespmem:$0x1400] =	vst v0  }
0x67: {  	v0 =	vld [tilespmem:s20+$0x110];
	_ =	sdelay $0x4  }
0x68: {  	[tilespmem:$0x1410] =	vst v0  }
0x69: {  	v0 =	vld [tilespmem:s20+$0x120];
	_ =	sdelay $0x4  }
0x6a: {  	[tilespmem:$0x1420] =	vst v0  }
0x6b: {  	v0 =	vld [tilespmem:s20+$0x130];
	_ =	sdelay $0x4  }
0x6c: {  	[tilespmem:$0x1430] =	vst v0  }
0x6d: {  	v0 =	vld [tilespmem:s20+$0x140];
	_ =	sdelay $0x4  }
0x6e: {  	[tilespmem:$0x1440] =	vst v0  }
0x6f: {  	v0 =	vld [tilespmem:s20+$0x150];
	_ =	sdelay $0x4  }
0x70: {  	[tilespmem:$0x1450] =	vst v0  }
0x71: {  	v0 =	vld [tilespmem:s20+$0x160];
	_ =	sdelay $0x4  }
0x72: {  	[tilespmem:$0x1460] =	vst v0  }
0x73: {  	v0 =	vld [tilespmem:s20+$0x170];
	_ =	sdelay $0x4  }
0x74: {  	[tilespmem:$0x1470] =	vst v0  }
0x75: {  	[spmem:s3] =	stream.indirect.scatter.add.f32 [tilespmem:s12], [sflag:$0x1], $0x80, s14, s13, $0xb8;
	[tilespmem:$0xF500] =	vst v63  }
0x76: {  	_ =	swait.ge [sflag:s17], $0x4000  }
0x77: {  	[sflag:s17] =	ssyncset.done $0x0  }
0x78: {  	[sflag:s17] =	ssyncadd.s32 $0xFFFFC000  }
0x79: {  	v0 =	vld [tilespmem:s20+$0x180];
	_ =	sdelay $0x4  }
0x7a: {  	[tilespmem:$0x1480] =	vst v0  }
0x7b: {  	v0 =	vld [tilespmem:s20+$0x190];
	_ =	sdelay $0x4  }
0x7c: {  	[tilespmem:$0x1490] =	vst v0  }
0x7d: {  	v0 =	vld [tilespmem:s20+$0x1A0];
	_ =	sdelay $0x4  }
0x7e: {  	[tilespmem:$0x14A0] =	vst v0  }
0x7f: {  	v0 =	vld [tilespmem:s20+$0x1B0];
	_ =	sdelay $0x4  }
0x80: {  	[tilespmem:$0x14B0] =	vst v0  }
0x81: {  	v0 =	vld [tilespmem:s20+$0x1C0];
	_ =	sdelay $0x4  }
0x82: {  	[tilespmem:$0x14C0] =	vst v0  }
0x83: {  	v0 =	vld [tilespmem:s20+$0x1D0];
	_ =	sdelay $0x4  }
0x84: {  	[tilespmem:$0x14D0] =	vst v0  }
0x85: {  	v0 =	vld [tilespmem:s20+$0x1E0];
	_ =	sdelay $0x4  }
0x86: {  	[tilespmem:$0x14E0] =	vst v0  }
0x87: {  	v0 =	vld [tilespmem:s20+$0x1F0]  }
.Ltmp0:
0x88: {  	(pc) =	sbr.rel @p0 .LBB2_2-.Ltmp0, $2  }
0x89: {  	_ =	sdelay $0x2  }
0x8a: {  	[tilespmem:$0x14F0] =	vst v0  }
0x8b: {  	[spmem:s3] =	stream.indirect.scatter.add.f32 [tilespmem:s12], [sflag:$0x2], $0x80, s15, s13, $0xb8;
	[tilespmem:$0xF500] =	vst v63  }
0x8c: {  	_ =	swait.ge [sflag:s16], $0x4000  }
0x8d: {  	[sflag:s16] =	ssyncset.done $0x0  }
0x8e: {  	[sflag:s16] =	ssyncadd.s32 $0xFFFFC000  }
0x8f: {  	_ =	swait.ge [sflag:s17], $0x4000  }
0x90: {  	s18 =	sadd.s32 $0x1, s18;
	[sflag:s17] =	ssyncset.done $0x0  }
0x91: {  	p0 =	sne.s32 s18, s9;
	[sflag:s17] =	ssyncadd.s32 $0xFFFFC000  }
.Ltmp1:
0x92: {  	[bflag:$0x0] =	sbarrier.arrive $0xFFFF;
	(pc) =	sbr.rel @p0 .LBB2_1-.Ltmp1, $4  }
0x93: {  	[hbm:s8], [sflag:s6] =	dma.local [spmem:s10], $0x1400  }
0x94: {  	_ =	swait.ge [sflag:s11], $0x1400  }
0x95: {  	[sflag:s11] =	ssyncset.done $0x0  }
0x96: {  	[sflag:s11] =	ssyncadd.s32 $0xFFFFEC00  }
0x97: {  	_ =	sfence.sel $0x180000  }
0x98: {  	[bflag:$0x0] =	sbarrier.arrive $0xFFFF  }
0x99: {  	p0 =	sne.s32 s2, $0x0;
	_ =	strace $0x90000047  }
0x9a: {  	s0 =	sadd.s32 @!p0 $0x100000, s0;
	[bflag:$0x2] =	sbarrier.arrive $0xFFFF  }
0x9b: {  	[sflag:s0] =	ssyncadd.tile.s32 @!p0 $0x1;
	_ =	shalt  }
.Lfunc_end2:
_tile_overlayer_lowered:
.L_overlay_start_2:
0x9c: {  	(tag) =	ssettag $0x2  }
0x9d: {  	s0 =	rddreg [dreg:$0x0];
	s2 =	stileid.u32  }
0x9e: {  	s1 =	rddreg [dreg:$0x1];
	p0 =	sne.s32 s2, $0x0  }
0x9f: {  	s3 =	rddreg [dreg:$0x2];
	[bflag:$0x3] =	sbarrier.arrive $0xFFFF;
	s2 =	simm.s32 @!p0 $0x1C03  }
0xa0: {  	[timem:s3], [sflag:s2] =	dma.local @!p0 [hbm:s0], s1  }
0xa1: {  	s0 =	simm.s32 @!p0 $0x3  }
0xa2: {  	_ =	swait.ge @!p0 [sflag:s0], s1  }
0xa3: {  	s1 =	ssub.s32 @!p0 $0x0, s1;
	[sflag:s0] =	ssyncset.done @!p0 $0x0  }
0xa4: {  	[sflag:s0] =	ssyncadd.s32 @!p0 s1  }
0xa5: {  	[bflag:$0x3] =	sbarrier.arrive $0xFFFF  }
0xa6: {  	_ =	shalt  }

// kernel: kernel.19.cloned.1.call-start
scs
__scs_entry_jumppad:
0x0: {  	(pc) =	sbr.rel $0x88, $3  }
0x1: {  	(tag) =	ssettag $0x0;
	lr =	simm.s32 $0x1  }
0x2: {  	[smem:$0x3F9C] =	sst lr;
	_ =	strace $0xD0000000  }
0x3: {  	_ = 	snop  }
0x4: {  	_ = 	snop  }
0x5: {  	_ = 	snop  }
0x6: {  	_ = 	snop  }
0x7: {  	_ = 	snop  }
__scs_overlays_trampoline_lowered:
0x8: {  	[smem:$0x3FAB] =	sst s0  }
0x9: {  	[smem:$0x3FAC] =	sst s1  }
0xa: {  	[smem:$0x3FAD] =	sst s2  }
0xb: {  	[smem:$0x3FAE] =	sst s3  }
0xc: {  	[smem:$0x3FAF] =	sst s4  }
0xd: {  	[smem:$0x3FB0] =	sst s5  }
0xe: {  	[smem:$0x3FB1] =	sst s6  }
0xf: {  	[smem:$0x3FB2] =	sst s7  }
0x10: {  	[smem:$0x3FB3] =	sst s8  }
0x11: {  	[smem:$0x3FB4] =	sst s9;
	s0 =	simm.s32 @!p0 $0x0  }
0x12: {  	s1 =	sld [smem:$0x3F9A];
	s0 =	simm.s32 @p0 $0x1  }
0x13: {  	[smem:$0x3FB5] =	sst s0;
	s0 =	simm.s32 @!p1 $0x0  }
0x14: {  	s2 =	sld [smem:$0x3F99];
	s0 =	simm.s32 @p1 $0x1  }
0x15: {  	[smem:$0x3FB6] =	sst s0;
	s0 =	simm.s32 @!p2 $0x0  }
0x16: {  	s3 =	sld [smem:$0x3FDB];
	s0 =	simm.s32 @p2 $0x1  }
0x17: {  	s4 =	simm.s32 $0x1BF5;
	[smem:$0x3FB8] =	sst s0  }
0x18: {  	s0 =	sld [smem:$0x3F9B];
	_ =	swait.ge [sflag:s4], $0x0  }
0x19: {  	s7 =	sld [smem:$0x3F9C]  }
0x1a: {  	s8 =	sadd.s32 $0xFFFFE003, lr  }
0x1b: {  	s9 =	sadd.s32 $0xFFFFFEF7, lr;
	s5 =	simm.s32 $0xFFFFFFFF;
	p2 =	slt.u32 s8, $0xFFFFF086  }
0x1c: {  	p1 =	slt.u32 s9, $0xF7A;
	s5 =	simm.s32 @!p2 $0x0  }
0x1d: {  	s5 =	simm.s32 @p1 $0x1;
	p0 =	seq.s32 s7, s2  }
0x1e: {  	s7 =	smul.u32 @!p0 $0xF7A, s2;
	p2 =	seq.s32 @!p0 s5, $0x0  }
0x1f: {  	s9 =	smul.u32 $0xF7A, s1;
	s8 =	simm.s32 @!p0 $0x1BF5;
	p2 =	por !p2, p0  }
0x20: {  	[sflag:s8] =	ssyncset.s32 @!p0 $0xFFFFF086;
	s6 =	sadd.s32 @!p0 s3, s7;
	s7 =	simm.s32 @!p0 $0x108  }
0x21: {  	s3 =	sadd.s32 s3, s9;
	s6 =	sadd.s32 @!p0 $0x88, s6;
	s7 =	simm.s32 @p2 $0x1082  }
0x22: {  	[simem:s7], [sflag:s8] =	dma.local @!p0 [hbm:s6], $0xF7A  }
0x23: {  	s9 =	sor.u32 $0xD0000000, s2;
	s6 =	simm.s32 $0x108;
	_ =	swait.ge @!p0 [sflag:s8], $0x0  }
0x24: {  	s3 =	sadd.s32 $0x88, s3;
	s6 =	simm.s32 @!p1 $0x1082;
	[sflag:s4] =	ssyncset.s32 $0xFFFFF086  }
0x25: {  	[simem:s6], [sflag:s4] =	dma.local [hbm:s3], $0xF7A  }
0x26: {  	[smem:$0x3F9C] =	sst s1;
	(tag) =	ssettag s2;
	_ =	strace s9  }
0x27: {  	s1 =	sld [smem:$0x3FAC]  }
0x28: {  	s2 =	sld [smem:$0x3FAD]  }
0x29: {  	s4 =	sld [smem:$0x3FAF]  }
0x2a: {  	p0 =	seq.s32 s5, $0x0;
	s5 =	sld [smem:$0x3FB0]  }
0x2b: {  	s6 =	sld [smem:$0x3FB1]  }
0x2c: {  	s7 =	sld [smem:$0x3FB2]  }
0x2d: {  	s3 =	simm.s32 $0x108;
	s8 =	sld [smem:$0x3FB3]  }
0x2e: {  	s3 =	simm.s32 @!p0 $0x1082;
	s9 =	sld [smem:$0x3FB4]  }
0x2f: {  	lr =	sadd.s32 s0, s3;
	s0 =	sld [smem:$0x3FAB]  }
0x30: {  	s3 =	sld [smem:$0x3FAE]  }
0x31: {  	[smem:$0x3FB7] =	sst s10  }
0x32: {  	s10 =	sld [smem:$0x3FB5];
	_ =	sdelay $0x3  }
0x33: {  	p0 =	seq.s32 s10, $0x1;
	s10 =	sld [smem:$0x3FB7];
	_ =	sdelay $0x3  }
0x34: {  	[smem:$0x3FB7] =	sst s10  }
0x35: {  	s10 =	sld [smem:$0x3FB6];
	_ =	sdelay $0x3  }
0x36: {  	p1 =	seq.s32 s10, $0x1;
	s10 =	sld [smem:$0x3FB7];
	_ =	sdelay $0x3  }
0x37: {  	[smem:$0x3FB7] =	sst s10  }
0x38: {  	s10 =	sld [smem:$0x3FB8]  }
0x39: {  	_ = 	snop;
	(pc) =	sbr.ind lr, $3  }
0x3a: {  	_ = 	snop  }
0x3b: {  	_ = 	snop  }
0x3c: {  	p2 =	seq.s32 s10, $0x1;
	s10 =	sld [smem:$0x3FB7]  }
0x3d: {  	_ =	shalt  }
0x3e: {  	_ =	shalt  }
0x3f: {  	_ =	shalt  }
0x40: {  	_ =	shalt  }
0x41: {  	_ =	shalt  }
0x42: {  	_ =	shalt  }
0x43: {  	_ =	shalt  }
0x44: {  	_ =	shalt  }
0x45: {  	_ =	shalt  }
0x46: {  	_ =	shalt  }
0x47: {  	_ =	shalt  }
0x48: {  	_ =	shalt  }
0x49: {  	_ =	shalt  }
0x4a: {  	_ =	shalt  }
0x4b: {  	_ =	shalt  }
0x4c: {  	_ =	shalt  }
0x4d: {  	_ =	shalt  }
0x4e: {  	_ =	shalt  }
0x4f: {  	_ =	shalt  }
0x50: {  	_ =	shalt  }
0x51: {  	_ =	shalt  }
0x52: {  	_ =	shalt  }
0x53: {  	_ =	shalt  }
0x54: {  	_ =	shalt  }
0x55: {  	_ =	shalt  }
0x56: {  	_ =	shalt  }
0x57: {  	_ =	shalt  }
0x58: {  	_ =	shalt  }
0x59: {  	_ =	shalt  }
0x5a: {  	_ =	shalt  }
0x5b: {  	_ =	shalt  }
0x5c: {  	_ =	shalt  }
0x5d: {  	_ =	shalt  }
0x5e: {  	_ =	shalt  }
0x5f: {  	_ =	shalt  }
0x60: {  	_ =	shalt  }
0x61: {  	_ =	shalt  }
0x62: {  	_ =	shalt  }
0x63: {  	_ =	shalt  }
0x64: {  	_ =	shalt  }
0x65: {  	_ =	shalt  }
0x66: {  	_ =	shalt  }
0x67: {  	_ =	shalt  }
0x68: {  	_ =	shalt  }
0x69: {  	_ =	shalt  }
0x6a: {  	_ =	shalt  }
0x6b: {  	_ =	shalt  }
0x6c: {  	_ =	shalt  }
0x6d: {  	_ =	shalt  }
0x6e: {  	_ =	shalt  }
0x6f: {  	_ =	shalt  }
0x70: {  	_ =	shalt  }
0x71: {  	_ =	shalt  }
0x72: {  	_ =	shalt  }
0x73: {  	_ =	shalt  }
0x74: {  	_ =	shalt  }
0x75: {  	_ =	shalt  }
0x76: {  	_ =	shalt  }
0x77: {  	_ =	shalt  }
0x78: {  	_ =	shalt  }
0x79: {  	_ =	shalt  }
0x7a: {  	_ =	shalt  }
0x7b: {  	_ =	shalt  }
0x7c: {  	_ =	shalt  }
0x7d: {  	_ =	shalt  }
0x7e: {  	_ =	shalt  }
0x7f: {  	_ =	shalt  }
0x80: {  	_ =	shalt  }
0x81: {  	_ =	shalt  }
0x82: {  	_ =	shalt  }
0x83: {  	_ =	shalt  }
0x84: {  	_ =	shalt  }
0x85: {  	_ =	shalt  }
0x86: {  	_ =	shalt  }
0x87: {  	_ =	shalt  }
.Lfunc_end0:
.L_simem_size_0:
called_computation.1_lowered:
.L_overlay_start_0:
0x88: {  	s2 =	sld [smem:$0x3FD9]  }
0x89: {  	s3 =	sld [smem:$0x3FFE];
	_ =	sdelay $0x1  }
0x8a: {  	s1 =	srdreg.scid  }
0x8b: {  	s0 =	sand.u32 $0x1, s1  }
0x8c: {  	s17 =	sshll.u32 s0, $0xA;
	s2 =	sadd.s32 s3, s2  }
0x8d: {  	s2 =	sadd.s32 s2, s17  }
0x8e: {  	[smem:$0x3FC3] =	sst s2  }
0x8f: {  	_ = 	snop  }
0x90: {  	s18 =	sld [smem:$0x3FD0];
	(tm) =	ssettm $0x1  }
0x91: {  	s19 =	sld [smem:$0x3FFB];
	_ =	sdelay $0x3  }
0x92: {  	_ =	strace s19  }
0x93: {  	s2 =	sld [smem:$0x3FFC];
	_ =	sdelay $0x3  }
0x94: {  	_ =	strace s2  }
0x95: {  	s2 =	sld [smem:$0x3FFD];
	_ =	sdelay $0x3  }
0x96: {  	_ =	strace s2  }
0x97: {  	_ =	strace $0x8FFFFFFF  }
0x98: {  	s20 =	sld [smem:$0x3FDB];
	_ =	sdelay $0x1  }
0x99: {  	s4 =	simm.s32 $_scs_section_size  }
0x9a: {  	s5 =	simm.s32 $_size__tile_overlayer_lowered;
	s6 =	simm.s32 $_tile_overlayer_lowered  }
0x9b: {  	s7 =	simm.s32 $0x1BFF;
	s21 =	sshll.u32 s6, $0x1;
	s4 =	sadd.s32 s4, s20  }
0x9c: {  	s22 =	simm.s32 $0x0;
	s5 =	sshll.u32 s5, $0x1;
	s6 =	sadd.s32 s21, s4  }
0x9d: {  	[timem:s22], [sflag:s7] =	dma.local [hbm:s6], s5  }
0x9e: {  	_ =	swait.ge [sflag:s7], s5  }
0x9f: {  	s5 =	ssub.s32 $0x0, s5;
	[sflag:s7] =	ssyncset.done $0x0  }
0xa0: {  	[sflag:s7] =	ssyncadd.s32 s5;
	_ =	sdelay $0x1  }
0xa1: {  	s23 =	simm.s32 $0x1B8B  }
0xa2: {  	_ =	swait.ge [sflag:s23], $0x1  }
0xa3: {  	[sflag:s23] =	ssyncset.done $0x0  }
0xa4: {  	[sflag:s23] =	ssyncadd.s32 $0xFFFFFFFF  }
0xa5: {  	s5 =	sld [smem:$0x0]  }
0xa6: {  	s6 =	sand.u32 $0xFFFFFFFE, s1  }
0xa7: {  	p0 =	sne.s32 s1, s6  }
0xa8: {  	s6 =	sshll.u32 @p0 s6, $0xE  }
0xa9: {  	s6 =	sadd.s32 @p0 $0x11B8D, s6;
	s7 =	sshll.u32 @p0 s5, $0x11  }
0xaa: {  	s6 =	sor.u32 @p0 s7, s6  }
0xab: {  	[sflag:s6] =	ssyncadd.remote.s32 @p0 $0x1;
	_ =	sdelay $0x1  }
0xac: {  	s6 =	simm.s32 @p0 $0x1B8D  }
0xad: {  	_ =	swait.eq @p0 [sflag:s6], $0x1  }
0xae: {  	[sflag:s6] =	ssyncadd.s32 @p0 $0xFFFFFFFF  }
0xaf: {  	s7 =	sshll.u32 @!p0 s1, $0xE  }
0xb0: {  	s7 =	sor.u32 @!p0 $0x4000, s7;
	s6 =	simm.s32 @!p0 $0x1B8D  }
0xb1: {  	s5 =	sshll.u32 @!p0 s5, $0x11;
	s7 =	sadd.s32 @!p0 $0x11B8D, s7;
	_ =	swait.eq @!p0 [sflag:s6], $0x1  }
0xb2: {  	s5 =	sor.u32 @!p0 s5, s7;
	[sflag:s6] =	ssyncadd.s32 @!p0 $0xFFFFFFFF  }
0xb3: {  	s25 =	simm.s32 $0x1B8E;
	s24 =	sld [smem:$0x3FFE];
	[sflag:s5] =	ssyncadd.remote.s32 @!p0 $0x1  }
0xb4: {  	s26 =	simm.s32 $execute0_lowered;
	[smem:$0x3FD2] =	sst s25  }
0xb5: {  	s6 =	sshll.u32 s26, $0x1;
	_ =	strace $0x8000004C;
	[dreg:$0x1] =	wrdreg $0xFFFFFFFF  }
0xb6: {  	s28 =	simm.s32 $_size_execute0_lowered;
	s4 =	sadd.s32 s4, s6;
	[dreg:$0x0] =	wrdreg $0x0  }
0xb7: {  	s6 =	sshll.u32 s28, $0x1;
	[dreg:$0x2] =	wrdreg s4  }
0xb8: {  	[dreg:$0x3] =	wrdreg s6  }
0xb9: {  	[dreg:$0x4] =	wrdreg $0xC0  }
0xba: {  	_ =	task [dreg:s22], $0x5FFFF  }
0xbb: {  	[dreg:$0x1] =	wrdreg $0xFFFFFFFF  }
0xbc: {  	[dreg:$0x0] =	wrdreg $0x60  }
0xbd: {  	[dreg:$0x2] =	wrdreg s24  }
0xbe: {  	[dreg:$0x3] =	wrdreg s18  }
0xbf: {  	[dreg:$0x4] =	wrdreg $0x7A000  }
0xc0: {  	[dreg:$0x5] =	wrdreg $0x9  }
0xc1: {  	_ =	task.clear_ibuf [dreg:s22], $0x6FFFF;
	_ =	strace $0x9000004C  }
0xc2: {  	s29 =	simm.s32 $0x9;
	_ =	strace $0x8000004E  }
0xc3: {  	_ =	swait.ge [sflag:s29], $0x1  }
0xc4: {  	[sflag:s29] =	ssyncadd.s32 $0xFFFFFFFF  }
0xc5: {  	_ =	strace $0x9000004E  }
0xc6: {  	_ =	sfence  }
0xc7: {  	s30 =	sld [smem:$0x0];
	_ =	sdelay $0x2  }
0xc8: {  	s31 =	sshll.u32 s1, $0xD;
	s1 =	sshrl.u32 s1, $0x2  }
0xc9: {  	s4 =	sand.u32 $0x4000, s31;
	s1 =	sadd.s32 s1, s30  }
0xca: {  	s0 =	sor.u32 s4, s0;
	s1 =	sshll.u32 s1, $0x11  }
0xcb: {  	s0 =	sor.u32 s1, s0  }
0xcc: {  	s0 =	sadd.s32 $0x8F2B, s0  }
0xcd: {  	[sflag:s0] =	ssyncadd.remote.s32 $0x1  }
0xce: {  	_ =	sfence.sel $0xFFFF  }
0xcf: {  	[dreg:$0x0] =	wrdreg $0xFFFFFFFF;
	(pc) =	sbr.abs _section_cstart, $3  }
0xd0: {  	[dreg:$0x1] =	wrdreg $0xFFFFFFFF  }
0xd1: {  	_ =	task.clear_ibuf [dreg:s22], $0x2FFFF;
	_ =	strace $0x9FFFFFFF  }
0xd2: {  	(tm) =	ssettm $0x7FFFFFFF  }
0xd3: {  	_ =	shalt  }
tec
execute0_lowered:
.L_overlay_start_1:
0x0: {  	(tag) =	ssettag $0x1  }
0x1: {  	s6 =	rddreg [dreg:$0x0]  }
0x2: {  	s1 =	rddreg [dreg:$0x1]  }
0x3: {  	s2 =	rddreg [dreg:$0x2]  }
0x4: {  	s3 =	srdreg.scid;
	s0 =	rddreg [dreg:$0x3]  }
0x5: {  	s4 =	simm.s32 $0x0;
	s14 =	simm.s32 $0x50;
	s15 =	simm.s32 $0x2800  }
0x6: {  	s16 =	simm.s32 $0x2A00;
	s17 =	simm.s32 $0x2900;
	s18 =	simm.s32 $0x5200  }
0x7: {  	s19 =	simm.s32 $0x1;
	s20 =	simm.s32 $0x2880;
	s21 =	simm.s32 $0x2  }
0x8: {  	s22 =	simm.s32 $0x3;
	s23 =	simm.s32 $0x2980;
	s24 =	simm.s32 $0x4  }
0x9: {  	s25 =	simm.s32 $0x0;
	s7 =	sand.u32 $0x1, s3;
	s3 =	stileid.u32  }
0xa: {  	[smem:$0x7FF] =	sst s4;
	s8 =	smul.u32 $0x140000, s7;
	s5 =	sshll.u32 s7, $0x4  }
0xb: {  	s9 =	smul.u32 $0x14000, s3;
	_ =	strace $0x8000004D;
	s7 =	ssub.s32 $0x2, s7  }
0xc: {  	s28 =	smul.u32 $0x50000, s3;
	s31 =	sshll.u32 s3, $0x6;
	s10 =	sor.u32 s3, s5  }
0xd: {  	s5 =	sadd.s32 $0xE800, s6;
	s29 =	sshrl.u32 s7, $0x1;
	s10 =	smul.u32 $0x280, s10  }
0xe: {  	s8 =	sadd.s32 s9, s8;
	s12 =	ssub.s32 s7, s29;
	s30 =	sshrl.u32 s28, $0x2  }
0xf: {  	s8 =	sshrl.u32 s8, $0x3;
	s13 =	sadd.s32 s30, s2;
	s10 =	sadd.s32 s10, s6  }
0x10: {  	s11 =	sadd.s32 s8, s6;
	s6 =	sor.u32 $0x1C05, s31;
	s7 =	sadd.s32 $0x9800, s10  }
0x11: {  	s8 =	sadd.s32 $0x4800, s10;
	s9 =	sadd.s32 $0xAF000, s11;
	s10 =	smax.u32 s12, $0x1  }
0x12: {  	s11 =	sshrl.u32 s13, $0x3;
	s12 =	simm.s32 $0x5;
	s13 =	simm.s32 $0x1400  }
.LBB2_1:
0x13: {  	[spmem:s11], [sflag:s6] =	dma.local [hbm:s1], $0x2800  }
0x14: {  	_ =	swait.ge [sflag:s12], $0x2800  }
0x15: {  	[sflag:s12] =	ssyncset.done $0x0  }
0x16: {  	[sflag:s12] =	ssyncadd.s32 $0xFFFFD800  }
0x17: {  	[tilespmem:s4], [sflag:$0x5] =	stream.linear.gather [hbm4b:s7+s4], $0x1400, $0x38;
	[tilespmem:$0x1BA00] =	vst v63  }
0x18: {  	_ =	swait.ge [sflag:s12], $0x1400  }
0x19: {  	[sflag:s12] =	ssyncset.done $0x0  }
0x1a: {  	[sflag:s12] =	ssyncadd.s32 $0xFFFFEC00  }
0x1b: {  	[tilespmem:s13], [sflag:$0x5] =	stream.linear.gather [hbm4b:s8+s4], $0x1400, $0x38;
	[tilespmem:$0x1BA00] =	vst v63  }
0x1c: {  	_ =	swait.ge [sflag:s12], $0x1400  }
0x1d: {  	[sflag:s12] =	ssyncset.done $0x0  }
0x1e: {  	[sflag:s12] =	ssyncadd.s32 $0xFFFFEC00  }
0x1f: {  	[bflag:$0x0] =	sbarrier.arrive $0xFFFF  }
0x20: {  	v0 =	vld [tilespmem:$0x0]  }
0x21: {  	v1 =	vld [tilespmem:$0x1400]  }
0x22: {  	v2 =	vld [tilespmem:$0x10]  }
0x23: {  	v3 =	vld [tilespmem:$0x1410]  }
0x24: {  	v4 =	vld [tilespmem:$0x20]  }
0x25: {  	v47 =	vld [tilespmem:$0x1420];
	[tilespmem:$0x2800] =	vst v0  }
0x26: {  	v48 =	vld [tilespmem:$0x30];
	[tilespmem:$0x2880] =	vst v1  }
0x27: {  	v49 =	vld [tilespmem:$0x1430];
	[tilespmem:$0x2810] =	vst v2  }
0x28: {  	v50 =	vld [tilespmem:$0x40];
	[tilespmem:$0x2890] =	vst v3  }
0x29: {  	v51 =	vld [tilespmem:$0x1440];
	[tilespmem:$0x2820] =	vst v4  }
0x2a: {  	[tilespmem:$0x28A0] =	vst v47  }
0x2b: {  	[tilespmem:$0x2830] =	vst v48  }
0x2c: {  	[tilespmem:$0x28B0] =	vst v49  }
0x2d: {  	[tilespmem:$0x2840] =	vst v50  }
0x2e: {  	[tilespmem:$0x28C0] =	vst v51  }
0x2f: {  	[tilespmem:s16], [sflag:$0x1] =	stream.indirect.gather [hbm4b:s5+s14], $0x80, s15, s14, $0xb8;
	[tilespmem:$0x1BA00] =	vst v63  }
0x30: {  	v52 =	vld [tilespmem:$0x50]  }
0x31: {  	v53 =	vld [tilespmem:$0x1450]  }
0x32: {  	v54 =	vld [tilespmem:$0x60]  }
0x33: {  	v55 =	vld [tilespmem:$0x1460]  }
0x34: {  	v56 =	vld [tilespmem:$0x70]  }
0x35: {  	v57 =	vld [tilespmem:$0x1470];
	[tilespmem:$0x2900] =	vst v52  }
0x36: {  	v58 =	vld [tilespmem:$0x80];
	[tilespmem:$0x2980] =	vst v53  }
0x37: {  	v59 =	vld [tilespmem:$0x1480];
	[tilespmem:$0x2910] =	vst v54  }
0x38: {  	v60 =	vld [tilespmem:$0x90];
	[tilespmem:$0x2990] =	vst v55  }
0x39: {  	v61 =	vld [tilespmem:$0x1490];
	[tilespmem:$0x2920] =	vst v56  }
0x3a: {  	[tilespmem:$0x29A0] =	vst v57  }
0x3b: {  	[tilespmem:$0x2930] =	vst v58  }
0x3c: {  	[tilespmem:$0x29B0] =	vst v59  }
0x3d: {  	[tilespmem:$0x2940] =	vst v60  }
0x3e: {  	[tilespmem:$0x29C0] =	vst v61  }
0x3f: {  	[tilespmem:s18], [sflag:$0x3] =	stream.indirect.gather [hbm4b:s5+s14], $0x80, s17, s14, $0xb8;
	[tilespmem:$0x1BA00] =	vst v63  }
0x40: {  	_ =	swait.ge [sflag:s19], $0x2800  }
0x41: {  	[sflag:s19] =	ssyncset.done $0x0  }
0x42: {  	[sflag:s19] =	ssyncadd.s32 $0xFFFFD800  }
0x43: {  	[spmem:s2] =	stream.indirect.scatter.add.f32 [tilespmem:s16], [sflag:$0x2], $0x80, s20, s14, $0xb8;
	[tilespmem:$0x1BA00] =	vst v63  }
0x44: {  	_ =	swait.ge [sflag:s21], $0x2800  }
0x45: {  	[sflag:s21] =	ssyncset.done $0x0  }
0x46: {  	s26 =	simm.s32 $0x130;
	[sflag:s21] =	ssyncadd.s32 $0xFFFFD800  }
0x47: {  	v62 =	vld [tilespmem:s26+$0xFFFFFF70];
	_ =	sdelay $0x4  }
0x48: {  	[tilespmem:$0x2800] =	vst v62  }
0x49: {  	v0 =	vld [tilespmem:s26+$0x1370];
	_ =	sdelay $0x4  }
0x4a: {  	[tilespmem:$0x2880] =	vst v0  }
0x4b: {  	v0 =	vld [tilespmem:s26+$0xFFFFFF80];
	_ =	sdelay $0x4  }
0x4c: {  	[tilespmem:$0x2810] =	vst v0  }
0x4d: {  	v0 =	vld [tilespmem:s26+$0x1380];
	_ =	sdelay $0x4  }
0x4e: {  	[tilespmem:$0x2890] =	vst v0  }
0x4f: {  	v0 =	vld [tilespmem:s26+$0xFFFFFF90];
	_ =	sdelay $0x4  }
0x50: {  	[tilespmem:$0x2820] =	vst v0  }
0x51: {  	v0 =	vld [tilespmem:s26+$0x1390];
	_ =	sdelay $0x4  }
0x52: {  	[tilespmem:$0x28A0] =	vst v0  }
0x53: {  	v0 =	vld [tilespmem:s26+$0xFFFFFFA0];
	_ =	sdelay $0x4  }
0x54: {  	[tilespmem:$0x2830] =	vst v0  }
0x55: {  	v0 =	vld [tilespmem:s26+$0x13A0];
	_ =	sdelay $0x4  }
0x56: {  	[tilespmem:$0x28B0] =	vst v0  }
0x57: {  	v0 =	vld [tilespmem:s26+$0xFFFFFFB0];
	_ =	sdelay $0x4  }
0x58: {  	[tilespmem:$0x2840] =	vst v0  }
0x59: {  	v0 =	vld [tilespmem:s26+$0x13B0];
	_ =	sdelay $0x4  }
0x5a: {  	[tilespmem:$0x28C0] =	vst v0  }
0x5b: {  	[tilespmem:s16], [sflag:$0x1] =	stream.indirect.gather [hbm4b:s5+s14], $0x80, s15, s14, $0xb8;
	[tilespmem:$0x1BA00] =	vst v63  }
0x5c: {  	_ =	swait.ge [sflag:s22], $0x2800  }
0x5d: {  	[sflag:s22] =	ssyncset.done $0x0  }
0x5e: {  	[sflag:s22] =	ssyncadd.s32 $0xFFFFD800  }
0x5f: {  	[spmem:s2] =	stream.indirect.scatter.add.f32 [tilespmem:s18], [sflag:$0x4], $0x80, s23, s14, $0xb8;
	[tilespmem:$0x1BA00] =	vst v63  }
0x60: {  	_ =	swait.ge [sflag:s24], $0x2800  }
0x61: {  	[sflag:s24] =	ssyncset.done $0x0  }
0x62: {  	[sflag:s24] =	ssyncadd.s32 $0xFFFFD800  }
0x63: {  	v63 =	vld [tilespmem:s26+$0xFFFFFFC0];
	_ =	sdelay $0x4  }
0x64: {  	[tilespmem:$0x2900] =	vst v63  }
0x65: {  	v0 =	vld [tilespmem:s26+$0x13C0];
	_ =	sdelay $0x4  }
0x66: {  	[tilespmem:$0x2980] =	vst v0  }
0x67: {  	v0 =	vld [tilespmem:s26+$0xFFFFFFD0];
	_ =	sdelay $0x4  }
0x68: {  	[tilespmem:$0x2910] =	vst v0  }
0x69: {  	v0 =	vld [tilespmem:s26+$0x13D0];
	_ =	sdelay $0x4  }
0x6a: {  	[tilespmem:$0x2990] =	vst v0  }
0x6b: {  	v0 =	vld [tilespmem:s26+$0xFFFFFFE0];
	_ =	sdelay $0x4  }
0x6c: {  	[tilespmem:$0x2920] =	vst v0  }
0x6d: {  	v0 =	vld [tilespmem:s26+$0x13E0];
	_ =	sdelay $0x4  }
0x6e: {  	[tilespmem:$0x29A0] =	vst v0  }
0x6f: {  	v0 =	vld [tilespmem:s26+$0xFFFFFFF0];
	_ =	sdelay $0x4  }
0x70: {  	[tilespmem:$0x2930] =	vst v0  }
0x71: {  	v0 =	vld [tilespmem:s26+$0x13F0];
	_ =	sdelay $0x4  }
0x72: {  	[tilespmem:$0x29B0] =	vst v0  }
0x73: {  	v0 =	vld [tilespmem:s26+$0x0];
	_ =	sdelay $0x4  }
0x74: {  	[tilespmem:$0x2940] =	vst v0  }
0x75: {  	v0 =	vld [tilespmem:s26+$0x1400];
	_ =	sdelay $0x4  }
0x76: {  	s26 =	simm.s32 $0x740;
	[tilespmem:$0x29C0] =	vst v0  }
.LBB2_2:
0x77: {  	[tilespmem:s18], [sflag:$0x3] =	stream.indirect.gather [hbm4b:s5+s14], $0x80, s17, s14, $0xb8;
	[tilespmem:$0x1BA00] =	vst v63  }
0x78: {  	s28 =	smov.u32 s26  }
0x79: {  	p0 =	sne.s32 s26, $0x4FC0;
	s26 =	sadd.s32 $0x280, s26;
	_ =	swait.ge [sflag:s19], $0x2800  }
0x7a: {  	[sflag:s19] =	ssyncset.done $0x0  }
0x7b: {  	[sflag:s19] =	ssyncadd.s32 $0xFFFFD800  }
0x7c: {  	[spmem:s2] =	stream.indirect.scatter.add.f32 [tilespmem:s16], [sflag:$0x2], $0x80, s20, s14, $0xb8;
	[tilespmem:$0x1BA00] =	vst v63  }
0x7d: {  	_ =	swait.ge [sflag:s21], $0x2800  }
0x7e: {  	[sflag:s21] =	ssyncset.done $0x0  }
0x7f: {  	s28 =	sshra.s32 s28, $0x2;
	[sflag:s21] =	ssyncadd.s32 $0xFFFFD800  }
0x80: {  	v0 =	vld [tilespmem:s28+$0xFFFFFF70];
	_ =	sdelay $0x4  }
0x81: {  	[tilespmem:$0x2800] =	vst v0  }
0x82: {  	v0 =	vld [tilespmem:s28+$0x1370];
	_ =	sdelay $0x4  }
0x83: {  	[tilespmem:$0x2880] =	vst v0  }
0x84: {  	v0 =	vld [tilespmem:s28+$0xFFFFFF80];
	_ =	sdelay $0x4  }
0x85: {  	[tilespmem:$0x2810] =	vst v0  }
0x86: {  	v0 =	vld [tilespmem:s28+$0x1380];
	_ =	sdelay $0x4  }
0x87: {  	[tilespmem:$0x2890] =	vst v0  }
0x88: {  	v0 =	vld [tilespmem:s28+$0xFFFFFF90];
	_ =	sdelay $0x4  }
0x89: {  	[tilespmem:$0x2820] =	vst v0  }
0x8a: {  	v0 =	vld [tilespmem:s28+$0x1390];
	_ =	sdelay $0x4  }
0x8b: {  	[tilespmem:$0x28A0] =	vst v0  }
0x8c: {  	v0 =	vld [tilespmem:s28+$0xFFFFFFA0];
	_ =	sdelay $0x4  }
0x8d: {  	[tilespmem:$0x2830] =	vst v0  }
0x8e: {  	v0 =	vld [tilespmem:s28+$0x13A0];
	_ =	sdelay $0x4  }
0x8f: {  	[tilespmem:$0x28B0] =	vst v0  }
0x90: {  	v0 =	vld [tilespmem:s28+$0xFFFFFFB0];
	_ =	sdelay $0x4  }
0x91: {  	[tilespmem:$0x2840] =	vst v0  }
0x92: {  	v0 =	vld [tilespmem:s28+$0x13B0];
	_ =	sdelay $0x4  }
0x93: {  	[tilespmem:$0x28C0] =	vst v0  }
0x94: {  	[tilespmem:s16], [sflag:$0x1] =	stream.indirect.gather [hbm4b:s5+s14], $0x80, s15, s14, $0xb8;
	[tilespmem:$0x1BA00] =	vst v63  }
0x95: {  	_ =	swait.ge [sflag:s22], $0x2800  }
0x96: {  	[sflag:s22] =	ssyncset.done $0x0  }
0x97: {  	[sflag:s22] =	ssyncadd.s32 $0xFFFFD800  }
0x98: {  	[spmem:s2] =	stream.indirect.scatter.add.f32 [tilespmem:s18], [sflag:$0x4], $0x80, s23, s14, $0xb8;
	[tilespmem:$0x1BA00] =	vst v63  }
0x99: {  	_ =	swait.ge [sflag:s24], $0x2800  }
0x9a: {  	[sflag:s24] =	ssyncset.done $0x0  }
0x9b: {  	[sflag:s24] =	ssyncadd.s32 $0xFFFFD800  }
0x9c: {  	v0 =	vld [tilespmem:s28+$0xFFFFFFC0];
	_ =	sdelay $0x4  }
0x9d: {  	[tilespmem:$0x2900] =	vst v0  }
0x9e: {  	v0 =	vld [tilespmem:s28+$0x13C0];
	_ =	sdelay $0x4  }
0x9f: {  	[tilespmem:$0x2980] =	vst v0  }
0xa0: {  	v0 =	vld [tilespmem:s28+$0xFFFFFFD0];
	_ =	sdelay $0x4  }
0xa1: {  	[tilespmem:$0x2910] =	vst v0  }
0xa2: {  	v0 =	vld [tilespmem:s28+$0x13D0];
	_ =	sdelay $0x4  }
0xa3: {  	[tilespmem:$0x2990] =	vst v0  }
0xa4: {  	v0 =	vld [tilespmem:s28+$0xFFFFFFE0];
	_ =	sdelay $0x4  }
0xa5: {  	[tilespmem:$0x2920] =	vst v0  }
0xa6: {  	v0 =	vld [tilespmem:s28+$0x13E0];
	_ =	sdelay $0x4  }
0xa7: {  	[tilespmem:$0x29A0] =	vst v0  }
0xa8: {  	v0 =	vld [tilespmem:s28+$0xFFFFFFF0];
	_ =	sdelay $0x4  }
0xa9: {  	[tilespmem:$0x2930] =	vst v0  }
0xaa: {  	v0 =	vld [tilespmem:s28+$0x13F0];
	_ =	sdelay $0x4  }
0xab: {  	[tilespmem:$0x29B0] =	vst v0  }
0xac: {  	v0 =	vld [tilespmem:s28+$0x0];
	_ =	sdelay $0x4  }
0xad: {  	[tilespmem:$0x2940] =	vst v0  }
0xae: {  	v0 =	vld [tilespmem:s28+$0x1400]  }
.Ltmp0:
0xaf: {  	(pc) =	sbr.rel @p0 .LBB2_2-.Ltmp0, $2  }
0xb0: {  	_ =	sdelay $0x2  }
0xb1: {  	[tilespmem:$0x29C0] =	vst v0  }
0xb2: {  	[tilespmem:s18], [sflag:$0x3] =	stream.indirect.gather [hbm4b:s5+s14], $0x80, s17, s14, $0xb8;
	[tilespmem:$0x1BA00] =	vst v63  }
0xb3: {  	_ =	swait.ge [sflag:s19], $0x2800  }
0xb4: {  	[sflag:s19] =	ssyncset.done $0x0  }
0xb5: {  	[sflag:s19] =	ssyncadd.s32 $0xFFFFD800  }
0xb6: {  	[spmem:s2] =	stream.indirect.scatter.add.f32 [tilespmem:s16], [sflag:$0x2], $0x80, s20, s14, $0xb8;
	[tilespmem:$0x1BA00] =	vst v63  }
0xb7: {  	_ =	swait.ge [sflag:s21], $0x2800  }
0xb8: {  	[sflag:s21] =	ssyncset.done $0x0  }
0xb9: {  	[sflag:s21] =	ssyncadd.s32 $0xFFFFD800  }
0xba: {  	_ =	swait.ge [sflag:s22], $0x2800  }
0xbb: {  	[sflag:s22] =	ssyncset.done $0x0  }
0xbc: {  	[sflag:s22] =	ssyncadd.s32 $0xFFFFD800  }
0xbd: {  	[spmem:s2] =	stream.indirect.scatter.add.f32 [tilespmem:s18], [sflag:$0x4], $0x80, s23, s14, $0xb8;
	[tilespmem:$0x1BA00] =	vst v63  }
0xbe: {  	_ =	swait.ge [sflag:s24], $0x2800  }
0xbf: {  	s25 =	sadd.s32 $0x1, s25;
	[sflag:s24] =	ssyncset.done $0x0  }
0xc0: {  	p0 =	sne.s32 s25, s10;
	[sflag:s24] =	ssyncadd.s32 $0xFFFFD800  }
.Ltmp1:
0xc1: {  	[bflag:$0x0] =	sbarrier.arrive $0xFFFF;
	(pc) =	sbr.rel @p0 .LBB2_1-.Ltmp1, $4  }
0xc2: {  	[hbm:s9], [sflag:s6] =	dma.local [spmem:s11], $0x2800  }
0xc3: {  	_ =	swait.ge [sflag:s12], $0x2800  }
0xc4: {  	[sflag:s12] =	ssyncset.done $0x0  }
0xc5: {  	[sflag:s12] =	ssyncadd.s32 $0xFFFFD800  }
0xc6: {  	_ =	sfence.sel $0x180000  }
0xc7: {  	[bflag:$0x0] =	sbarrier.arrive $0xFFFF  }
0xc8: {  	p0 =	sne.s32 s3, $0x0;
	_ =	strace $0x9000004D  }
0xc9: {  	s0 =	sadd.s32 @!p0 $0x100000, s0;
	[bflag:$0x2] =	sbarrier.arrive $0xFFFF  }
0xca: {  	[sflag:s0] =	ssyncadd.tile.s32 @!p0 $0x1;
	_ =	shalt  }
.Lfunc_end2:
_tile_overlayer_lowered:
.L_overlay_start_2:
0xcb: {  	(tag) =	ssettag $0x2  }
0xcc: {  	s0 =	rddreg [dreg:$0x0];
	s2 =	stileid.u32  }
0xcd: {  	s1 =	rddreg [dreg:$0x1];
	p0 =	sne.s32 s2, $0x0  }
0xce: {  	s3 =	rddreg [dreg:$0x2];
	[bflag:$0x3] =	sbarrier.arrive $0xFFFF;
	s2 =	simm.s32 @!p0 $0x1C05  }
0xcf: {  	[timem:s3], [sflag:s2] =	dma.local @!p0 [hbm:s0], s1  }
0xd0: {  	s0 =	simm.s32 @!p0 $0x5  }
0xd1: {  	_ =	swait.ge @!p0 [sflag:s0], s1  }
0xd2: {  	s1 =	ssub.s32 @!p0 $0x0, s1;
	[sflag:s0] =	ssyncset.done @!p0 $0x0  }
0xd3: {  	[sflag:s0] =	ssyncadd.s32 @!p0 s1  }
0xd4: {  	[bflag:$0x3] =	sbarrier.arrive $0xFFFF  }
0xd5: {  	_ =	shalt  }

// kernel: kernel.22.cloned.1.call-start
scs
__scs_entry_jumppad:
0x0: {  	(pc) =	sbr.rel $0x88, $3  }
0x1: {  	(tag) =	ssettag $0x0;
	lr =	simm.s32 $0x1  }
0x2: {  	[smem:$0x3F9C] =	sst lr;
	_ =	strace $0xD0000000  }
0x3: {  	_ = 	snop  }
0x4: {  	_ = 	snop  }
0x5: {  	_ = 	snop  }
0x6: {  	_ = 	snop  }
0x7: {  	_ = 	snop  }
__scs_overlays_trampoline_lowered:
0x8: {  	[smem:$0x3FAB] =	sst s0  }
0x9: {  	[smem:$0x3FAC] =	sst s1  }
0xa: {  	[smem:$0x3FAD] =	sst s2  }
0xb: {  	[smem:$0x3FAE] =	sst s3  }
0xc: {  	[smem:$0x3FAF] =	sst s4  }
0xd: {  	[smem:$0x3FB0] =	sst s5  }
0xe: {  	[smem:$0x3FB1] =	sst s6  }
0xf: {  	[smem:$0x3FB2] =	sst s7  }
0x10: {  	[smem:$0x3FB3] =	sst s8  }
0x11: {  	[smem:$0x3FB4] =	sst s9;
	s0 =	simm.s32 @!p0 $0x0  }
0x12: {  	s1 =	sld [smem:$0x3F9A];
	s0 =	simm.s32 @p0 $0x1  }
0x13: {  	[smem:$0x3FB5] =	sst s0;
	s0 =	simm.s32 @!p1 $0x0  }
0x14: {  	s2 =	sld [smem:$0x3F99];
	s0 =	simm.s32 @p1 $0x1  }
0x15: {  	[smem:$0x3FB6] =	sst s0;
	s0 =	simm.s32 @!p2 $0x0  }
0x16: {  	s3 =	sld [smem:$0x3FDB];
	s0 =	simm.s32 @p2 $0x1  }
0x17: {  	s4 =	simm.s32 $0x1BF5;
	[smem:$0x3FB8] =	sst s0  }
0x18: {  	s0 =	sld [smem:$0x3F9B];
	_ =	swait.ge [sflag:s4], $0x0  }
0x19: {  	s7 =	sld [smem:$0x3F9C]  }
0x1a: {  	s8 =	sadd.s32 $0xFFFFE003, lr  }
0x1b: {  	s9 =	sadd.s32 $0xFFFFFEF7, lr;
	s5 =	simm.s32 $0xFFFFFFFF;
	p2 =	slt.u32 s8, $0xFFFFF086  }
0x1c: {  	p1 =	slt.u32 s9, $0xF7A;
	s5 =	simm.s32 @!p2 $0x0  }
0x1d: {  	s5 =	simm.s32 @p1 $0x1;
	p0 =	seq.s32 s7, s2  }
0x1e: {  	s7 =	smul.u32 @!p0 $0xF7A, s2;
	p2 =	seq.s32 @!p0 s5, $0x0  }
0x1f: {  	s9 =	smul.u32 $0xF7A, s1;
	s8 =	simm.s32 @!p0 $0x1BF5;
	p2 =	por !p2, p0  }
0x20: {  	[sflag:s8] =	ssyncset.s32 @!p0 $0xFFFFF086;
	s6 =	sadd.s32 @!p0 s3, s7;
	s7 =	simm.s32 @!p0 $0x108  }
0x21: {  	s3 =	sadd.s32 s3, s9;
	s6 =	sadd.s32 @!p0 $0x88, s6;
	s7 =	simm.s32 @p2 $0x1082  }
0x22: {  	[simem:s7], [sflag:s8] =	dma.local @!p0 [hbm:s6], $0xF7A  }
0x23: {  	s9 =	sor.u32 $0xD0000000, s2;
	s6 =	simm.s32 $0x108;
	_ =	swait.ge @!p0 [sflag:s8], $0x0  }
0x24: {  	s3 =	sadd.s32 $0x88, s3;
	s6 =	simm.s32 @!p1 $0x1082;
	[sflag:s4] =	ssyncset.s32 $0xFFFFF086  }
0x25: {  	[simem:s6], [sflag:s4] =	dma.local [hbm:s3], $0xF7A  }
0x26: {  	[smem:$0x3F9C] =	sst s1;
	(tag) =	ssettag s2;
	_ =	strace s9  }
0x27: {  	s1 =	sld [smem:$0x3FAC]  }
0x28: {  	s2 =	sld [smem:$0x3FAD]  }
0x29: {  	s4 =	sld [smem:$0x3FAF]  }
0x2a: {  	p0 =	seq.s32 s5, $0x0;
	s5 =	sld [smem:$0x3FB0]  }
0x2b: {  	s6 =	sld [smem:$0x3FB1]  }
0x2c: {  	s7 =	sld [smem:$0x3FB2]  }
0x2d: {  	s3 =	simm.s32 $0x108;
	s8 =	sld [smem:$0x3FB3]  }
0x2e: {  	s3 =	simm.s32 @!p0 $0x1082;
	s9 =	sld [smem:$0x3FB4]  }
0x2f: {  	lr =	sadd.s32 s0, s3;
	s0 =	sld [smem:$0x3FAB]  }
0x30: {  	s3 =	sld [smem:$0x3FAE]  }
0x31: {  	[smem:$0x3FB7] =	sst s10  }
0x32: {  	s10 =	sld [smem:$0x3FB5];
	_ =	sdelay $0x3  }
0x33: {  	p0 =	seq.s32 s10, $0x1;
	s10 =	sld [smem:$0x3FB7];
	_ =	sdelay $0x3  }
0x34: {  	[smem:$0x3FB7] =	sst s10  }
0x35: {  	s10 =	sld [smem:$0x3FB6];
	_ =	sdelay $0x3  }
0x36: {  	p1 =	seq.s32 s10, $0x1;
	s10 =	sld [smem:$0x3FB7];
	_ =	sdelay $0x3  }
0x37: {  	[smem:$0x3FB7] =	sst s10  }
0x38: {  	s10 =	sld [smem:$0x3FB8]  }
0x39: {  	_ = 	snop;
	(pc) =	sbr.ind lr, $3  }
0x3a: {  	_ = 	snop  }
0x3b: {  	_ = 	snop  }
0x3c: {  	p2 =	seq.s32 s10, $0x1;
	s10 =	sld [smem:$0x3FB7]  }
0x3d: {  	_ =	shalt  }
0x3e: {  	_ =	shalt  }
0x3f: {  	_ =	shalt  }
0x40: {  	_ =	shalt  }
0x41: {  	_ =	shalt  }
0x42: {  	_ =	shalt  }
0x43: {  	_ =	shalt  }
0x44: {  	_ =	shalt  }
0x45: {  	_ =	shalt  }
0x46: {  	_ =	shalt  }
0x47: {  	_ =	shalt  }
0x48: {  	_ =	shalt  }
0x49: {  	_ =	shalt  }
0x4a: {  	_ =	shalt  }
0x4b: {  	_ =	shalt  }
0x4c: {  	_ =	shalt  }
0x4d: {  	_ =	shalt  }
0x4e: {  	_ =	shalt  }
0x4f: {  	_ =	shalt  }
0x50: {  	_ =	shalt  }
0x51: {  	_ =	shalt  }
0x52: {  	_ =	shalt  }
0x53: {  	_ =	shalt  }
0x54: {  	_ =	shalt  }
0x55: {  	_ =	shalt  }
0x56: {  	_ =	shalt  }
0x57: {  	_ =	shalt  }
0x58: {  	_ =	shalt  }
0x59: {  	_ =	shalt  }
0x5a: {  	_ =	shalt  }
0x5b: {  	_ =	shalt  }
0x5c: {  	_ =	shalt  }
0x5d: {  	_ =	shalt  }
0x5e: {  	_ =	shalt  }
0x5f: {  	_ =	shalt  }
0x60: {  	_ =	shalt  }
0x61: {  	_ =	shalt  }
0x62: {  	_ =	shalt  }
0x63: {  	_ =	shalt  }
0x64: {  	_ =	shalt  }
0x65: {  	_ =	shalt  }
0x66: {  	_ =	shalt  }
0x67: {  	_ =	shalt  }
0x68: {  	_ =	shalt  }
0x69: {  	_ =	shalt  }
0x6a: {  	_ =	shalt  }
0x6b: {  	_ =	shalt  }
0x6c: {  	_ =	shalt  }
0x6d: {  	_ =	shalt  }
0x6e: {  	_ =	shalt  }
0x6f: {  	_ =	shalt  }
0x70: {  	_ =	shalt  }
0x71: {  	_ =	shalt  }
0x72: {  	_ =	shalt  }
0x73: {  	_ =	shalt  }
0x74: {  	_ =	shalt  }
0x75: {  	_ =	shalt  }
0x76: {  	_ =	shalt  }
0x77: {  	_ =	shalt  }
0x78: {  	_ =	shalt  }
0x79: {  	_ =	shalt  }
0x7a: {  	_ =	shalt  }
0x7b: {  	_ =	shalt  }
0x7c: {  	_ =	shalt  }
0x7d: {  	_ =	shalt  }
0x7e: {  	_ =	shalt  }
0x7f: {  	_ =	shalt  }
0x80: {  	_ =	shalt  }
0x81: {  	_ =	shalt  }
0x82: {  	_ =	shalt  }
0x83: {  	_ =	shalt  }
0x84: {  	_ =	shalt  }
0x85: {  	_ =	shalt  }
0x86: {  	_ =	shalt  }
0x87: {  	_ =	shalt  }
.Lfunc_end0:
.L_simem_size_0:
called_computation.2_lowered:
.L_overlay_start_0:
0x88: {  	s2 =	sld [smem:$0x3FD9]  }
0x89: {  	s3 =	sld [smem:$0x3FFE];
	_ =	sdelay $0x1  }
0x8a: {  	s1 =	srdreg.scid  }
0x8b: {  	s0 =	sand.u32 $0x1, s1  }
0x8c: {  	s17 =	sshll.u32 s0, $0xA;
	s2 =	sadd.s32 s3, s2  }
0x8d: {  	s2 =	sadd.s32 s2, s17  }
0x8e: {  	[smem:$0x3FC3] =	sst s2  }
0x8f: {  	_ = 	snop  }
0x90: {  	s18 =	sld [smem:$0x3FD0];
	(tm) =	ssettm $0x1  }
0x91: {  	s19 =	sld [smem:$0x3FFB];
	_ =	sdelay $0x3  }
0x92: {  	_ =	strace s19  }
0x93: {  	s2 =	sld [smem:$0x3FFC];
	_ =	sdelay $0x3  }
0x94: {  	_ =	strace s2  }
0x95: {  	s2 =	sld [smem:$0x3FFD];
	_ =	sdelay $0x3  }
0x96: {  	_ =	strace s2  }
0x97: {  	_ =	strace $0x8FFFFFFF  }
0x98: {  	s20 =	sld [smem:$0x3FDB];
	_ =	sdelay $0x1  }
0x99: {  	s4 =	simm.s32 $_scs_section_size  }
0x9a: {  	s5 =	simm.s32 $_size__tile_overlayer_lowered;
	s6 =	simm.s32 $_tile_overlayer_lowered  }
0x9b: {  	s7 =	simm.s32 $0x1BFF;
	s21 =	sshll.u32 s6, $0x1;
	s4 =	sadd.s32 s4, s20  }
0x9c: {  	s22 =	simm.s32 $0x0;
	s5 =	sshll.u32 s5, $0x1;
	s6 =	sadd.s32 s21, s4  }
0x9d: {  	[timem:s22], [sflag:s7] =	dma.local [hbm:s6], s5  }
0x9e: {  	_ =	swait.ge [sflag:s7], s5  }
0x9f: {  	s5 =	ssub.s32 $0x0, s5;
	[sflag:s7] =	ssyncset.done $0x0  }
0xa0: {  	[sflag:s7] =	ssyncadd.s32 s5;
	_ =	sdelay $0x1  }
0xa1: {  	s23 =	simm.s32 $0x1B8B  }
0xa2: {  	_ =	swait.ge [sflag:s23], $0x1  }
0xa3: {  	[sflag:s23] =	ssyncset.done $0x0  }
0xa4: {  	[sflag:s23] =	ssyncadd.s32 $0xFFFFFFFF  }
0xa5: {  	s5 =	sld [smem:$0x0]  }
0xa6: {  	s6 =	sand.u32 $0xFFFFFFFE, s1  }
0xa7: {  	p0 =	sne.s32 s1, s6  }
0xa8: {  	s6 =	sshll.u32 @p0 s6, $0xE  }
0xa9: {  	s6 =	sadd.s32 @p0 $0x11B8D, s6;
	s7 =	sshll.u32 @p0 s5, $0x11  }
0xaa: {  	s6 =	sor.u32 @p0 s7, s6  }
0xab: {  	[sflag:s6] =	ssyncadd.remote.s32 @p0 $0x1;
	_ =	sdelay $0x1  }
0xac: {  	s6 =	simm.s32 @p0 $0x1B8D  }
0xad: {  	_ =	swait.eq @p0 [sflag:s6], $0x1  }
0xae: {  	[sflag:s6] =	ssyncadd.s32 @p0 $0xFFFFFFFF  }
0xaf: {  	s7 =	sshll.u32 @!p0 s1, $0xE  }
0xb0: {  	s7 =	sor.u32 @!p0 $0x4000, s7;
	s6 =	simm.s32 @!p0 $0x1B8D  }
0xb1: {  	s5 =	sshll.u32 @!p0 s5, $0x11;
	s7 =	sadd.s32 @!p0 $0x11B8D, s7;
	_ =	swait.eq @!p0 [sflag:s6], $0x1  }
0xb2: {  	s5 =	sor.u32 @!p0 s5, s7;
	[sflag:s6] =	ssyncadd.s32 @!p0 $0xFFFFFFFF  }
0xb3: {  	s25 =	simm.s32 $0x1B8E;
	s24 =	sld [smem:$0x3FFE];
	[sflag:s5] =	ssyncadd.remote.s32 @!p0 $0x1  }
0xb4: {  	s26 =	simm.s32 $execute0_lowered;
	[smem:$0x3FD2] =	sst s25  }
0xb5: {  	s6 =	sshll.u32 s26, $0x1;
	_ =	strace $0x80000049;
	[dreg:$0x1] =	wrdreg $0xFFFFFFFF  }
0xb6: {  	s28 =	simm.s32 $_size_execute0_lowered;
	s4 =	sadd.s32 s4, s6;
	[dreg:$0x0] =	wrdreg $0x0  }
0xb7: {  	s6 =	sshll.u32 s28, $0x1;
	[dreg:$0x2] =	wrdreg s4  }
0xb8: {  	[dreg:$0x3] =	wrdreg s6  }
0xb9: {  	[dreg:$0x4] =	wrdreg $0xC0  }
0xba: {  	_ =	task [dreg:s22], $0x5FFFF  }
0xbb: {  	[dreg:$0x1] =	wrdreg $0xFFFFFFFF  }
0xbc: {  	[dreg:$0x0] =	wrdreg $0x60  }
0xbd: {  	[dreg:$0x2] =	wrdreg s24  }
0xbe: {  	[dreg:$0x3] =	wrdreg s18  }
0xbf: {  	[dreg:$0x4] =	wrdreg $0x113000  }
0xc0: {  	[dreg:$0x5] =	wrdreg $0xA  }
0xc1: {  	_ =	task.clear_ibuf [dreg:s22], $0x6FFFF;
	_ =	strace $0x90000049  }
0xc2: {  	s29 =	simm.s32 $0xA;
	_ =	strace $0x8000004B  }
0xc3: {  	_ =	swait.ge [sflag:s29], $0x1  }
0xc4: {  	[sflag:s29] =	ssyncadd.s32 $0xFFFFFFFF  }
0xc5: {  	_ =	strace $0x9000004B  }
0xc6: {  	_ =	sfence  }
0xc7: {  	s30 =	sld [smem:$0x0];
	_ =	sdelay $0x2  }
0xc8: {  	s31 =	sshll.u32 s1, $0xD;
	s1 =	sshrl.u32 s1, $0x2  }
0xc9: {  	s4 =	sand.u32 $0x4000, s31;
	s1 =	sadd.s32 s1, s30  }
0xca: {  	s0 =	sor.u32 s4, s0;
	s1 =	sshll.u32 s1, $0x11  }
0xcb: {  	s0 =	sor.u32 s1, s0  }
0xcc: {  	s0 =	sadd.s32 $0x8F2B, s0  }
0xcd: {  	[sflag:s0] =	ssyncadd.remote.s32 $0x1  }
0xce: {  	_ =	sfence.sel $0xFFFF  }
0xcf: {  	[dreg:$0x0] =	wrdreg $0xFFFFFFFF;
	(pc) =	sbr.abs _section_cstart, $3  }
0xd0: {  	[dreg:$0x1] =	wrdreg $0xFFFFFFFF  }
0xd1: {  	_ =	task.clear_ibuf [dreg:s22], $0x2FFFF;
	_ =	strace $0x9FFFFFFF  }
0xd2: {  	(tm) =	ssettm $0x7FFFFFFF  }
0xd3: {  	_ =	shalt  }
tec
execute0_lowered:
.L_overlay_start_1:
0x0: {  	(tag) =	ssettag $0x1  }
0x1: {  	s0 =	rddreg [dreg:$0x0]  }
0x2: {  	s1 =	rddreg [dreg:$0x1]  }
0x3: {  	s2 =	rddreg [dreg:$0x2];
	s3 =	srdreg.scid;
	s4 =	simm.s32 $0x0  }
0x4: {  	s11 =	stileid.u32;
	s14 =	simm.s32 $0x80;
	s15 =	simm.s32 $0x5000  }
0x5: {  	s16 =	simm.s32 $0x5100;
	s17 =	simm.s32 $0x9100;
	s18 =	simm.s32 $0x9200  }
0x6: {  	s19 =	simm.s32 $0x1;
	s20 =	simm.s32 $0x5080;
	s21 =	simm.s32 $0x2  }
0x7: {  	s22 =	simm.s32 $0xD200;
	s23 =	simm.s32 $0xD300;
	s28 =	simm.s32 $0x5  }
0x8: {  	s29 =	simm.s32 $0xD280;
	s30 =	simm.s32 $0x6;
	s7 =	smul.u32 $0xA000, s11  }
0x9: {  	s31 =	simm.s32 $0x0;
	s3 =	sand.u32 $0x1, s3;
	s8 =	smul.u32 $0x500, s11  }
0xa: {  	[smem:$0x7FF] =	sst s4;
	s5 =	sadd.s32 $0x37000, s0;
	s9 =	smul.u32 $0x28000, s11  }
0xb: {  	s26 =	sshll.u32 s11, $0x6;
	s11 =	simm.s32 $0x2800;
	s6 =	smul.u32 $0xA0000, s3  }
0xc: {  	_ =	strace $0x8000004A;
	s24 =	ssub.s32 $0x2, s3;
	s3 =	smul.u32 $0x2800, s3  }
0xd: {  	s12 =	sor.u32 $0x1C07, s26;
	s26 =	simm.s32 $0x4;
	s8 =	sadd.s32 s8, s0  }
0xe: {  	s25 =	sshrl.u32 s24, $0x1;
	s9 =	sshrl.u32 s9, $0x2;
	s6 =	sadd.s32 s7, s6  }
0xf: {  	s10 =	ssub.s32 s24, s25;
	s7 =	sadd.s32 $0x9800, s8;
	s13 =	sadd.s32 s9, s2  }
0x10: {  	s24 =	simm.s32 $0x3;
	s25 =	simm.s32 $0x9180;
	s6 =	sshrl.u32 s6, $0x3  }
0x11: {  	s9 =	smax.u32 s10, $0x1;
	s10 =	simm.s32 $0x7;
	s0 =	sadd.s32 s6, s0  }
0x12: {  	v0 =	vmov s3;
	s13 =	sshrl.u32 s13, $0x3;
	s6 =	sadd.s32 $0x4800, s8;
	s8 =	sadd.s32 $0x87000, s0  }
.LBB2_1:
0x13: {  	[tilespmem:s4], [sflag:$0x7] =	stream.linear.gather [hbm4b:s6+s4], $0x2800, $0x38;
	[tilespmem:$0x1B300] =	vst v63  }
0x14: {  	_ =	swait.ge [sflag:s10], $0x2800  }
0x15: {  	[sflag:s10] =	ssyncset.done $0x0  }
0x16: {  	[sflag:s10] =	ssyncadd.s32 $0xFFFFD800  }
0x17: {  	[tilespmem:s11], [sflag:$0x7] =	stream.linear.gather [hbm4b:s7+s4], $0x2800, $0x38;
	[tilespmem:$0x1B300] =	vst v63  }
0x18: {  	_ =	swait.ge [sflag:s10], $0x2800  }
0x19: {  	[sflag:s10] =	ssyncset.done $0x0  }
0x1a: {  	[sflag:s10] =	ssyncadd.s32 $0xFFFFD800  }
0x1b: {  	[spmem:s13], [sflag:s12] =	dma.local [hbm:s1], $0x1400  }
0x1c: {  	_ =	swait.ge [sflag:s10], $0x1400  }
0x1d: {  	[sflag:s10] =	ssyncset.done $0x0  }
0x1e: {  	[sflag:s10] =	ssyncadd.s32 $0xFFFFEC00  }
0x1f: {  	[bflag:$0x0] =	sbarrier.arrive $0xFFFF  }
0x20: {  	v1 =	vld [tilespmem:$0x0]  }
0x21: {  	v2 =	vld [tilespmem:$0x2800]  }
0x22: {  	v3 =	vld [tilespmem:$0x10]  }
0x23: {  	v4 =	vld [tilespmem:$0x2810];
	_ =	sdelay $0x1  }
0x24: {  	v6 =	vld [tilespmem:$0x2820]  }
0x25: {  	v52 =	vld [tilespmem:$0x2840]  }
0x26: {  	v54 =	vld [tilespmem:$0x2850];
	[tilespmem:$0x5080] =	vst v2  }
0x27: {  	v1 =	vadd.s32 v0, v1;
	v2 =	vadd.s32 v0, v3;
	v3 =	vld [tilespmem:$0x2830];
	[tilespmem:$0x5090] =	vst v4  }
0x28: {  	[tilespmem:$0x5000] =	vst v1;
	v1 =	vld [tilespmem:$0x30]  }
0x29: {  	[tilespmem:$0x5010] =	vst v2;
	v2 =	vld [tilespmem:$0x40]  }
0x2a: {  	v5 =	vld [tilespmem:$0x20];
	[tilespmem:$0x50A0] =	vst v6  }
0x2b: {  	v55 =	vld [tilespmem:$0x2870];
	[tilespmem:$0x50C0] =	vst v52  }
0x2c: {  	v53 =	vld [tilespmem:$0x50];
	[tilespmem:$0x50D0] =	vst v54  }
0x2d: {  	[tilespmem:$0x50B0] =	vst v3;
	v3 =	vld [tilespmem:$0x2860];
	v1 =	vadd.s32 v0, v1  }
0x2e: {  	v2 =	vadd.s32 v0, v2;
	[tilespmem:$0x5030] =	vst v1;
	v1 =	vld [tilespmem:$0x60]  }
0x2f: {  	[tilespmem:$0x5040] =	vst v2;
	v2 =	vld [tilespmem:$0x70]  }
0x30: {  	v51 =	vadd.s32 v0, v5;
	[tilespmem:$0x50F0] =	vst v55  }
0x31: {  	v4 =	vadd.s32 v0, v53;
	[tilespmem:$0x5020] =	vst v51  }
0x32: {  	[tilespmem:$0x5050] =	vst v4  }
0x33: {  	[tilespmem:$0x50E0] =	vst v3;
	v1 =	vadd.s32 v0, v1  }
0x34: {  	[tilespmem:$0x5060] =	vst v1;
	v1 =	vadd.s32 v0, v2  }
0x35: {  	[tilespmem:$0x5070] =	vst v1  }
0x36: {  	[tilespmem:s16], [sflag:$0x1] =	stream.indirect.gather [hbm4b:s5+s14], $0x80, s15, s14, $0xb8;
	[tilespmem:$0x1B300] =	vst v63  }
0x37: {  	v1 =	vld [tilespmem:$0x80]  }
0x38: {  	v2 =	vld [tilespmem:$0x2880]  }
0x39: {  	v3 =	vld [tilespmem:$0x90]  }
0x3a: {  	v56 =	vld [tilespmem:$0x2890];
	_ =	sdelay $0x1  }
0x3b: {  	v58 =	vld [tilespmem:$0x28A0]  }
0x3c: {  	v60 =	vld [tilespmem:$0x28C0]  }
0x3d: {  	v62 =	vld [tilespmem:$0x28D0];
	[tilespmem:$0x9180] =	vst v2  }
0x3e: {  	v1 =	vadd.s32 v0, v1;
	v2 =	vadd.s32 v0, v3;
	v3 =	vld [tilespmem:$0x28B0];
	[tilespmem:$0x9190] =	vst v56  }
0x3f: {  	[tilespmem:$0x9100] =	vst v1;
	v1 =	vld [tilespmem:$0xB0]  }
0x40: {  	[tilespmem:$0x9110] =	vst v2;
	v2 =	vld [tilespmem:$0xC0]  }
0x41: {  	v57 =	vld [tilespmem:$0xA0];
	[tilespmem:$0x91A0] =	vst v58  }
0x42: {  	v63 =	vld [tilespmem:$0x28F0];
	[tilespmem:$0x91C0] =	vst v60  }
0x43: {  	v61 =	vld [tilespmem:$0xD0];
	[tilespmem:$0x91D0] =	vst v62  }
0x44: {  	[tilespmem:$0x91B0] =	vst v3;
	v3 =	vld [tilespmem:$0x28E0];
	v1 =	vadd.s32 v0, v1  }
0x45: {  	v2 =	vadd.s32 v0, v2;
	[tilespmem:$0x9130] =	vst v1;
	v1 =	vld [tilespmem:$0xE0]  }
0x46: {  	[tilespmem:$0x9140] =	vst v2;
	v2 =	vld [tilespmem:$0xF0]  }
0x47: {  	v59 =	vadd.s32 v0, v57;
	[tilespmem:$0x91F0] =	vst v63  }
0x48: {  	v4 =	vadd.s32 v0, v61;
	[tilespmem:$0x9120] =	vst v59  }
0x49: {  	[tilespmem:$0x9150] =	vst v4  }
0x4a: {  	[tilespmem:$0x91E0] =	vst v3;
	v1 =	vadd.s32 v0, v1  }
0x4b: {  	[tilespmem:$0x9160] =	vst v1;
	v1 =	vadd.s32 v0, v2  }
0x4c: {  	s0 =	simm.s32 $0x0;
	[tilespmem:$0x9170] =	vst v1  }
0x4d: {  	[tilespmem:s18], [sflag:$0x3] =	stream.indirect.gather [hbm4b:s5+s14], $0x80, s17, s14, $0xb8;
	[tilespmem:$0x1B300] =	vst v63  }
.LBB2_2:
0x4e: {  	_ =	swait.ge [sflag:s19], $0x4000  }
0x4f: {  	[sflag:s19] =	ssyncset.done $0x0  }
0x50: {  	[sflag:s19] =	ssyncadd.s32 $0xFFFFC000  }
0x51: {  	[spmem:s2] =	stream.indirect.scatter.add.f32 [tilespmem:s16], [sflag:$0x2], $0x80, s20, s14, $0xb8;
	[tilespmem:$0x1B300] =	vst v63  }
0x52: {  	_ =	swait.ge [sflag:s21], $0x4000  }
0x53: {  	[sflag:s21] =	ssyncset.done $0x0  }
0x54: {  	s3 =	sshra.s32 s0, $0x2;
	[sflag:s21] =	ssyncadd.s32 $0xFFFFC000  }
0x55: {  	v1 =	vld [tilespmem:s3+$0x100];
	_ =	sdelay $0x4  }
0x56: {  	v1 =	vadd.s32 v0, v1  }
0x57: {  	[tilespmem:$0xD200] =	vst v1  }
0x58: {  	v1 =	vld [tilespmem:s3+$0x2900];
	_ =	sdelay $0x4  }
0x59: {  	[tilespmem:$0xD280] =	vst v1  }
0x5a: {  	v1 =	vld [tilespmem:s3+$0x110];
	_ =	sdelay $0x4  }
0x5b: {  	v1 =	vadd.s32 v0, v1  }
0x5c: {  	[tilespmem:$0xD210] =	vst v1  }
0x5d: {  	v1 =	vld [tilespmem:s3+$0x2910];
	_ =	sdelay $0x4  }
0x5e: {  	[tilespmem:$0xD290] =	vst v1  }
0x5f: {  	v1 =	vld [tilespmem:s3+$0x120];
	_ =	sdelay $0x4  }
0x60: {  	v1 =	vadd.s32 v0, v1  }
0x61: {  	[tilespmem:$0xD220] =	vst v1  }
0x62: {  	v1 =	vld [tilespmem:s3+$0x2920];
	_ =	sdelay $0x4  }
0x63: {  	[tilespmem:$0xD2A0] =	vst v1  }
0x64: {  	v1 =	vld [tilespmem:s3+$0x130];
	_ =	sdelay $0x4  }
0x65: {  	v1 =	vadd.s32 v0, v1  }
0x66: {  	[tilespmem:$0xD230] =	vst v1  }
0x67: {  	v1 =	vld [tilespmem:s3+$0x2930];
	_ =	sdelay $0x4  }
0x68: {  	[tilespmem:$0xD2B0] =	vst v1  }
0x69: {  	v1 =	vld [tilespmem:s3+$0x140];
	_ =	sdelay $0x4  }
0x6a: {  	v1 =	vadd.s32 v0, v1  }
0x6b: {  	[tilespmem:$0xD240] =	vst v1  }
0x6c: {  	v1 =	vld [tilespmem:s3+$0x2940];
	_ =	sdelay $0x4  }
0x6d: {  	[tilespmem:$0xD2C0] =	vst v1  }
0x6e: {  	v1 =	vld [tilespmem:s3+$0x150];
	_ =	sdelay $0x4  }
0x6f: {  	v1 =	vadd.s32 v0, v1  }
0x70: {  	[tilespmem:$0xD250] =	vst v1  }
0x71: {  	v1 =	vld [tilespmem:s3+$0x2950];
	_ =	sdelay $0x4  }
0x72: {  	[tilespmem:$0xD2D0] =	vst v1  }
0x73: {  	v1 =	vld [tilespmem:s3+$0x160];
	_ =	sdelay $0x4  }
0x74: {  	v1 =	vadd.s32 v0, v1  }
0x75: {  	[tilespmem:$0xD260] =	vst v1  }
0x76: {  	v1 =	vld [tilespmem:s3+$0x2960];
	_ =	sdelay $0x4  }
0x77: {  	[tilespmem:$0xD2E0] =	vst v1  }
0x78: {  	v1 =	vld [tilespmem:s3+$0x170];
	_ =	sdelay $0x4  }
0x79: {  	v1 =	vadd.s32 v0, v1  }
0x7a: {  	[tilespmem:$0xD270] =	vst v1  }
0x7b: {  	v1 =	vld [tilespmem:s3+$0x2970];
	_ =	sdelay $0x4  }
0x7c: {  	[tilespmem:$0xD2F0] =	vst v1  }
0x7d: {  	[tilespmem:s23], [sflag:$0x5] =	stream.indirect.gather [hbm4b:s5+s14], $0x80, s22, s14, $0xb8;
	[tilespmem:$0x1B300] =	vst v63  }
0x7e: {  	_ =	swait.ge [sflag:s24], $0x4000  }
0x7f: {  	[sflag:s24] =	ssyncset.done $0x0  }
0x80: {  	[sflag:s24] =	ssyncadd.s32 $0xFFFFC000  }
0x81: {  	[spmem:s2] =	stream.indirect.scatter.add.f32 [tilespmem:s18], [sflag:$0x4], $0x80, s25, s14, $0xb8;
	[tilespmem:$0x1B300] =	vst v63  }
0x82: {  	_ =	swait.ge [sflag:s26], $0x4000  }
0x83: {  	[sflag:s26] =	ssyncset.done $0x0  }
0x84: {  	[sflag:s26] =	ssyncadd.s32 $0xFFFFC000  }
0x85: {  	v1 =	vld [tilespmem:s3+$0x180];
	_ =	sdelay $0x4  }
0x86: {  	v1 =	vadd.s32 v0, v1  }
0x87: {  	[tilespmem:$0x5000] =	vst v1  }
0x88: {  	v1 =	vld [tilespmem:s3+$0x2980];
	_ =	sdelay $0x4  }
0x89: {  	[tilespmem:$0x5080] =	vst v1  }
0x8a: {  	v1 =	vld [tilespmem:s3+$0x190];
	_ =	sdelay $0x4  }
0x8b: {  	v1 =	vadd.s32 v0, v1  }
0x8c: {  	[tilespmem:$0x5010] =	vst v1  }
0x8d: {  	v1 =	vld [tilespmem:s3+$0x2990];
	_ =	sdelay $0x4  }
0x8e: {  	[tilespmem:$0x5090] =	vst v1  }
0x8f: {  	v1 =	vld [tilespmem:s3+$0x1A0];
	_ =	sdelay $0x4  }
0x90: {  	v1 =	vadd.s32 v0, v1  }
0x91: {  	[tilespmem:$0x5020] =	vst v1  }
0x92: {  	v1 =	vld [tilespmem:s3+$0x29A0];
	_ =	sdelay $0x4  }
0x93: {  	[tilespmem:$0x50A0] =	vst v1  }
0x94: {  	v1 =	vld [tilespmem:s3+$0x1B0];
	_ =	sdelay $0x4  }
0x95: {  	v1 =	vadd.s32 v0, v1  }
0x96: {  	[tilespmem:$0x5030] =	vst v1  }
0x97: {  	v1 =	vld [tilespmem:s3+$0x29B0];
	_ =	sdelay $0x4  }
0x98: {  	[tilespmem:$0x50B0] =	vst v1  }
0x99: {  	v1 =	vld [tilespmem:s3+$0x1C0];
	_ =	sdelay $0x4  }
0x9a: {  	v1 =	vadd.s32 v0, v1  }
0x9b: {  	[tilespmem:$0x5040] =	vst v1  }
0x9c: {  	v1 =	vld [tilespmem:s3+$0x29C0];
	_ =	sdelay $0x4  }
0x9d: {  	[tilespmem:$0x50C0] =	vst v1  }
0x9e: {  	v1 =	vld [tilespmem:s3+$0x1D0];
	_ =	sdelay $0x4  }
0x9f: {  	v1 =	vadd.s32 v0, v1  }
0xa0: {  	[tilespmem:$0x5050] =	vst v1  }
0xa1: {  	v1 =	vld [tilespmem:s3+$0x29D0];
	_ =	sdelay $0x4  }
0xa2: {  	[tilespmem:$0x50D0] =	vst v1  }
0xa3: {  	v1 =	vld [tilespmem:s3+$0x1E0];
	_ =	sdelay $0x4  }
0xa4: {  	v1 =	vadd.s32 v0, v1  }
0xa5: {  	[tilespmem:$0x5060] =	vst v1  }
0xa6: {  	v1 =	vld [tilespmem:s3+$0x29E0];
	_ =	sdelay $0x4  }
0xa7: {  	[tilespmem:$0x50E0] =	vst v1  }
0xa8: {  	v1 =	vld [tilespmem:s3+$0x1F0];
	_ =	sdelay $0x4  }
0xa9: {  	v1 =	vadd.s32 v0, v1  }
0xaa: {  	[tilespmem:$0x5070] =	vst v1  }
0xab: {  	v1 =	vld [tilespmem:s3+$0x29F0];
	_ =	sdelay $0x4  }
0xac: {  	[tilespmem:$0x50F0] =	vst v1  }
0xad: {  	[tilespmem:s16], [sflag:$0x1] =	stream.indirect.gather [hbm4b:s5+s14], $0x80, s15, s14, $0xb8;
	[tilespmem:$0x1B300] =	vst v63  }
0xae: {  	_ =	swait.ge [sflag:s28], $0x4000  }
0xaf: {  	[sflag:s28] =	ssyncset.done $0x0  }
0xb0: {  	[sflag:s28] =	ssyncadd.s32 $0xFFFFC000  }
0xb1: {  	[spmem:s2] =	stream.indirect.scatter.add.f32 [tilespmem:s23], [sflag:$0x6], $0x80, s29, s14, $0xb8;
	[tilespmem:$0x1B300] =	vst v63  }
0xb2: {  	_ =	swait.ge [sflag:s30], $0x4000  }
0xb3: {  	[sflag:s30] =	ssyncset.done $0x0  }
0xb4: {  	[sflag:s30] =	ssyncadd.s32 $0xFFFFC000  }
0xb5: {  	v1 =	vld [tilespmem:s3+$0x200];
	_ =	sdelay $0x4  }
0xb6: {  	v1 =	vadd.s32 v0, v1  }
0xb7: {  	[tilespmem:$0x9100] =	vst v1  }
0xb8: {  	v1 =	vld [tilespmem:s3+$0x2A00];
	_ =	sdelay $0x4  }
0xb9: {  	[tilespmem:$0x9180] =	vst v1  }
0xba: {  	v1 =	vld [tilespmem:s3+$0x210];
	_ =	sdelay $0x4  }
0xbb: {  	v1 =	vadd.s32 v0, v1  }
0xbc: {  	[tilespmem:$0x9110] =	vst v1  }
0xbd: {  	v1 =	vld [tilespmem:s3+$0x2A10];
	_ =	sdelay $0x4  }
0xbe: {  	[tilespmem:$0x9190] =	vst v1  }
0xbf: {  	v1 =	vld [tilespmem:s3+$0x220];
	_ =	sdelay $0x4  }
0xc0: {  	v1 =	vadd.s32 v0, v1  }
0xc1: {  	[tilespmem:$0x9120] =	vst v1  }
0xc2: {  	v1 =	vld [tilespmem:s3+$0x2A20];
	_ =	sdelay $0x4  }
0xc3: {  	[tilespmem:$0x91A0] =	vst v1  }
0xc4: {  	v1 =	vld [tilespmem:s3+$0x230];
	_ =	sdelay $0x4  }
0xc5: {  	v1 =	vadd.s32 v0, v1  }
0xc6: {  	[tilespmem:$0x9130] =	vst v1  }
0xc7: {  	v1 =	vld [tilespmem:s3+$0x2A30];
	_ =	sdelay $0x4  }
0xc8: {  	[tilespmem:$0x91B0] =	vst v1  }
0xc9: {  	v1 =	vld [tilespmem:s3+$0x240];
	_ =	sdelay $0x4  }
0xca: {  	v1 =	vadd.s32 v0, v1  }
0xcb: {  	[tilespmem:$0x9140] =	vst v1  }
0xcc: {  	v1 =	vld [tilespmem:s3+$0x2A40];
	_ =	sdelay $0x4  }
0xcd: {  	[tilespmem:$0x91C0] =	vst v1  }
0xce: {  	v1 =	vld [tilespmem:s3+$0x250];
	_ =	sdelay $0x4  }
0xcf: {  	v1 =	vadd.s32 v0, v1  }
0xd0: {  	[tilespmem:$0x9150] =	vst v1  }
0xd1: {  	v1 =	vld [tilespmem:s3+$0x2A50];
	_ =	sdelay $0x4  }
0xd2: {  	[tilespmem:$0x91D0] =	vst v1  }
0xd3: {  	v1 =	vld [tilespmem:s3+$0x260];
	_ =	sdelay $0x4  }
0xd4: {  	v1 =	vadd.s32 v0, v1  }
0xd5: {  	[tilespmem:$0x9160] =	vst v1  }
0xd6: {  	v1 =	vld [tilespmem:s3+$0x2A60];
	_ =	sdelay $0x4  }
0xd7: {  	[tilespmem:$0x91E0] =	vst v1  }
0xd8: {  	v1 =	vld [tilespmem:s3+$0x270];
	_ =	sdelay $0x4  }
0xd9: {  	v1 =	vadd.s32 v0, v1  }
0xda: {  	[tilespmem:$0x9170] =	vst v1  }
0xdb: {  	v1 =	vld [tilespmem:s3+$0x2A70]  }
0xdc: {  	p0 =	sne.s32 s0, $0x9600  }
.Ltmp0:
0xdd: {  	_ = 	snop;
	(pc) =	sbr.rel @p0 .LBB2_2-.Ltmp0, $3  }
0xde: {  	_ =	sdelay $0x1  }
0xdf: {  	s0 =	sadd.s32 $0x600, s0;
	[tilespmem:$0x91F0] =	vst v1  }
0xe0: {  	[tilespmem:s18], [sflag:$0x3] =	stream.indirect.gather [hbm4b:s5+s14], $0x80, s17, s14, $0xb8;
	[tilespmem:$0x1B300] =	vst v63  }
0xe1: {  	_ =	swait.ge [sflag:s19], $0x4000  }
0xe2: {  	[sflag:s19] =	ssyncset.done $0x0  }
0xe3: {  	[sflag:s19] =	ssyncadd.s32 $0xFFFFC000  }
0xe4: {  	[spmem:s2] =	stream.indirect.scatter.add.f32 [tilespmem:s16], [sflag:$0x2], $0x80, s20, s14, $0xb8;
	[tilespmem:$0x1B300] =	vst v63  }
0xe5: {  	_ =	swait.ge [sflag:s21], $0x4000  }
0xe6: {  	[sflag:s21] =	ssyncset.done $0x0  }
0xe7: {  	[sflag:s21] =	ssyncadd.s32 $0xFFFFC000  }
0xe8: {  	_ =	swait.ge [sflag:s24], $0x4000  }
0xe9: {  	[sflag:s24] =	ssyncset.done $0x0  }
0xea: {  	[sflag:s24] =	ssyncadd.s32 $0xFFFFC000  }
0xeb: {  	[spmem:s2] =	stream.indirect.scatter.add.f32 [tilespmem:s18], [sflag:$0x4], $0x80, s25, s14, $0xb8;
	[tilespmem:$0x1B300] =	vst v63  }
0xec: {  	_ =	swait.ge [sflag:s26], $0x4000  }
0xed: {  	s31 =	sadd.s32 $0x1, s31;
	[sflag:s26] =	ssyncset.done $0x0  }
0xee: {  	p0 =	sne.s32 s31, s9;
	[sflag:s26] =	ssyncadd.s32 $0xFFFFC000  }
.Ltmp1:
0xef: {  	[bflag:$0x0] =	sbarrier.arrive $0xFFFF;
	(pc) =	sbr.rel @p0 .LBB2_1-.Ltmp1, $4  }
0xf0: {  	[hbm:s8], [sflag:s12] =	dma.local [spmem:s13], $0x1400  }
0xf1: {  	_ =	swait.ge [sflag:s10], $0x1400  }
0xf2: {  	[sflag:s10] =	ssyncset.done $0x0  }
0xf3: {  	[sflag:s10] =	ssyncadd.s32 $0xFFFFEC00  }
0xf4: {  	_ =	sfence.sel $0x180000  }
0xf5: {  	[bflag:$0x0] =	sbarrier.arrive $0xFFFF  }
0xf6: {  	_ =	strace $0x9000004A  }
0xf7: {  	s0 =	stileid.u32;
	[bflag:$0x2] =	sbarrier.arrive $0xFFFF  }
0xf8: {  	p0 =	sne.s32 s0, $0x0;
	s0 =	rddreg [dreg:$0x3]  }
0xf9: {  	s0 =	sadd.s32 @!p0 $0x100000, s0  }
0xfa: {  	[sflag:s0] =	ssyncadd.tile.s32 @!p0 $0x1;
	_ =	shalt  }
.Lfunc_end2:
_tile_overlayer_lowered:
.L_overlay_start_2:
0xfb: {  	(tag) =	ssettag $0x2  }
0xfc: {  	s0 =	rddreg [dreg:$0x0];
	s2 =	stileid.u32  }
0xfd: {  	s1 =	rddreg [dreg:$0x1];
	p0 =	sne.s32 s2, $0x0  }
0xfe: {  	s3 =	rddreg [dreg:$0x2];
	[bflag:$0x3] =	sbarrier.arrive $0xFFFF;
	s2 =	simm.s32 @!p0 $0x1C07  }
0xff: {  	[timem:s3], [sflag:s2] =	dma.local @!p0 [hbm:s0], s1  }
0x100: {  	s0 =	simm.s32 @!p0 $0x7  }
0x101: {  	_ =	swait.ge @!p0 [sflag:s0], s1  }
0x102: {  	s1 =	ssub.s32 @!p0 $0x0, s1;
	[sflag:s0] =	ssyncset.done @!p0 $0x0  }
0x103: {  	[sflag:s0] =	ssyncadd.s32 @!p0 s1  }
0x104: {  	[bflag:$0x3] =	sbarrier.arrive $0xFFFF  }
0x105: {  	_ =	shalt  }

// kernel: kernel.25.cloned.1.call-start
scs
__scs_entry_jumppad:
0x0: {  	(pc) =	sbr.rel $0x88, $3  }
0x1: {  	(tag) =	ssettag $0x0;
	lr =	simm.s32 $0x1  }
0x2: {  	[smem:$0x3F9C] =	sst lr;
	_ =	strace $0xD0000000  }
0x3: {  	_ = 	snop  }
0x4: {  	_ = 	snop  }
0x5: {  	_ = 	snop  }
0x6: {  	_ = 	snop  }
0x7: {  	_ = 	snop  }
__scs_overlays_trampoline_lowered:
0x8: {  	[smem:$0x3FAB] =	sst s0  }
0x9: {  	[smem:$0x3FAC] =	sst s1  }
0xa: {  	[smem:$0x3FAD] =	sst s2  }
0xb: {  	[smem:$0x3FAE] =	sst s3  }
0xc: {  	[smem:$0x3FAF] =	sst s4  }
0xd: {  	[smem:$0x3FB0] =	sst s5  }
0xe: {  	[smem:$0x3FB1] =	sst s6  }
0xf: {  	[smem:$0x3FB2] =	sst s7  }
0x10: {  	[smem:$0x3FB3] =	sst s8  }
0x11: {  	[smem:$0x3FB4] =	sst s9;
	s0 =	simm.s32 @!p0 $0x0  }
0x12: {  	s1 =	sld [smem:$0x3F9A];
	s0 =	simm.s32 @p0 $0x1  }
0x13: {  	[smem:$0x3FB5] =	sst s0;
	s0 =	simm.s32 @!p1 $0x0  }
0x14: {  	s2 =	sld [smem:$0x3F99];
	s0 =	simm.s32 @p1 $0x1  }
0x15: {  	[smem:$0x3FB6] =	sst s0;
	s0 =	simm.s32 @!p2 $0x0  }
0x16: {  	s3 =	sld [smem:$0x3FDB];
	s0 =	simm.s32 @p2 $0x1  }
0x17: {  	s4 =	simm.s32 $0x1BF5;
	[smem:$0x3FB8] =	sst s0  }
0x18: {  	s0 =	sld [smem:$0x3F9B];
	_ =	swait.ge [sflag:s4], $0x0  }
0x19: {  	s7 =	sld [smem:$0x3F9C]  }
0x1a: {  	s8 =	sadd.s32 $0xFFFFE003, lr  }
0x1b: {  	s9 =	sadd.s32 $0xFFFFFEF7, lr;
	s5 =	simm.s32 $0xFFFFFFFF;
	p2 =	slt.u32 s8, $0xFFFFF086  }
0x1c: {  	p1 =	slt.u32 s9, $0xF7A;
	s5 =	simm.s32 @!p2 $0x0  }
0x1d: {  	s5 =	simm.s32 @p1 $0x1;
	p0 =	seq.s32 s7, s2  }
0x1e: {  	s7 =	smul.u32 @!p0 $0xF7A, s2;
	p2 =	seq.s32 @!p0 s5, $0x0  }
0x1f: {  	s9 =	smul.u32 $0xF7A, s1;
	s8 =	simm.s32 @!p0 $0x1BF5;
	p2 =	por !p2, p0  }
0x20: {  	[sflag:s8] =	ssyncset.s32 @!p0 $0xFFFFF086;
	s6 =	sadd.s32 @!p0 s3, s7;
	s7 =	simm.s32 @!p0 $0x108  }
0x21: {  	s3 =	sadd.s32 s3, s9;
	s6 =	sadd.s32 @!p0 $0x88, s6;
	s7 =	simm.s32 @p2 $0x1082  }
0x22: {  	[simem:s7], [sflag:s8] =	dma.local @!p0 [hbm:s6], $0xF7A  }
0x23: {  	s9 =	sor.u32 $0xD0000000, s2;
	s6 =	simm.s32 $0x108;
	_ =	swait.ge @!p0 [sflag:s8], $0x0  }
0x24: {  	s3 =	sadd.s32 $0x88, s3;
	s6 =	simm.s32 @!p1 $0x1082;
	[sflag:s4] =	ssyncset.s32 $0xFFFFF086  }
0x25: {  	[simem:s6], [sflag:s4] =	dma.local [hbm:s3], $0xF7A  }
0x26: {  	[smem:$0x3F9C] =	sst s1;
	(tag) =	ssettag s2;
	_ =	strace s9  }
0x27: {  	s1 =	sld [smem:$0x3FAC]  }
0x28: {  	s2 =	sld [smem:$0x3FAD]  }
0x29: {  	s4 =	sld [smem:$0x3FAF]  }
0x2a: {  	p0 =	seq.s32 s5, $0x0;
	s5 =	sld [smem:$0x3FB0]  }
0x2b: {  	s6 =	sld [smem:$0x3FB1]  }
0x2c: {  	s7 =	sld [smem:$0x3FB2]  }
0x2d: {  	s3 =	simm.s32 $0x108;
	s8 =	sld [smem:$0x3FB3]  }
0x2e: {  	s3 =	simm.s32 @!p0 $0x1082;
	s9 =	sld [smem:$0x3FB4]  }
0x2f: {  	lr =	sadd.s32 s0, s3;
	s0 =	sld [smem:$0x3FAB]  }
0x30: {  	s3 =	sld [smem:$0x3FAE]  }
0x31: {  	[smem:$0x3FB7] =	sst s10  }
0x32: {  	s10 =	sld [smem:$0x3FB5];
	_ =	sdelay $0x3  }
0x33: {  	p0 =	seq.s32 s10, $0x1;
	s10 =	sld [smem:$0x3FB7];
	_ =	sdelay $0x3  }
0x34: {  	[smem:$0x3FB7] =	sst s10  }
0x35: {  	s10 =	sld [smem:$0x3FB6];
	_ =	sdelay $0x3  }
0x36: {  	p1 =	seq.s32 s10, $0x1;
	s10 =	sld [smem:$0x3FB7];
	_ =	sdelay $0x3  }
0x37: {  	[smem:$0x3FB7] =	sst s10  }
0x38: {  	s10 =	sld [smem:$0x3FB8]  }
0x39: {  	_ = 	snop;
	(pc) =	sbr.ind lr, $3  }
0x3a: {  	_ = 	snop  }
0x3b: {  	_ = 	snop  }
0x3c: {  	p2 =	seq.s32 s10, $0x1;
	s10 =	sld [smem:$0x3FB7]  }
0x3d: {  	_ =	shalt  }
0x3e: {  	_ =	shalt  }
0x3f: {  	_ =	shalt  }
0x40: {  	_ =	shalt  }
0x41: {  	_ =	shalt  }
0x42: {  	_ =	shalt  }
0x43: {  	_ =	shalt  }
0x44: {  	_ =	shalt  }
0x45: {  	_ =	shalt  }
0x46: {  	_ =	shalt  }
0x47: {  	_ =	shalt  }
0x48: {  	_ =	shalt  }
0x49: {  	_ =	shalt  }
0x4a: {  	_ =	shalt  }
0x4b: {  	_ =	shalt  }
0x4c: {  	_ =	shalt  }
0x4d: {  	_ =	shalt  }
0x4e: {  	_ =	shalt  }
0x4f: {  	_ =	shalt  }
0x50: {  	_ =	shalt  }
0x51: {  	_ =	shalt  }
0x52: {  	_ =	shalt  }
0x53: {  	_ =	shalt  }
0x54: {  	_ =	shalt  }
0x55: {  	_ =	shalt  }
0x56: {  	_ =	shalt  }
0x57: {  	_ =	shalt  }
0x58: {  	_ =	shalt  }
0x59: {  	_ =	shalt  }
0x5a: {  	_ =	shalt  }
0x5b: {  	_ =	shalt  }
0x5c: {  	_ =	shalt  }
0x5d: {  	_ =	shalt  }
0x5e: {  	_ =	shalt  }
0x5f: {  	_ =	shalt  }
0x60: {  	_ =	shalt  }
0x61: {  	_ =	shalt  }
0x62: {  	_ =	shalt  }
0x63: {  	_ =	shalt  }
0x64: {  	_ =	shalt  }
0x65: {  	_ =	shalt  }
0x66: {  	_ =	shalt  }
0x67: {  	_ =	shalt  }
0x68: {  	_ =	shalt  }
0x69: {  	_ =	shalt  }
0x6a: {  	_ =	shalt  }
0x6b: {  	_ =	shalt  }
0x6c: {  	_ =	shalt  }
0x6d: {  	_ =	shalt  }
0x6e: {  	_ =	shalt  }
0x6f: {  	_ =	shalt  }
0x70: {  	_ =	shalt  }
0x71: {  	_ =	shalt  }
0x72: {  	_ =	shalt  }
0x73: {  	_ =	shalt  }
0x74: {  	_ =	shalt  }
0x75: {  	_ =	shalt  }
0x76: {  	_ =	shalt  }
0x77: {  	_ =	shalt  }
0x78: {  	_ =	shalt  }
0x79: {  	_ =	shalt  }
0x7a: {  	_ =	shalt  }
0x7b: {  	_ =	shalt  }
0x7c: {  	_ =	shalt  }
0x7d: {  	_ =	shalt  }
0x7e: {  	_ =	shalt  }
0x7f: {  	_ =	shalt  }
0x80: {  	_ =	shalt  }
0x81: {  	_ =	shalt  }
0x82: {  	_ =	shalt  }
0x83: {  	_ =	shalt  }
0x84: {  	_ =	shalt  }
0x85: {  	_ =	shalt  }
0x86: {  	_ =	shalt  }
0x87: {  	_ =	shalt  }
.Lfunc_end0:
.L_simem_size_0:
called_computation.3_lowered:
.L_overlay_start_0:
0x88: {  	s2 =	sld [smem:$0x3FD9]  }
0x89: {  	s3 =	sld [smem:$0x3FFE];
	_ =	sdelay $0x1  }
0x8a: {  	s1 =	srdreg.scid  }
0x8b: {  	s0 =	sand.u32 $0x1, s1  }
0x8c: {  	s17 =	sshll.u32 s0, $0xA;
	s2 =	sadd.s32 s3, s2  }
0x8d: {  	s2 =	sadd.s32 s2, s17  }
0x8e: {  	[smem:$0x3FC3] =	sst s2  }
0x8f: {  	_ = 	snop  }
0x90: {  	s18 =	sld [smem:$0x3FD0];
	(tm) =	ssettm $0x1  }
0x91: {  	s19 =	sld [smem:$0x3FFB];
	_ =	sdelay $0x3  }
0x92: {  	_ =	strace s19  }
0x93: {  	s2 =	sld [smem:$0x3FFC];
	_ =	sdelay $0x3  }
0x94: {  	_ =	strace s2  }
0x95: {  	s2 =	sld [smem:$0x3FFD];
	_ =	sdelay $0x3  }
0x96: {  	_ =	strace s2  }
0x97: {  	_ =	strace $0x8FFFFFFF  }
0x98: {  	s20 =	sld [smem:$0x3FDB];
	_ =	sdelay $0x1  }
0x99: {  	s4 =	simm.s32 $_scs_section_size  }
0x9a: {  	s5 =	simm.s32 $_size__tile_overlayer_lowered;
	s6 =	simm.s32 $_tile_overlayer_lowered  }
0x9b: {  	s7 =	simm.s32 $0x1BFF;
	s21 =	sshll.u32 s6, $0x1;
	s4 =	sadd.s32 s4, s20  }
0x9c: {  	s22 =	simm.s32 $0x0;
	s5 =	sshll.u32 s5, $0x1;
	s6 =	sadd.s32 s21, s4  }
0x9d: {  	[timem:s22], [sflag:s7] =	dma.local [hbm:s6], s5  }
0x9e: {  	_ =	swait.ge [sflag:s7], s5  }
0x9f: {  	s5 =	ssub.s32 $0x0, s5;
	[sflag:s7] =	ssyncset.done $0x0  }
0xa0: {  	[sflag:s7] =	ssyncadd.s32 s5;
	_ =	sdelay $0x1  }
0xa1: {  	s23 =	simm.s32 $0x1B8B  }
0xa2: {  	_ =	swait.ge [sflag:s23], $0x1  }
0xa3: {  	[sflag:s23] =	ssyncset.done $0x0  }
0xa4: {  	[sflag:s23] =	ssyncadd.s32 $0xFFFFFFFF  }
0xa5: {  	s5 =	sld [smem:$0x0]  }
0xa6: {  	s6 =	sand.u32 $0xFFFFFFFE, s1  }
0xa7: {  	p0 =	sne.s32 s1, s6  }
0xa8: {  	s6 =	sshll.u32 @p0 s6, $0xE  }
0xa9: {  	s6 =	sadd.s32 @p0 $0x11B8D, s6;
	s7 =	sshll.u32 @p0 s5, $0x11  }
0xaa: {  	s6 =	sor.u32 @p0 s7, s6  }
0xab: {  	[sflag:s6] =	ssyncadd.remote.s32 @p0 $0x1;
	_ =	sdelay $0x1  }
0xac: {  	s6 =	simm.s32 @p0 $0x1B8D  }
0xad: {  	_ =	swait.eq @p0 [sflag:s6], $0x1  }
0xae: {  	[sflag:s6] =	ssyncadd.s32 @p0 $0xFFFFFFFF  }
0xaf: {  	s7 =	sshll.u32 @!p0 s1, $0xE  }
0xb0: {  	s7 =	sor.u32 @!p0 $0x4000, s7;
	s6 =	simm.s32 @!p0 $0x1B8D  }
0xb1: {  	s5 =	sshll.u32 @!p0 s5, $0x11;
	s7 =	sadd.s32 @!p0 $0x11B8D, s7;
	_ =	swait.eq @!p0 [sflag:s6], $0x1  }
0xb2: {  	s5 =	sor.u32 @!p0 s5, s7;
	[sflag:s6] =	ssyncadd.s32 @!p0 $0xFFFFFFFF  }
0xb3: {  	s25 =	simm.s32 $0x1B8E;
	s24 =	sld [smem:$0x3FFE];
	[sflag:s5] =	ssyncadd.remote.s32 @!p0 $0x1  }
0xb4: {  	s26 =	simm.s32 $execute0_lowered;
	[smem:$0x3FD2] =	sst s25  }
0xb5: {  	s6 =	sshll.u32 s26, $0x1;
	_ =	strace $0x8000004F;
	[dreg:$0x1] =	wrdreg $0xFFFFFFFF  }
0xb6: {  	s28 =	simm.s32 $_size_execute0_lowered;
	s4 =	sadd.s32 s4, s6;
	[dreg:$0x0] =	wrdreg $0x0  }
0xb7: {  	s6 =	sshll.u32 s28, $0x1;
	[dreg:$0x2] =	wrdreg s4  }
0xb8: {  	[dreg:$0x3] =	wrdreg s6  }
0xb9: {  	[dreg:$0x4] =	wrdreg $0xC0  }
0xba: {  	_ =	task [dreg:s22], $0x5FFFF  }
0xbb: {  	[dreg:$0x1] =	wrdreg $0xFFFFFFFF  }
0xbc: {  	[dreg:$0x0] =	wrdreg $0x60  }
0xbd: {  	[dreg:$0x2] =	wrdreg s24  }
0xbe: {  	[dreg:$0x3] =	wrdreg s18  }
0xbf: {  	[dreg:$0x4] =	wrdreg $0xA2000  }
0xc0: {  	[dreg:$0x5] =	wrdreg $0xA  }
0xc1: {  	_ =	task.clear_ibuf [dreg:s22], $0x6FFFF;
	_ =	strace $0x9000004F  }
0xc2: {  	s29 =	simm.s32 $0xA;
	_ =	strace $0x80000051  }
0xc3: {  	_ =	swait.ge [sflag:s29], $0x1  }
0xc4: {  	[sflag:s29] =	ssyncadd.s32 $0xFFFFFFFF  }
0xc5: {  	_ =	strace $0x90000051  }
0xc6: {  	_ =	sfence  }
0xc7: {  	s30 =	sld [smem:$0x0];
	_ =	sdelay $0x2  }
0xc8: {  	s31 =	sshll.u32 s1, $0xD;
	s1 =	sshrl.u32 s1, $0x2  }
0xc9: {  	s4 =	sand.u32 $0x4000, s31;
	s1 =	sadd.s32 s1, s30  }
0xca: {  	s0 =	sor.u32 s4, s0;
	s1 =	sshll.u32 s1, $0x11  }
0xcb: {  	s0 =	sor.u32 s1, s0  }
0xcc: {  	s0 =	sadd.s32 $0x8F2B, s0  }
0xcd: {  	[sflag:s0] =	ssyncadd.remote.s32 $0x1  }
0xce: {  	_ =	sfence.sel $0xFFFF  }
0xcf: {  	[dreg:$0x0] =	wrdreg $0xFFFFFFFF;
	(pc) =	sbr.abs _section_cstart, $3  }
0xd0: {  	[dreg:$0x1] =	wrdreg $0xFFFFFFFF  }
0xd1: {  	_ =	task.clear_ibuf [dreg:s22], $0x2FFFF;
	_ =	strace $0x9FFFFFFF  }
0xd2: {  	(tm) =	ssettm $0x7FFFFFFF  }
0xd3: {  	_ =	shalt  }
tec
execute0_lowered:
.L_overlay_start_1:
0x0: {  	(tag) =	ssettag $0x1  }
0x1: {  	s6 =	rddreg [dreg:$0x0]  }
0x2: {  	s1 =	rddreg [dreg:$0x1]  }
0x3: {  	s2 =	rddreg [dreg:$0x2];
	s3 =	srdreg.scid  }
0x4: {  	s0 =	rddreg [dreg:$0x3];
	s4 =	simm.s32 $0x0;
	s15 =	simm.s32 $0x5000  }
0x5: {  	s16 =	simm.s32 $0x5100;
	s17 =	simm.s32 $0x7900;
	s18 =	simm.s32 $0x7A00  }
0x6: {  	s19 =	simm.s32 $0x1;
	s20 =	simm.s32 $0x5080;
	s8 =	sand.u32 $0x1, s3  }
0x7: {  	s21 =	simm.s32 $0x2;
	s3 =	stileid.u32;
	s7 =	smul.u32 $0x140000, s8  }
0x8: {  	s22 =	simm.s32 $0x3;
	s24 =	simm.s32 $0x4;
	s9 =	smul.u32 $0x14000, s3  }
0x9: {  	s25 =	simm.s32 $0x0;
	[smem:$0x7FF] =	sst s4;
	s10 =	smul.u32 $0x500, s3  }
0xa: {  	s5 =	sadd.s32 $0x87000, s6;
	_ =	strace $0x80000050;
	s12 =	smul.u32 $0x50000, s3  }
0xb: {  	s29 =	ssub.s32 $0x2, s8;
	s23 =	smul.u32 $0x1400, s8;
	s31 =	sshll.u32 s3, $0x6  }
0xc: {  	s11 =	sshrl.u32 s29, $0x1;
	s7 =	sadd.s32 s9, s7;
	s10 =	sadd.s32 s10, s6  }
0xd: {  	s9 =	ssub.s32 s29, s11;
	s30 =	sshrl.u32 s12, $0x2;
	s11 =	simm.s32 $0x2800  }
0xe: {  	s12 =	sor.u32 $0x1C05, s31;
	v0 =	vmov s23;
	s23 =	simm.s32 $0x7980;
	s7 =	sshrl.u32 s7, $0x3  }
0xf: {  	s14 =	sadd.s32 s30, s2;
	s9 =	smax.u32 s9, $0x1;
	s13 =	sadd.s32 s7, s6  }
0x10: {  	s6 =	sadd.s32 $0x9800, s10;
	s7 =	sadd.s32 $0x4800, s10;
	s10 =	simm.s32 $0x5  }
0x11: {  	s8 =	sadd.s32 $0xFF000, s13;
	s13 =	sshrl.u32 s14, $0x3;
	s14 =	simm.s32 $0x50  }
.LBB2_1:
0x12: {  	[tilespmem:s4], [sflag:$0x5] =	stream.linear.gather [hbm4b:s6+s4], $0x2800, $0x38;
	[tilespmem:$0x1E200] =	vst v63  }
0x13: {  	_ =	swait.ge [sflag:s10], $0x2800  }
0x14: {  	[sflag:s10] =	ssyncset.done $0x0  }
0x15: {  	[sflag:s10] =	ssyncadd.s32 $0xFFFFD800  }
0x16: {  	[tilespmem:s11], [sflag:$0x5] =	stream.linear.gather [hbm4b:s7+s4], $0x2800, $0x38;
	[tilespmem:$0x1E200] =	vst v63  }
0x17: {  	_ =	swait.ge [sflag:s10], $0x2800  }
0x18: {  	[sflag:s10] =	ssyncset.done $0x0  }
0x19: {  	[sflag:s10] =	ssyncadd.s32 $0xFFFFD800  }
0x1a: {  	[spmem:s13], [sflag:s12] =	dma.local [hbm:s1], $0x2800  }
0x1b: {  	_ =	swait.ge [sflag:s10], $0x2800  }
0x1c: {  	[sflag:s10] =	ssyncset.done $0x0  }
0x1d: {  	[sflag:s10] =	ssyncadd.s32 $0xFFFFD800  }
0x1e: {  	[bflag:$0x0] =	sbarrier.arrive $0xFFFF  }
0x1f: {  	v1 =	vld [tilespmem:$0x0]  }
0x20: {  	v2 =	vld [tilespmem:$0x2800]  }
0x21: {  	v3 =	vld [tilespmem:$0x10]  }
0x22: {  	v4 =	vld [tilespmem:$0x2810];
	_ =	sdelay $0x1  }
0x23: {  	v5 =	vld [tilespmem:$0x20]  }
0x24: {  	v6 =	vld [tilespmem:$0x2820]  }
0x25: {  	v58 =	vld [tilespmem:$0x2840];
	[tilespmem:$0x5080] =	vst v2  }
0x26: {  	v1 =	vadd.s32 v0, v1;
	v2 =	vadd.s32 v0, v3;
	v3 =	vld [tilespmem:$0x2830];
	[tilespmem:$0x5090] =	vst v4  }
0x27: {  	[tilespmem:$0x5000] =	vst v1;
	v1 =	vld [tilespmem:$0x30]  }
0x28: {  	[tilespmem:$0x5010] =	vst v2;
	v2 =	vld [tilespmem:$0x40]  }
0x29: {  	[tilespmem:$0x50A0] =	vst v6  }
0x2a: {  	v57 =	vadd.s32 v0, v5;
	[tilespmem:$0x50C0] =	vst v58  }
0x2b: {  	[tilespmem:$0x5020] =	vst v57  }
0x2c: {  	[tilespmem:$0x50B0] =	vst v3;
	v1 =	vadd.s32 v0, v1  }
0x2d: {  	[tilespmem:$0x5030] =	vst v1;
	v1 =	vadd.s32 v0, v2  }
0x2e: {  	[tilespmem:$0x5040] =	vst v1  }
0x2f: {  	[tilespmem:s16], [sflag:$0x1] =	stream.indirect.gather [hbm4b:s5+s14], $0x80, s15, s14, $0xb8;
	[tilespmem:$0x1E200] =	vst v63  }
0x30: {  	v1 =	vld [tilespmem:$0x50]  }
0x31: {  	v2 =	vld [tilespmem:$0x2850]  }
0x32: {  	v3 =	vld [tilespmem:$0x60]  }
0x33: {  	v59 =	vld [tilespmem:$0x2860];
	_ =	sdelay $0x1  }
0x34: {  	v60 =	vld [tilespmem:$0x70]  }
0x35: {  	v61 =	vld [tilespmem:$0x2870]  }
0x36: {  	v63 =	vld [tilespmem:$0x2890];
	[tilespmem:$0x7980] =	vst v2  }
0x37: {  	v1 =	vadd.s32 v0, v1;
	v2 =	vadd.s32 v0, v3;
	v3 =	vld [tilespmem:$0x2880];
	[tilespmem:$0x7990] =	vst v59  }
0x38: {  	[tilespmem:$0x7900] =	vst v1;
	v1 =	vld [tilespmem:$0x80]  }
0x39: {  	[tilespmem:$0x7910] =	vst v2;
	v2 =	vld [tilespmem:$0x90]  }
0x3a: {  	[tilespmem:$0x79A0] =	vst v61  }
0x3b: {  	v62 =	vadd.s32 v0, v60;
	[tilespmem:$0x79C0] =	vst v63  }
0x3c: {  	[tilespmem:$0x7920] =	vst v62  }
0x3d: {  	[tilespmem:$0x79B0] =	vst v3;
	v1 =	vadd.s32 v0, v1  }
0x3e: {  	[tilespmem:$0x7930] =	vst v1;
	v1 =	vadd.s32 v0, v2  }
0x3f: {  	[tilespmem:$0x7940] =	vst v1  }
0x40: {  	[tilespmem:s18], [sflag:$0x3] =	stream.indirect.gather [hbm4b:s5+s14], $0x80, s17, s14, $0xb8;
	[tilespmem:$0x1E200] =	vst v63  }
0x41: {  	_ =	swait.ge [sflag:s19], $0x2800  }
0x42: {  	[sflag:s19] =	ssyncset.done $0x0  }
0x43: {  	[sflag:s19] =	ssyncadd.s32 $0xFFFFD800  }
0x44: {  	[spmem:s2] =	stream.indirect.scatter.add.f32 [tilespmem:s16], [sflag:$0x2], $0x80, s20, s14, $0xb8;
	[tilespmem:$0x1E200] =	vst v63  }
0x45: {  	_ =	swait.ge [sflag:s21], $0x2800  }
0x46: {  	[sflag:s21] =	ssyncset.done $0x0  }
0x47: {  	s26 =	simm.s32 $0x130;
	[sflag:s21] =	ssyncadd.s32 $0xFFFFD800  }
0x48: {  	v1 =	vld [tilespmem:s26+$0xFFFFFF70];
	_ =	sdelay $0x4  }
0x49: {  	v1 =	vadd.s32 v0, v1  }
0x4a: {  	[tilespmem:$0x5000] =	vst v1  }
0x4b: {  	v1 =	vld [tilespmem:s26+$0x2770];
	_ =	sdelay $0x4  }
0x4c: {  	[tilespmem:$0x5080] =	vst v1  }
0x4d: {  	v1 =	vld [tilespmem:s26+$0xFFFFFF80];
	_ =	sdelay $0x4  }
0x4e: {  	v1 =	vadd.s32 v0, v1  }
0x4f: {  	[tilespmem:$0x5010] =	vst v1  }
0x50: {  	v1 =	vld [tilespmem:s26+$0x2780];
	_ =	sdelay $0x4  }
0x51: {  	[tilespmem:$0x5090] =	vst v1  }
0x52: {  	v1 =	vld [tilespmem:s26+$0xFFFFFF90];
	_ =	sdelay $0x4  }
0x53: {  	v1 =	vadd.s32 v0, v1  }
0x54: {  	[tilespmem:$0x5020] =	vst v1  }
0x55: {  	v1 =	vld [tilespmem:s26+$0x2790];
	_ =	sdelay $0x4  }
0x56: {  	[tilespmem:$0x50A0] =	vst v1  }
0x57: {  	v1 =	vld [tilespmem:s26+$0xFFFFFFA0];
	_ =	sdelay $0x4  }
0x58: {  	v1 =	vadd.s32 v0, v1  }
0x59: {  	[tilespmem:$0x5030] =	vst v1  }
0x5a: {  	v1 =	vld [tilespmem:s26+$0x27A0];
	_ =	sdelay $0x4  }
0x5b: {  	[tilespmem:$0x50B0] =	vst v1  }
0x5c: {  	v1 =	vld [tilespmem:s26+$0xFFFFFFB0];
	_ =	sdelay $0x4  }
0x5d: {  	v1 =	vadd.s32 v0, v1  }
0x5e: {  	[tilespmem:$0x5040] =	vst v1  }
0x5f: {  	v1 =	vld [tilespmem:s26+$0x27B0];
	_ =	sdelay $0x4  }
0x60: {  	[tilespmem:$0x50C0] =	vst v1  }
0x61: {  	[tilespmem:s16], [sflag:$0x1] =	stream.indirect.gather [hbm4b:s5+s14], $0x80, s15, s14, $0xb8;
	[tilespmem:$0x1E200] =	vst v63  }
0x62: {  	_ =	swait.ge [sflag:s22], $0x2800  }
0x63: {  	[sflag:s22] =	ssyncset.done $0x0  }
0x64: {  	[sflag:s22] =	ssyncadd.s32 $0xFFFFD800  }
0x65: {  	[spmem:s2] =	stream.indirect.scatter.add.f32 [tilespmem:s18], [sflag:$0x4], $0x80, s23, s14, $0xb8;
	[tilespmem:$0x1E200] =	vst v63  }
0x66: {  	_ =	swait.ge [sflag:s24], $0x2800  }
0x67: {  	[sflag:s24] =	ssyncset.done $0x0  }
0x68: {  	[sflag:s24] =	ssyncadd.s32 $0xFFFFD800  }
0x69: {  	v1 =	vld [tilespmem:s26+$0xFFFFFFC0];
	_ =	sdelay $0x4  }
0x6a: {  	v1 =	vadd.s32 v0, v1  }
0x6b: {  	[tilespmem:$0x7900] =	vst v1  }
0x6c: {  	v1 =	vld [tilespmem:s26+$0x27C0];
	_ =	sdelay $0x4  }
0x6d: {  	[tilespmem:$0x7980] =	vst v1  }
0x6e: {  	v1 =	vld [tilespmem:s26+$0xFFFFFFD0];
	_ =	sdelay $0x4  }
0x6f: {  	v1 =	vadd.s32 v0, v1  }
0x70: {  	[tilespmem:$0x7910] =	vst v1  }
0x71: {  	v1 =	vld [tilespmem:s26+$0x27D0];
	_ =	sdelay $0x4  }
0x72: {  	[tilespmem:$0x7990] =	vst v1  }
0x73: {  	v1 =	vld [tilespmem:s26+$0xFFFFFFE0];
	_ =	sdelay $0x4  }
0x74: {  	v1 =	vadd.s32 v0, v1  }
0x75: {  	[tilespmem:$0x7920] =	vst v1  }
0x76: {  	v1 =	vld [tilespmem:s26+$0x27E0];
	_ =	sdelay $0x4  }
0x77: {  	[tilespmem:$0x79A0] =	vst v1  }
0x78: {  	v1 =	vld [tilespmem:s26+$0xFFFFFFF0];
	_ =	sdelay $0x4  }
0x79: {  	v1 =	vadd.s32 v0, v1  }
0x7a: {  	[tilespmem:$0x7930] =	vst v1  }
0x7b: {  	v1 =	vld [tilespmem:s26+$0x27F0];
	_ =	sdelay $0x4  }
0x7c: {  	[tilespmem:$0x79B0] =	vst v1  }
0x7d: {  	v1 =	vld [tilespmem:s26+$0x0];
	_ =	sdelay $0x4  }
0x7e: {  	v1 =	vadd.s32 v0, v1  }
0x7f: {  	[tilespmem:$0x7940] =	vst v1  }
0x80: {  	v1 =	vld [tilespmem:s26+$0x2800];
	_ =	sdelay $0x4  }
0x81: {  	s26 =	simm.s32 $0x740;
	[tilespmem:$0x79C0] =	vst v1  }
.LBB2_2:
0x82: {  	[tilespmem:s18], [sflag:$0x3] =	stream.indirect.gather [hbm4b:s5+s14], $0x80, s17, s14, $0xb8;
	[tilespmem:$0x1E200] =	vst v63  }
0x83: {  	s28 =	smov.u32 s26  }
0x84: {  	p0 =	sne.s32 s26, $0x9FC0;
	s26 =	sadd.s32 $0x280, s26;
	_ =	swait.ge [sflag:s19], $0x2800  }
0x85: {  	[sflag:s19] =	ssyncset.done $0x0  }
0x86: {  	[sflag:s19] =	ssyncadd.s32 $0xFFFFD800  }
0x87: {  	[spmem:s2] =	stream.indirect.scatter.add.f32 [tilespmem:s16], [sflag:$0x2], $0x80, s20, s14, $0xb8;
	[tilespmem:$0x1E200] =	vst v63  }
0x88: {  	_ =	swait.ge [sflag:s21], $0x2800  }
0x89: {  	[sflag:s21] =	ssyncset.done $0x0  }
0x8a: {  	s28 =	sshra.s32 s28, $0x2;
	[sflag:s21] =	ssyncadd.s32 $0xFFFFD800  }
0x8b: {  	v1 =	vld [tilespmem:s28+$0xFFFFFF70];
	_ =	sdelay $0x4  }
0x8c: {  	v1 =	vadd.s32 v0, v1  }
0x8d: {  	[tilespmem:$0x5000] =	vst v1  }
0x8e: {  	v1 =	vld [tilespmem:s28+$0x2770];
	_ =	sdelay $0x4  }
0x8f: {  	[tilespmem:$0x5080] =	vst v1  }
0x90: {  	v1 =	vld [tilespmem:s28+$0xFFFFFF80];
	_ =	sdelay $0x4  }
0x91: {  	v1 =	vadd.s32 v0, v1  }
0x92: {  	[tilespmem:$0x5010] =	vst v1  }
0x93: {  	v1 =	vld [tilespmem:s28+$0x2780];
	_ =	sdelay $0x4  }
0x94: {  	[tilespmem:$0x5090] =	vst v1  }
0x95: {  	v1 =	vld [tilespmem:s28+$0xFFFFFF90];
	_ =	sdelay $0x4  }
0x96: {  	v1 =	vadd.s32 v0, v1  }
0x97: {  	[tilespmem:$0x5020] =	vst v1  }
0x98: {  	v1 =	vld [tilespmem:s28+$0x2790];
	_ =	sdelay $0x4  }
0x99: {  	[tilespmem:$0x50A0] =	vst v1  }
0x9a: {  	v1 =	vld [tilespmem:s28+$0xFFFFFFA0];
	_ =	sdelay $0x4  }
0x9b: {  	v1 =	vadd.s32 v0, v1  }
0x9c: {  	[tilespmem:$0x5030] =	vst v1  }
0x9d: {  	v1 =	vld [tilespmem:s28+$0x27A0];
	_ =	sdelay $0x4  }
0x9e: {  	[tilespmem:$0x50B0] =	vst v1  }
0x9f: {  	v1 =	vld [tilespmem:s28+$0xFFFFFFB0];
	_ =	sdelay $0x4  }
0xa0: {  	v1 =	vadd.s32 v0, v1  }
0xa1: {  	[tilespmem:$0x5040] =	vst v1  }
0xa2: {  	v1 =	vld [tilespmem:s28+$0x27B0];
	_ =	sdelay $0x4  }
0xa3: {  	[tilespmem:$0x50C0] =	vst v1  }
0xa4: {  	[tilespmem:s16], [sflag:$0x1] =	stream.indirect.gather [hbm4b:s5+s14], $0x80, s15, s14, $0xb8;
	[tilespmem:$0x1E200] =	vst v63  }
0xa5: {  	_ =	swait.ge [sflag:s22], $0x2800  }
0xa6: {  	[sflag:s22] =	ssyncset.done $0x0  }
0xa7: {  	[sflag:s22] =	ssyncadd.s32 $0xFFFFD800  }
0xa8: {  	[spmem:s2] =	stream.indirect.scatter.add.f32 [tilespmem:s18], [sflag:$0x4], $0x80, s23, s14, $0xb8;
	[tilespmem:$0x1E200] =	vst v63  }
0xa9: {  	_ =	swait.ge [sflag:s24], $0x2800  }
0xaa: {  	[sflag:s24] =	ssyncset.done $0x0  }
0xab: {  	[sflag:s24] =	ssyncadd.s32 $0xFFFFD800  }
0xac: {  	v1 =	vld [tilespmem:s28+$0xFFFFFFC0];
	_ =	sdelay $0x4  }
0xad: {  	v1 =	vadd.s32 v0, v1  }
0xae: {  	[tilespmem:$0x7900] =	vst v1  }
0xaf: {  	v1 =	vld [tilespmem:s28+$0x27C0];
	_ =	sdelay $0x4  }
0xb0: {  	[tilespmem:$0x7980] =	vst v1  }
0xb1: {  	v1 =	vld [tilespmem:s28+$0xFFFFFFD0];
	_ =	sdelay $0x4  }
0xb2: {  	v1 =	vadd.s32 v0, v1  }
0xb3: {  	[tilespmem:$0x7910] =	vst v1  }
0xb4: {  	v1 =	vld [tilespmem:s28+$0x27D0];
	_ =	sdelay $0x4  }
0xb5: {  	[tilespmem:$0x7990] =	vst v1  }
0xb6: {  	v1 =	vld [tilespmem:s28+$0xFFFFFFE0];
	_ =	sdelay $0x4  }
0xb7: {  	v1 =	vadd.s32 v0, v1  }
0xb8: {  	[tilespmem:$0x7920] =	vst v1  }
0xb9: {  	v1 =	vld [tilespmem:s28+$0x27E0];
	_ =	sdelay $0x4  }
0xba: {  	[tilespmem:$0x79A0] =	vst v1  }
0xbb: {  	v1 =	vld [tilespmem:s28+$0xFFFFFFF0];
	_ =	sdelay $0x4  }
0xbc: {  	v1 =	vadd.s32 v0, v1  }
0xbd: {  	[tilespmem:$0x7930] =	vst v1  }
0xbe: {  	v1 =	vld [tilespmem:s28+$0x27F0];
	_ =	sdelay $0x4  }
0xbf: {  	[tilespmem:$0x79B0] =	vst v1  }
0xc0: {  	v1 =	vld [tilespmem:s28+$0x0];
	_ =	sdelay $0x4  }
0xc1: {  	v1 =	vadd.s32 v0, v1  }
0xc2: {  	[tilespmem:$0x7940] =	vst v1  }
0xc3: {  	v1 =	vld [tilespmem:s28+$0x2800]  }
.Ltmp0:
0xc4: {  	(pc) =	sbr.rel @p0 .LBB2_2-.Ltmp0, $2  }
0xc5: {  	_ =	sdelay $0x2  }
0xc6: {  	[tilespmem:$0x79C0] =	vst v1  }
0xc7: {  	[tilespmem:s18], [sflag:$0x3] =	stream.indirect.gather [hbm4b:s5+s14], $0x80, s17, s14, $0xb8;
	[tilespmem:$0x1E200] =	vst v63  }
0xc8: {  	_ =	swait.ge [sflag:s19], $0x2800  }
0xc9: {  	[sflag:s19] =	ssyncset.done $0x0  }
0xca: {  	[sflag:s19] =	ssyncadd.s32 $0xFFFFD800  }
0xcb: {  	[spmem:s2] =	stream.indirect.scatter.add.f32 [tilespmem:s16], [sflag:$0x2], $0x80, s20, s14, $0xb8;
	[tilespmem:$0x1E200] =	vst v63  }
0xcc: {  	_ =	swait.ge [sflag:s21], $0x2800  }
0xcd: {  	[sflag:s21] =	ssyncset.done $0x0  }
0xce: {  	[sflag:s21] =	ssyncadd.s32 $0xFFFFD800  }
0xcf: {  	_ =	swait.ge [sflag:s22], $0x2800  }
0xd0: {  	[sflag:s22] =	ssyncset.done $0x0  }
0xd1: {  	[sflag:s22] =	ssyncadd.s32 $0xFFFFD800  }
0xd2: {  	[spmem:s2] =	stream.indirect.scatter.add.f32 [tilespmem:s18], [sflag:$0x4], $0x80, s23, s14, $0xb8;
	[tilespmem:$0x1E200] =	vst v63  }
0xd3: {  	_ =	swait.ge [sflag:s24], $0x2800  }
0xd4: {  	s25 =	sadd.s32 $0x1, s25;
	[sflag:s24] =	ssyncset.done $0x0  }
0xd5: {  	p0 =	sne.s32 s25, s9;
	[sflag:s24] =	ssyncadd.s32 $0xFFFFD800  }
.Ltmp1:
0xd6: {  	[bflag:$0x0] =	sbarrier.arrive $0xFFFF;
	(pc) =	sbr.rel @p0 .LBB2_1-.Ltmp1, $4  }
0xd7: {  	[hbm:s8], [sflag:s12] =	dma.local [spmem:s13], $0x2800  }
0xd8: {  	_ =	swait.ge [sflag:s10], $0x2800  }
0xd9: {  	[sflag:s10] =	ssyncset.done $0x0  }
0xda: {  	[sflag:s10] =	ssyncadd.s32 $0xFFFFD800  }
0xdb: {  	_ =	sfence.sel $0x180000  }
0xdc: {  	[bflag:$0x0] =	sbarrier.arrive $0xFFFF  }
0xdd: {  	p0 =	sne.s32 s3, $0x0;
	_ =	strace $0x90000050  }
0xde: {  	s0 =	sadd.s32 @!p0 $0x100000, s0;
	[bflag:$0x2] =	sbarrier.arrive $0xFFFF  }
0xdf: {  	[sflag:s0] =	ssyncadd.tile.s32 @!p0 $0x1;
	_ =	shalt  }
.Lfunc_end2:
_tile_overlayer_lowered:
.L_overlay_start_2:
0xe0: {  	(tag) =	ssettag $0x2  }
0xe1: {  	s0 =	rddreg [dreg:$0x0];
	s2 =	stileid.u32  }
0xe2: {  	s1 =	rddreg [dreg:$0x1];
	p0 =	sne.s32 s2, $0x0  }
0xe3: {  	s3 =	rddreg [dreg:$0x2];
	[bflag:$0x3] =	sbarrier.arrive $0xFFFF;
	s2 =	simm.s32 @!p0 $0x1C05  }
0xe4: {  	[timem:s3], [sflag:s2] =	dma.local @!p0 [hbm:s0], s1  }
0xe5: {  	s0 =	simm.s32 @!p0 $0x5  }
0xe6: {  	_ =	swait.ge @!p0 [sflag:s0], s1  }
0xe7: {  	s1 =	ssub.s32 @!p0 $0x0, s1;
	[sflag:s0] =	ssyncset.done @!p0 $0x0  }
0xe8: {  	[sflag:s0] =	ssyncadd.s32 @!p0 s1  }
0xe9: {  	[bflag:$0x3] =	sbarrier.arrive $0xFFFF  }
0xea: {  	_ =	shalt  }

// kernel: kernel.28.cloned.1.call-start
scs
__scs_entry_jumppad:
0x0: {  	(pc) =	sbr.rel $0x88, $3  }
0x1: {  	(tag) =	ssettag $0x0;
	lr =	simm.s32 $0x1  }
0x2: {  	[smem:$0x3F9C] =	sst lr;
	_ =	strace $0xD0000000  }
0x3: {  	_ = 	snop  }
0x4: {  	_ = 	snop  }
0x5: {  	_ = 	snop  }
0x6: {  	_ = 	snop  }
0x7: {  	_ = 	snop  }
__scs_overlays_trampoline_lowered:
0x8: {  	[smem:$0x3FAB] =	sst s0  }
0x9: {  	[smem:$0x3FAC] =	sst s1  }
0xa: {  	[smem:$0x3FAD] =	sst s2  }
0xb: {  	[smem:$0x3FAE] =	sst s3  }
0xc: {  	[smem:$0x3FAF] =	sst s4  }
0xd: {  	[smem:$0x3FB0] =	sst s5  }
0xe: {  	[smem:$0x3FB1] =	sst s6  }
0xf: {  	[smem:$0x3FB2] =	sst s7  }
0x10: {  	[smem:$0x3FB3] =	sst s8  }
0x11: {  	[smem:$0x3FB4] =	sst s9;
	s0 =	simm.s32 @!p0 $0x0  }
0x12: {  	s1 =	sld [smem:$0x3F9A];
	s0 =	simm.s32 @p0 $0x1  }
0x13: {  	[smem:$0x3FB5] =	sst s0;
	s0 =	simm.s32 @!p1 $0x0  }
0x14: {  	s2 =	sld [smem:$0x3F99];
	s0 =	simm.s32 @p1 $0x1  }
0x15: {  	[smem:$0x3FB6] =	sst s0;
	s0 =	simm.s32 @!p2 $0x0  }
0x16: {  	s3 =	sld [smem:$0x3FDB];
	s0 =	simm.s32 @p2 $0x1  }
0x17: {  	s4 =	simm.s32 $0x1BF5;
	[smem:$0x3FB8] =	sst s0  }
0x18: {  	s0 =	sld [smem:$0x3F9B];
	_ =	swait.ge [sflag:s4], $0x0  }
0x19: {  	s7 =	sld [smem:$0x3F9C]  }
0x1a: {  	s8 =	sadd.s32 $0xFFFFE003, lr  }
0x1b: {  	s9 =	sadd.s32 $0xFFFFFEF7, lr;
	s5 =	simm.s32 $0xFFFFFFFF;
	p2 =	slt.u32 s8, $0xFFFFF086  }
0x1c: {  	p1 =	slt.u32 s9, $0xF7A;
	s5 =	simm.s32 @!p2 $0x0  }
0x1d: {  	s5 =	simm.s32 @p1 $0x1;
	p0 =	seq.s32 s7, s2  }
0x1e: {  	s7 =	smul.u32 @!p0 $0xF7A, s2;
	p2 =	seq.s32 @!p0 s5, $0x0  }
0x1f: {  	s9 =	smul.u32 $0xF7A, s1;
	s8 =	simm.s32 @!p0 $0x1BF5;
	p2 =	por !p2, p0  }
0x20: {  	[sflag:s8] =	ssyncset.s32 @!p0 $0xFFFFF086;
	s6 =	sadd.s32 @!p0 s3, s7;
	s7 =	simm.s32 @!p0 $0x108  }
0x21: {  	s3 =	sadd.s32 s3, s9;
	s6 =	sadd.s32 @!p0 $0x88, s6;
	s7 =	simm.s32 @p2 $0x1082  }
0x22: {  	[simem:s7], [sflag:s8] =	dma.local @!p0 [hbm:s6], $0xF7A  }
0x23: {  	s9 =	sor.u32 $0xD0000000, s2;
	s6 =	simm.s32 $0x108;
	_ =	swait.ge @!p0 [sflag:s8], $0x0  }
0x24: {  	s3 =	sadd.s32 $0x88, s3;
	s6 =	simm.s32 @!p1 $0x1082;
	[sflag:s4] =	ssyncset.s32 $0xFFFFF086  }
0x25: {  	[simem:s6], [sflag:s4] =	dma.local [hbm:s3], $0xF7A  }
0x26: {  	[smem:$0x3F9C] =	sst s1;
	(tag) =	ssettag s2;
	_ =	strace s9  }
0x27: {  	s1 =	sld [smem:$0x3FAC]  }
0x28: {  	s2 =	sld [smem:$0x3FAD]  }
0x29: {  	s4 =	sld [smem:$0x3FAF]  }
0x2a: {  	p0 =	seq.s32 s5, $0x0;
	s5 =	sld [smem:$0x3FB0]  }
0x2b: {  	s6 =	sld [smem:$0x3FB1]  }
0x2c: {  	s7 =	sld [smem:$0x3FB2]  }
0x2d: {  	s3 =	simm.s32 $0x108;
	s8 =	sld [smem:$0x3FB3]  }
0x2e: {  	s3 =	simm.s32 @!p0 $0x1082;
	s9 =	sld [smem:$0x3FB4]  }
0x2f: {  	lr =	sadd.s32 s0, s3;
	s0 =	sld [smem:$0x3FAB]  }
0x30: {  	s3 =	sld [smem:$0x3FAE]  }
0x31: {  	[smem:$0x3FB7] =	sst s10  }
0x32: {  	s10 =	sld [smem:$0x3FB5];
	_ =	sdelay $0x3  }
0x33: {  	p0 =	seq.s32 s10, $0x1;
	s10 =	sld [smem:$0x3FB7];
	_ =	sdelay $0x3  }
0x34: {  	[smem:$0x3FB7] =	sst s10  }
0x35: {  	s10 =	sld [smem:$0x3FB6];
	_ =	sdelay $0x3  }
0x36: {  	p1 =	seq.s32 s10, $0x1;
	s10 =	sld [smem:$0x3FB7];
	_ =	sdelay $0x3  }
0x37: {  	[smem:$0x3FB7] =	sst s10  }
0x38: {  	s10 =	sld [smem:$0x3FB8]  }
0x39: {  	_ = 	snop;
	(pc) =	sbr.ind lr, $3  }
0x3a: {  	_ = 	snop  }
0x3b: {  	_ = 	snop  }
0x3c: {  	p2 =	seq.s32 s10, $0x1;
	s10 =	sld [smem:$0x3FB7]  }
0x3d: {  	_ =	shalt  }
0x3e: {  	_ =	shalt  }
0x3f: {  	_ =	shalt  }
0x40: {  	_ =	shalt  }
0x41: {  	_ =	shalt  }
0x42: {  	_ =	shalt  }
0x43: {  	_ =	shalt  }
0x44: {  	_ =	shalt  }
0x45: {  	_ =	shalt  }
0x46: {  	_ =	shalt  }
0x47: {  	_ =	shalt  }
0x48: {  	_ =	shalt  }
0x49: {  	_ =	shalt  }
0x4a: {  	_ =	shalt  }
0x4b: {  	_ =	shalt  }
0x4c: {  	_ =	shalt  }
0x4d: {  	_ =	shalt  }
0x4e: {  	_ =	shalt  }
0x4f: {  	_ =	shalt  }
0x50: {  	_ =	shalt  }
0x51: {  	_ =	shalt  }
0x52: {  	_ =	shalt  }
0x53: {  	_ =	shalt  }
0x54: {  	_ =	shalt  }
0x55: {  	_ =	shalt  }
0x56: {  	_ =	shalt  }
0x57: {  	_ =	shalt  }
0x58: {  	_ =	shalt  }
0x59: {  	_ =	shalt  }
0x5a: {  	_ =	shalt  }
0x5b: {  	_ =	shalt  }
0x5c: {  	_ =	shalt  }
0x5d: {  	_ =	shalt  }
0x5e: {  	_ =	shalt  }
0x5f: {  	_ =	shalt  }
0x60: {  	_ =	shalt  }
0x61: {  	_ =	shalt  }
0x62: {  	_ =	shalt  }
0x63: {  	_ =	shalt  }
0x64: {  	_ =	shalt  }
0x65: {  	_ =	shalt  }
0x66: {  	_ =	shalt  }
0x67: {  	_ =	shalt  }
0x68: {  	_ =	shalt  }
0x69: {  	_ =	shalt  }
0x6a: {  	_ =	shalt  }
0x6b: {  	_ =	shalt  }
0x6c: {  	_ =	shalt  }
0x6d: {  	_ =	shalt  }
0x6e: {  	_ =	shalt  }
0x6f: {  	_ =	shalt  }
0x70: {  	_ =	shalt  }
0x71: {  	_ =	shalt  }
0x72: {  	_ =	shalt  }
0x73: {  	_ =	shalt  }
0x74: {  	_ =	shalt  }
0x75: {  	_ =	shalt  }
0x76: {  	_ =	shalt  }
0x77: {  	_ =	shalt  }
0x78: {  	_ =	shalt  }
0x79: {  	_ =	shalt  }
0x7a: {  	_ =	shalt  }
0x7b: {  	_ =	shalt  }
0x7c: {  	_ =	shalt  }
0x7d: {  	_ =	shalt  }
0x7e: {  	_ =	shalt  }
0x7f: {  	_ =	shalt  }
0x80: {  	_ =	shalt  }
0x81: {  	_ =	shalt  }
0x82: {  	_ =	shalt  }
0x83: {  	_ =	shalt  }
0x84: {  	_ =	shalt  }
0x85: {  	_ =	shalt  }
0x86: {  	_ =	shalt  }
0x87: {  	_ =	shalt  }
.Lfunc_end0:
.L_simem_size_0:
called_computation.4_lowered:
.L_overlay_start_0:
0x88: {  	s2 =	sld [smem:$0x3FD9]  }
0x89: {  	s3 =	sld [smem:$0x3FFE];
	_ =	sdelay $0x1  }
0x8a: {  	s1 =	srdreg.scid  }
0x8b: {  	s0 =	sand.u32 $0x1, s1  }
0x8c: {  	s17 =	sshll.u32 s0, $0xA;
	s2 =	sadd.s32 s3, s2  }
0x8d: {  	s2 =	sadd.s32 s2, s17  }
0x8e: {  	[smem:$0x3FC3] =	sst s2  }
0x8f: {  	_ = 	snop  }
0x90: {  	s2 =	sld [smem:$0x3FD0];
	(tm) =	ssettm $0x1  }
0x91: {  	s18 =	sld [smem:$0x3FFB];
	_ =	sdelay $0x3  }
0x92: {  	_ =	strace s18  }
0x93: {  	s3 =	sld [smem:$0x3FFC];
	_ =	sdelay $0x3  }
0x94: {  	_ =	strace s3  }
0x95: {  	s3 =	sld [smem:$0x3FFD];
	_ =	sdelay $0x3  }
0x96: {  	_ =	strace s3  }
0x97: {  	_ =	strace $0x8FFFFFFF  }
0x98: {  	s19 =	sld [smem:$0x3FDB];
	_ =	sdelay $0x1  }
0x99: {  	s4 =	simm.s32 $_scs_section_size  }
0x9a: {  	s5 =	simm.s32 $_size__tile_overlayer_lowered;
	s6 =	simm.s32 $_tile_overlayer_lowered  }
0x9b: {  	s22 =	simm.s32 $0x1BFF;
	s21 =	sshll.u32 s6, $0x1;
	s3 =	sadd.s32 s4, s19  }
0x9c: {  	s7 =	simm.s32 $0x0;
	s20 =	sshll.u32 s5, $0x1;
	s5 =	sadd.s32 s21, s3  }
0x9d: {  	[timem:s7], [sflag:s22] =	dma.local [hbm:s5], s20  }
0x9e: {  	_ =	swait.ge [sflag:s22], s20  }
0x9f: {  	s4 =	ssub.s32 $0x0, s20;
	[sflag:s22] =	ssyncset.done $0x0  }
0xa0: {  	[sflag:s22] =	ssyncadd.s32 s4;
	_ =	sdelay $0x1  }
0xa1: {  	s23 =	simm.s32 $0x1B8B  }
0xa2: {  	_ =	swait.ge [sflag:s23], $0x1  }
0xa3: {  	[sflag:s23] =	ssyncset.done $0x0  }
0xa4: {  	s25 =	simm.s32 $0x1B8E;
	s24 =	sld [smem:$0x3FFE];
	[sflag:s23] =	ssyncadd.s32 $0xFFFFFFFF  }
0xa5: {  	s26 =	simm.s32 $execute0_lowered;
	[smem:$0x3FD2] =	sst s25  }
0xa6: {  	s5 =	sshll.u32 s26, $0x1;
	_ =	strace $0x80000052;
	[dreg:$0x1] =	wrdreg $0xFFFFFFFF  }
0xa7: {  	s28 =	simm.s32 $_size_execute0_lowered;
	s3 =	sadd.s32 s3, s5;
	[dreg:$0x0] =	wrdreg $0x0  }
0xa8: {  	s5 =	sshll.u32 s28, $0x1;
	[dreg:$0x2] =	wrdreg s3  }
0xa9: {  	[dreg:$0x3] =	wrdreg s5  }
0xaa: {  	[dreg:$0x4] =	wrdreg $0xC0  }
0xab: {  	_ =	task [dreg:s7], $0x5FFFF  }
0xac: {  	[dreg:$0x1] =	wrdreg $0xFFFFFFFF  }
0xad: {  	[dreg:$0x0] =	wrdreg $0x60  }
0xae: {  	[dreg:$0x2] =	wrdreg s24  }
0xaf: {  	[dreg:$0x3] =	wrdreg s2  }
0xb0: {  	[dreg:$0x4] =	wrdreg $0x113000  }
0xb1: {  	[dreg:$0x5] =	wrdreg $0x9  }
0xb2: {  	_ =	task.clear_ibuf [dreg:s7], $0x6FFFF;
	_ =	strace $0x90000052  }
0xb3: {  	s29 =	simm.s32 $0x9;
	_ =	strace $0x80000054  }
0xb4: {  	_ =	swait.ge [sflag:s29], $0x1  }
0xb5: {  	[sflag:s29] =	ssyncadd.s32 $0xFFFFFFFF  }
0xb6: {  	_ =	strace $0x90000054  }
0xb7: {  	_ =	sfence  }
0xb8: {  	s30 =	sld [smem:$0x0];
	_ =	sdelay $0x2  }
0xb9: {  	s31 =	sshll.u32 s1, $0xD;
	s1 =	sshrl.u32 s1, $0x2  }
0xba: {  	s3 =	sand.u32 $0x4000, s31;
	s1 =	sadd.s32 s1, s30  }
0xbb: {  	s0 =	sor.u32 s3, s0;
	s1 =	sshll.u32 s1, $0x11  }
0xbc: {  	s0 =	sor.u32 s1, s0  }
0xbd: {  	s0 =	sadd.s32 $0x8F2B, s0  }
0xbe: {  	[sflag:s0] =	ssyncadd.remote.s32 $0x1  }
0xbf: {  	_ =	sfence.sel $0xFFFF  }
0xc0: {  	[dreg:$0x0] =	wrdreg $0xFFFFFFFF;
	(pc) =	sbr.abs _section_cstart, $3  }
0xc1: {  	[dreg:$0x1] =	wrdreg $0xFFFFFFFF  }
0xc2: {  	_ =	task.clear_ibuf [dreg:s7], $0x2FFFF;
	_ =	strace $0x9FFFFFFF  }
0xc3: {  	(tm) =	ssettm $0x7FFFFFFF  }
tec
execute0_lowered:
.L_overlay_start_1:
0x0: {  	(tag) =	ssettag $0x1  }
0x1: {  	s0 =	rddreg [dreg:$0x0]  }
0x2: {  	s1 =	rddreg [dreg:$0x1]  }
0x3: {  	s3 =	rddreg [dreg:$0x2];
	s4 =	simm.s32 $0x0  }
0x4: {  	s14 =	stileid.u32;
	s6 =	srdreg.scid;
	s15 =	simm.s32 $0x80  }
0x5: {  	s16 =	simm.s32 $0x5000;
	s17 =	simm.s32 $0x5100;
	s18 =	simm.s32 $0x9100  }
0x6: {  	s19 =	simm.s32 $0x9200;
	s20 =	simm.s32 $0x1;
	s28 =	simm.s32 $0x4  }
0x7: {  	s29 =	simm.s32 $0x5;
	[smem:$0x7FF] =	sst s4;
	s2 =	smul.u32 $0x500, s14  }
0x8: {  	s5 =	sadd.s32 $0xE800, s0;
	s8 =	sand.u32 $0x1, s6;
	s9 =	smul.u32 $0x28000, s14  }
0x9: {  	s10 =	smul.u32 $0xA000, s14;
	s26 =	sshll.u32 s14, $0x6;
	_ =	strace $0x80000053  }
0xa: {  	s6 =	ssub.s32 $0x2, s8;
	s12 =	smul.u32 $0xA0000, s8;
	s13 =	sor.u32 $0x2, s8  }
0xb: {  	s30 =	smul.u32 $0x2800, s8;
	s2 =	sadd.s32 s2, s0;
	s0 =	sadd.s32 $0xAE800, s0  }
0xc: {  	s7 =	sshrl.u32 s6, $0x1;
	s21 =	smul.u32 $0xA0000, s13;
	s22 =	sshrl.u32 s9, $0x2  }
0xd: {  	s31 =	smul.u32 $0x2800, s13;
	s13 =	sor.u32 $0x1C07, s26;
	s26 =	simm.s32 $0x9180  }
0xe: {  	s11 =	ssub.s32 s6, s7;
	s6 =	sadd.s32 $0x4800, s2;
	s7 =	sadd.s32 $0x9800, s2  }
0xf: {  	s23 =	sadd.s32 s10, s12;
	s24 =	sadd.s32 s22, s3;
	s22 =	simm.s32 $0x2  }
0x10: {  	v0 =	vmov s30;
	s30 =	simm.s32 $0xD280;
	s25 =	sshrl.u32 s23, $0x3;
	s2 =	sadd.s32 s10, s21  }
0x11: {  	s10 =	smax.u32 s11, $0x1;
	s11 =	simm.s32 $0x7;
	s14 =	sshrl.u32 s24, $0x3  }
0x12: {  	s21 =	simm.s32 $0x5080;
	s23 =	simm.s32 $0xD200;
	s24 =	simm.s32 $0xD300  }
0x13: {  	v1 =	vmov s31;
	s31 =	simm.s32 $0x6;
	s8 =	sadd.s32 s0, s25;
	s2 =	sshrl.u32 s2, $0x3  }
0x14: {  	s25 =	simm.s32 $0x3;
	s9 =	sadd.s32 s0, s2;
	s0 =	simm.s32 $0x0  }
.LBB2_1:
0x15: {  	[tilespmem:s4], [sflag:$0x7] =	stream.linear.gather [hbm4b:s6+s4], $0x2800, $0x38;
	[tilespmem:$0x1B300] =	vst v63  }
0x16: {  	_ =	swait.ge [sflag:s11], $0x2800  }
0x17: {  	[sflag:s11] =	ssyncset.done $0x0  }
0x18: {  	s2 =	simm.s32 $0x2800;
	[sflag:s11] =	ssyncadd.s32 $0xFFFFD800  }
0x19: {  	[tilespmem:s2], [sflag:$0x7] =	stream.linear.gather [hbm4b:s7+s4], $0x2800, $0x38;
	[tilespmem:$0x1B300] =	vst v63  }
0x1a: {  	_ =	swait.ge [sflag:s11], $0x2800  }
0x1b: {  	[sflag:s11] =	ssyncset.done $0x0  }
0x1c: {  	[sflag:s11] =	ssyncadd.s32 $0xFFFFD800  }
0x1d: {  	[spmem:s14], [sflag:s13] =	dma.local [hbm:s1], $0x1400  }
0x1e: {  	_ =	swait.ge [sflag:s11], $0x1400  }
0x1f: {  	[sflag:s11] =	ssyncset.done $0x0  }
0x20: {  	[sflag:s11] =	ssyncadd.s32 $0xFFFFEC00  }
0x21: {  	[bflag:$0x0] =	sbarrier.arrive $0xFFFF  }
0x22: {  	v2 =	vld [tilespmem:$0x0]  }
0x23: {  	v3 =	vld [tilespmem:$0x2800]  }
0x24: {  	v5 =	vld [tilespmem:$0x2810]  }
0x25: {  	v4 =	vld [tilespmem:$0x10]  }
0x26: {  	v7 =	vld [tilespmem:$0x2820]  }
0x27: {  	v46 =	vld [tilespmem:$0x2830]  }
0x28: {  	v48 =	vld [tilespmem:$0x2840];
	[tilespmem:$0x5080] =	vst v3  }
0x29: {  	v50 =	vld [tilespmem:$0x2850];
	v2 =	vadd.s32 v0, v2;
	[tilespmem:$0x5090] =	vst v5  }
0x2a: {  	v3 =	vadd.s32 v0, v4;
	[tilespmem:$0x5000] =	vst v2;
	v2 =	vld [tilespmem:$0x30]  }
0x2b: {  	[tilespmem:$0x5010] =	vst v3;
	v3 =	vld [tilespmem:$0x40]  }
0x2c: {  	v6 =	vld [tilespmem:$0x20];
	[tilespmem:$0x50A0] =	vst v7  }
0x2d: {  	v51 =	vld [tilespmem:$0x2860];
	[tilespmem:$0x50B0] =	vst v46  }
0x2e: {  	v52 =	vld [tilespmem:$0x2870];
	[tilespmem:$0x50C0] =	vst v48  }
0x2f: {  	v49 =	vld [tilespmem:$0x50];
	[tilespmem:$0x50D0] =	vst v50;
	v2 =	vadd.s32 v0, v2  }
0x30: {  	v3 =	vadd.s32 v0, v3;
	[tilespmem:$0x5030] =	vst v2;
	v2 =	vld [tilespmem:$0x60]  }
0x31: {  	[tilespmem:$0x5040] =	vst v3;
	v3 =	vld [tilespmem:$0x70]  }
0x32: {  	[tilespmem:$0x50E0] =	vst v51  }
0x33: {  	v47 =	vadd.s32 v0, v6;
	[tilespmem:$0x50F0] =	vst v52  }
0x34: {  	v5 =	vadd.s32 v0, v49;
	[tilespmem:$0x5020] =	vst v47  }
0x35: {  	[tilespmem:$0x5050] =	vst v5;
	v2 =	vadd.s32 v0, v2  }
0x36: {  	[tilespmem:$0x5060] =	vst v2;
	v2 =	vadd.s32 v0, v3  }
0x37: {  	[tilespmem:$0x5070] =	vst v2  }
0x38: {  	[tilespmem:s17], [sflag:$0x1] =	stream.indirect.gather [hbm4b:s5+s15], $0x80, s16, s15, $0xb8;
	[tilespmem:$0x1B300] =	vst v63  }
0x39: {  	v2 =	vld [tilespmem:$0x80]  }
0x3a: {  	v3 =	vld [tilespmem:$0x2880]  }
0x3b: {  	v54 =	vld [tilespmem:$0x2890]  }
0x3c: {  	v53 =	vld [tilespmem:$0x90]  }
0x3d: {  	v56 =	vld [tilespmem:$0x28A0]  }
0x3e: {  	v57 =	vld [tilespmem:$0x28B0]  }
0x3f: {  	v59 =	vld [tilespmem:$0x28C0];
	[tilespmem:$0x9180] =	vst v3  }
0x40: {  	v61 =	vld [tilespmem:$0x28D0];
	v2 =	vadd.s32 v0, v2;
	[tilespmem:$0x9190] =	vst v54  }
0x41: {  	v3 =	vadd.s32 v0, v53;
	[tilespmem:$0x9100] =	vst v2;
	v2 =	vld [tilespmem:$0xB0]  }
0x42: {  	[tilespmem:$0x9110] =	vst v3;
	v3 =	vld [tilespmem:$0xC0]  }
0x43: {  	v55 =	vld [tilespmem:$0xA0];
	[tilespmem:$0x91A0] =	vst v56  }
0x44: {  	v62 =	vld [tilespmem:$0x28E0];
	[tilespmem:$0x91B0] =	vst v57  }
0x45: {  	v63 =	vld [tilespmem:$0x28F0];
	[tilespmem:$0x91C0] =	vst v59  }
0x46: {  	v60 =	vld [tilespmem:$0xD0];
	[tilespmem:$0x91D0] =	vst v61;
	v2 =	vadd.s32 v0, v2  }
0x47: {  	v3 =	vadd.s32 v0, v3;
	[tilespmem:$0x9130] =	vst v2;
	v2 =	vld [tilespmem:$0xE0]  }
0x48: {  	[tilespmem:$0x9140] =	vst v3;
	v3 =	vld [tilespmem:$0xF0]  }
0x49: {  	[tilespmem:$0x91E0] =	vst v62  }
0x4a: {  	v58 =	vadd.s32 v0, v55;
	[tilespmem:$0x91F0] =	vst v63  }
0x4b: {  	v5 =	vadd.s32 v0, v60;
	[tilespmem:$0x9120] =	vst v58  }
0x4c: {  	[tilespmem:$0x9150] =	vst v5;
	v2 =	vadd.s32 v0, v2  }
0x4d: {  	[tilespmem:$0x9160] =	vst v2;
	v2 =	vadd.s32 v0, v3  }
0x4e: {  	s2 =	simm.s32 $0x0;
	[tilespmem:$0x9170] =	vst v2  }
0x4f: {  	[tilespmem:s19], [sflag:$0x3] =	stream.indirect.gather [hbm4b:s5+s15], $0x80, s18, s15, $0xb8;
	[tilespmem:$0x1B300] =	vst v63  }
.LBB2_2:
0x50: {  	_ =	swait.ge [sflag:s20], $0x4000  }
0x51: {  	[sflag:s20] =	ssyncset.done $0x0  }
0x52: {  	[sflag:s20] =	ssyncadd.s32 $0xFFFFC000  }
0x53: {  	[spmem:s3] =	stream.indirect.scatter.add.f32 [tilespmem:s17], [sflag:$0x2], $0x80, s21, s15, $0xb8;
	[tilespmem:$0x1B300] =	vst v63  }
0x54: {  	_ =	swait.ge [sflag:s22], $0x4000  }
0x55: {  	[sflag:s22] =	ssyncset.done $0x0  }
0x56: {  	s12 =	sshra.s32 s2, $0x2;
	[sflag:s22] =	ssyncadd.s32 $0xFFFFC000  }
0x57: {  	v2 =	vld [tilespmem:s12+$0x100];
	_ =	sdelay $0x4  }
0x58: {  	v2 =	vadd.s32 v0, v2  }
0x59: {  	[tilespmem:$0xD200] =	vst v2  }
0x5a: {  	v2 =	vld [tilespmem:s12+$0x2900];
	_ =	sdelay $0x4  }
0x5b: {  	[tilespmem:$0xD280] =	vst v2  }
0x5c: {  	v2 =	vld [tilespmem:s12+$0x110];
	_ =	sdelay $0x4  }
0x5d: {  	v2 =	vadd.s32 v0, v2  }
0x5e: {  	[tilespmem:$0xD210] =	vst v2  }
0x5f: {  	v2 =	vld [tilespmem:s12+$0x2910];
	_ =	sdelay $0x4  }
0x60: {  	[tilespmem:$0xD290] =	vst v2  }
0x61: {  	v2 =	vld [tilespmem:s12+$0x120];
	_ =	sdelay $0x4  }
0x62: {  	v2 =	vadd.s32 v0, v2  }
0x63: {  	[tilespmem:$0xD220] =	vst v2  }
0x64: {  	v2 =	vld [tilespmem:s12+$0x2920];
	_ =	sdelay $0x4  }
0x65: {  	[tilespmem:$0xD2A0] =	vst v2  }
0x66: {  	v2 =	vld [tilespmem:s12+$0x130];
	_ =	sdelay $0x4  }
0x67: {  	v2 =	vadd.s32 v0, v2  }
0x68: {  	[tilespmem:$0xD230] =	vst v2  }
0x69: {  	v2 =	vld [tilespmem:s12+$0x2930];
	_ =	sdelay $0x4  }
0x6a: {  	[tilespmem:$0xD2B0] =	vst v2  }
0x6b: {  	v2 =	vld [tilespmem:s12+$0x140];
	_ =	sdelay $0x4  }
0x6c: {  	v2 =	vadd.s32 v0, v2  }
0x6d: {  	[tilespmem:$0xD240] =	vst v2  }
0x6e: {  	v2 =	vld [tilespmem:s12+$0x2940];
	_ =	sdelay $0x4  }
0x6f: {  	[tilespmem:$0xD2C0] =	vst v2  }
0x70: {  	v2 =	vld [tilespmem:s12+$0x150];
	_ =	sdelay $0x4  }
0x71: {  	v2 =	vadd.s32 v0, v2  }
0x72: {  	[tilespmem:$0xD250] =	vst v2  }
0x73: {  	v2 =	vld [tilespmem:s12+$0x2950];
	_ =	sdelay $0x4  }
0x74: {  	[tilespmem:$0xD2D0] =	vst v2  }
0x75: {  	v2 =	vld [tilespmem:s12+$0x160];
	_ =	sdelay $0x4  }
0x76: {  	v2 =	vadd.s32 v0, v2  }
0x77: {  	[tilespmem:$0xD260] =	vst v2  }
0x78: {  	v2 =	vld [tilespmem:s12+$0x2960];
	_ =	sdelay $0x4  }
0x79: {  	[tilespmem:$0xD2E0] =	vst v2  }
0x7a: {  	v2 =	vld [tilespmem:s12+$0x170];
	_ =	sdelay $0x4  }
0x7b: {  	v2 =	vadd.s32 v0, v2  }
0x7c: {  	[tilespmem:$0xD270] =	vst v2  }
0x7d: {  	v2 =	vld [tilespmem:s12+$0x2970];
	_ =	sdelay $0x4  }
0x7e: {  	[tilespmem:$0xD2F0] =	vst v2  }
0x7f: {  	[tilespmem:s24], [sflag:$0x5] =	stream.indirect.gather [hbm4b:s5+s15], $0x80, s23, s15, $0xb8;
	[tilespmem:$0x1B300] =	vst v63  }
0x80: {  	_ =	swait.ge [sflag:s25], $0x4000  }
0x81: {  	[sflag:s25] =	ssyncset.done $0x0  }
0x82: {  	[sflag:s25] =	ssyncadd.s32 $0xFFFFC000  }
0x83: {  	[spmem:s3] =	stream.indirect.scatter.add.f32 [tilespmem:s19], [sflag:$0x4], $0x80, s26, s15, $0xb8;
	[tilespmem:$0x1B300] =	vst v63  }
0x84: {  	_ =	swait.ge [sflag:s28], $0x4000  }
0x85: {  	[sflag:s28] =	ssyncset.done $0x0  }
0x86: {  	[sflag:s28] =	ssyncadd.s32 $0xFFFFC000  }
0x87: {  	v2 =	vld [tilespmem:s12+$0x180];
	_ =	sdelay $0x4  }
0x88: {  	v2 =	vadd.s32 v0, v2  }
0x89: {  	[tilespmem:$0x5000] =	vst v2  }
0x8a: {  	v2 =	vld [tilespmem:s12+$0x2980];
	_ =	sdelay $0x4  }
0x8b: {  	[tilespmem:$0x5080] =	vst v2  }
0x8c: {  	v2 =	vld [tilespmem:s12+$0x190];
	_ =	sdelay $0x4  }
0x8d: {  	v2 =	vadd.s32 v0, v2  }
0x8e: {  	[tilespmem:$0x5010] =	vst v2  }
0x8f: {  	v2 =	vld [tilespmem:s12+$0x2990];
	_ =	sdelay $0x4  }
0x90: {  	[tilespmem:$0x5090] =	vst v2  }
0x91: {  	v2 =	vld [tilespmem:s12+$0x1A0];
	_ =	sdelay $0x4  }
0x92: {  	v2 =	vadd.s32 v0, v2  }
0x93: {  	[tilespmem:$0x5020] =	vst v2  }
0x94: {  	v2 =	vld [tilespmem:s12+$0x29A0];
	_ =	sdelay $0x4  }
0x95: {  	[tilespmem:$0x50A0] =	vst v2  }
0x96: {  	v2 =	vld [tilespmem:s12+$0x1B0];
	_ =	sdelay $0x4  }
0x97: {  	v2 =	vadd.s32 v0, v2  }
0x98: {  	[tilespmem:$0x5030] =	vst v2  }
0x99: {  	v2 =	vld [tilespmem:s12+$0x29B0];
	_ =	sdelay $0x4  }
0x9a: {  	[tilespmem:$0x50B0] =	vst v2  }
0x9b: {  	v2 =	vld [tilespmem:s12+$0x1C0];
	_ =	sdelay $0x4  }
0x9c: {  	v2 =	vadd.s32 v0, v2  }
0x9d: {  	[tilespmem:$0x5040] =	vst v2  }
0x9e: {  	v2 =	vld [tilespmem:s12+$0x29C0];
	_ =	sdelay $0x4  }
0x9f: {  	[tilespmem:$0x50C0] =	vst v2  }
0xa0: {  	v2 =	vld [tilespmem:s12+$0x1D0];
	_ =	sdelay $0x4  }
0xa1: {  	v2 =	vadd.s32 v0, v2  }
0xa2: {  	[tilespmem:$0x5050] =	vst v2  }
0xa3: {  	v2 =	vld [tilespmem:s12+$0x29D0];
	_ =	sdelay $0x4  }
0xa4: {  	[tilespmem:$0x50D0] =	vst v2  }
0xa5: {  	v2 =	vld [tilespmem:s12+$0x1E0];
	_ =	sdelay $0x4  }
0xa6: {  	v2 =	vadd.s32 v0, v2  }
0xa7: {  	[tilespmem:$0x5060] =	vst v2  }
0xa8: {  	v2 =	vld [tilespmem:s12+$0x29E0];
	_ =	sdelay $0x4  }
0xa9: {  	[tilespmem:$0x50E0] =	vst v2  }
0xaa: {  	v2 =	vld [tilespmem:s12+$0x1F0];
	_ =	sdelay $0x4  }
0xab: {  	v2 =	vadd.s32 v0, v2  }
0xac: {  	[tilespmem:$0x5070] =	vst v2  }
0xad: {  	v2 =	vld [tilespmem:s12+$0x29F0];
	_ =	sdelay $0x4  }
0xae: {  	[tilespmem:$0x50F0] =	vst v2  }
0xaf: {  	[tilespmem:s17], [sflag:$0x1] =	stream.indirect.gather [hbm4b:s5+s15], $0x80, s16, s15, $0xb8;
	[tilespmem:$0x1B300] =	vst v63  }
0xb0: {  	_ =	swait.ge [sflag:s29], $0x4000  }
0xb1: {  	[sflag:s29] =	ssyncset.done $0x0  }
0xb2: {  	[sflag:s29] =	ssyncadd.s32 $0xFFFFC000  }
0xb3: {  	[spmem:s3] =	stream.indirect.scatter.add.f32 [tilespmem:s24], [sflag:$0x6], $0x80, s30, s15, $0xb8;
	[tilespmem:$0x1B300] =	vst v63  }
0xb4: {  	_ =	swait.ge [sflag:s31], $0x4000  }
0xb5: {  	[sflag:s31] =	ssyncset.done $0x0  }
0xb6: {  	[sflag:s31] =	ssyncadd.s32 $0xFFFFC000  }
0xb7: {  	v2 =	vld [tilespmem:s12+$0x200];
	_ =	sdelay $0x4  }
0xb8: {  	v2 =	vadd.s32 v0, v2  }
0xb9: {  	[tilespmem:$0x9100] =	vst v2  }
0xba: {  	v2 =	vld [tilespmem:s12+$0x2A00];
	_ =	sdelay $0x4  }
0xbb: {  	[tilespmem:$0x9180] =	vst v2  }
0xbc: {  	v2 =	vld [tilespmem:s12+$0x210];
	_ =	sdelay $0x4  }
0xbd: {  	v2 =	vadd.s32 v0, v2  }
0xbe: {  	[tilespmem:$0x9110] =	vst v2  }
0xbf: {  	v2 =	vld [tilespmem:s12+$0x2A10];
	_ =	sdelay $0x4  }
0xc0: {  	[tilespmem:$0x9190] =	vst v2  }
0xc1: {  	v2 =	vld [tilespmem:s12+$0x220];
	_ =	sdelay $0x4  }
0xc2: {  	v2 =	vadd.s32 v0, v2  }
0xc3: {  	[tilespmem:$0x9120] =	vst v2  }
0xc4: {  	v2 =	vld [tilespmem:s12+$0x2A20];
	_ =	sdelay $0x4  }
0xc5: {  	[tilespmem:$0x91A0] =	vst v2  }
0xc6: {  	v2 =	vld [tilespmem:s12+$0x230];
	_ =	sdelay $0x4  }
0xc7: {  	v2 =	vadd.s32 v0, v2  }
0xc8: {  	[tilespmem:$0x9130] =	vst v2  }
0xc9: {  	v2 =	vld [tilespmem:s12+$0x2A30];
	_ =	sdelay $0x4  }
0xca: {  	[tilespmem:$0x91B0] =	vst v2  }
0xcb: {  	v2 =	vld [tilespmem:s12+$0x240];
	_ =	sdelay $0x4  }
0xcc: {  	v2 =	vadd.s32 v0, v2  }
0xcd: {  	[tilespmem:$0x9140] =	vst v2  }
0xce: {  	v2 =	vld [tilespmem:s12+$0x2A40];
	_ =	sdelay $0x4  }
0xcf: {  	[tilespmem:$0x91C0] =	vst v2  }
0xd0: {  	v2 =	vld [tilespmem:s12+$0x250];
	_ =	sdelay $0x4  }
0xd1: {  	v2 =	vadd.s32 v0, v2  }
0xd2: {  	[tilespmem:$0x9150] =	vst v2  }
0xd3: {  	v2 =	vld [tilespmem:s12+$0x2A50];
	_ =	sdelay $0x4  }
0xd4: {  	[tilespmem:$0x91D0] =	vst v2  }
0xd5: {  	v2 =	vld [tilespmem:s12+$0x260];
	_ =	sdelay $0x4  }
0xd6: {  	v2 =	vadd.s32 v0, v2  }
0xd7: {  	[tilespmem:$0x9160] =	vst v2  }
0xd8: {  	v2 =	vld [tilespmem:s12+$0x2A60];
	_ =	sdelay $0x4  }
0xd9: {  	[tilespmem:$0x91E0] =	vst v2  }
0xda: {  	v2 =	vld [tilespmem:s12+$0x270];
	_ =	sdelay $0x4  }
0xdb: {  	v2 =	vadd.s32 v0, v2  }
0xdc: {  	[tilespmem:$0x9170] =	vst v2  }
0xdd: {  	v2 =	vld [tilespmem:s12+$0x2A70]  }
0xde: {  	p0 =	sne.s32 s2, $0x9600  }
.Ltmp0:
0xdf: {  	_ = 	snop;
	(pc) =	sbr.rel @p0 .LBB2_2-.Ltmp0, $3  }
0xe0: {  	_ =	sdelay $0x1  }
0xe1: {  	s2 =	sadd.s32 $0x600, s2;
	[tilespmem:$0x91F0] =	vst v2  }
0xe2: {  	[tilespmem:s19], [sflag:$0x3] =	stream.indirect.gather [hbm4b:s5+s15], $0x80, s18, s15, $0xb8;
	[tilespmem:$0x1B300] =	vst v63  }
0xe3: {  	_ =	swait.ge [sflag:s20], $0x4000  }
0xe4: {  	[sflag:s20] =	ssyncset.done $0x0  }
0xe5: {  	[sflag:s20] =	ssyncadd.s32 $0xFFFFC000  }
0xe6: {  	[spmem:s3] =	stream.indirect.scatter.add.f32 [tilespmem:s17], [sflag:$0x2], $0x80, s21, s15, $0xb8;
	[tilespmem:$0x1B300] =	vst v63  }
0xe7: {  	_ =	swait.ge [sflag:s22], $0x4000  }
0xe8: {  	[sflag:s22] =	ssyncset.done $0x0  }
0xe9: {  	[sflag:s22] =	ssyncadd.s32 $0xFFFFC000  }
0xea: {  	_ =	swait.ge [sflag:s25], $0x4000  }
0xeb: {  	[sflag:s25] =	ssyncset.done $0x0  }
0xec: {  	[sflag:s25] =	ssyncadd.s32 $0xFFFFC000  }
0xed: {  	[spmem:s3] =	stream.indirect.scatter.add.f32 [tilespmem:s19], [sflag:$0x4], $0x80, s26, s15, $0xb8;
	[tilespmem:$0x1B300] =	vst v63  }
0xee: {  	_ =	swait.ge [sflag:s28], $0x4000  }
0xef: {  	[sflag:s28] =	ssyncset.done $0x0  }
0xf0: {  	[sflag:s28] =	ssyncadd.s32 $0xFFFFC000  }
0xf1: {  	[bflag:$0x0] =	sbarrier.arrive $0xFFFF  }
0xf2: {  	[hbm:s8], [sflag:s13] =	dma.local [spmem:s14], $0x1400  }
0xf3: {  	_ =	swait.ge [sflag:s11], $0x1400  }
0xf4: {  	[sflag:s11] =	ssyncset.done $0x0  }
0xf5: {  	[sflag:s11] =	ssyncadd.s32 $0xFFFFEC00  }
0xf6: {  	[spmem:s14], [sflag:s13] =	dma.local [hbm:s1], $0x1400  }
0xf7: {  	_ =	swait.ge [sflag:s11], $0x1400  }
0xf8: {  	[sflag:s11] =	ssyncset.done $0x0  }
0xf9: {  	[sflag:s11] =	ssyncadd.s32 $0xFFFFEC00  }
0xfa: {  	[bflag:$0x0] =	sbarrier.arrive $0xFFFF  }
0xfb: {  	v2 =	vld [tilespmem:$0x0]  }
0xfc: {  	v3 =	vld [tilespmem:$0x2800]  }
0xfd: {  	v5 =	vld [tilespmem:$0x2810]  }
0xfe: {  	v4 =	vld [tilespmem:$0x10]  }
0xff: {  	v7 =	vld [tilespmem:$0x2820]  }
0x100: {  	v46 =	vld [tilespmem:$0x2830]  }
0x101: {  	v48 =	vld [tilespmem:$0x2840];
	[tilespmem:$0x5080] =	vst v3  }
0x102: {  	v50 =	vld [tilespmem:$0x2850];
	v2 =	vadd.s32 v1, v2;
	[tilespmem:$0x5090] =	vst v5  }
0x103: {  	v3 =	vadd.s32 v1, v4;
	[tilespmem:$0x5000] =	vst v2;
	v2 =	vld [tilespmem:$0x30]  }
0x104: {  	[tilespmem:$0x5010] =	vst v3;
	v3 =	vld [tilespmem:$0x40]  }
0x105: {  	v6 =	vld [tilespmem:$0x20];
	[tilespmem:$0x50A0] =	vst v7  }
0x106: {  	v51 =	vld [tilespmem:$0x2860];
	[tilespmem:$0x50B0] =	vst v46  }
0x107: {  	v52 =	vld [tilespmem:$0x2870];
	[tilespmem:$0x50C0] =	vst v48  }
0x108: {  	v49 =	vld [tilespmem:$0x50];
	[tilespmem:$0x50D0] =	vst v50;
	v2 =	vadd.s32 v1, v2  }
0x109: {  	v3 =	vadd.s32 v1, v3;
	[tilespmem:$0x5030] =	vst v2;
	v2 =	vld [tilespmem:$0x60]  }
0x10a: {  	[tilespmem:$0x5040] =	vst v3;
	v3 =	vld [tilespmem:$0x70]  }
0x10b: {  	[tilespmem:$0x50E0] =	vst v51  }
0x10c: {  	v47 =	vadd.s32 v1, v6;
	[tilespmem:$0x50F0] =	vst v52  }
0x10d: {  	v5 =	vadd.s32 v1, v49;
	[tilespmem:$0x5020] =	vst v47  }
0x10e: {  	[tilespmem:$0x5050] =	vst v5;
	v2 =	vadd.s32 v1, v2  }
0x10f: {  	[tilespmem:$0x5060] =	vst v2;
	v2 =	vadd.s32 v1, v3  }
0x110: {  	[tilespmem:$0x5070] =	vst v2  }
0x111: {  	[tilespmem:s17], [sflag:$0x1] =	stream.indirect.gather [hbm4b:s5+s15], $0x80, s16, s15, $0xb8;
	[tilespmem:$0x1B300] =	vst v63  }
0x112: {  	v2 =	vld [tilespmem:$0x80]  }
0x113: {  	v3 =	vld [tilespmem:$0x2880]  }
0x114: {  	v54 =	vld [tilespmem:$0x2890]  }
0x115: {  	v53 =	vld [tilespmem:$0x90]  }
0x116: {  	v56 =	vld [tilespmem:$0x28A0]  }
0x117: {  	v57 =	vld [tilespmem:$0x28B0]  }
0x118: {  	v59 =	vld [tilespmem:$0x28C0];
	[tilespmem:$0x9180] =	vst v3  }
0x119: {  	v61 =	vld [tilespmem:$0x28D0];
	v2 =	vadd.s32 v1, v2;
	[tilespmem:$0x9190] =	vst v54  }
0x11a: {  	v3 =	vadd.s32 v1, v53;
	[tilespmem:$0x9100] =	vst v2;
	v2 =	vld [tilespmem:$0xB0]  }
0x11b: {  	[tilespmem:$0x9110] =	vst v3;
	v3 =	vld [tilespmem:$0xC0]  }
0x11c: {  	v55 =	vld [tilespmem:$0xA0];
	[tilespmem:$0x91A0] =	vst v56  }
0x11d: {  	v62 =	vld [tilespmem:$0x28E0];
	[tilespmem:$0x91B0] =	vst v57  }
0x11e: {  	v63 =	vld [tilespmem:$0x28F0];
	[tilespmem:$0x91C0] =	vst v59  }
0x11f: {  	v60 =	vld [tilespmem:$0xD0];
	[tilespmem:$0x91D0] =	vst v61;
	v2 =	vadd.s32 v1, v2  }
0x120: {  	v3 =	vadd.s32 v1, v3;
	[tilespmem:$0x9130] =	vst v2;
	v2 =	vld [tilespmem:$0xE0]  }
0x121: {  	[tilespmem:$0x9140] =	vst v3;
	v3 =	vld [tilespmem:$0xF0]  }
0x122: {  	[tilespmem:$0x91E0] =	vst v62  }
0x123: {  	v58 =	vadd.s32 v1, v55;
	[tilespmem:$0x91F0] =	vst v63  }
0x124: {  	v5 =	vadd.s32 v1, v60;
	[tilespmem:$0x9120] =	vst v58  }
0x125: {  	[tilespmem:$0x9150] =	vst v5;
	v2 =	vadd.s32 v1, v2  }
0x126: {  	[tilespmem:$0x9160] =	vst v2;
	v2 =	vadd.s32 v1, v3  }
0x127: {  	s2 =	simm.s32 $0x0;
	[tilespmem:$0x9170] =	vst v2  }
0x128: {  	[tilespmem:s19], [sflag:$0x3] =	stream.indirect.gather [hbm4b:s5+s15], $0x80, s18, s15, $0xb8;
	[tilespmem:$0x1B300] =	vst v63  }
.LBB2_4:
0x129: {  	_ =	swait.ge [sflag:s20], $0x4000  }
0x12a: {  	[sflag:s20] =	ssyncset.done $0x0  }
0x12b: {  	[sflag:s20] =	ssyncadd.s32 $0xFFFFC000  }
0x12c: {  	[spmem:s3] =	stream.indirect.scatter.add.f32 [tilespmem:s17], [sflag:$0x2], $0x80, s21, s15, $0xb8;
	[tilespmem:$0x1B300] =	vst v63  }
0x12d: {  	_ =	swait.ge [sflag:s22], $0x4000  }
0x12e: {  	[sflag:s22] =	ssyncset.done $0x0  }
0x12f: {  	s12 =	sshra.s32 s2, $0x2;
	[sflag:s22] =	ssyncadd.s32 $0xFFFFC000  }
0x130: {  	v2 =	vld [tilespmem:s12+$0x100];
	_ =	sdelay $0x4  }
0x131: {  	v2 =	vadd.s32 v1, v2  }
0x132: {  	[tilespmem:$0xD200] =	vst v2  }
0x133: {  	v2 =	vld [tilespmem:s12+$0x2900];
	_ =	sdelay $0x4  }
0x134: {  	[tilespmem:$0xD280] =	vst v2  }
0x135: {  	v2 =	vld [tilespmem:s12+$0x110];
	_ =	sdelay $0x4  }
0x136: {  	v2 =	vadd.s32 v1, v2  }
0x137: {  	[tilespmem:$0xD210] =	vst v2  }
0x138: {  	v2 =	vld [tilespmem:s12+$0x2910];
	_ =	sdelay $0x4  }
0x139: {  	[tilespmem:$0xD290] =	vst v2  }
0x13a: {  	v2 =	vld [tilespmem:s12+$0x120];
	_ =	sdelay $0x4  }
0x13b: {  	v2 =	vadd.s32 v1, v2  }
0x13c: {  	[tilespmem:$0xD220] =	vst v2  }
0x13d: {  	v2 =	vld [tilespmem:s12+$0x2920];
	_ =	sdelay $0x4  }
0x13e: {  	[tilespmem:$0xD2A0] =	vst v2  }
0x13f: {  	v2 =	vld [tilespmem:s12+$0x130];
	_ =	sdelay $0x4  }
0x140: {  	v2 =	vadd.s32 v1, v2  }
0x141: {  	[tilespmem:$0xD230] =	vst v2  }
0x142: {  	v2 =	vld [tilespmem:s12+$0x2930];
	_ =	sdelay $0x4  }
0x143: {  	[tilespmem:$0xD2B0] =	vst v2  }
0x144: {  	v2 =	vld [tilespmem:s12+$0x140];
	_ =	sdelay $0x4  }
0x145: {  	v2 =	vadd.s32 v1, v2  }
0x146: {  	[tilespmem:$0xD240] =	vst v2  }
0x147: {  	v2 =	vld [tilespmem:s12+$0x2940];
	_ =	sdelay $0x4  }
0x148: {  	[tilespmem:$0xD2C0] =	vst v2  }
0x149: {  	v2 =	vld [tilespmem:s12+$0x150];
	_ =	sdelay $0x4  }
0x14a: {  	v2 =	vadd.s32 v1, v2  }
0x14b: {  	[tilespmem:$0xD250] =	vst v2  }
0x14c: {  	v2 =	vld [tilespmem:s12+$0x2950];
	_ =	sdelay $0x4  }
0x14d: {  	[tilespmem:$0xD2D0] =	vst v2  }
0x14e: {  	v2 =	vld [tilespmem:s12+$0x160];
	_ =	sdelay $0x4  }
0x14f: {  	v2 =	vadd.s32 v1, v2  }
0x150: {  	[tilespmem:$0xD260] =	vst v2  }
0x151: {  	v2 =	vld [tilespmem:s12+$0x2960];
	_ =	sdelay $0x4  }
0x152: {  	[tilespmem:$0xD2E0] =	vst v2  }
0x153: {  	v2 =	vld [tilespmem:s12+$0x170];
	_ =	sdelay $0x4  }
0x154: {  	v2 =	vadd.s32 v1, v2  }
0x155: {  	[tilespmem:$0xD270] =	vst v2  }
0x156: {  	v2 =	vld [tilespmem:s12+$0x2970];
	_ =	sdelay $0x4  }
0x157: {  	[tilespmem:$0xD2F0] =	vst v2  }
0x158: {  	[tilespmem:s24], [sflag:$0x5] =	stream.indirect.gather [hbm4b:s5+s15], $0x80, s23, s15, $0xb8;
	[tilespmem:$0x1B300] =	vst v63  }
0x159: {  	_ =	swait.ge [sflag:s25], $0x4000  }
0x15a: {  	[sflag:s25] =	ssyncset.done $0x0  }
0x15b: {  	[sflag:s25] =	ssyncadd.s32 $0xFFFFC000  }
0x15c: {  	[spmem:s3] =	stream.indirect.scatter.add.f32 [tilespmem:s19], [sflag:$0x4], $0x80, s26, s15, $0xb8;
	[tilespmem:$0x1B300] =	vst v63  }
0x15d: {  	_ =	swait.ge [sflag:s28], $0x4000  }
0x15e: {  	[sflag:s28] =	ssyncset.done $0x0  }
0x15f: {  	[sflag:s28] =	ssyncadd.s32 $0xFFFFC000  }
0x160: {  	v2 =	vld [tilespmem:s12+$0x180];
	_ =	sdelay $0x4  }
0x161: {  	v2 =	vadd.s32 v1, v2  }
0x162: {  	[tilespmem:$0x5000] =	vst v2  }
0x163: {  	v2 =	vld [tilespmem:s12+$0x2980];
	_ =	sdelay $0x4  }
0x164: {  	[tilespmem:$0x5080] =	vst v2  }
0x165: {  	v2 =	vld [tilespmem:s12+$0x190];
	_ =	sdelay $0x4  }
0x166: {  	v2 =	vadd.s32 v1, v2  }
0x167: {  	[tilespmem:$0x5010] =	vst v2  }
0x168: {  	v2 =	vld [tilespmem:s12+$0x2990];
	_ =	sdelay $0x4  }
0x169: {  	[tilespmem:$0x5090] =	vst v2  }
0x16a: {  	v2 =	vld [tilespmem:s12+$0x1A0];
	_ =	sdelay $0x4  }
0x16b: {  	v2 =	vadd.s32 v1, v2  }
0x16c: {  	[tilespmem:$0x5020] =	vst v2  }
0x16d: {  	v2 =	vld [tilespmem:s12+$0x29A0];
	_ =	sdelay $0x4  }
0x16e: {  	[tilespmem:$0x50A0] =	vst v2  }
0x16f: {  	v2 =	vld [tilespmem:s12+$0x1B0];
	_ =	sdelay $0x4  }
0x170: {  	v2 =	vadd.s32 v1, v2  }
0x171: {  	[tilespmem:$0x5030] =	vst v2  }
0x172: {  	v2 =	vld [tilespmem:s12+$0x29B0];
	_ =	sdelay $0x4  }
0x173: {  	[tilespmem:$0x50B0] =	vst v2  }
0x174: {  	v2 =	vld [tilespmem:s12+$0x1C0];
	_ =	sdelay $0x4  }
0x175: {  	v2 =	vadd.s32 v1, v2  }
0x176: {  	[tilespmem:$0x5040] =	vst v2  }
0x177: {  	v2 =	vld [tilespmem:s12+$0x29C0];
	_ =	sdelay $0x4  }
0x178: {  	[tilespmem:$0x50C0] =	vst v2  }
0x179: {  	v2 =	vld [tilespmem:s12+$0x1D0];
	_ =	sdelay $0x4  }
0x17a: {  	v2 =	vadd.s32 v1, v2  }
0x17b: {  	[tilespmem:$0x5050] =	vst v2  }
0x17c: {  	v2 =	vld [tilespmem:s12+$0x29D0];
	_ =	sdelay $0x4  }
0x17d: {  	[tilespmem:$0x50D0] =	vst v2  }
0x17e: {  	v2 =	vld [tilespmem:s12+$0x1E0];
	_ =	sdelay $0x4  }
0x17f: {  	v2 =	vadd.s32 v1, v2  }
0x180: {  	[tilespmem:$0x5060] =	vst v2  }
0x181: {  	v2 =	vld [tilespmem:s12+$0x29E0];
	_ =	sdelay $0x4  }
0x182: {  	[tilespmem:$0x50E0] =	vst v2  }
0x183: {  	v2 =	vld [tilespmem:s12+$0x1F0];
	_ =	sdelay $0x4  }
0x184: {  	v2 =	vadd.s32 v1, v2  }
0x185: {  	[tilespmem:$0x5070] =	vst v2  }
0x186: {  	v2 =	vld [tilespmem:s12+$0x29F0];
	_ =	sdelay $0x4  }
0x187: {  	[tilespmem:$0x50F0] =	vst v2  }
0x188: {  	[tilespmem:s17], [sflag:$0x1] =	stream.indirect.gather [hbm4b:s5+s15], $0x80, s16, s15, $0xb8;
	[tilespmem:$0x1B300] =	vst v63  }
0x189: {  	_ =	swait.ge [sflag:s29], $0x4000  }
0x18a: {  	[sflag:s29] =	ssyncset.done $0x0  }
0x18b: {  	[sflag:s29] =	ssyncadd.s32 $0xFFFFC000  }
0x18c: {  	[spmem:s3] =	stream.indirect.scatter.add.f32 [tilespmem:s24], [sflag:$0x6], $0x80, s30, s15, $0xb8;
	[tilespmem:$0x1B300] =	vst v63  }
0x18d: {  	_ =	swait.ge [sflag:s31], $0x4000  }
0x18e: {  	[sflag:s31] =	ssyncset.done $0x0  }
0x18f: {  	[sflag:s31] =	ssyncadd.s32 $0xFFFFC000  }
0x190: {  	v2 =	vld [tilespmem:s12+$0x200];
	_ =	sdelay $0x4  }
0x191: {  	v2 =	vadd.s32 v1, v2  }
0x192: {  	[tilespmem:$0x9100] =	vst v2  }
0x193: {  	v2 =	vld [tilespmem:s12+$0x2A00];
	_ =	sdelay $0x4  }
0x194: {  	[tilespmem:$0x9180] =	vst v2  }
0x195: {  	v2 =	vld [tilespmem:s12+$0x210];
	_ =	sdelay $0x4  }
0x196: {  	v2 =	vadd.s32 v1, v2  }
0x197: {  	[tilespmem:$0x9110] =	vst v2  }
0x198: {  	v2 =	vld [tilespmem:s12+$0x2A10];
	_ =	sdelay $0x4  }
0x199: {  	[tilespmem:$0x9190] =	vst v2  }
0x19a: {  	v2 =	vld [tilespmem:s12+$0x220];
	_ =	sdelay $0x4  }
0x19b: {  	v2 =	vadd.s32 v1, v2  }
0x19c: {  	[tilespmem:$0x9120] =	vst v2  }
0x19d: {  	v2 =	vld [tilespmem:s12+$0x2A20];
	_ =	sdelay $0x4  }
0x19e: {  	[tilespmem:$0x91A0] =	vst v2  }
0x19f: {  	v2 =	vld [tilespmem:s12+$0x230];
	_ =	sdelay $0x4  }
0x1a0: {  	v2 =	vadd.s32 v1, v2  }
0x1a1: {  	[tilespmem:$0x9130] =	vst v2  }
0x1a2: {  	v2 =	vld [tilespmem:s12+$0x2A30];
	_ =	sdelay $0x4  }
0x1a3: {  	[tilespmem:$0x91B0] =	vst v2  }
0x1a4: {  	v2 =	vld [tilespmem:s12+$0x240];
	_ =	sdelay $0x4  }
0x1a5: {  	v2 =	vadd.s32 v1, v2  }
0x1a6: {  	[tilespmem:$0x9140] =	vst v2  }
0x1a7: {  	v2 =	vld [tilespmem:s12+$0x2A40];
	_ =	sdelay $0x4  }
0x1a8: {  	[tilespmem:$0x91C0] =	vst v2  }
0x1a9: {  	v2 =	vld [tilespmem:s12+$0x250];
	_ =	sdelay $0x4  }
0x1aa: {  	v2 =	vadd.s32 v1, v2  }
0x1ab: {  	[tilespmem:$0x9150] =	vst v2  }
0x1ac: {  	v2 =	vld [tilespmem:s12+$0x2A50];
	_ =	sdelay $0x4  }
0x1ad: {  	[tilespmem:$0x91D0] =	vst v2  }
0x1ae: {  	v2 =	vld [tilespmem:s12+$0x260];
	_ =	sdelay $0x4  }
0x1af: {  	v2 =	vadd.s32 v1, v2  }
0x1b0: {  	[tilespmem:$0x9160] =	vst v2  }
0x1b1: {  	v2 =	vld [tilespmem:s12+$0x2A60];
	_ =	sdelay $0x4  }
0x1b2: {  	[tilespmem:$0x91E0] =	vst v2  }
0x1b3: {  	v2 =	vld [tilespmem:s12+$0x270];
	_ =	sdelay $0x4  }
0x1b4: {  	v2 =	vadd.s32 v1, v2  }
0x1b5: {  	[tilespmem:$0x9170] =	vst v2  }
0x1b6: {  	v2 =	vld [tilespmem:s12+$0x2A70]  }
0x1b7: {  	p0 =	sne.s32 s2, $0x9600  }
.Ltmp1:
0x1b8: {  	_ = 	snop;
	(pc) =	sbr.rel @p0 .LBB2_4-.Ltmp1, $3  }
0x1b9: {  	_ =	sdelay $0x1  }
0x1ba: {  	s2 =	sadd.s32 $0x600, s2;
	[tilespmem:$0x91F0] =	vst v2  }
0x1bb: {  	[tilespmem:s19], [sflag:$0x3] =	stream.indirect.gather [hbm4b:s5+s15], $0x80, s18, s15, $0xb8;
	[tilespmem:$0x1B300] =	vst v63  }
0x1bc: {  	_ =	swait.ge [sflag:s20], $0x4000  }
0x1bd: {  	[sflag:s20] =	ssyncset.done $0x0  }
0x1be: {  	[sflag:s20] =	ssyncadd.s32 $0xFFFFC000  }
0x1bf: {  	[spmem:s3] =	stream.indirect.scatter.add.f32 [tilespmem:s17], [sflag:$0x2], $0x80, s21, s15, $0xb8;
	[tilespmem:$0x1B300] =	vst v63  }
0x1c0: {  	_ =	swait.ge [sflag:s22], $0x4000  }
0x1c1: {  	[sflag:s22] =	ssyncset.done $0x0  }
0x1c2: {  	[sflag:s22] =	ssyncadd.s32 $0xFFFFC000  }
0x1c3: {  	_ =	swait.ge [sflag:s25], $0x4000  }
0x1c4: {  	[sflag:s25] =	ssyncset.done $0x0  }
0x1c5: {  	[sflag:s25] =	ssyncadd.s32 $0xFFFFC000  }
0x1c6: {  	[spmem:s3] =	stream.indirect.scatter.add.f32 [tilespmem:s19], [sflag:$0x4], $0x80, s26, s15, $0xb8;
	[tilespmem:$0x1B300] =	vst v63  }
0x1c7: {  	_ =	swait.ge [sflag:s28], $0x4000  }
0x1c8: {  	s0 =	sadd.s32 $0x1, s0;
	[sflag:s28] =	ssyncset.done $0x0  }
0x1c9: {  	p0 =	sne.s32 s0, s10;
	[sflag:s28] =	ssyncadd.s32 $0xFFFFC000  }
.Ltmp2:
0x1ca: {  	[bflag:$0x0] =	sbarrier.arrive $0xFFFF;
	(pc) =	sbr.rel @p0 .LBB2_1-.Ltmp2, $4  }
0x1cb: {  	[hbm:s9], [sflag:s13] =	dma.local [spmem:s14], $0x1400  }
0x1cc: {  	_ =	swait.ge [sflag:s11], $0x1400  }
0x1cd: {  	[sflag:s11] =	ssyncset.done $0x0  }
0x1ce: {  	[sflag:s11] =	ssyncadd.s32 $0xFFFFEC00  }
0x1cf: {  	_ =	sfence.sel $0x180000  }
0x1d0: {  	[bflag:$0x0] =	sbarrier.arrive $0xFFFF  }
0x1d1: {  	_ =	strace $0x90000053  }
0x1d2: {  	s0 =	stileid.u32;
	[bflag:$0x2] =	sbarrier.arrive $0xFFFF  }
0x1d3: {  	p0 =	sne.s32 s0, $0x0;
	s0 =	rddreg [dreg:$0x3]  }
0x1d4: {  	s0 =	sadd.s32 @!p0 $0x100000, s0  }
0x1d5: {  	[sflag:s0] =	ssyncadd.tile.s32 @!p0 $0x1;
	_ =	shalt  }
.Lfunc_end2:
_tile_overlayer_lowered:
.L_overlay_start_2:
0x1d6: {  	(tag) =	ssettag $0x2  }
0x1d7: {  	s0 =	rddreg [dreg:$0x0];
	s2 =	stileid.u32  }
0x1d8: {  	s1 =	rddreg [dreg:$0x1];
	p0 =	sne.s32 s2, $0x0  }
0x1d9: {  	s3 =	rddreg [dreg:$0x2];
	[bflag:$0x3] =	sbarrier.arrive $0xFFFF;
	s2 =	simm.s32 @!p0 $0x1C07  }
0x1da: {  	[timem:s3], [sflag:s2] =	dma.local @!p0 [hbm:s0], s1  }
0x1db: {  	s0 =	simm.s32 @!p0 $0x7  }
0x1dc: {  	_ =	swait.ge @!p0 [sflag:s0], s1  }
0x1dd: {  	s1 =	ssub.s32 @!p0 $0x0, s1;
	[sflag:s0] =	ssyncset.done @!p0 $0x0  }
0x1de: {  	[sflag:s0] =	ssyncadd.s32 @!p0 s1  }
0x1df: {  	[bflag:$0x3] =	sbarrier.arrive $0xFFFF  }
0x1e0: {  	_ =	shalt  }

// kernel: kernel.31.cloned.1.call-start
scs
__scs_entry_jumppad:
0x0: {  	(pc) =	sbr.rel $0x88, $3  }
0x1: {  	(tag) =	ssettag $0x0;
	lr =	simm.s32 $0x1  }
0x2: {  	[smem:$0x3F9C] =	sst lr;
	_ =	strace $0xD0000000  }
0x3: {  	_ = 	snop  }
0x4: {  	_ = 	snop  }
0x5: {  	_ = 	snop  }
0x6: {  	_ = 	snop  }
0x7: {  	_ = 	snop  }
__scs_overlays_trampoline_lowered:
0x8: {  	[smem:$0x3FAB] =	sst s0  }
0x9: {  	[smem:$0x3FAC] =	sst s1  }
0xa: {  	[smem:$0x3FAD] =	sst s2  }
0xb: {  	[smem:$0x3FAE] =	sst s3  }
0xc: {  	[smem:$0x3FAF] =	sst s4  }
0xd: {  	[smem:$0x3FB0] =	sst s5  }
0xe: {  	[smem:$0x3FB1] =	sst s6  }
0xf: {  	[smem:$0x3FB2] =	sst s7  }
0x10: {  	[smem:$0x3FB3] =	sst s8  }
0x11: {  	[smem:$0x3FB4] =	sst s9;
	s0 =	simm.s32 @!p0 $0x0  }
0x12: {  	s1 =	sld [smem:$0x3F9A];
	s0 =	simm.s32 @p0 $0x1  }
0x13: {  	[smem:$0x3FB5] =	sst s0;
	s0 =	simm.s32 @!p1 $0x0  }
0x14: {  	s2 =	sld [smem:$0x3F99];
	s0 =	simm.s32 @p1 $0x1  }
0x15: {  	[smem:$0x3FB6] =	sst s0;
	s0 =	simm.s32 @!p2 $0x0  }
0x16: {  	s3 =	sld [smem:$0x3FDB];
	s0 =	simm.s32 @p2 $0x1  }
0x17: {  	s4 =	simm.s32 $0x1BF5;
	[smem:$0x3FB8] =	sst s0  }
0x18: {  	s0 =	sld [smem:$0x3F9B];
	_ =	swait.ge [sflag:s4], $0x0  }
0x19: {  	s7 =	sld [smem:$0x3F9C]  }
0x1a: {  	s8 =	sadd.s32 $0xFFFFE003, lr  }
0x1b: {  	s9 =	sadd.s32 $0xFFFFFEF7, lr;
	s5 =	simm.s32 $0xFFFFFFFF;
	p2 =	slt.u32 s8, $0xFFFFF086  }
0x1c: {  	p1 =	slt.u32 s9, $0xF7A;
	s5 =	simm.s32 @!p2 $0x0  }
0x1d: {  	s5 =	simm.s32 @p1 $0x1;
	p0 =	seq.s32 s7, s2  }
0x1e: {  	s7 =	smul.u32 @!p0 $0xF7A, s2;
	p2 =	seq.s32 @!p0 s5, $0x0  }
0x1f: {  	s9 =	smul.u32 $0xF7A, s1;
	s8 =	simm.s32 @!p0 $0x1BF5;
	p2 =	por !p2, p0  }
0x20: {  	[sflag:s8] =	ssyncset.s32 @!p0 $0xFFFFF086;
	s6 =	sadd.s32 @!p0 s3, s7;
	s7 =	simm.s32 @!p0 $0x108  }
0x21: {  	s3 =	sadd.s32 s3, s9;
	s6 =	sadd.s32 @!p0 $0x88, s6;
	s7 =	simm.s32 @p2 $0x1082  }
0x22: {  	[simem:s7], [sflag:s8] =	dma.local @!p0 [hbm:s6], $0xF7A  }
0x23: {  	s9 =	sor.u32 $0xD0000000, s2;
	s6 =	simm.s32 $0x108;
	_ =	swait.ge @!p0 [sflag:s8], $0x0  }
0x24: {  	s3 =	sadd.s32 $0x88, s3;
	s6 =	simm.s32 @!p1 $0x1082;
	[sflag:s4] =	ssyncset.s32 $0xFFFFF086  }
0x25: {  	[simem:s6], [sflag:s4] =	dma.local [hbm:s3], $0xF7A  }
0x26: {  	[smem:$0x3F9C] =	sst s1;
	(tag) =	ssettag s2;
	_ =	strace s9  }
0x27: {  	s1 =	sld [smem:$0x3FAC]  }
0x28: {  	s2 =	sld [smem:$0x3FAD]  }
0x29: {  	s4 =	sld [smem:$0x3FAF]  }
0x2a: {  	p0 =	seq.s32 s5, $0x0;
	s5 =	sld [smem:$0x3FB0]  }
0x2b: {  	s6 =	sld [smem:$0x3FB1]  }
0x2c: {  	s7 =	sld [smem:$0x3FB2]  }
0x2d: {  	s3 =	simm.s32 $0x108;
	s8 =	sld [smem:$0x3FB3]  }
0x2e: {  	s3 =	simm.s32 @!p0 $0x1082;
	s9 =	sld [smem:$0x3FB4]  }
0x2f: {  	lr =	sadd.s32 s0, s3;
	s0 =	sld [smem:$0x3FAB]  }
0x30: {  	s3 =	sld [smem:$0x3FAE]  }
0x31: {  	[smem:$0x3FB7] =	sst s10  }
0x32: {  	s10 =	sld [smem:$0x3FB5];
	_ =	sdelay $0x3  }
0x33: {  	p0 =	seq.s32 s10, $0x1;
	s10 =	sld [smem:$0x3FB7];
	_ =	sdelay $0x3  }
0x34: {  	[smem:$0x3FB7] =	sst s10  }
0x35: {  	s10 =	sld [smem:$0x3FB6];
	_ =	sdelay $0x3  }
0x36: {  	p1 =	seq.s32 s10, $0x1;
	s10 =	sld [smem:$0x3FB7];
	_ =	sdelay $0x3  }
0x37: {  	[smem:$0x3FB7] =	sst s10  }
0x38: {  	s10 =	sld [smem:$0x3FB8]  }
0x39: {  	_ = 	snop;
	(pc) =	sbr.ind lr, $3  }
0x3a: {  	_ = 	snop  }
0x3b: {  	_ = 	snop  }
0x3c: {  	p2 =	seq.s32 s10, $0x1;
	s10 =	sld [smem:$0x3FB7]  }
0x3d: {  	_ =	shalt  }
0x3e: {  	_ =	shalt  }
0x3f: {  	_ =	shalt  }
0x40: {  	_ =	shalt  }
0x41: {  	_ =	shalt  }
0x42: {  	_ =	shalt  }
0x43: {  	_ =	shalt  }
0x44: {  	_ =	shalt  }
0x45: {  	_ =	shalt  }
0x46: {  	_ =	shalt  }
0x47: {  	_ =	shalt  }
0x48: {  	_ =	shalt  }
0x49: {  	_ =	shalt  }
0x4a: {  	_ =	shalt  }
0x4b: {  	_ =	shalt  }
0x4c: {  	_ =	shalt  }
0x4d: {  	_ =	shalt  }
0x4e: {  	_ =	shalt  }
0x4f: {  	_ =	shalt  }
0x50: {  	_ =	shalt  }
0x51: {  	_ =	shalt  }
0x52: {  	_ =	shalt  }
0x53: {  	_ =	shalt  }
0x54: {  	_ =	shalt  }
0x55: {  	_ =	shalt  }
0x56: {  	_ =	shalt  }
0x57: {  	_ =	shalt  }
0x58: {  	_ =	shalt  }
0x59: {  	_ =	shalt  }
0x5a: {  	_ =	shalt  }
0x5b: {  	_ =	shalt  }
0x5c: {  	_ =	shalt  }
0x5d: {  	_ =	shalt  }
0x5e: {  	_ =	shalt  }
0x5f: {  	_ =	shalt  }
0x60: {  	_ =	shalt  }
0x61: {  	_ =	shalt  }
0x62: {  	_ =	shalt  }
0x63: {  	_ =	shalt  }
0x64: {  	_ =	shalt  }
0x65: {  	_ =	shalt  }
0x66: {  	_ =	shalt  }
0x67: {  	_ =	shalt  }
0x68: {  	_ =	shalt  }
0x69: {  	_ =	shalt  }
0x6a: {  	_ =	shalt  }
0x6b: {  	_ =	shalt  }
0x6c: {  	_ =	shalt  }
0x6d: {  	_ =	shalt  }
0x6e: {  	_ =	shalt  }
0x6f: {  	_ =	shalt  }
0x70: {  	_ =	shalt  }
0x71: {  	_ =	shalt  }
0x72: {  	_ =	shalt  }
0x73: {  	_ =	shalt  }
0x74: {  	_ =	shalt  }
0x75: {  	_ =	shalt  }
0x76: {  	_ =	shalt  }
0x77: {  	_ =	shalt  }
0x78: {  	_ =	shalt  }
0x79: {  	_ =	shalt  }
0x7a: {  	_ =	shalt  }
0x7b: {  	_ =	shalt  }
0x7c: {  	_ =	shalt  }
0x7d: {  	_ =	shalt  }
0x7e: {  	_ =	shalt  }
0x7f: {  	_ =	shalt  }
0x80: {  	_ =	shalt  }
0x81: {  	_ =	shalt  }
0x82: {  	_ =	shalt  }
0x83: {  	_ =	shalt  }
0x84: {  	_ =	shalt  }
0x85: {  	_ =	shalt  }
0x86: {  	_ =	shalt  }
0x87: {  	_ =	shalt  }
.Lfunc_end0:
.L_simem_size_0:
called_computation.5_lowered:
.L_overlay_start_0:
0x88: {  	s2 =	sld [smem:$0x3FD9]  }
0x89: {  	s3 =	sld [smem:$0x3FFE];
	_ =	sdelay $0x1  }
0x8a: {  	s1 =	srdreg.scid  }
0x8b: {  	s0 =	sand.u32 $0x1, s1  }
0x8c: {  	s17 =	sshll.u32 s0, $0xA;
	s2 =	sadd.s32 s3, s2  }
0x8d: {  	s2 =	sadd.s32 s2, s17  }
0x8e: {  	[smem:$0x3FC3] =	sst s2  }
0x8f: {  	_ = 	snop  }
0x90: {  	s2 =	sld [smem:$0x3FD0];
	(tm) =	ssettm $0x1  }
0x91: {  	s18 =	sld [smem:$0x3FFB];
	_ =	sdelay $0x3  }
0x92: {  	_ =	strace s18  }
0x93: {  	s3 =	sld [smem:$0x3FFC];
	_ =	sdelay $0x3  }
0x94: {  	_ =	strace s3  }
0x95: {  	s3 =	sld [smem:$0x3FFD];
	_ =	sdelay $0x3  }
0x96: {  	_ =	strace s3  }
0x97: {  	_ =	strace $0x8FFFFFFF  }
0x98: {  	s19 =	sld [smem:$0x3FDB];
	_ =	sdelay $0x1  }
0x99: {  	s4 =	simm.s32 $_scs_section_size  }
0x9a: {  	s5 =	simm.s32 $_size__tile_overlayer_lowered;
	s6 =	simm.s32 $_tile_overlayer_lowered  }
0x9b: {  	s22 =	simm.s32 $0x1BFF;
	s21 =	sshll.u32 s6, $0x1;
	s3 =	sadd.s32 s4, s19  }
0x9c: {  	s7 =	simm.s32 $0x0;
	s20 =	sshll.u32 s5, $0x1;
	s5 =	sadd.s32 s21, s3  }
0x9d: {  	[timem:s7], [sflag:s22] =	dma.local [hbm:s5], s20  }
0x9e: {  	_ =	swait.ge [sflag:s22], s20  }
0x9f: {  	s4 =	ssub.s32 $0x0, s20;
	[sflag:s22] =	ssyncset.done $0x0  }
0xa0: {  	[sflag:s22] =	ssyncadd.s32 s4;
	_ =	sdelay $0x1  }
0xa1: {  	s23 =	simm.s32 $0x1B8B  }
0xa2: {  	_ =	swait.ge [sflag:s23], $0x1  }
0xa3: {  	[sflag:s23] =	ssyncset.done $0x0  }
0xa4: {  	s25 =	simm.s32 $0x1B8E;
	s24 =	sld [smem:$0x3FFE];
	[sflag:s23] =	ssyncadd.s32 $0xFFFFFFFF  }
0xa5: {  	s26 =	simm.s32 $execute0_lowered;
	[smem:$0x3FD2] =	sst s25  }
0xa6: {  	s5 =	sshll.u32 s26, $0x1;
	_ =	strace $0x80000055;
	[dreg:$0x1] =	wrdreg $0xFFFFFFFF  }
0xa7: {  	s28 =	simm.s32 $_size_execute0_lowered;
	s3 =	sadd.s32 s3, s5;
	[dreg:$0x0] =	wrdreg $0x0  }
0xa8: {  	s5 =	sshll.u32 s28, $0x1;
	[dreg:$0x2] =	wrdreg s3  }
0xa9: {  	[dreg:$0x3] =	wrdreg s5  }
0xaa: {  	[dreg:$0x4] =	wrdreg $0xC0  }
0xab: {  	_ =	task [dreg:s7], $0x5FFFF  }
0xac: {  	[dreg:$0x1] =	wrdreg $0xFFFFFFFF  }
0xad: {  	[dreg:$0x0] =	wrdreg $0x60  }
0xae: {  	[dreg:$0x2] =	wrdreg s24  }
0xaf: {  	[dreg:$0x3] =	wrdreg s2  }
0xb0: {  	[dreg:$0x4] =	wrdreg $0xA2000  }
0xb1: {  	[dreg:$0x5] =	wrdreg $0x9  }
0xb2: {  	_ =	task.clear_ibuf [dreg:s7], $0x6FFFF;
	_ =	strace $0x90000055  }
0xb3: {  	s29 =	simm.s32 $0x9;
	_ =	strace $0x80000057  }
0xb4: {  	_ =	swait.ge [sflag:s29], $0x1  }
0xb5: {  	[sflag:s29] =	ssyncadd.s32 $0xFFFFFFFF  }
0xb6: {  	_ =	strace $0x90000057  }
0xb7: {  	_ =	sfence  }
0xb8: {  	s30 =	sld [smem:$0x0];
	_ =	sdelay $0x2  }
0xb9: {  	s31 =	sshll.u32 s1, $0xD;
	s1 =	sshrl.u32 s1, $0x2  }
0xba: {  	s3 =	sand.u32 $0x4000, s31;
	s1 =	sadd.s32 s1, s30  }
0xbb: {  	s0 =	sor.u32 s3, s0;
	s1 =	sshll.u32 s1, $0x11  }
0xbc: {  	s0 =	sor.u32 s1, s0  }
0xbd: {  	s0 =	sadd.s32 $0x8F2B, s0  }
0xbe: {  	[sflag:s0] =	ssyncadd.remote.s32 $0x1  }
0xbf: {  	_ =	sfence.sel $0xFFFF  }
0xc0: {  	[dreg:$0x0] =	wrdreg $0xFFFFFFFF;
	(pc) =	sbr.abs _section_cstart, $3  }
0xc1: {  	[dreg:$0x1] =	wrdreg $0xFFFFFFFF  }
0xc2: {  	_ =	task.clear_ibuf [dreg:s7], $0x2FFFF;
	_ =	strace $0x9FFFFFFF  }
0xc3: {  	(tm) =	ssettm $0x7FFFFFFF  }
tec
execute0_lowered:
.L_overlay_start_1:
0x0: {  	(tag) =	ssettag $0x1  }
0x1: {  	s6 =	rddreg [dreg:$0x0]  }
0x2: {  	s1 =	rddreg [dreg:$0x1]  }
0x3: {  	s3 =	rddreg [dreg:$0x2]  }
0x4: {  	s0 =	rddreg [dreg:$0x3]  }
0x5: {  	s4 =	simm.s32 $0x0;
	s2 =	stileid.u32;
	s8 =	srdreg.scid  }
0x6: {  	s17 =	simm.s32 $0x5100;
	s18 =	simm.s32 $0x7900;
	s19 =	simm.s32 $0x7A00  }
0x7: {  	s20 =	simm.s32 $0x1;
	s21 =	simm.s32 $0x5080;
	s22 =	simm.s32 $0x2  }
0x8: {  	s23 =	simm.s32 $0x3;
	[smem:$0x7FF] =	sst s4;
	s7 =	smul.u32 $0x500, s2  }
0x9: {  	s5 =	sadd.s32 $0xAE800, s6;
	s8 =	sand.u32 $0x1, s8;
	s9 =	smul.u32 $0x50000, s2  }
0xa: {  	s11 =	smul.u32 $0x14000, s2;
	s15 =	sadd.s32 $0xFE800, s6;
	s31 =	sshll.u32 s2, $0x6  }
0xb: {  	_ =	strace $0x80000056;
	s10 =	ssub.s32 $0x2, s8;
	s13 =	smul.u32 $0x140000, s8  }
0xc: {  	s14 =	sor.u32 $0x2, s8;
	s24 =	smul.u32 $0x1400, s8;
	s7 =	sadd.s32 s7, s6  }
0xd: {  	s12 =	sshrl.u32 s10, $0x1;
	s25 =	smul.u32 $0x140000, s14;
	s26 =	sshrl.u32 s9, $0x2  }
0xe: {  	s10 =	ssub.s32 s10, s12;
	s6 =	sadd.s32 $0x9800, s7;
	s7 =	sadd.s32 $0x4800, s7  }
0xf: {  	s28 =	sadd.s32 s11, s13;
	s16 =	sadd.s32 s26, s3;
	s12 =	simm.s32 $0x2800  }
0x10: {  	s13 =	sor.u32 $0x1C05, s31;
	v0 =	vmov s24;
	s24 =	simm.s32 $0x7980;
	s26 =	simm.s32 $0x0  }
0x11: {  	s11 =	sadd.s32 s11, s25;
	s29 =	sshrl.u32 s28, $0x3;
	s25 =	smul.u32 $0x1400, s14  }
0x12: {  	s10 =	smax.u32 s10, $0x1;
	s14 =	sshrl.u32 s16, $0x3;
	s16 =	simm.s32 $0x5000  }
0x13: {  	s30 =	sshrl.u32 s11, $0x3;
	s8 =	sadd.s32 s15, s29;
	s11 =	simm.s32 $0x5  }
0x14: {  	s9 =	sadd.s32 s15, s30;
	s15 =	simm.s32 $0x50;
	v1 =	vmov s25;
	s25 =	simm.s32 $0x4  }
.LBB2_1:
0x15: {  	[tilespmem:s4], [sflag:$0x5] =	stream.linear.gather [hbm4b:s6+s4], $0x2800, $0x38;
	[tilespmem:$0x1E200] =	vst v63  }
0x16: {  	_ =	swait.ge [sflag:s11], $0x2800  }
0x17: {  	[sflag:s11] =	ssyncset.done $0x0  }
0x18: {  	[sflag:s11] =	ssyncadd.s32 $0xFFFFD800  }
0x19: {  	[tilespmem:s12], [sflag:$0x5] =	stream.linear.gather [hbm4b:s7+s4], $0x2800, $0x38;
	[tilespmem:$0x1E200] =	vst v63  }
0x1a: {  	_ =	swait.ge [sflag:s11], $0x2800  }
0x1b: {  	[sflag:s11] =	ssyncset.done $0x0  }
0x1c: {  	[sflag:s11] =	ssyncadd.s32 $0xFFFFD800  }
0x1d: {  	[spmem:s14], [sflag:s13] =	dma.local [hbm:s1], $0x2800  }
0x1e: {  	_ =	swait.ge [sflag:s11], $0x2800  }
0x1f: {  	[sflag:s11] =	ssyncset.done $0x0  }
0x20: {  	[sflag:s11] =	ssyncadd.s32 $0xFFFFD800  }
0x21: {  	[bflag:$0x0] =	sbarrier.arrive $0xFFFF  }
0x22: {  	v2 =	vld [tilespmem:$0x0]  }
0x23: {  	v3 =	vld [tilespmem:$0x2800]  }
0x24: {  	v5 =	vld [tilespmem:$0x2810]  }
0x25: {  	v4 =	vld [tilespmem:$0x10]  }
0x26: {  	v6 =	vld [tilespmem:$0x20]  }
0x27: {  	v7 =	vld [tilespmem:$0x2820]  }
0x28: {  	v54 =	vld [tilespmem:$0x2830];
	[tilespmem:$0x5080] =	vst v3  }
0x29: {  	v56 =	vld [tilespmem:$0x2840];
	v2 =	vadd.s32 v0, v2;
	[tilespmem:$0x5090] =	vst v5  }
0x2a: {  	v3 =	vadd.s32 v0, v4;
	[tilespmem:$0x5000] =	vst v2;
	v2 =	vld [tilespmem:$0x30]  }
0x2b: {  	[tilespmem:$0x5010] =	vst v3;
	v3 =	vld [tilespmem:$0x40]  }
0x2c: {  	[tilespmem:$0x50A0] =	vst v7  }
0x2d: {  	[tilespmem:$0x50B0] =	vst v54  }
0x2e: {  	v55 =	vadd.s32 v0, v6;
	[tilespmem:$0x50C0] =	vst v56  }
0x2f: {  	[tilespmem:$0x5020] =	vst v55;
	v2 =	vadd.s32 v0, v2  }
0x30: {  	[tilespmem:$0x5030] =	vst v2;
	v2 =	vadd.s32 v0, v3  }
0x31: {  	[tilespmem:$0x5040] =	vst v2  }
0x32: {  	[tilespmem:s17], [sflag:$0x1] =	stream.indirect.gather [hbm4b:s5+s15], $0x80, s16, s15, $0xb8;
	[tilespmem:$0x1E200] =	vst v63  }
0x33: {  	v2 =	vld [tilespmem:$0x50]  }
0x34: {  	v3 =	vld [tilespmem:$0x2850]  }
0x35: {  	v58 =	vld [tilespmem:$0x2860]  }
0x36: {  	v57 =	vld [tilespmem:$0x60]  }
0x37: {  	v59 =	vld [tilespmem:$0x70]  }
0x38: {  	v60 =	vld [tilespmem:$0x2870]  }
0x39: {  	v61 =	vld [tilespmem:$0x2880];
	[tilespmem:$0x7980] =	vst v3  }
0x3a: {  	v63 =	vld [tilespmem:$0x2890];
	v2 =	vadd.s32 v0, v2;
	[tilespmem:$0x7990] =	vst v58  }
0x3b: {  	v3 =	vadd.s32 v0, v57;
	[tilespmem:$0x7900] =	vst v2;
	v2 =	vld [tilespmem:$0x80]  }
0x3c: {  	[tilespmem:$0x7910] =	vst v3;
	v3 =	vld [tilespmem:$0x90]  }
0x3d: {  	[tilespmem:$0x79A0] =	vst v60  }
0x3e: {  	[tilespmem:$0x79B0] =	vst v61  }
0x3f: {  	v62 =	vadd.s32 v0, v59;
	[tilespmem:$0x79C0] =	vst v63  }
0x40: {  	[tilespmem:$0x7920] =	vst v62;
	v2 =	vadd.s32 v0, v2  }
0x41: {  	[tilespmem:$0x7930] =	vst v2;
	v2 =	vadd.s32 v0, v3  }
0x42: {  	[tilespmem:$0x7940] =	vst v2  }
0x43: {  	[tilespmem:s19], [sflag:$0x3] =	stream.indirect.gather [hbm4b:s5+s15], $0x80, s18, s15, $0xb8;
	[tilespmem:$0x1E200] =	vst v63  }
0x44: {  	_ =	swait.ge [sflag:s20], $0x2800  }
0x45: {  	[sflag:s20] =	ssyncset.done $0x0  }
0x46: {  	[sflag:s20] =	ssyncadd.s32 $0xFFFFD800  }
0x47: {  	[spmem:s3] =	stream.indirect.scatter.add.f32 [tilespmem:s17], [sflag:$0x2], $0x80, s21, s15, $0xb8;
	[tilespmem:$0x1E200] =	vst v63  }
0x48: {  	_ =	swait.ge [sflag:s22], $0x2800  }
0x49: {  	[sflag:s22] =	ssyncset.done $0x0  }
0x4a: {  	s28 =	simm.s32 $0x130;
	[sflag:s22] =	ssyncadd.s32 $0xFFFFD800  }
0x4b: {  	v2 =	vld [tilespmem:s28+$0xFFFFFF70];
	_ =	sdelay $0x4  }
0x4c: {  	v2 =	vadd.s32 v0, v2  }
0x4d: {  	[tilespmem:$0x5000] =	vst v2  }
0x4e: {  	v2 =	vld [tilespmem:s28+$0x2770];
	_ =	sdelay $0x4  }
0x4f: {  	[tilespmem:$0x5080] =	vst v2  }
0x50: {  	v2 =	vld [tilespmem:s28+$0xFFFFFF80];
	_ =	sdelay $0x4  }
0x51: {  	v2 =	vadd.s32 v0, v2  }
0x52: {  	[tilespmem:$0x5010] =	vst v2  }
0x53: {  	v2 =	vld [tilespmem:s28+$0x2780];
	_ =	sdelay $0x4  }
0x54: {  	[tilespmem:$0x5090] =	vst v2  }
0x55: {  	v2 =	vld [tilespmem:s28+$0xFFFFFF90];
	_ =	sdelay $0x4  }
0x56: {  	v2 =	vadd.s32 v0, v2  }
0x57: {  	[tilespmem:$0x5020] =	vst v2  }
0x58: {  	v2 =	vld [tilespmem:s28+$0x2790];
	_ =	sdelay $0x4  }
0x59: {  	[tilespmem:$0x50A0] =	vst v2  }
0x5a: {  	v2 =	vld [tilespmem:s28+$0xFFFFFFA0];
	_ =	sdelay $0x4  }
0x5b: {  	v2 =	vadd.s32 v0, v2  }
0x5c: {  	[tilespmem:$0x5030] =	vst v2  }
0x5d: {  	v2 =	vld [tilespmem:s28+$0x27A0];
	_ =	sdelay $0x4  }
0x5e: {  	[tilespmem:$0x50B0] =	vst v2  }
0x5f: {  	v2 =	vld [tilespmem:s28+$0xFFFFFFB0];
	_ =	sdelay $0x4  }
0x60: {  	v2 =	vadd.s32 v0, v2  }
0x61: {  	[tilespmem:$0x5040] =	vst v2  }
0x62: {  	v2 =	vld [tilespmem:s28+$0x27B0];
	_ =	sdelay $0x4  }
0x63: {  	[tilespmem:$0x50C0] =	vst v2  }
0x64: {  	[tilespmem:s17], [sflag:$0x1] =	stream.indirect.gather [hbm4b:s5+s15], $0x80, s16, s15, $0xb8;
	[tilespmem:$0x1E200] =	vst v63  }
0x65: {  	_ =	swait.ge [sflag:s23], $0x2800  }
0x66: {  	[sflag:s23] =	ssyncset.done $0x0  }
0x67: {  	[sflag:s23] =	ssyncadd.s32 $0xFFFFD800  }
0x68: {  	[spmem:s3] =	stream.indirect.scatter.add.f32 [tilespmem:s19], [sflag:$0x4], $0x80, s24, s15, $0xb8;
	[tilespmem:$0x1E200] =	vst v63  }
0x69: {  	_ =	swait.ge [sflag:s25], $0x2800  }
0x6a: {  	[sflag:s25] =	ssyncset.done $0x0  }
0x6b: {  	[sflag:s25] =	ssyncadd.s32 $0xFFFFD800  }
0x6c: {  	v2 =	vld [tilespmem:s28+$0xFFFFFFC0];
	_ =	sdelay $0x4  }
0x6d: {  	v2 =	vadd.s32 v0, v2  }
0x6e: {  	[tilespmem:$0x7900] =	vst v2  }
0x6f: {  	v2 =	vld [tilespmem:s28+$0x27C0];
	_ =	sdelay $0x4  }
0x70: {  	[tilespmem:$0x7980] =	vst v2  }
0x71: {  	v2 =	vld [tilespmem:s28+$0xFFFFFFD0];
	_ =	sdelay $0x4  }
0x72: {  	v2 =	vadd.s32 v0, v2  }
0x73: {  	[tilespmem:$0x7910] =	vst v2  }
0x74: {  	v2 =	vld [tilespmem:s28+$0x27D0];
	_ =	sdelay $0x4  }
0x75: {  	[tilespmem:$0x7990] =	vst v2  }
0x76: {  	v2 =	vld [tilespmem:s28+$0xFFFFFFE0];
	_ =	sdelay $0x4  }
0x77: {  	v2 =	vadd.s32 v0, v2  }
0x78: {  	[tilespmem:$0x7920] =	vst v2  }
0x79: {  	v2 =	vld [tilespmem:s28+$0x27E0];
	_ =	sdelay $0x4  }
0x7a: {  	[tilespmem:$0x79A0] =	vst v2  }
0x7b: {  	v2 =	vld [tilespmem:s28+$0xFFFFFFF0];
	_ =	sdelay $0x4  }
0x7c: {  	v2 =	vadd.s32 v0, v2  }
0x7d: {  	[tilespmem:$0x7930] =	vst v2  }
0x7e: {  	v2 =	vld [tilespmem:s28+$0x27F0];
	_ =	sdelay $0x4  }
0x7f: {  	[tilespmem:$0x79B0] =	vst v2  }
0x80: {  	v2 =	vld [tilespmem:s28+$0x0];
	_ =	sdelay $0x4  }
0x81: {  	v2 =	vadd.s32 v0, v2  }
0x82: {  	[tilespmem:$0x7940] =	vst v2  }
0x83: {  	v2 =	vld [tilespmem:s28+$0x2800];
	_ =	sdelay $0x4  }
0x84: {  	s28 =	simm.s32 $0x740;
	[tilespmem:$0x79C0] =	vst v2  }
.LBB2_2:
0x85: {  	[tilespmem:s19], [sflag:$0x3] =	stream.indirect.gather [hbm4b:s5+s15], $0x80, s18, s15, $0xb8;
	[tilespmem:$0x1E200] =	vst v63  }
0x86: {  	s29 =	smov.u32 s28  }
0x87: {  	p0 =	sne.s32 s28, $0x9FC0;
	s28 =	sadd.s32 $0x280, s28;
	_ =	swait.ge [sflag:s20], $0x2800  }
0x88: {  	[sflag:s20] =	ssyncset.done $0x0  }
0x89: {  	[sflag:s20] =	ssyncadd.s32 $0xFFFFD800  }
0x8a: {  	[spmem:s3] =	stream.indirect.scatter.add.f32 [tilespmem:s17], [sflag:$0x2], $0x80, s21, s15, $0xb8;
	[tilespmem:$0x1E200] =	vst v63  }
0x8b: {  	_ =	swait.ge [sflag:s22], $0x2800  }
0x8c: {  	[sflag:s22] =	ssyncset.done $0x0  }
0x8d: {  	s29 =	sshra.s32 s29, $0x2;
	[sflag:s22] =	ssyncadd.s32 $0xFFFFD800  }
0x8e: {  	v2 =	vld [tilespmem:s29+$0xFFFFFF70];
	_ =	sdelay $0x4  }
0x8f: {  	v2 =	vadd.s32 v0, v2  }
0x90: {  	[tilespmem:$0x5000] =	vst v2  }
0x91: {  	v2 =	vld [tilespmem:s29+$0x2770];
	_ =	sdelay $0x4  }
0x92: {  	[tilespmem:$0x5080] =	vst v2  }
0x93: {  	v2 =	vld [tilespmem:s29+$0xFFFFFF80];
	_ =	sdelay $0x4  }
0x94: {  	v2 =	vadd.s32 v0, v2  }
0x95: {  	[tilespmem:$0x5010] =	vst v2  }
0x96: {  	v2 =	vld [tilespmem:s29+$0x2780];
	_ =	sdelay $0x4  }
0x97: {  	[tilespmem:$0x5090] =	vst v2  }
0x98: {  	v2 =	vld [tilespmem:s29+$0xFFFFFF90];
	_ =	sdelay $0x4  }
0x99: {  	v2 =	vadd.s32 v0, v2  }
0x9a: {  	[tilespmem:$0x5020] =	vst v2  }
0x9b: {  	v2 =	vld [tilespmem:s29+$0x2790];
	_ =	sdelay $0x4  }
0x9c: {  	[tilespmem:$0x50A0] =	vst v2  }
0x9d: {  	v2 =	vld [tilespmem:s29+$0xFFFFFFA0];
	_ =	sdelay $0x4  }
0x9e: {  	v2 =	vadd.s32 v0, v2  }
0x9f: {  	[tilespmem:$0x5030] =	vst v2  }
0xa0: {  	v2 =	vld [tilespmem:s29+$0x27A0];
	_ =	sdelay $0x4  }
0xa1: {  	[tilespmem:$0x50B0] =	vst v2  }
0xa2: {  	v2 =	vld [tilespmem:s29+$0xFFFFFFB0];
	_ =	sdelay $0x4  }
0xa3: {  	v2 =	vadd.s32 v0, v2  }
0xa4: {  	[tilespmem:$0x5040] =	vst v2  }
0xa5: {  	v2 =	vld [tilespmem:s29+$0x27B0];
	_ =	sdelay $0x4  }
0xa6: {  	[tilespmem:$0x50C0] =	vst v2  }
0xa7: {  	[tilespmem:s17], [sflag:$0x1] =	stream.indirect.gather [hbm4b:s5+s15], $0x80, s16, s15, $0xb8;
	[tilespmem:$0x1E200] =	vst v63  }
0xa8: {  	_ =	swait.ge [sflag:s23], $0x2800  }
0xa9: {  	[sflag:s23] =	ssyncset.done $0x0  }
0xaa: {  	[sflag:s23] =	ssyncadd.s32 $0xFFFFD800  }
0xab: {  	[spmem:s3] =	stream.indirect.scatter.add.f32 [tilespmem:s19], [sflag:$0x4], $0x80, s24, s15, $0xb8;
	[tilespmem:$0x1E200] =	vst v63  }
0xac: {  	_ =	swait.ge [sflag:s25], $0x2800  }
0xad: {  	[sflag:s25] =	ssyncset.done $0x0  }
0xae: {  	[sflag:s25] =	ssyncadd.s32 $0xFFFFD800  }
0xaf: {  	v2 =	vld [tilespmem:s29+$0xFFFFFFC0];
	_ =	sdelay $0x4  }
0xb0: {  	v2 =	vadd.s32 v0, v2  }
0xb1: {  	[tilespmem:$0x7900] =	vst v2  }
0xb2: {  	v2 =	vld [tilespmem:s29+$0x27C0];
	_ =	sdelay $0x4  }
0xb3: {  	[tilespmem:$0x7980] =	vst v2  }
0xb4: {  	v2 =	vld [tilespmem:s29+$0xFFFFFFD0];
	_ =	sdelay $0x4  }
0xb5: {  	v2 =	vadd.s32 v0, v2  }
0xb6: {  	[tilespmem:$0x7910] =	vst v2  }
0xb7: {  	v2 =	vld [tilespmem:s29+$0x27D0];
	_ =	sdelay $0x4  }
0xb8: {  	[tilespmem:$0x7990] =	vst v2  }
0xb9: {  	v2 =	vld [tilespmem:s29+$0xFFFFFFE0];
	_ =	sdelay $0x4  }
0xba: {  	v2 =	vadd.s32 v0, v2  }
0xbb: {  	[tilespmem:$0x7920] =	vst v2  }
0xbc: {  	v2 =	vld [tilespmem:s29+$0x27E0];
	_ =	sdelay $0x4  }
0xbd: {  	[tilespmem:$0x79A0] =	vst v2  }
0xbe: {  	v2 =	vld [tilespmem:s29+$0xFFFFFFF0];
	_ =	sdelay $0x4  }
0xbf: {  	v2 =	vadd.s32 v0, v2  }
0xc0: {  	[tilespmem:$0x7930] =	vst v2  }
0xc1: {  	v2 =	vld [tilespmem:s29+$0x27F0];
	_ =	sdelay $0x4  }
0xc2: {  	[tilespmem:$0x79B0] =	vst v2  }
0xc3: {  	v2 =	vld [tilespmem:s29+$0x0];
	_ =	sdelay $0x4  }
0xc4: {  	v2 =	vadd.s32 v0, v2  }
0xc5: {  	[tilespmem:$0x7940] =	vst v2  }
0xc6: {  	v2 =	vld [tilespmem:s29+$0x2800]  }
.Ltmp0:
0xc7: {  	(pc) =	sbr.rel @p0 .LBB2_2-.Ltmp0, $2  }
0xc8: {  	_ =	sdelay $0x2  }
0xc9: {  	[tilespmem:$0x79C0] =	vst v2  }
0xca: {  	[tilespmem:s19], [sflag:$0x3] =	stream.indirect.gather [hbm4b:s5+s15], $0x80, s18, s15, $0xb8;
	[tilespmem:$0x1E200] =	vst v63  }
0xcb: {  	_ =	swait.ge [sflag:s20], $0x2800  }
0xcc: {  	[sflag:s20] =	ssyncset.done $0x0  }
0xcd: {  	[sflag:s20] =	ssyncadd.s32 $0xFFFFD800  }
0xce: {  	[spmem:s3] =	stream.indirect.scatter.add.f32 [tilespmem:s17], [sflag:$0x2], $0x80, s21, s15, $0xb8;
	[tilespmem:$0x1E200] =	vst v63  }
0xcf: {  	_ =	swait.ge [sflag:s22], $0x2800  }
0xd0: {  	[sflag:s22] =	ssyncset.done $0x0  }
0xd1: {  	[sflag:s22] =	ssyncadd.s32 $0xFFFFD800  }
0xd2: {  	_ =	swait.ge [sflag:s23], $0x2800  }
0xd3: {  	[sflag:s23] =	ssyncset.done $0x0  }
0xd4: {  	[sflag:s23] =	ssyncadd.s32 $0xFFFFD800  }
0xd5: {  	[spmem:s3] =	stream.indirect.scatter.add.f32 [tilespmem:s19], [sflag:$0x4], $0x80, s24, s15, $0xb8;
	[tilespmem:$0x1E200] =	vst v63  }
0xd6: {  	_ =	swait.ge [sflag:s25], $0x2800  }
0xd7: {  	[sflag:s25] =	ssyncset.done $0x0  }
0xd8: {  	[sflag:s25] =	ssyncadd.s32 $0xFFFFD800  }
0xd9: {  	[bflag:$0x0] =	sbarrier.arrive $0xFFFF  }
0xda: {  	[hbm:s8], [sflag:s13] =	dma.local [spmem:s14], $0x2800  }
0xdb: {  	_ =	swait.ge [sflag:s11], $0x2800  }
0xdc: {  	[sflag:s11] =	ssyncset.done $0x0  }
0xdd: {  	[sflag:s11] =	ssyncadd.s32 $0xFFFFD800  }
0xde: {  	[spmem:s14], [sflag:s13] =	dma.local [hbm:s1], $0x2800  }
0xdf: {  	_ =	swait.ge [sflag:s11], $0x2800  }
0xe0: {  	[sflag:s11] =	ssyncset.done $0x0  }
0xe1: {  	[sflag:s11] =	ssyncadd.s32 $0xFFFFD800  }
0xe2: {  	[bflag:$0x0] =	sbarrier.arrive $0xFFFF  }
0xe3: {  	v2 =	vld [tilespmem:$0x0]  }
0xe4: {  	v3 =	vld [tilespmem:$0x2800]  }
0xe5: {  	v5 =	vld [tilespmem:$0x2810]  }
0xe6: {  	v4 =	vld [tilespmem:$0x10]  }
0xe7: {  	v6 =	vld [tilespmem:$0x20]  }
0xe8: {  	v7 =	vld [tilespmem:$0x2820]  }
0xe9: {  	v54 =	vld [tilespmem:$0x2830];
	[tilespmem:$0x5080] =	vst v3  }
0xea: {  	v56 =	vld [tilespmem:$0x2840];
	v2 =	vadd.s32 v1, v2;
	[tilespmem:$0x5090] =	vst v5  }
0xeb: {  	v3 =	vadd.s32 v1, v4;
	[tilespmem:$0x5000] =	vst v2;
	v2 =	vld [tilespmem:$0x30]  }
0xec: {  	[tilespmem:$0x5010] =	vst v3;
	v3 =	vld [tilespmem:$0x40]  }
0xed: {  	[tilespmem:$0x50A0] =	vst v7  }
0xee: {  	[tilespmem:$0x50B0] =	vst v54  }
0xef: {  	v55 =	vadd.s32 v1, v6;
	[tilespmem:$0x50C0] =	vst v56  }
0xf0: {  	[tilespmem:$0x5020] =	vst v55;
	v2 =	vadd.s32 v1, v2  }
0xf1: {  	[tilespmem:$0x5030] =	vst v2;
	v2 =	vadd.s32 v1, v3  }
0xf2: {  	[tilespmem:$0x5040] =	vst v2  }
0xf3: {  	[tilespmem:s17], [sflag:$0x1] =	stream.indirect.gather [hbm4b:s5+s15], $0x80, s16, s15, $0xb8;
	[tilespmem:$0x1E200] =	vst v63  }
0xf4: {  	v2 =	vld [tilespmem:$0x50]  }
0xf5: {  	v3 =	vld [tilespmem:$0x2850]  }
0xf6: {  	v58 =	vld [tilespmem:$0x2860]  }
0xf7: {  	v57 =	vld [tilespmem:$0x60]  }
0xf8: {  	v59 =	vld [tilespmem:$0x70]  }
0xf9: {  	v60 =	vld [tilespmem:$0x2870]  }
0xfa: {  	v61 =	vld [tilespmem:$0x2880];
	[tilespmem:$0x7980] =	vst v3  }
0xfb: {  	v63 =	vld [tilespmem:$0x2890];
	v2 =	vadd.s32 v1, v2;
	[tilespmem:$0x7990] =	vst v58  }
0xfc: {  	v3 =	vadd.s32 v1, v57;
	[tilespmem:$0x7900] =	vst v2;
	v2 =	vld [tilespmem:$0x80]  }
0xfd: {  	[tilespmem:$0x7910] =	vst v3;
	v3 =	vld [tilespmem:$0x90]  }
0xfe: {  	[tilespmem:$0x79A0] =	vst v60  }
0xff: {  	[tilespmem:$0x79B0] =	vst v61  }
0x100: {  	v62 =	vadd.s32 v1, v59;
	[tilespmem:$0x79C0] =	vst v63  }
0x101: {  	[tilespmem:$0x7920] =	vst v62;
	v2 =	vadd.s32 v1, v2  }
0x102: {  	[tilespmem:$0x7930] =	vst v2;
	v2 =	vadd.s32 v1, v3  }
0x103: {  	[tilespmem:$0x7940] =	vst v2  }
0x104: {  	[tilespmem:s19], [sflag:$0x3] =	stream.indirect.gather [hbm4b:s5+s15], $0x80, s18, s15, $0xb8;
	[tilespmem:$0x1E200] =	vst v63  }
0x105: {  	_ =	swait.ge [sflag:s20], $0x2800  }
0x106: {  	[sflag:s20] =	ssyncset.done $0x0  }
0x107: {  	[sflag:s20] =	ssyncadd.s32 $0xFFFFD800  }
0x108: {  	[spmem:s3] =	stream.indirect.scatter.add.f32 [tilespmem:s17], [sflag:$0x2], $0x80, s21, s15, $0xb8;
	[tilespmem:$0x1E200] =	vst v63  }
0x109: {  	_ =	swait.ge [sflag:s22], $0x2800  }
0x10a: {  	[sflag:s22] =	ssyncset.done $0x0  }
0x10b: {  	s28 =	simm.s32 $0x130;
	[sflag:s22] =	ssyncadd.s32 $0xFFFFD800  }
0x10c: {  	v2 =	vld [tilespmem:s28+$0xFFFFFF70];
	_ =	sdelay $0x4  }
0x10d: {  	v2 =	vadd.s32 v1, v2  }
0x10e: {  	[tilespmem:$0x5000] =	vst v2  }
0x10f: {  	v2 =	vld [tilespmem:s28+$0x2770];
	_ =	sdelay $0x4  }
0x110: {  	[tilespmem:$0x5080] =	vst v2  }
0x111: {  	v2 =	vld [tilespmem:s28+$0xFFFFFF80];
	_ =	sdelay $0x4  }
0x112: {  	v2 =	vadd.s32 v1, v2  }
0x113: {  	[tilespmem:$0x5010] =	vst v2  }
0x114: {  	v2 =	vld [tilespmem:s28+$0x2780];
	_ =	sdelay $0x4  }
0x115: {  	[tilespmem:$0x5090] =	vst v2  }
0x116: {  	v2 =	vld [tilespmem:s28+$0xFFFFFF90];
	_ =	sdelay $0x4  }
0x117: {  	v2 =	vadd.s32 v1, v2  }
0x118: {  	[tilespmem:$0x5020] =	vst v2  }
0x119: {  	v2 =	vld [tilespmem:s28+$0x2790];
	_ =	sdelay $0x4  }
0x11a: {  	[tilespmem:$0x50A0] =	vst v2  }
0x11b: {  	v2 =	vld [tilespmem:s28+$0xFFFFFFA0];
	_ =	sdelay $0x4  }
0x11c: {  	v2 =	vadd.s32 v1, v2  }
0x11d: {  	[tilespmem:$0x5030] =	vst v2  }
0x11e: {  	v2 =	vld [tilespmem:s28+$0x27A0];
	_ =	sdelay $0x4  }
0x11f: {  	[tilespmem:$0x50B0] =	vst v2  }
0x120: {  	v2 =	vld [tilespmem:s28+$0xFFFFFFB0];
	_ =	sdelay $0x4  }
0x121: {  	v2 =	vadd.s32 v1, v2  }
0x122: {  	[tilespmem:$0x5040] =	vst v2  }
0x123: {  	v2 =	vld [tilespmem:s28+$0x27B0];
	_ =	sdelay $0x4  }
0x124: {  	[tilespmem:$0x50C0] =	vst v2  }
0x125: {  	[tilespmem:s17], [sflag:$0x1] =	stream.indirect.gather [hbm4b:s5+s15], $0x80, s16, s15, $0xb8;
	[tilespmem:$0x1E200] =	vst v63  }
0x126: {  	_ =	swait.ge [sflag:s23], $0x2800  }
0x127: {  	[sflag:s23] =	ssyncset.done $0x0  }
0x128: {  	[sflag:s23] =	ssyncadd.s32 $0xFFFFD800  }
0x129: {  	[spmem:s3] =	stream.indirect.scatter.add.f32 [tilespmem:s19], [sflag:$0x4], $0x80, s24, s15, $0xb8;
	[tilespmem:$0x1E200] =	vst v63  }
0x12a: {  	_ =	swait.ge [sflag:s25], $0x2800  }
0x12b: {  	[sflag:s25] =	ssyncset.done $0x0  }
0x12c: {  	[sflag:s25] =	ssyncadd.s32 $0xFFFFD800  }
0x12d: {  	v2 =	vld [tilespmem:s28+$0xFFFFFFC0];
	_ =	sdelay $0x4  }
0x12e: {  	v2 =	vadd.s32 v1, v2  }
0x12f: {  	[tilespmem:$0x7900] =	vst v2  }
0x130: {  	v2 =	vld [tilespmem:s28+$0x27C0];
	_ =	sdelay $0x4  }
0x131: {  	[tilespmem:$0x7980] =	vst v2  }
0x132: {  	v2 =	vld [tilespmem:s28+$0xFFFFFFD0];
	_ =	sdelay $0x4  }
0x133: {  	v2 =	vadd.s32 v1, v2  }
0x134: {  	[tilespmem:$0x7910] =	vst v2  }
0x135: {  	v2 =	vld [tilespmem:s28+$0x27D0];
	_ =	sdelay $0x4  }
0x136: {  	[tilespmem:$0x7990] =	vst v2  }
0x137: {  	v2 =	vld [tilespmem:s28+$0xFFFFFFE0];
	_ =	sdelay $0x4  }
0x138: {  	v2 =	vadd.s32 v1, v2  }
0x139: {  	[tilespmem:$0x7920] =	vst v2  }
0x13a: {  	v2 =	vld [tilespmem:s28+$0x27E0];
	_ =	sdelay $0x4  }
0x13b: {  	[tilespmem:$0x79A0] =	vst v2  }
0x13c: {  	v2 =	vld [tilespmem:s28+$0xFFFFFFF0];
	_ =	sdelay $0x4  }
0x13d: {  	v2 =	vadd.s32 v1, v2  }
0x13e: {  	[tilespmem:$0x7930] =	vst v2  }
0x13f: {  	v2 =	vld [tilespmem:s28+$0x27F0];
	_ =	sdelay $0x4  }
0x140: {  	[tilespmem:$0x79B0] =	vst v2  }
0x141: {  	v2 =	vld [tilespmem:s28+$0x0];
	_ =	sdelay $0x4  }
0x142: {  	v2 =	vadd.s32 v1, v2  }
0x143: {  	[tilespmem:$0x7940] =	vst v2  }
0x144: {  	v2 =	vld [tilespmem:s28+$0x2800];
	_ =	sdelay $0x4  }
0x145: {  	s28 =	simm.s32 $0x740;
	[tilespmem:$0x79C0] =	vst v2  }
.LBB2_4:
0x146: {  	[tilespmem:s19], [sflag:$0x3] =	stream.indirect.gather [hbm4b:s5+s15], $0x80, s18, s15, $0xb8;
	[tilespmem:$0x1E200] =	vst v63  }
0x147: {  	s29 =	smov.u32 s28  }
0x148: {  	p0 =	sne.s32 s28, $0x9FC0;
	s28 =	sadd.s32 $0x280, s28;
	_ =	swait.ge [sflag:s20], $0x2800  }
0x149: {  	[sflag:s20] =	ssyncset.done $0x0  }
0x14a: {  	[sflag:s20] =	ssyncadd.s32 $0xFFFFD800  }
0x14b: {  	[spmem:s3] =	stream.indirect.scatter.add.f32 [tilespmem:s17], [sflag:$0x2], $0x80, s21, s15, $0xb8;
	[tilespmem:$0x1E200] =	vst v63  }
0x14c: {  	_ =	swait.ge [sflag:s22], $0x2800  }
0x14d: {  	[sflag:s22] =	ssyncset.done $0x0  }
0x14e: {  	s29 =	sshra.s32 s29, $0x2;
	[sflag:s22] =	ssyncadd.s32 $0xFFFFD800  }
0x14f: {  	v2 =	vld [tilespmem:s29+$0xFFFFFF70];
	_ =	sdelay $0x4  }
0x150: {  	v2 =	vadd.s32 v1, v2  }
0x151: {  	[tilespmem:$0x5000] =	vst v2  }
0x152: {  	v2 =	vld [tilespmem:s29+$0x2770];
	_ =	sdelay $0x4  }
0x153: {  	[tilespmem:$0x5080] =	vst v2  }
0x154: {  	v2 =	vld [tilespmem:s29+$0xFFFFFF80];
	_ =	sdelay $0x4  }
0x155: {  	v2 =	vadd.s32 v1, v2  }
0x156: {  	[tilespmem:$0x5010] =	vst v2  }
0x157: {  	v2 =	vld [tilespmem:s29+$0x2780];
	_ =	sdelay $0x4  }
0x158: {  	[tilespmem:$0x5090] =	vst v2  }
0x159: {  	v2 =	vld [tilespmem:s29+$0xFFFFFF90];
	_ =	sdelay $0x4  }
0x15a: {  	v2 =	vadd.s32 v1, v2  }
0x15b: {  	[tilespmem:$0x5020] =	vst v2  }
0x15c: {  	v2 =	vld [tilespmem:s29+$0x2790];
	_ =	sdelay $0x4  }
0x15d: {  	[tilespmem:$0x50A0] =	vst v2  }
0x15e: {  	v2 =	vld [tilespmem:s29+$0xFFFFFFA0];
	_ =	sdelay $0x4  }
0x15f: {  	v2 =	vadd.s32 v1, v2  }
0x160: {  	[tilespmem:$0x5030] =	vst v2  }
0x161: {  	v2 =	vld [tilespmem:s29+$0x27A0];
	_ =	sdelay $0x4  }
0x162: {  	[tilespmem:$0x50B0] =	vst v2  }
0x163: {  	v2 =	vld [tilespmem:s29+$0xFFFFFFB0];
	_ =	sdelay $0x4  }
0x164: {  	v2 =	vadd.s32 v1, v2  }
0x165: {  	[tilespmem:$0x5040] =	vst v2  }
0x166: {  	v2 =	vld [tilespmem:s29+$0x27B0];
	_ =	sdelay $0x4  }
0x167: {  	[tilespmem:$0x50C0] =	vst v2  }
0x168: {  	[tilespmem:s17], [sflag:$0x1] =	stream.indirect.gather [hbm4b:s5+s15], $0x80, s16, s15, $0xb8;
	[tilespmem:$0x1E200] =	vst v63  }
0x169: {  	_ =	swait.ge [sflag:s23], $0x2800  }
0x16a: {  	[sflag:s23] =	ssyncset.done $0x0  }
0x16b: {  	[sflag:s23] =	ssyncadd.s32 $0xFFFFD800  }
0x16c: {  	[spmem:s3] =	stream.indirect.scatter.add.f32 [tilespmem:s19], [sflag:$0x4], $0x80, s24, s15, $0xb8;
	[tilespmem:$0x1E200] =	vst v63  }
0x16d: {  	_ =	swait.ge [sflag:s25], $0x2800  }
0x16e: {  	[sflag:s25] =	ssyncset.done $0x0  }
0x16f: {  	[sflag:s25] =	ssyncadd.s32 $0xFFFFD800  }
0x170: {  	v2 =	vld [tilespmem:s29+$0xFFFFFFC0];
	_ =	sdelay $0x4  }
0x171: {  	v2 =	vadd.s32 v1, v2  }
0x172: {  	[tilespmem:$0x7900] =	vst v2  }
0x173: {  	v2 =	vld [tilespmem:s29+$0x27C0];
	_ =	sdelay $0x4  }
0x174: {  	[tilespmem:$0x7980] =	vst v2  }
0x175: {  	v2 =	vld [tilespmem:s29+$0xFFFFFFD0];
	_ =	sdelay $0x4  }
0x176: {  	v2 =	vadd.s32 v1, v2  }
0x177: {  	[tilespmem:$0x7910] =	vst v2  }
0x178: {  	v2 =	vld [tilespmem:s29+$0x27D0];
	_ =	sdelay $0x4  }
0x179: {  	[tilespmem:$0x7990] =	vst v2  }
0x17a: {  	v2 =	vld [tilespmem:s29+$0xFFFFFFE0];
	_ =	sdelay $0x4  }
0x17b: {  	v2 =	vadd.s32 v1, v2  }
0x17c: {  	[tilespmem:$0x7920] =	vst v2  }
0x17d: {  	v2 =	vld [tilespmem:s29+$0x27E0];
	_ =	sdelay $0x4  }
0x17e: {  	[tilespmem:$0x79A0] =	vst v2  }
0x17f: {  	v2 =	vld [tilespmem:s29+$0xFFFFFFF0];
	_ =	sdelay $0x4  }
0x180: {  	v2 =	vadd.s32 v1, v2  }
0x181: {  	[tilespmem:$0x7930] =	vst v2  }
0x182: {  	v2 =	vld [tilespmem:s29+$0x27F0];
	_ =	sdelay $0x4  }
0x183: {  	[tilespmem:$0x79B0] =	vst v2  }
0x184: {  	v2 =	vld [tilespmem:s29+$0x0];
	_ =	sdelay $0x4  }
0x185: {  	v2 =	vadd.s32 v1, v2  }
0x186: {  	[tilespmem:$0x7940] =	vst v2  }
0x187: {  	v2 =	vld [tilespmem:s29+$0x2800]  }
.Ltmp1:
0x188: {  	(pc) =	sbr.rel @p0 .LBB2_4-.Ltmp1, $2  }
0x189: {  	_ =	sdelay $0x2  }
0x18a: {  	[tilespmem:$0x79C0] =	vst v2  }
0x18b: {  	[tilespmem:s19], [sflag:$0x3] =	stream.indirect.gather [hbm4b:s5+s15], $0x80, s18, s15, $0xb8;
	[tilespmem:$0x1E200] =	vst v63  }
0x18c: {  	_ =	swait.ge [sflag:s20], $0x2800  }
0x18d: {  	[sflag:s20] =	ssyncset.done $0x0  }
0x18e: {  	[sflag:s20] =	ssyncadd.s32 $0xFFFFD800  }
0x18f: {  	[spmem:s3] =	stream.indirect.scatter.add.f32 [tilespmem:s17], [sflag:$0x2], $0x80, s21, s15, $0xb8;
	[tilespmem:$0x1E200] =	vst v63  }
0x190: {  	_ =	swait.ge [sflag:s22], $0x2800  }
0x191: {  	[sflag:s22] =	ssyncset.done $0x0  }
0x192: {  	[sflag:s22] =	ssyncadd.s32 $0xFFFFD800  }
0x193: {  	_ =	swait.ge [sflag:s23], $0x2800  }
0x194: {  	[sflag:s23] =	ssyncset.done $0x0  }
0x195: {  	[sflag:s23] =	ssyncadd.s32 $0xFFFFD800  }
0x196: {  	[spmem:s3] =	stream.indirect.scatter.add.f32 [tilespmem:s19], [sflag:$0x4], $0x80, s24, s15, $0xb8;
	[tilespmem:$0x1E200] =	vst v63  }
0x197: {  	_ =	swait.ge [sflag:s25], $0x2800  }
0x198: {  	s26 =	sadd.s32 $0x1, s26;
	[sflag:s25] =	ssyncset.done $0x0  }
0x199: {  	p0 =	sne.s32 s26, s10;
	[sflag:s25] =	ssyncadd.s32 $0xFFFFD800  }
.Ltmp2:
0x19a: {  	[bflag:$0x0] =	sbarrier.arrive $0xFFFF;
	(pc) =	sbr.rel @p0 .LBB2_1-.Ltmp2, $4  }
0x19b: {  	[hbm:s9], [sflag:s13] =	dma.local [spmem:s14], $0x2800  }
0x19c: {  	_ =	swait.ge [sflag:s11], $0x2800  }
0x19d: {  	[sflag:s11] =	ssyncset.done $0x0  }
0x19e: {  	[sflag:s11] =	ssyncadd.s32 $0xFFFFD800  }
0x19f: {  	_ =	sfence.sel $0x180000  }
0x1a0: {  	[bflag:$0x0] =	sbarrier.arrive $0xFFFF  }
0x1a1: {  	p0 =	sne.s32 s2, $0x0;
	_ =	strace $0x90000056  }
0x1a2: {  	s0 =	sadd.s32 @!p0 $0x100000, s0;
	[bflag:$0x2] =	sbarrier.arrive $0xFFFF  }
0x1a3: {  	[sflag:s0] =	ssyncadd.tile.s32 @!p0 $0x1;
	_ =	shalt  }
.Lfunc_end2:
_tile_overlayer_lowered:
.L_overlay_start_2:
0x1a4: {  	(tag) =	ssettag $0x2  }
0x1a5: {  	s0 =	rddreg [dreg:$0x0];
	s2 =	stileid.u32  }
0x1a6: {  	s1 =	rddreg [dreg:$0x1];
	p0 =	sne.s32 s2, $0x0  }
0x1a7: {  	s3 =	rddreg [dreg:$0x2];
	[bflag:$0x3] =	sbarrier.arrive $0xFFFF;
	s2 =	simm.s32 @!p0 $0x1C05  }
0x1a8: {  	[timem:s3], [sflag:s2] =	dma.local @!p0 [hbm:s0], s1  }
0x1a9: {  	s0 =	simm.s32 @!p0 $0x5  }
0x1aa: {  	_ =	swait.ge @!p0 [sflag:s0], s1  }
0x1ab: {  	s1 =	ssub.s32 @!p0 $0x0, s1;
	[sflag:s0] =	ssyncset.done @!p0 $0x0  }
0x1ac: {  	[sflag:s0] =	ssyncadd.s32 @!p0 s1  }
0x1ad: {  	[bflag:$0x3] =	sbarrier.arrive $0xFFFF  }
0x1ae: {  	_ =	shalt  }

</sc_bundles>
